<compile_context>
chip_gen: v7x
topology: tpu7x:2x2x1
jax: 0.10.2.dev20260603
libtpu: 0.0.44.dev20260713+nightly
codegen_flags: <defaults>
</compile_context>

<pallas_src>
import functools

import jax
import jax.numpy as jnp
from jax import lax
from jax.experimental import pallas as pl
from jax.experimental.pallas import tpu as pltpu
from jax.experimental.pallas import tpu_sc as plsc

N = 10000
F = 128
H = 64
C = 40
K = 20
NB = 8

NPAD = 10240
E_PAD = 163840
NW = 32

def _sc_mesh():
    return plsc.VectorSubcoreMesh(core_axis_name="c", subcore_axis_name="s")


def _elu(h_p):
    def body(h_ref, o_ref):
        he = h_ref[...]
        o_ref[...] = jnp.where(he > 0, he, jnp.exp(he) - 1.0)

    return pl.pallas_call(
        body,
        out_shape=jax.ShapeDtypeStruct((NPAD, H), jnp.float32),
    )(h_p)


def _sc_gather(table, ids, gb):
    m = ids.shape[0]
    d = table.shape[1]
    per_w = m // NW
    nb = per_w // gb

    @functools.partial(
        pl.kernel,
        out_type=jax.ShapeDtypeStruct((m, d), jnp.float32),
        mesh=_sc_mesh(),
        compiler_params=pltpu.CompilerParams(use_tc_tiling_on_sc=False),
        scratch_types=[
            pltpu.VMEM((2, gb), jnp.int32),
            pltpu.VMEM((2, gb, d), jnp.float32),
            pltpu.SemaphoreType.DMA,
            pltpu.SemaphoreType.DMA,
            pltpu.SemaphoreType.DMA,
            pltpu.SemaphoreType.DMA,
        ],
    )
    def k(table_hbm, ids_hbm, out_hbm, idx_v, rows_v, gsa, gsb, wsa, wsb):
        wid = lax.axis_index("s") * 2 + lax.axis_index("c")
        base = wid * per_w

        def load_idx(i, buf):
            pltpu.sync_copy(ids_hbm.at[pl.ds(base + i * gb, gb)], idx_v.at[buf])

        load_idx(0, 0)
        pltpu.async_copy(table_hbm.at[idx_v.at[0]], rows_v.at[0], gsa)
        load_idx(1, 1)
        pltpu.async_copy(table_hbm.at[idx_v.at[1]], rows_v.at[1], gsb)

        @pl.loop(0, nb, step=2)
        def _(i):
            pltpu.make_async_copy(table_hbm.at[idx_v.at[0]], rows_v.at[0], gsa).wait()
            pltpu.async_copy(rows_v.at[0], out_hbm.at[pl.ds(base + i * gb, gb)], wsa)
            pltpu.make_async_copy(table_hbm.at[idx_v.at[1]], rows_v.at[1], gsb).wait()
            pltpu.async_copy(rows_v.at[1], out_hbm.at[pl.ds(base + (i + 1) * gb, gb)], wsb)

            @pl.when(i + 2 < nb)
            def _():
                load_idx(i + 2, 0)
                pltpu.make_async_copy(rows_v.at[0], out_hbm.at[pl.ds(0, gb)], wsa).wait()
                pltpu.async_copy(table_hbm.at[idx_v.at[0]], rows_v.at[0], gsa)

            @pl.when(i + 3 < nb)
            def _():
                load_idx(i + 3, 1)
                pltpu.make_async_copy(rows_v.at[1], out_hbm.at[pl.ds(0, gb)], wsb).wait()
                pltpu.async_copy(table_hbm.at[idx_v.at[1]], rows_v.at[1], gsb)

        pltpu.make_async_copy(rows_v.at[0], out_hbm.at[pl.ds(0, gb)], wsa).wait()
        pltpu.make_async_copy(rows_v.at[1], out_hbm.at[pl.ds(0, gb)], wsb).wait()

    return k(table, ids)


def _mlp_edge(gathered, w1, w2, b1r, b2r):
    TB = 2048
    nt = E_PAD // TB

    def body(xi_ref, xj_ref, w1_ref, w2_ref, b1_ref, b2_ref, o_ref):
        xi = xi_ref[...]
        cat = jnp.concatenate([xi, xj_ref[...] - xi], axis=1)
        h1 = jnp.dot(cat, w1_ref[...], preferred_element_type=jnp.float32) + b1_ref[...]
        h1 = jnp.maximum(h1, 0.0)
        h2 = jnp.dot(h1, w2_ref[...], preferred_element_type=jnp.float32) + b2_ref[...]
        o_ref[...] = jnp.maximum(h2, 0.0)

    return pl.pallas_call(
        body,
        grid=(nt,),
        in_specs=[
            pl.BlockSpec((TB, F), lambda i: (i, 0)),
            pl.BlockSpec((TB, F), lambda i: (i + nt, 0)),
            pl.BlockSpec((2 * F, H), lambda i: (0, 0)),
            pl.BlockSpec((H, H), lambda i: (0, 0)),
            pl.BlockSpec((1, H), lambda i: (0, 0)),
            pl.BlockSpec((1, H), lambda i: (0, 0)),
        ],
        out_specs=pl.BlockSpec((TB, H), lambda i: (i, 0)),
        out_shape=jax.ShapeDtypeStruct((E_PAD, H), jnp.float32),
    )(gathered, gathered, w1, w2, b1r, b2r)


_R = NPAD // NW
_SC_CH = 16384
_GB_S = 256
_NSUP = E_PAD // _SC_CH


def _sc_scatter_max(m, dst_s):
    @functools.partial(
        pl.kernel,
        out_type=jax.ShapeDtypeStruct((NPAD * H,), jnp.float32),
        mesh=_sc_mesh(),
        compiler_params=pltpu.CompilerParams(
            use_tc_tiling_on_sc=False, needs_layout_passes=False),
        scratch_types=[
            pltpu.VMEM((_SC_CH,), jnp.int32),
            pltpu.VMEM((_SC_CH // 16 + 16,), jnp.int32),
            pltpu.VMEM((_SC_CH // 16,), jnp.int32),
            pltpu.VMEM((_SC_CH + 16,), jnp.int32),
            pltpu.VMEM((_SC_CH + 16,), jnp.int32),
            pltpu.VMEM((2, _GB_S, H), jnp.float32),
            pltpu.VMEM((_R * H,), jnp.float32),
            pltpu.SemaphoreType.DMA,
        ],
    )
    def k(m_hbm, dst_hbm, out_hbm, dstbuf, cntbuf, offbuf, idbuf, dstcbuf, rows_v, acc, sem):
        wid = lax.axis_index("s") * 2 + lax.axis_index("c")
        lo = wid * _R
        zf16 = jnp.zeros((16,), jnp.float32)
        zi16 = jnp.zeros((16,), jnp.int32)

        @pl.loop(0, _R * H // 16)
        def _(i):
            acc[pl.ds(i * 16, 16)] = zf16

        @pl.loop(0, (_SC_CH + 16) // 16)
        def _(i):
            idbuf[pl.ds(i * 16, 16)] = zi16

        iota16 = lax.broadcasted_iota(jnp.int32, (16,), 0)

        @pl.loop(0, _NSUP)
        def _(s):
            ebase = s * _SC_CH
            pltpu.sync_copy(dst_hbm.at[pl.ds(ebase, _SC_CH)], dstbuf)

            lane0 = iota16 == 0

            def cnt_body(g, _):
                v = dstbuf[pl.ds(g * 16, 16)]
                mask = (v >= lo) & (v < lo + _R)
                c = plsc.all_reduce_population_count(mask)
                plsc.store_compressed(cntbuf.at[pl.ds(g, 16)], c, mask=lane0)
                return 0

            lax.fori_loop(0, _SC_CH // 16, cnt_body, 0, unroll=8)

            def off_body(i, base):
                c = cntbuf[pl.ds(i * 16, 16)]
                s = plsc.cumsum(c)
                offbuf[pl.ds(i * 16, 16)] = base + s - c
                return base + s[15]

            cnt = lax.fori_loop(0, _SC_CH // 256, off_body, jnp.int32(0))

            def store_body(sg, _):
                offv = offbuf[pl.ds(sg * 16, 16)]
                for j in range(16):
                    g = sg * 16 + j
                    v = dstbuf[pl.ds(g * 16, 16)]
                    mask = (v >= lo) & (v < lo + _R)
                    ids = ebase + g * 16 + iota16
                    off = offv[j]
                    plsc.store_compressed(idbuf.at[pl.ds(off, 16)], ids, mask=mask)
                    plsc.store_compressed(dstcbuf.at[pl.ds(off, 16)], v, mask=mask)
                return 0

            lax.fori_loop(0, _SC_CH // 256, store_body, 0)

            nbat = (cnt + (_GB_S - 1)) // _GB_S

            @pl.when(nbat > 0)
            def _():
                pltpu.async_copy(
                    m_hbm.at[idbuf.at[pl.ds(0, _GB_S)]], rows_v.at[0], sem)

            def batch_body(gi, _):
                b = gi % 2
                goff = gi * _GB_S
                pltpu.make_async_copy(
                    m_hbm.at[idbuf.at[pl.ds(goff, _GB_S)]], rows_v.at[b], sem
                ).wait()

                @pl.when(gi + 1 < nbat)
                def _():
                    pltpu.async_copy(
                        m_hbm.at[idbuf.at[pl.ds(goff + _GB_S, _GB_S)]],
                        rows_v.at[1 - b], sem)

                nloc = jnp.minimum(_GB_S, cnt - goff)

                def acc_body(e, __):
                    d = dstcbuf[pl.ds(goff + e, 16)][0]
                    rel = (d - lo) * H
                    for c2 in range(H // 16):
                        off = rel + c2 * 16
                        a = acc[pl.ds(off, 16)]
                        r = rows_v[b, e, pl.ds(c2 * 16, 16)]
                        acc[pl.ds(off, 16)] = jnp.maximum(a, r)
                    return 0

                lax.fori_loop(0, nloc, acc_body, 0)
                return 0

            lax.fori_loop(0, nbat, batch_body, 0)

        pltpu.sync_copy(acc, out_hbm.at[pl.ds(wid * _R * H, _R * H)])

    return k(m, dst_s).reshape(NPAD, H)


_RT = 512
_CT = 1024
_KPAD = 32


def _knn(h_p, bc, br):
    nrt = NPAD // _RT

    def body(h_ref, bc_ref, br_ref, o_ref, buf_ref):
        INF = jnp.float32(jnp.inf)
        i = pl.program_id(0)
        hr = h_ref[pl.ds(i * _RT, _RT), :]
        sqr = jnp.sum(hr * hr, axis=1, keepdims=True)
        bcr = bc_ref[pl.ds(i * _RT, _RT), :]

        start_r = jnp.zeros((_RT, 1), jnp.int32)
        end_r = jnp.zeros((_RT, 1), jnp.int32)
        brow = br_ref[...]
        for b in range(NB):
            cb = jnp.sum(jnp.where(brow == b, 1, 0)).astype(jnp.int32)
            start_r = start_r + jnp.where(bcr > b, cb, 0)
            end_r = end_r + jnp.where(bcr >= b, cb, 0)
        tile_lo = jnp.min(start_r) // _CT
        tile_hi = (jnp.max(end_r) + _CT - 1) // _CT

        def dloop(t, _):
            hc = h_ref[pl.ds(t * _CT, _CT), :]
            sqc = jnp.sum(hc * hc, axis=1)[None, :]
            dot = lax.dot_general(
                hr, hc, (((1,), (1,)), ((), ())),
                preferred_element_type=jnp.float32,
            )
            d = (sqr + sqc) - 2.0 * dot
            mask = bcr == br_ref[pl.ds(0, 1), pl.ds(t * _CT, _CT)]
            buf_ref[:, pl.ds(t * _CT, _CT)] = jnp.where(mask, d, INF)
            return 0

        lax.fori_loop(tile_lo, tile_hi, dloop, 0)

        iota_c = lax.convert_element_type(
            lax.broadcasted_iota(jnp.int32, (_RT, _CT), 1), jnp.float32)
        BIGF = jnp.float32(2 * NPAD)
        prev = jnp.full((_RT, 1), BIGF)
        for kk in range(K):
            def eloop(t, carry):
                cm, ca = carry
                gidx = iota_c + lax.convert_element_type(t * _CT, jnp.float32)
                vals = buf_ref[:, pl.ds(t * _CT, _CT)]
                vals = jnp.where(gidx == prev, INF, vals)
                buf_ref[:, pl.ds(t * _CT, _CT)] = vals
                tmin = jnp.min(vals, axis=1, keepdims=True)
                targ = jnp.min(jnp.where(vals == tmin, gidx, BIGF),
                               axis=1, keepdims=True)
                upd = tmin < cm
                return (jnp.where(upd, tmin, cm), jnp.where(upd, targ, ca))

            cm, ca = lax.fori_loop(
                tile_lo, tile_hi, eloop,
                (jnp.full((_RT, 1), INF), jnp.full((_RT, 1), BIGF)),
            )
            o_ref[:, pl.ds(kk, 1)] = jnp.clip(
                lax.convert_element_type(ca, jnp.int32), 0, N - 1)
            prev = ca

    return pl.pallas_call(
        body,
        grid=(nrt,),
        in_specs=[
            pl.BlockSpec((NPAD, H), lambda i: (0, 0)),
            pl.BlockSpec((NPAD, 1), lambda i: (0, 0)),
            pl.BlockSpec((1, NPAD), lambda i: (0, 0)),
        ],
        out_specs=pl.BlockSpec((_RT, _KPAD), lambda i: (i, 0)),
        out_shape=jax.ShapeDtypeStruct((NPAD, _KPAD), jnp.int32),
        scratch_shapes=[pltpu.VMEM((_RT, NPAD), jnp.float32)],
    )(h_p, bc, br)


def _dyn_conv(g3, he, w1, w2, b1r, b2r, lwp, lbp, final):
    TB = 1024
    nt = NPAD // TB
    outw = 128 if final else H

    def body(g_ref, he_ref, w1_ref, w2_ref, b1_ref, b2_ref, lw_ref, lb_ref,
             o_ref, acc_ref):
        kk = pl.program_id(1)
        hi = he_ref[...]
        cat = jnp.concatenate([hi, g_ref[0] - hi], axis=1)
        h1 = jnp.dot(cat, w1_ref[...], preferred_element_type=jnp.float32) + b1_ref[...]
        h1 = jnp.maximum(h1, 0.0)
        h2 = jnp.dot(h1, w2_ref[...], preferred_element_type=jnp.float32) + b2_ref[...]
        h2 = jnp.maximum(h2, 0.0)

        @pl.when(kk == 0)
        def _():
            acc_ref[...] = h2

        @pl.when(kk > 0)
        def _():
            acc_ref[...] = jnp.maximum(acc_ref[...], h2)

        @pl.when(kk == K - 1)
        def _():
            if final:
                o_ref[...] = (
                    jnp.dot(acc_ref[...], lw_ref[...], preferred_element_type=jnp.float32)
                    + lb_ref[...]
                )
            else:
                o_ref[...] = acc_ref[...]

    return pl.pallas_call(
        body,
        grid=(nt, K),
        in_specs=[
            pl.BlockSpec((1, TB, H), lambda i, k: (k, i, 0)),
            pl.BlockSpec((TB, H), lambda i, k: (i, 0)),
            pl.BlockSpec((2 * H, H), lambda i, k: (0, 0)),
            pl.BlockSpec((H, H), lambda i, k: (0, 0)),
            pl.BlockSpec((1, H), lambda i, k: (0, 0)),
            pl.BlockSpec((1, H), lambda i, k: (0, 0)),
            pl.BlockSpec((H, 128), lambda i, k: (0, 0)),
            pl.BlockSpec((1, 128), lambda i, k: (0, 0)),
        ],
        out_specs=pl.BlockSpec((TB, outw), lambda i, k: (i, 0)),
        out_shape=jax.ShapeDtypeStruct((NPAD, outw), jnp.float32),
        scratch_shapes=[pltpu.VMEM((TB, H), jnp.float32)],
    )(g3, he, w1, w2, b1r, b2r, lwp, lbp)


def kernel(x, edge_index, batch, c1_W1, c1_b1, c1_W2, c1_b2,
           d1_W1, d1_b1, d1_W2, d1_b2, d2_W1, d2_b1, d2_W2, d2_b2,
           lin_W, lin_b):
    f32 = jnp.float32
    i32 = jnp.int32
    src = edge_index[0]
    dst = edge_index[1]
    e = src.shape[0]

    x_p = jnp.concatenate([x, jnp.zeros((NPAD - N, F), f32)], axis=0)
    batch_p = jnp.concatenate([batch.astype(i32), jnp.full((NPAD - N,), NB, i32)])
    bc = batch_p[:, None]
    br = batch_p[None, :]

    zpad = jnp.zeros((E_PAD - e,), i32)
    ids1 = jnp.concatenate([
        jnp.concatenate([dst, zpad]),
        jnp.concatenate([src, zpad]),
    ])
    gath1 = _sc_gather(x_p, ids1, 256)
    m1 = _mlp_edge(gath1, c1_W1, c1_W2, c1_b1.reshape(1, H), c1_b2.reshape(1, H))
    dst_s = jnp.concatenate([dst, jnp.full((E_PAD - e,), NPAD, i32)])
    h = _sc_scatter_max(m1, dst_s)

    lwp = jnp.concatenate([lin_W, jnp.zeros((H, 128 - C), f32)], axis=1)
    lbp = jnp.concatenate([lin_b, jnp.zeros((128 - C,), f32)]).reshape(1, 128)

    layers = ((d1_W1, d1_b1, d1_W2, d1_b2, False),
              (d2_W1, d2_b1, d2_W2, d2_b2, True))
    for (w1, b1, w2, b2, final) in layers:
        he = _elu(h)
        idxk = _knn(he, bc, br)
        ids2 = idxk[:, :K].T.reshape(K * NPAD)
        g = _sc_gather(he, ids2, 640)
        g3 = g.reshape(K, NPAD, H)
        h = _dyn_conv(g3, he, w1, w2, b1.reshape(1, H), b2.reshape(1, H),
                      lwp, lbp, final)

    return h[:N, :C]

# --- scband reference (transcript-rebuilt; emitter-appended) ---
"""Pipeline reference for scband-dynamic-edge-conv-net-5566277616468 (READ-ONLY COPY).

The authoritative reference and input builder live on the scoring server;
editing this copy changes nothing except your own understanding.
"""

import jax, jax.numpy as jnp
import numpy as np

N = 10000
E = 160000
F = 128
H = 64
C = 40
K = 20
NB = 8

def _mlp2(h, W1, b1, W2, b2):
    h = jax.nn.relu(h @ W1 + b1)
    h = jax.nn.relu(h @ W2 + b2)
    return h

def _edge_conv(x, src, dst, W1, b1, W2, b2, n):
    xi = x[dst]
    xj = x[src]
    m = _mlp2(jnp.concatenate([xi, xj - xi], axis=-1), W1, b1, W2, b2)
    out = jax.ops.segment_max(m, dst, num_segments=n)
    return jnp.where(jnp.isfinite(out), out, 0.0)

def _knn_idx(x, batch, k):
    xs = jax.lax.stop_gradient(x)
    sq = jnp.sum(xs * xs, axis=1)
    d2 = sq[:, None] + sq[None, :] - 2.0 * (xs @ xs.T)
    same = batch[:, None] == batch[None, :]
    d2 = jnp.where(same, d2, jnp.inf)
    _, idx = jax.lax.top_k(-d2, k)
    return idx

def _init(key, fan_in, fan_out):
    lim = 1.0 / np.sqrt(fan_in)
    return jax.random.uniform(key, (fan_in, fan_out), jnp.float32, -lim, lim)

def setup_inputs(seed: int = 0):
    key = jax.random.key(seed)
    ks = jax.random.split(key, 20)
    x = jax.random.normal(ks[0], (N, F), dtype=jnp.float32)
    edge_index = jax.random.randint(ks[1], (2, E), 0, N, dtype=jnp.int32)
    batch = jnp.sort(jax.random.randint(ks[2], (N,), 0, NB, dtype=jnp.int32))
    inp = {"x": x, "edge_index": edge_index, "batch": batch}
    inp["c1_W1"] = _init(ks[3], 2 * F, H); inp["c1_b1"] = jnp.zeros((H,), jnp.float32)
    inp["c1_W2"] = _init(ks[4], H, H); inp["c1_b2"] = jnp.zeros((H,), jnp.float32)
    inp["d1_W1"] = _init(ks[5], 2 * H, H); inp["d1_b1"] = jnp.zeros((H,), jnp.float32)
    inp["d1_W2"] = _init(ks[6], H, H); inp["d1_b2"] = jnp.zeros((H,), jnp.float32)
    inp["d2_W1"] = _init(ks[7], 2 * H, H); inp["d2_b1"] = jnp.zeros((H,), jnp.float32)
    inp["d2_W2"] = _init(ks[8], H, H); inp["d2_b2"] = jnp.zeros((H,), jnp.float32)
    inp["lin_W"] = _init(ks[9], H, C); inp["lin_b"] = jnp.zeros((C,), jnp.float32)
    return inp

def reference(x, edge_index, batch, c1_W1, c1_b1, c1_W2, c1_b2, d1_W1, d1_b1, d1_W2, d1_b2, d2_W1, d2_b1, d2_W2, d2_b2, lin_W, lin_b):
    n = x.shape[0]
    h = _edge_conv(x, edge_index[0], edge_index[1], c1_W1, c1_b1, c1_W2, c1_b2, n)
    for (W1, b1, W2, b2) in ((d1_W1, d1_b1, d1_W2, d1_b2), (d2_W1, d2_b1, d2_W2, d2_b2)):
        h = jax.nn.elu(h)
        idx = _knn_idx(h, batch, K)
        src = idx.reshape(-1)
        dst = jnp.repeat(jnp.arange(n), K)
        h = _edge_conv(h, src, dst, W1, b1, W2, b2, n)
    return h @ lin_W + lin_b

if __name__ == "__main__":
    import jax
    _d = setup_inputs()
    print(jax.jit(kernel)(*tuple(_d.values())))

</pallas_src>

<mosaic_0001>
#map = affine_map<(d0, d1) -> (0, 0)>
#map1 = affine_map<(d0, d1) -> (0)>
module attributes {stable_mosaic.version = 14 : i64} {
  func.func @k(%arg0: i32, %arg1: i32, %arg2: memref<10240x128xf32, #tpu.memory_space<hbm>>, %arg3: memref<327680xi32, #tpu.memory_space<hbm>>, %arg4: memref<327680x128xf32, #tpu.memory_space<hbm>>, %arg5: memref<2x256xi32, #tpu.memory_space<vmem>>, %arg6: memref<2x256x128xf32, #tpu.memory_space<vmem>>, %arg7: memref<!tpu.dma_semaphore, #tpu.memory_space<semaphore_mem>>, %arg8: memref<!tpu.dma_semaphore, #tpu.memory_space<semaphore_mem>>, %arg9: memref<!tpu.dma_semaphore, #tpu.memory_space<semaphore_mem>>, %arg10: memref<!tpu.dma_semaphore, #tpu.memory_space<semaphore_mem>>) attributes {dimension_semantics = [#tpu.dimension_semantics<core_parallel>, #tpu.dimension_semantics<subcore_parallel>], iteration_bounds = array<i64: 2, 16>, scalar_prefetch = 0 : i64, scratch_operands = 6 : i64, tpu.core_type = #tpu.core_type<sc_vector_subcore>, window_params = [{transform_indices = #map}, {transform_indices = #map1}, {transform_indices = #map}]} {
    %mul3A = arith.constant 2 : i32
    %mul3A_0 = arith.muli %arg1, %mul3A : i32
    %add3A = arith.addi %mul3A_0, %arg0 : i32
    %mul3A_1 = arith.constant 10240 : i32
    %mul3A_2 = arith.muli %add3A, %mul3A_1 : i32
    %add3A_3 = arith.constant 0 : i32
    %add3A_4 = arith.addi %mul3A_2, %add3A_3 : i32
    %run_scoped3A = arith.constant 0 : i32
    "tpu.region"() ({
      %run_scoped3A_64 = tpu.sem_alloc : memref<!tpu.dma_semaphore, #tpu.memory_space<semaphore_mem>>
      %dma_start3A_65 = arith.constant 0 : i32
      %dma_start3A_66 = tpu.memref_slice %arg5[%run_scoped3A, %dma_start3A_65] : memref<2x256xi32, #tpu.memory_space<vmem>> -> memref<1x256xi32, #tpu.memory_space<vmem>>
      %dma_start3A_67 = tpu.memref_squeeze %dma_start3A_66 : memref<1x256xi32, #tpu.memory_space<vmem>> -> memref<256xi32, #tpu.memory_space<vmem>>
      %dma_start3A_68 = tpu.memref_slice %arg3[%add3A_4] : memref<327680xi32, #tpu.memory_space<hbm>> -> memref<256xi32, #tpu.memory_space<hbm>>
      %dma_start3A_69 = arith.constant 0 : i32
      %dma_start3A_70 = tpu.memref_slice %arg5[%run_scoped3A, %dma_start3A_69] : memref<2x256xi32, #tpu.memory_space<vmem>> -> memref<1x256xi32, #tpu.memory_space<vmem>>
      %dma_start3A_71 = tpu.memref_squeeze %dma_start3A_70 : memref<1x256xi32, #tpu.memory_space<vmem>> -> memref<256xi32, #tpu.memory_space<vmem>>
      %dma_start3A_72 = tpu.memref_slice %arg3[%add3A_4] : memref<327680xi32, #tpu.memory_space<hbm>> -> memref<256xi32, #tpu.memory_space<hbm>>
      tpu.enqueue_dma source(%dma_start3A_72 : memref<256xi32, #tpu.memory_space<hbm>>) target(%dma_start3A_71 : memref<256xi32, #tpu.memory_space<vmem>>) target_semaphore(%run_scoped3A_64 : memref<!tpu.dma_semaphore, #tpu.memory_space<semaphore_mem>>)
      %dma_wait3A_73 = arith.constant 0 : i32
      %dma_wait3A_74 = tpu.memref_slice %arg5[%run_scoped3A, %dma_wait3A_73] : memref<2x256xi32, #tpu.memory_space<vmem>> -> memref<1x256xi32, #tpu.memory_space<vmem>>
      %dma_wait3A_75 = tpu.memref_squeeze %dma_wait3A_74 : memref<1x256xi32, #tpu.memory_space<vmem>> -> memref<256xi32, #tpu.memory_space<vmem>>
      %dma_wait3A_76 = tpu.memref_slice %arg3[%add3A_4] : memref<327680xi32, #tpu.memory_space<hbm>> -> memref<256xi32, #tpu.memory_space<hbm>>
      %dma_wait3A_77 = arith.constant 0 : i32
      %dma_wait3A_78 = tpu.memref_slice %arg5[%run_scoped3A, %dma_wait3A_77] : memref<2x256xi32, #tpu.memory_space<vmem>> -> memref<1x256xi32, #tpu.memory_space<vmem>>
      %dma_wait3A_79 = tpu.memref_squeeze %dma_wait3A_78 : memref<1x256xi32, #tpu.memory_space<vmem>> -> memref<256xi32, #tpu.memory_space<vmem>>
      %dma_wait3A_80 = tpu.memref_slice %arg3[%add3A_4] : memref<327680xi32, #tpu.memory_space<hbm>> -> memref<256xi32, #tpu.memory_space<hbm>>
      tpu.wait_dma2 semaphore(%run_scoped3A_64 : memref<!tpu.dma_semaphore, #tpu.memory_space<semaphore_mem>>) src(%dma_wait3A_80 : memref<256xi32, #tpu.memory_space<hbm>>) dst(%dma_wait3A_79 : memref<256xi32, #tpu.memory_space<vmem>>)
      tpu.yield
    }) : () -> ()
    %dma_start3A = arith.constant 0 : i32
    %dma_start3A_5 = arith.constant 0 : i32
    %dma_start3A_6 = arith.constant 0 : i32
    %dma_start3A_7 = arith.constant 0 : i32
    %dma_start3A_8 = tpu.memref_slice %arg6[%dma_start3A_5, %dma_start3A_6, %dma_start3A_7] : memref<2x256x128xf32, #tpu.memory_space<vmem>> -> memref<1x256x128xf32, #tpu.memory_space<vmem>>
    %dma_start3A_9 = tpu.memref_squeeze %dma_start3A_8 : memref<1x256x128xf32, #tpu.memory_space<vmem>> -> memref<256x128xf32, #tpu.memory_space<vmem>>
    %dma_start3A_10 = arith.constant 0 : i32
    %dma_start3A_11 = tpu.memref_slice %arg5[%dma_start3A, %dma_start3A_10] : memref<2x256xi32, #tpu.memory_space<vmem>> -> memref<1x256xi32, #tpu.memory_space<vmem>>
    %dma_start3A_12 = tpu.memref_squeeze %dma_start3A_11 : memref<1x256xi32, #tpu.memory_space<vmem>> -> memref<256xi32, #tpu.memory_space<vmem>>
    %dma_start3A_13 = arith.constant 0 : i32
    %dma_start3A_14 = arith.constant 0 : i32
    %dma_start3A_15 = tpu.memref_slice %arg2[%dma_start3A_13, %dma_start3A_14] : memref<10240x128xf32, #tpu.memory_space<hbm>> -> memref<10240x128xf32, #tpu.memory_space<hbm>>
    tpu.enqueue_indirect_dma source(%dma_start3A_15 : memref<10240x128xf32, #tpu.memory_space<hbm>>) target(%dma_start3A_9 : memref<256x128xf32, #tpu.memory_space<vmem>>) offsets(%dma_start3A_12 : memref<256xi32, #tpu.memory_space<vmem>>) semaphore(%arg7 : memref<!tpu.dma_semaphore, #tpu.memory_space<semaphore_mem>>)
    %add3A_16 = arith.constant 256 : i32
    %add3A_17 = arith.addi %mul3A_2, %add3A_16 : i32
    %run_scoped3A_18 = arith.constant 1 : i32
    "tpu.region"() ({
      %run_scoped3A_64 = tpu.sem_alloc : memref<!tpu.dma_semaphore, #tpu.memory_space<semaphore_mem>>
      %dma_start3A_65 = arith.constant 0 : i32
      %dma_start3A_66 = tpu.memref_slice %arg5[%run_scoped3A_18, %dma_start3A_65] : memref<2x256xi32, #tpu.memory_space<vmem>> -> memref<1x256xi32, #tpu.memory_space<vmem>>
      %dma_start3A_67 = tpu.memref_squeeze %dma_start3A_66 : memref<1x256xi32, #tpu.memory_space<vmem>> -> memref<256xi32, #tpu.memory_space<vmem>>
      %dma_start3A_68 = tpu.memref_slice %arg3[%add3A_17] : memref<327680xi32, #tpu.memory_space<hbm>> -> memref<256xi32, #tpu.memory_space<hbm>>
      %dma_start3A_69 = arith.constant 0 : i32
      %dma_start3A_70 = tpu.memref_slice %arg5[%run_scoped3A_18, %dma_start3A_69] : memref<2x256xi32, #tpu.memory_space<vmem>> -> memref<1x256xi32, #tpu.memory_space<vmem>>
      %dma_start3A_71 = tpu.memref_squeeze %dma_start3A_70 : memref<1x256xi32, #tpu.memory_space<vmem>> -> memref<256xi32, #tpu.memory_space<vmem>>
      %dma_start3A_72 = tpu.memref_slice %arg3[%add3A_17] : memref<327680xi32, #tpu.memory_space<hbm>> -> memref<256xi32, #tpu.memory_space<hbm>>
      tpu.enqueue_dma source(%dma_start3A_72 : memref<256xi32, #tpu.memory_space<hbm>>) target(%dma_start3A_71 : memref<256xi32, #tpu.memory_space<vmem>>) target_semaphore(%run_scoped3A_64 : memref<!tpu.dma_semaphore, #tpu.memory_space<semaphore_mem>>)
      %dma_wait3A_73 = arith.constant 0 : i32
      %dma_wait3A_74 = tpu.memref_slice %arg5[%run_scoped3A_18, %dma_wait3A_73] : memref<2x256xi32, #tpu.memory_space<vmem>> -> memref<1x256xi32, #tpu.memory_space<vmem>>
      %dma_wait3A_75 = tpu.memref_squeeze %dma_wait3A_74 : memref<1x256xi32, #tpu.memory_space<vmem>> -> memref<256xi32, #tpu.memory_space<vmem>>
      %dma_wait3A_76 = tpu.memref_slice %arg3[%add3A_17] : memref<327680xi32, #tpu.memory_space<hbm>> -> memref<256xi32, #tpu.memory_space<hbm>>
      %dma_wait3A_77 = arith.constant 0 : i32
      %dma_wait3A_78 = tpu.memref_slice %arg5[%run_scoped3A_18, %dma_wait3A_77] : memref<2x256xi32, #tpu.memory_space<vmem>> -> memref<1x256xi32, #tpu.memory_space<vmem>>
      %dma_wait3A_79 = tpu.memref_squeeze %dma_wait3A_78 : memref<1x256xi32, #tpu.memory_space<vmem>> -> memref<256xi32, #tpu.memory_space<vmem>>
      %dma_wait3A_80 = tpu.memref_slice %arg3[%add3A_17] : memref<327680xi32, #tpu.memory_space<hbm>> -> memref<256xi32, #tpu.memory_space<hbm>>
      tpu.wait_dma2 semaphore(%run_scoped3A_64 : memref<!tpu.dma_semaphore, #tpu.memory_space<semaphore_mem>>) src(%dma_wait3A_80 : memref<256xi32, #tpu.memory_space<hbm>>) dst(%dma_wait3A_79 : memref<256xi32, #tpu.memory_space<vmem>>)
      tpu.yield
    }) : () -> ()
    %dma_start3A_19 = arith.constant 1 : i32
    %dma_start3A_20 = arith.constant 1 : i32
    %dma_start3A_21 = arith.constant 0 : i32
    %dma_start3A_22 = arith.constant 0 : i32
    %dma_start3A_23 = tpu.memref_slice %arg6[%dma_start3A_20, %dma_start3A_21, %dma_start3A_22] : memref<2x256x128xf32, #tpu.memory_space<vmem>> -> memref<1x256x128xf32, #tpu.memory_space<vmem>>
    %dma_start3A_24 = tpu.memref_squeeze %dma_start3A_23 : memref<1x256x128xf32, #tpu.memory_space<vmem>> -> memref<256x128xf32, #tpu.memory_space<vmem>>
    %dma_start3A_25 = arith.constant 0 : i32
    %dma_start3A_26 = tpu.memref_slice %arg5[%dma_start3A_19, %dma_start3A_25] : memref<2x256xi32, #tpu.memory_space<vmem>> -> memref<1x256xi32, #tpu.memory_space<vmem>>
    %dma_start3A_27 = tpu.memref_squeeze %dma_start3A_26 : memref<1x256xi32, #tpu.memory_space<vmem>> -> memref<256xi32, #tpu.memory_space<vmem>>
    %dma_start3A_28 = arith.constant 0 : i32
    %dma_start3A_29 = arith.constant 0 : i32
    %dma_start3A_30 = tpu.memref_slice %arg2[%dma_start3A_28, %dma_start3A_29] : memref<10240x128xf32, #tpu.memory_space<hbm>> -> memref<10240x128xf32, #tpu.memory_space<hbm>>
    tpu.enqueue_indirect_dma source(%dma_start3A_30 : memref<10240x128xf32, #tpu.memory_space<hbm>>) target(%dma_start3A_24 : memref<256x128xf32, #tpu.memory_space<vmem>>) offsets(%dma_start3A_27 : memref<256xi32, #tpu.memory_space<vmem>>) semaphore(%arg8 : memref<!tpu.dma_semaphore, #tpu.memory_space<semaphore_mem>>)
    %scan3A = arith.constant 0 : i32
    %scan3A_31 = arith.constant 20 : i32
    %scan3A_32 = arith.addi %scan3A, %scan3A_31 : i32
    %scan3A_33 = arith.constant 1 : i32
    scf.for %scan3A_64 = %scan3A to %scan3A_32 step %scan3A_33  : i32 {
      %mul3A_65 = arith.constant 2 : i32
      %mul3A_66 = arith.muli %scan3A_64, %mul3A_65 : i32
      %add3A_67 = arith.constant 0 : i32
      %add3A_68 = arith.addi %add3A_67, %mul3A_66 : i32
      %dma_wait3A_69 = arith.constant 0 : i32
      %dma_wait3A_70 = arith.constant 0 : i32
      %dma_wait3A_71 = arith.constant 0 : i32
      %dma_wait3A_72 = arith.constant 0 : i32
      %dma_wait3A_73 = tpu.memref_slice %arg6[%dma_wait3A_70, %dma_wait3A_71, %dma_wait3A_72] : memref<2x256x128xf32, #tpu.memory_space<vmem>> -> memref<1x256x128xf32, #tpu.memory_space<vmem>>
      %dma_wait3A_74 = tpu.memref_squeeze %dma_wait3A_73 : memref<1x256x128xf32, #tpu.memory_space<vmem>> -> memref<256x128xf32, #tpu.memory_space<vmem>>
      %dma_wait3A_75 = arith.constant 0 : i32
      %dma_wait3A_76 = tpu.memref_slice %arg5[%dma_wait3A_69, %dma_wait3A_75] : memref<2x256xi32, #tpu.memory_space<vmem>> -> memref<1x256xi32, #tpu.memory_space<vmem>>
      %dma_wait3A_77 = tpu.memref_squeeze %dma_wait3A_76 : memref<1x256xi32, #tpu.memory_space<vmem>> -> memref<256xi32, #tpu.memory_space<vmem>>
      %dma_wait3A_78 = arith.constant 0 : i32
      %dma_wait3A_79 = arith.constant 0 : i32
      %dma_wait3A_80 = tpu.memref_slice %arg2[%dma_wait3A_78, %dma_wait3A_79] : memref<10240x128xf32, #tpu.memory_space<hbm>> -> memref<10240x128xf32, #tpu.memory_space<hbm>>
      tpu.wait_indirect_dma semaphore(%arg7 : memref<!tpu.dma_semaphore, #tpu.memory_space<semaphore_mem>>) src(%dma_wait3A_80 : memref<10240x128xf32, #tpu.memory_space<hbm>>) dst(%dma_wait3A_74 : memref<256x128xf32, #tpu.memory_space<vmem>>)
      %mul3A_81 = arith.constant 256 : i32
      %mul3A_82 = arith.muli %add3A_68, %mul3A_81 : i32
      %add3A_83 = arith.addi %mul3A_2, %mul3A_82 : i32
      %dma_start3A_84 = arith.constant 0 : i32
      %dma_start3A_85 = arith.constant 0 : i32
      %dma_start3A_86 = arith.constant 0 : i32
      %dma_start3A_87 = tpu.memref_slice %arg6[%dma_start3A_84, %dma_start3A_85, %dma_start3A_86] : memref<2x256x128xf32, #tpu.memory_space<vmem>> -> memref<1x256x128xf32, #tpu.memory_space<vmem>>
      %dma_start3A_88 = tpu.memref_squeeze %dma_start3A_87 : memref<1x256x128xf32, #tpu.memory_space<vmem>> -> memref<256x128xf32, #tpu.memory_space<vmem>>
      %dma_start3A_89 = arith.constant 0 : i32
      %dma_start3A_90 = tpu.memref_slice %arg4[%add3A_83, %dma_start3A_89] : memref<327680x128xf32, #tpu.memory_space<hbm>> -> memref<256x128xf32, #tpu.memory_space<hbm>>
      %dma_start3A_91 = arith.constant 0 : i32
      %dma_start3A_92 = tpu.memref_slice %arg4[%add3A_83, %dma_start3A_91] : memref<327680x128xf32, #tpu.memory_space<hbm>> -> memref<256x128xf32, #tpu.memory_space<hbm>>
      %dma_start3A_93 = arith.constant 0 : i32
      %dma_start3A_94 = arith.constant 0 : i32
      %dma_start3A_95 = tpu.memref_slice %arg6[%dma_start3A_84, %dma_start3A_93, %dma_start3A_94] : memref<2x256x128xf32, #tpu.memory_space<vmem>> -> memref<1x256x128xf32, #tpu.memory_space<vmem>>
      %dma_start3A_96 = tpu.memref_squeeze %dma_start3A_95 : memref<1x256x128xf32, #tpu.memory_space<vmem>> -> memref<256x128xf32, #tpu.memory_space<vmem>>
      tpu.enqueue_dma source(%dma_start3A_96 : memref<256x128xf32, #tpu.memory_space<vmem>>) target(%dma_start3A_92 : memref<256x128xf32, #tpu.memory_space<hbm>>) target_semaphore(%arg9 : memref<!tpu.dma_semaphore, #tpu.memory_space<semaphore_mem>>)
      %dma_wait3A_97 = arith.constant 1 : i32
      %dma_wait3A_98 = arith.constant 1 : i32
      %dma_wait3A_99 = arith.constant 0 : i32
      %dma_wait3A_100 = arith.constant 0 : i32
      %dma_wait3A_101 = tpu.memref_slice %arg6[%dma_wait3A_98, %dma_wait3A_99, %dma_wait3A_100] : memref<2x256x128xf32, #tpu.memory_space<vmem>> -> memref<1x256x128xf32, #tpu.memory_space<vmem>>
      %dma_wait3A_102 = tpu.memref_squeeze %dma_wait3A_101 : memref<1x256x128xf32, #tpu.memory_space<vmem>> -> memref<256x128xf32, #tpu.memory_space<vmem>>
      %dma_wait3A_103 = arith.constant 0 : i32
      %dma_wait3A_104 = tpu.memref_slice %arg5[%dma_wait3A_97, %dma_wait3A_103] : memref<2x256xi32, #tpu.memory_space<vmem>> -> memref<1x256xi32, #tpu.memory_space<vmem>>
      %dma_wait3A_105 = tpu.memref_squeeze %dma_wait3A_104 : memref<1x256xi32, #tpu.memory_space<vmem>> -> memref<256xi32, #tpu.memory_space<vmem>>
      %dma_wait3A_106 = arith.constant 0 : i32
      %dma_wait3A_107 = arith.constant 0 : i32
      %dma_wait3A_108 = tpu.memref_slice %arg2[%dma_wait3A_106, %dma_wait3A_107] : memref<10240x128xf32, #tpu.memory_space<hbm>> -> memref<10240x128xf32, #tpu.memory_space<hbm>>
      tpu.wait_indirect_dma semaphore(%arg8 : memref<!tpu.dma_semaphore, #tpu.memory_space<semaphore_mem>>) src(%dma_wait3A_108 : memref<10240x128xf32, #tpu.memory_space<hbm>>) dst(%dma_wait3A_102 : memref<256x128xf32, #tpu.memory_space<vmem>>)
      %add3A_109 = arith.constant 1 : i32
      %add3A_110 = arith.addi %add3A_68, %add3A_109 : i32
      %mul3A_111 = arith.constant 256 : i32
      %mul3A_112 = arith.muli %add3A_110, %mul3A_111 : i32
      %add3A_113 = arith.addi %mul3A_2, %mul3A_112 : i32
      %dma_start3A_114 = arith.constant 1 : i32
      %dma_start3A_115 = arith.constant 0 : i32
      %dma_start3A_116 = arith.constant 0 : i32
      %dma_start3A_117 = tpu.memref_slice %arg6[%dma_start3A_114, %dma_start3A_115, %dma_start3A_116] : memref<2x256x128xf32, #tpu.memory_space<vmem>> -> memref<1x256x128xf32, #tpu.memory_space<vmem>>
      %dma_start3A_118 = tpu.memref_squeeze %dma_start3A_117 : memref<1x256x128xf32, #tpu.memory_space<vmem>> -> memref<256x128xf32, #tpu.memory_space<vmem>>
      %dma_start3A_119 = arith.constant 0 : i32
      %dma_start3A_120 = tpu.memref_slice %arg4[%add3A_113, %dma_start3A_119] : memref<327680x128xf32, #tpu.memory_space<hbm>> -> memref<256x128xf32, #tpu.memory_space<hbm>>
      %dma_start3A_121 = arith.constant 0 : i32
      %dma_start3A_122 = tpu.memref_slice %arg4[%add3A_113, %dma_start3A_121] : memref<327680x128xf32, #tpu.memory_space<hbm>> -> memref<256x128xf32, #tpu.memory_space<hbm>>
      %dma_start3A_123 = arith.constant 0 : i32
      %dma_start3A_124 = arith.constant 0 : i32
      %dma_start3A_125 = tpu.memref_slice %arg6[%dma_start3A_114, %dma_start3A_123, %dma_start3A_124] : memref<2x256x128xf32, #tpu.memory_space<vmem>> -> memref<1x256x128xf32, #tpu.memory_space<vmem>>
      %dma_start3A_126 = tpu.memref_squeeze %dma_start3A_125 : memref<1x256x128xf32, #tpu.memory_space<vmem>> -> memref<256x128xf32, #tpu.memory_space<vmem>>
      tpu.enqueue_dma source(%dma_start3A_126 : memref<256x128xf32, #tpu.memory_space<vmem>>) target(%dma_start3A_122 : memref<256x128xf32, #tpu.memory_space<hbm>>) target_semaphore(%arg10 : memref<!tpu.dma_semaphore, #tpu.memory_space<semaphore_mem>>)
      %add3A_127 = arith.constant 2 : i32
      %add3A_128 = arith.addi %add3A_68, %add3A_127 : i32
      %lt3A = arith.constant 40 : i32
      %lt3A_129 = arith.cmpi slt, %add3A_128, %lt3A : i32
      %convert_element_type3A = arith.extui %lt3A_129 : i1 to i32
      %cond3A = arith.constant 0 : i32
      %cond3A_130 = arith.cmpi ne, %convert_element_type3A, %cond3A : i32
      scf.if %cond3A_130 {
        %add3A_138 = arith.constant 2 : i32
        %add3A_139 = arith.addi %add3A_68, %add3A_138 : i32
        %mul3A_140 = arith.constant 256 : i32
        %mul3A_141 = arith.muli %add3A_139, %mul3A_140 : i32
        %add3A_142 = arith.addi %mul3A_2, %mul3A_141 : i32
        %run_scoped3A_143 = arith.constant 0 : i32
        "tpu.region"() ({
          %run_scoped3A_171 = tpu.sem_alloc : memref<!tpu.dma_semaphore, #tpu.memory_space<semaphore_mem>>
          %dma_start3A_172 = arith.constant 0 : i32
          %dma_start3A_173 = tpu.memref_slice %arg5[%run_scoped3A_143, %dma_start3A_172] : memref<2x256xi32, #tpu.memory_space<vmem>> -> memref<1x256xi32, #tpu.memory_space<vmem>>
          %dma_start3A_174 = tpu.memref_squeeze %dma_start3A_173 : memref<1x256xi32, #tpu.memory_space<vmem>> -> memref<256xi32, #tpu.memory_space<vmem>>
          %dma_start3A_175 = tpu.memref_slice %arg3[%add3A_142] : memref<327680xi32, #tpu.memory_space<hbm>> -> memref<256xi32, #tpu.memory_space<hbm>>
          %dma_start3A_176 = arith.constant 0 : i32
          %dma_start3A_177 = tpu.memref_slice %arg5[%run_scoped3A_143, %dma_start3A_176] : memref<2x256xi32, #tpu.memory_space<vmem>> -> memref<1x256xi32, #tpu.memory_space<vmem>>
          %dma_start3A_178 = tpu.memref_squeeze %dma_start3A_177 : memref<1x256xi32, #tpu.memory_space<vmem>> -> memref<256xi32, #tpu.memory_space<vmem>>
          %dma_start3A_179 = tpu.memref_slice %arg3[%add3A_142] : memref<327680xi32, #tpu.memory_space<hbm>> -> memref<256xi32, #tpu.memory_space<hbm>>
          tpu.enqueue_dma source(%dma_start3A_179 : memref<256xi32, #tpu.memory_space<hbm>>) target(%dma_start3A_178 : memref<256xi32, #tpu.memory_space<vmem>>) target_semaphore(%run_scoped3A_171 : memref<!tpu.dma_semaphore, #tpu.memory_space<semaphore_mem>>)
          %dma_wait3A_180 = arith.constant 0 : i32
          %dma_wait3A_181 = tpu.memref_slice %arg5[%run_scoped3A_143, %dma_wait3A_180] : memref<2x256xi32, #tpu.memory_space<vmem>> -> memref<1x256xi32, #tpu.memory_space<vmem>>
          %dma_wait3A_182 = tpu.memref_squeeze %dma_wait3A_181 : memref<1x256xi32, #tpu.memory_space<vmem>> -> memref<256xi32, #tpu.memory_space<vmem>>
          %dma_wait3A_183 = tpu.memref_slice %arg3[%add3A_142] : memref<327680xi32, #tpu.memory_space<hbm>> -> memref<256xi32, #tpu.memory_space<hbm>>
          %dma_wait3A_184 = arith.constant 0 : i32
          %dma_wait3A_185 = tpu.memref_slice %arg5[%run_scoped3A_143, %dma_wait3A_184] : memref<2x256xi32, #tpu.memory_space<vmem>> -> memref<1x256xi32, #tpu.memory_space<vmem>>
          %dma_wait3A_186 = tpu.memref_squeeze %dma_wait3A_185 : memref<1x256xi32, #tpu.memory_space<vmem>> -> memref<256xi32, #tpu.memory_space<vmem>>
          %dma_wait3A_187 = tpu.memref_slice %arg3[%add3A_142] : memref<327680xi32, #tpu.memory_space<hbm>> -> memref<256xi32, #tpu.memory_space<hbm>>
          tpu.wait_dma2 semaphore(%run_scoped3A_171 : memref<!tpu.dma_semaphore, #tpu.memory_space<semaphore_mem>>) src(%dma_wait3A_187 : memref<256xi32, #tpu.memory_space<hbm>>) dst(%dma_wait3A_186 : memref<256xi32, #tpu.memory_space<vmem>>)
          tpu.yield
        }) : () -> ()
        %dma_wait3A_144 = arith.constant 0 : i32
        %dma_wait3A_145 = arith.constant 0 : i32
        %dma_wait3A_146 = arith.constant 0 : i32
        %dma_wait3A_147 = tpu.memref_slice %arg6[%dma_wait3A_144, %dma_wait3A_145, %dma_wait3A_146] : memref<2x256x128xf32, #tpu.memory_space<vmem>> -> memref<1x256x128xf32, #tpu.memory_space<vmem>>
        %dma_wait3A_148 = tpu.memref_squeeze %dma_wait3A_147 : memref<1x256x128xf32, #tpu.memory_space<vmem>> -> memref<256x128xf32, #tpu.memory_space<vmem>>
        %dma_wait3A_149 = arith.constant 0 : i32
        %dma_wait3A_150 = arith.constant 0 : i32
        %dma_wait3A_151 = tpu.memref_slice %arg4[%dma_wait3A_149, %dma_wait3A_150] : memref<327680x128xf32, #tpu.memory_space<hbm>> -> memref<256x128xf32, #tpu.memory_space<hbm>>
        %dma_wait3A_152 = arith.constant 0 : i32
        %dma_wait3A_153 = arith.constant 0 : i32
        %dma_wait3A_154 = tpu.memref_slice %arg4[%dma_wait3A_152, %dma_wait3A_153] : memref<327680x128xf32, #tpu.memory_space<hbm>> -> memref<256x128xf32, #tpu.memory_space<hbm>>
        %dma_wait3A_155 = arith.constant 0 : i32
        %dma_wait3A_156 = arith.constant 0 : i32
        %dma_wait3A_157 = tpu.memref_slice %arg6[%dma_wait3A_144, %dma_wait3A_155, %dma_wait3A_156] : memref<2x256x128xf32, #tpu.memory_space<vmem>> -> memref<1x256x128xf32, #tpu.memory_space<vmem>>
        %dma_wait3A_158 = tpu.memref_squeeze %dma_wait3A_157 : memref<1x256x128xf32, #tpu.memory_space<vmem>> -> memref<256x128xf32, #tpu.memory_space<vmem>>
        tpu.wait_dma2 semaphore(%arg9 : memref<!tpu.dma_semaphore, #tpu.memory_space<semaphore_mem>>) src(%dma_wait3A_158 : memref<256x128xf32, #tpu.memory_space<vmem>>) dst(%dma_wait3A_154 : memref<256x128xf32, #tpu.memory_space<hbm>>)
        %dma_start3A_159 = arith.constant 0 : i32
        %dma_start3A_160 = arith.constant 0 : i32
        %dma_start3A_161 = arith.constant 0 : i32
        %dma_start3A_162 = arith.constant 0 : i32
        %dma_start3A_163 = tpu.memref_slice %arg6[%dma_start3A_160, %dma_start3A_161, %dma_start3A_162] : memref<2x256x128xf32, #tpu.memory_space<vmem>> -> memref<1x256x128xf32, #tpu.memory_space<vmem>>
        %dma_start3A_164 = tpu.memref_squeeze %dma_start3A_163 : memref<1x256x128xf32, #tpu.memory_space<vmem>> -> memref<256x128xf32, #tpu.memory_space<vmem>>
        %dma_start3A_165 = arith.constant 0 : i32
        %dma_start3A_166 = tpu.memref_slice %arg5[%dma_start3A_159, %dma_start3A_165] : memref<2x256xi32, #tpu.memory_space<vmem>> -> memref<1x256xi32, #tpu.memory_space<vmem>>
        %dma_start3A_167 = tpu.memref_squeeze %dma_start3A_166 : memref<1x256xi32, #tpu.memory_space<vmem>> -> memref<256xi32, #tpu.memory_space<vmem>>
        %dma_start3A_168 = arith.constant 0 : i32
        %dma_start3A_169 = arith.constant 0 : i32
        %dma_start3A_170 = tpu.memref_slice %arg2[%dma_start3A_168, %dma_start3A_169] : memref<10240x128xf32, #tpu.memory_space<hbm>> -> memref<10240x128xf32, #tpu.memory_space<hbm>>
        tpu.enqueue_indirect_dma source(%dma_start3A_170 : memref<10240x128xf32, #tpu.memory_space<hbm>>) target(%dma_start3A_164 : memref<256x128xf32, #tpu.memory_space<vmem>>) offsets(%dma_start3A_167 : memref<256xi32, #tpu.memory_space<vmem>>) semaphore(%arg7 : memref<!tpu.dma_semaphore, #tpu.memory_space<semaphore_mem>>)
      } else {
      }
      %add3A_131 = arith.constant 3 : i32
      %add3A_132 = arith.addi %add3A_68, %add3A_131 : i32
      %lt3A_133 = arith.constant 40 : i32
      %lt3A_134 = arith.cmpi slt, %add3A_132, %lt3A_133 : i32
      %convert_element_type3A_135 = arith.extui %lt3A_134 : i1 to i32
      %cond3A_136 = arith.constant 0 : i32
      %cond3A_137 = arith.cmpi ne, %convert_element_type3A_135, %cond3A_136 : i32
      scf.if %cond3A_137 {
        %add3A_138 = arith.constant 3 : i32
        %add3A_139 = arith.addi %add3A_68, %add3A_138 : i32
        %mul3A_140 = arith.constant 256 : i32
        %mul3A_141 = arith.muli %add3A_139, %mul3A_140 : i32
        %add3A_142 = arith.addi %mul3A_2, %mul3A_141 : i32
        %run_scoped3A_143 = arith.constant 1 : i32
        "tpu.region"() ({
          %run_scoped3A_171 = tpu.sem_alloc : memref<!tpu.dma_semaphore, #tpu.memory_space<semaphore_mem>>
          %dma_start3A_172 = arith.constant 0 : i32
          %dma_start3A_173 = tpu.memref_slice %arg5[%run_scoped3A_143, %dma_start3A_172] : memref<2x256xi32, #tpu.memory_space<vmem>> -> memref<1x256xi32, #tpu.memory_space<vmem>>
          %dma_start3A_174 = tpu.memref_squeeze %dma_start3A_173 : memref<1x256xi32, #tpu.memory_space<vmem>> -> memref<256xi32, #tpu.memory_space<vmem>>
          %dma_start3A_175 = tpu.memref_slice %arg3[%add3A_142] : memref<327680xi32, #tpu.memory_space<hbm>> -> memref<256xi32, #tpu.memory_space<hbm>>
          %dma_start3A_176 = arith.constant 0 : i32
          %dma_start3A_177 = tpu.memref_slice %arg5[%run_scoped3A_143, %dma_start3A_176] : memref<2x256xi32, #tpu.memory_space<vmem>> -> memref<1x256xi32, #tpu.memory_space<vmem>>
          %dma_start3A_178 = tpu.memref_squeeze %dma_start3A_177 : memref<1x256xi32, #tpu.memory_space<vmem>> -> memref<256xi32, #tpu.memory_space<vmem>>
          %dma_start3A_179 = tpu.memref_slice %arg3[%add3A_142] : memref<327680xi32, #tpu.memory_space<hbm>> -> memref<256xi32, #tpu.memory_space<hbm>>
          tpu.enqueue_dma source(%dma_start3A_179 : memref<256xi32, #tpu.memory_space<hbm>>) target(%dma_start3A_178 : memref<256xi32, #tpu.memory_space<vmem>>) target_semaphore(%run_scoped3A_171 : memref<!tpu.dma_semaphore, #tpu.memory_space<semaphore_mem>>)
          %dma_wait3A_180 = arith.constant 0 : i32
          %dma_wait3A_181 = tpu.memref_slice %arg5[%run_scoped3A_143, %dma_wait3A_180] : memref<2x256xi32, #tpu.memory_space<vmem>> -> memref<1x256xi32, #tpu.memory_space<vmem>>
          %dma_wait3A_182 = tpu.memref_squeeze %dma_wait3A_181 : memref<1x256xi32, #tpu.memory_space<vmem>> -> memref<256xi32, #tpu.memory_space<vmem>>
          %dma_wait3A_183 = tpu.memref_slice %arg3[%add3A_142] : memref<327680xi32, #tpu.memory_space<hbm>> -> memref<256xi32, #tpu.memory_space<hbm>>
          %dma_wait3A_184 = arith.constant 0 : i32
          %dma_wait3A_185 = tpu.memref_slice %arg5[%run_scoped3A_143, %dma_wait3A_184] : memref<2x256xi32, #tpu.memory_space<vmem>> -> memref<1x256xi32, #tpu.memory_space<vmem>>
          %dma_wait3A_186 = tpu.memref_squeeze %dma_wait3A_185 : memref<1x256xi32, #tpu.memory_space<vmem>> -> memref<256xi32, #tpu.memory_space<vmem>>
          %dma_wait3A_187 = tpu.memref_slice %arg3[%add3A_142] : memref<327680xi32, #tpu.memory_space<hbm>> -> memref<256xi32, #tpu.memory_space<hbm>>
          tpu.wait_dma2 semaphore(%run_scoped3A_171 : memref<!tpu.dma_semaphore, #tpu.memory_space<semaphore_mem>>) src(%dma_wait3A_187 : memref<256xi32, #tpu.memory_space<hbm>>) dst(%dma_wait3A_186 : memref<256xi32, #tpu.memory_space<vmem>>)
          tpu.yield
        }) : () -> ()
        %dma_wait3A_144 = arith.constant 1 : i32
        %dma_wait3A_145 = arith.constant 0 : i32
        %dma_wait3A_146 = arith.constant 0 : i32
        %dma_wait3A_147 = tpu.memref_slice %arg6[%dma_wait3A_144, %dma_wait3A_145, %dma_wait3A_146] : memref<2x256x128xf32, #tpu.memory_space<vmem>> -> memref<1x256x128xf32, #tpu.memory_space<vmem>>
        %dma_wait3A_148 = tpu.memref_squeeze %dma_wait3A_147 : memref<1x256x128xf32, #tpu.memory_space<vmem>> -> memref<256x128xf32, #tpu.memory_space<vmem>>
        %dma_wait3A_149 = arith.constant 0 : i32
        %dma_wait3A_150 = arith.constant 0 : i32
        %dma_wait3A_151 = tpu.memref_slice %arg4[%dma_wait3A_149, %dma_wait3A_150] : memref<327680x128xf32, #tpu.memory_space<hbm>> -> memref<256x128xf32, #tpu.memory_space<hbm>>
        %dma_wait3A_152 = arith.constant 0 : i32
        %dma_wait3A_153 = arith.constant 0 : i32
        %dma_wait3A_154 = tpu.memref_slice %arg4[%dma_wait3A_152, %dma_wait3A_153] : memref<327680x128xf32, #tpu.memory_space<hbm>> -> memref<256x128xf32, #tpu.memory_space<hbm>>
        %dma_wait3A_155 = arith.constant 0 : i32
        %dma_wait3A_156 = arith.constant 0 : i32
        %dma_wait3A_157 = tpu.memref_slice %arg6[%dma_wait3A_144, %dma_wait3A_155, %dma_wait3A_156] : memref<2x256x128xf32, #tpu.memory_space<vmem>> -> memref<1x256x128xf32, #tpu.memory_space<vmem>>
        %dma_wait3A_158 = tpu.memref_squeeze %dma_wait3A_157 : memref<1x256x128xf32, #tpu.memory_space<vmem>> -> memref<256x128xf32, #tpu.memory_space<vmem>>
        tpu.wait_dma2 semaphore(%arg10 : memref<!tpu.dma_semaphore, #tpu.memory_space<semaphore_mem>>) src(%dma_wait3A_158 : memref<256x128xf32, #tpu.memory_space<vmem>>) dst(%dma_wait3A_154 : memref<256x128xf32, #tpu.memory_space<hbm>>)
        %dma_start3A_159 = arith.constant 1 : i32
        %dma_start3A_160 = arith.constant 1 : i32
        %dma_start3A_161 = arith.constant 0 : i32
        %dma_start3A_162 = arith.constant 0 : i32
        %dma_start3A_163 = tpu.memref_slice %arg6[%dma_start3A_160, %dma_start3A_161, %dma_start3A_162] : memref<2x256x128xf32, #tpu.memory_space<vmem>> -> memref<1x256x128xf32, #tpu.memory_space<vmem>>
        %dma_start3A_164 = tpu.memref_squeeze %dma_start3A_163 : memref<1x256x128xf32, #tpu.memory_space<vmem>> -> memref<256x128xf32, #tpu.memory_space<vmem>>
        %dma_start3A_165 = arith.constant 0 : i32
        %dma_start3A_166 = tpu.memref_slice %arg5[%dma_start3A_159, %dma_start3A_165] : memref<2x256xi32, #tpu.memory_space<vmem>> -> memref<1x256xi32, #tpu.memory_space<vmem>>
        %dma_start3A_167 = tpu.memref_squeeze %dma_start3A_166 : memref<1x256xi32, #tpu.memory_space<vmem>> -> memref<256xi32, #tpu.memory_space<vmem>>
        %dma_start3A_168 = arith.constant 0 : i32
        %dma_start3A_169 = arith.constant 0 : i32
        %dma_start3A_170 = tpu.memref_slice %arg2[%dma_start3A_168, %dma_start3A_169] : memref<10240x128xf32, #tpu.memory_space<hbm>> -> memref<10240x128xf32, #tpu.memory_space<hbm>>
        tpu.enqueue_indirect_dma source(%dma_start3A_170 : memref<10240x128xf32, #tpu.memory_space<hbm>>) target(%dma_start3A_164 : memref<256x128xf32, #tpu.memory_space<vmem>>) offsets(%dma_start3A_167 : memref<256xi32, #tpu.memory_space<vmem>>) semaphore(%arg8 : memref<!tpu.dma_semaphore, #tpu.memory_space<semaphore_mem>>)
      } else {
      }
    }
    %scan3A_34 = arith.constant 20 : i32
    %dma_wait3A = arith.constant 0 : i32
    %dma_wait3A_35 = arith.constant 0 : i32
    %dma_wait3A_36 = arith.constant 0 : i32
    %dma_wait3A_37 = tpu.memref_slice %arg6[%dma_wait3A, %dma_wait3A_35, %dma_wait3A_36] : memref<2x256x128xf32, #tpu.memory_space<vmem>> -> memref<1x256x128xf32, #tpu.memory_space<vmem>>
    %dma_wait3A_38 = tpu.memref_squeeze %dma_wait3A_37 : memref<1x256x128xf32, #tpu.memory_space<vmem>> -> memref<256x128xf32, #tpu.memory_space<vmem>>
    %dma_wait3A_39 = arith.constant 0 : i32
    %dma_wait3A_40 = arith.constant 0 : i32
    %dma_wait3A_41 = tpu.memref_slice %arg4[%dma_wait3A_39, %dma_wait3A_40] : memref<327680x128xf32, #tpu.memory_space<hbm>> -> memref<256x128xf32, #tpu.memory_space<hbm>>
    %dma_wait3A_42 = arith.constant 0 : i32
    %dma_wait3A_43 = arith.constant 0 : i32
    %dma_wait3A_44 = tpu.memref_slice %arg4[%dma_wait3A_42, %dma_wait3A_43] : memref<327680x128xf32, #tpu.memory_space<hbm>> -> memref<256x128xf32, #tpu.memory_space<hbm>>
    %dma_wait3A_45 = arith.constant 0 : i32
    %dma_wait3A_46 = arith.constant 0 : i32
    %dma_wait3A_47 = tpu.memref_slice %arg6[%dma_wait3A, %dma_wait3A_45, %dma_wait3A_46] : memref<2x256x128xf32, #tpu.memory_space<vmem>> -> memref<1x256x128xf32, #tpu.memory_space<vmem>>
    %dma_wait3A_48 = tpu.memref_squeeze %dma_wait3A_47 : memref<1x256x128xf32, #tpu.memory_space<vmem>> -> memref<256x128xf32, #tpu.memory_space<vmem>>
    tpu.wait_dma2 semaphore(%arg9 : memref<!tpu.dma_semaphore, #tpu.memory_space<semaphore_mem>>) src(%dma_wait3A_48 : memref<256x128xf32, #tpu.memory_space<vmem>>) dst(%dma_wait3A_44 : memref<256x128xf32, #tpu.memory_space<hbm>>)
    %dma_wait3A_49 = arith.constant 1 : i32
    %dma_wait3A_50 = arith.constant 0 : i32
    %dma_wait3A_51 = arith.constant 0 : i32
    %dma_wait3A_52 = tpu.memref_slice %arg6[%dma_wait3A_49, %dma_wait3A_50, %dma_wait3A_51] : memref<2x256x128xf32, #tpu.memory_space<vmem>> -> memref<1x256x128xf32, #tpu.memory_space<vmem>>
    %dma_wait3A_53 = tpu.memref_squeeze %dma_wait3A_52 : memref<1x256x128xf32, #tpu.memory_space<vmem>> -> memref<256x128xf32, #tpu.memory_space<vmem>>
    %dma_wait3A_54 = arith.constant 0 : i32
    %dma_wait3A_55 = arith.constant 0 : i32
    %dma_wait3A_56 = tpu.memref_slice %arg4[%dma_wait3A_54, %dma_wait3A_55] : memref<327680x128xf32, #tpu.memory_space<hbm>> -> memref<256x128xf32, #tpu.memory_space<hbm>>
    %dma_wait3A_57 = arith.constant 0 : i32
    %dma_wait3A_58 = arith.constant 0 : i32
    %dma_wait3A_59 = tpu.memref_slice %arg4[%dma_wait3A_57, %dma_wait3A_58] : memref<327680x128xf32, #tpu.memory_space<hbm>> -> memref<256x128xf32, #tpu.memory_space<hbm>>
    %dma_wait3A_60 = arith.constant 0 : i32
    %dma_wait3A_61 = arith.constant 0 : i32
    %dma_wait3A_62 = tpu.memref_slice %arg6[%dma_wait3A_49, %dma_wait3A_60, %dma_wait3A_61] : memref<2x256x128xf32, #tpu.memory_space<vmem>> -> memref<1x256x128xf32, #tpu.memory_space<vmem>>
    %dma_wait3A_63 = tpu.memref_squeeze %dma_wait3A_62 : memref<1x256x128xf32, #tpu.memory_space<vmem>> -> memref<256x128xf32, #tpu.memory_space<vmem>>
    tpu.wait_dma2 semaphore(%arg10 : memref<!tpu.dma_semaphore, #tpu.memory_space<semaphore_mem>>) src(%dma_wait3A_63 : memref<256x128xf32, #tpu.memory_space<vmem>>) dst(%dma_wait3A_59 : memref<256x128xf32, #tpu.memory_space<hbm>>)
    return
  }
}

#map = affine_map<(d0, d1) -> (0, 0)>
#map1 = affine_map<(d0, d1) -> (0)>
module attributes {stable_mosaic.version = 14 : i64} {
  func.func @k(%arg0: i32, %arg1: i32, %arg2: memref<10240x64xf32, #tpu.memory_space<hbm>>, %arg3: memref<204800xi32, #tpu.memory_space<hbm>>, %arg4: memref<204800x64xf32, #tpu.memory_space<hbm>>, %arg5: memref<2x640xi32, #tpu.memory_space<vmem>>, %arg6: memref<2x640x64xf32, #tpu.memory_space<vmem>>, %arg7: memref<!tpu.dma_semaphore, #tpu.memory_space<semaphore_mem>>, %arg8: memref<!tpu.dma_semaphore, #tpu.memory_space<semaphore_mem>>, %arg9: memref<!tpu.dma_semaphore, #tpu.memory_space<semaphore_mem>>, %arg10: memref<!tpu.dma_semaphore, #tpu.memory_space<semaphore_mem>>) attributes {dimension_semantics = [#tpu.dimension_semantics<core_parallel>, #tpu.dimension_semantics<subcore_parallel>], iteration_bounds = array<i64: 2, 16>, scalar_prefetch = 0 : i64, scratch_operands = 6 : i64, tpu.core_type = #tpu.core_type<sc_vector_subcore>, window_params = [{transform_indices = #map}, {transform_indices = #map1}, {transform_indices = #map}]} {
    %mul3A = arith.constant 2 : i32
    %mul3A_0 = arith.muli %arg1, %mul3A : i32
    %add3A = arith.addi %mul3A_0, %arg0 : i32
    %mul3A_1 = arith.constant 6400 : i32
    %mul3A_2 = arith.muli %add3A, %mul3A_1 : i32
    %add3A_3 = arith.constant 0 : i32
    %add3A_4 = arith.addi %mul3A_2, %add3A_3 : i32
    %run_scoped3A = arith.constant 0 : i32
    "tpu.region"() ({
      %run_scoped3A_64 = tpu.sem_alloc : memref<!tpu.dma_semaphore, #tpu.memory_space<semaphore_mem>>
      %dma_start3A_65 = arith.constant 0 : i32
      %dma_start3A_66 = tpu.memref_slice %arg5[%run_scoped3A, %dma_start3A_65] : memref<2x640xi32, #tpu.memory_space<vmem>> -> memref<1x640xi32, #tpu.memory_space<vmem>>
      %dma_start3A_67 = tpu.memref_squeeze %dma_start3A_66 : memref<1x640xi32, #tpu.memory_space<vmem>> -> memref<640xi32, #tpu.memory_space<vmem>>
      %dma_start3A_68 = tpu.memref_slice %arg3[%add3A_4] : memref<204800xi32, #tpu.memory_space<hbm>> -> memref<640xi32, #tpu.memory_space<hbm>>
      %dma_start3A_69 = arith.constant 0 : i32
      %dma_start3A_70 = tpu.memref_slice %arg5[%run_scoped3A, %dma_start3A_69] : memref<2x640xi32, #tpu.memory_space<vmem>> -> memref<1x640xi32, #tpu.memory_space<vmem>>
      %dma_start3A_71 = tpu.memref_squeeze %dma_start3A_70 : memref<1x640xi32, #tpu.memory_space<vmem>> -> memref<640xi32, #tpu.memory_space<vmem>>
      %dma_start3A_72 = tpu.memref_slice %arg3[%add3A_4] : memref<204800xi32, #tpu.memory_space<hbm>> -> memref<640xi32, #tpu.memory_space<hbm>>
      tpu.enqueue_dma source(%dma_start3A_72 : memref<640xi32, #tpu.memory_space<hbm>>) target(%dma_start3A_71 : memref<640xi32, #tpu.memory_space<vmem>>) target_semaphore(%run_scoped3A_64 : memref<!tpu.dma_semaphore, #tpu.memory_space<semaphore_mem>>)
      %dma_wait3A_73 = arith.constant 0 : i32
      %dma_wait3A_74 = tpu.memref_slice %arg5[%run_scoped3A, %dma_wait3A_73] : memref<2x640xi32, #tpu.memory_space<vmem>> -> memref<1x640xi32, #tpu.memory_space<vmem>>
      %dma_wait3A_75 = tpu.memref_squeeze %dma_wait3A_74 : memref<1x640xi32, #tpu.memory_space<vmem>> -> memref<640xi32, #tpu.memory_space<vmem>>
      %dma_wait3A_76 = tpu.memref_slice %arg3[%add3A_4] : memref<204800xi32, #tpu.memory_space<hbm>> -> memref<640xi32, #tpu.memory_space<hbm>>
      %dma_wait3A_77 = arith.constant 0 : i32
      %dma_wait3A_78 = tpu.memref_slice %arg5[%run_scoped3A, %dma_wait3A_77] : memref<2x640xi32, #tpu.memory_space<vmem>> -> memref<1x640xi32, #tpu.memory_space<vmem>>
      %dma_wait3A_79 = tpu.memref_squeeze %dma_wait3A_78 : memref<1x640xi32, #tpu.memory_space<vmem>> -> memref<640xi32, #tpu.memory_space<vmem>>
      %dma_wait3A_80 = tpu.memref_slice %arg3[%add3A_4] : memref<204800xi32, #tpu.memory_space<hbm>> -> memref<640xi32, #tpu.memory_space<hbm>>
      tpu.wait_dma2 semaphore(%run_scoped3A_64 : memref<!tpu.dma_semaphore, #tpu.memory_space<semaphore_mem>>) src(%dma_wait3A_80 : memref<640xi32, #tpu.memory_space<hbm>>) dst(%dma_wait3A_79 : memref<640xi32, #tpu.memory_space<vmem>>)
      tpu.yield
    }) : () -> ()
    %dma_start3A = arith.constant 0 : i32
    %dma_start3A_5 = arith.constant 0 : i32
    %dma_start3A_6 = arith.constant 0 : i32
    %dma_start3A_7 = arith.constant 0 : i32
    %dma_start3A_8 = tpu.memref_slice %arg6[%dma_start3A_5, %dma_start3A_6, %dma_start3A_7] : memref<2x640x64xf32, #tpu.memory_space<vmem>> -> memref<1x640x64xf32, #tpu.memory_space<vmem>>
    %dma_start3A_9 = tpu.memref_squeeze %dma_start3A_8 : memref<1x640x64xf32, #tpu.memory_space<vmem>> -> memref<640x64xf32, #tpu.memory_space<vmem>>
    %dma_start3A_10 = arith.constant 0 : i32
    %dma_start3A_11 = tpu.memref_slice %arg5[%dma_start3A, %dma_start3A_10] : memref<2x640xi32, #tpu.memory_space<vmem>> -> memref<1x640xi32, #tpu.memory_space<vmem>>
    %dma_start3A_12 = tpu.memref_squeeze %dma_start3A_11 : memref<1x640xi32, #tpu.memory_space<vmem>> -> memref<640xi32, #tpu.memory_space<vmem>>
    %dma_start3A_13 = arith.constant 0 : i32
    %dma_start3A_14 = arith.constant 0 : i32
    %dma_start3A_15 = tpu.memref_slice %arg2[%dma_start3A_13, %dma_start3A_14] : memref<10240x64xf32, #tpu.memory_space<hbm>> -> memref<10240x64xf32, #tpu.memory_space<hbm>>
    tpu.enqueue_indirect_dma source(%dma_start3A_15 : memref<10240x64xf32, #tpu.memory_space<hbm>>) target(%dma_start3A_9 : memref<640x64xf32, #tpu.memory_space<vmem>>) offsets(%dma_start3A_12 : memref<640xi32, #tpu.memory_space<vmem>>) semaphore(%arg7 : memref<!tpu.dma_semaphore, #tpu.memory_space<semaphore_mem>>)
    %add3A_16 = arith.constant 640 : i32
    %add3A_17 = arith.addi %mul3A_2, %add3A_16 : i32
    %run_scoped3A_18 = arith.constant 1 : i32
    "tpu.region"() ({
      %run_scoped3A_64 = tpu.sem_alloc : memref<!tpu.dma_semaphore, #tpu.memory_space<semaphore_mem>>
      %dma_start3A_65 = arith.constant 0 : i32
      %dma_start3A_66 = tpu.memref_slice %arg5[%run_scoped3A_18, %dma_start3A_65] : memref<2x640xi32, #tpu.memory_space<vmem>> -> memref<1x640xi32, #tpu.memory_space<vmem>>
      %dma_start3A_67 = tpu.memref_squeeze %dma_start3A_66 : memref<1x640xi32, #tpu.memory_space<vmem>> -> memref<640xi32, #tpu.memory_space<vmem>>
      %dma_start3A_68 = tpu.memref_slice %arg3[%add3A_17] : memref<204800xi32, #tpu.memory_space<hbm>> -> memref<640xi32, #tpu.memory_space<hbm>>
      %dma_start3A_69 = arith.constant 0 : i32
      %dma_start3A_70 = tpu.memref_slice %arg5[%run_scoped3A_18, %dma_start3A_69] : memref<2x640xi32, #tpu.memory_space<vmem>> -> memref<1x640xi32, #tpu.memory_space<vmem>>
      %dma_start3A_71 = tpu.memref_squeeze %dma_start3A_70 : memref<1x640xi32, #tpu.memory_space<vmem>> -> memref<640xi32, #tpu.memory_space<vmem>>
      %dma_start3A_72 = tpu.memref_slice %arg3[%add3A_17] : memref<204800xi32, #tpu.memory_space<hbm>> -> memref<640xi32, #tpu.memory_space<hbm>>
      tpu.enqueue_dma source(%dma_start3A_72 : memref<640xi32, #tpu.memory_space<hbm>>) target(%dma_start3A_71 : memref<640xi32, #tpu.memory_space<vmem>>) target_semaphore(%run_scoped3A_64 : memref<!tpu.dma_semaphore, #tpu.memory_space<semaphore_mem>>)
      %dma_wait3A_73 = arith.constant 0 : i32
      %dma_wait3A_74 = tpu.memref_slice %arg5[%run_scoped3A_18, %dma_wait3A_73] : memref<2x640xi32, #tpu.memory_space<vmem>> -> memref<1x640xi32, #tpu.memory_space<vmem>>
      %dma_wait3A_75 = tpu.memref_squeeze %dma_wait3A_74 : memref<1x640xi32, #tpu.memory_space<vmem>> -> memref<640xi32, #tpu.memory_space<vmem>>
      %dma_wait3A_76 = tpu.memref_slice %arg3[%add3A_17] : memref<204800xi32, #tpu.memory_space<hbm>> -> memref<640xi32, #tpu.memory_space<hbm>>
      %dma_wait3A_77 = arith.constant 0 : i32
      %dma_wait3A_78 = tpu.memref_slice %arg5[%run_scoped3A_18, %dma_wait3A_77] : memref<2x640xi32, #tpu.memory_space<vmem>> -> memref<1x640xi32, #tpu.memory_space<vmem>>
      %dma_wait3A_79 = tpu.memref_squeeze %dma_wait3A_78 : memref<1x640xi32, #tpu.memory_space<vmem>> -> memref<640xi32, #tpu.memory_space<vmem>>
      %dma_wait3A_80 = tpu.memref_slice %arg3[%add3A_17] : memref<204800xi32, #tpu.memory_space<hbm>> -> memref<640xi32, #tpu.memory_space<hbm>>
      tpu.wait_dma2 semaphore(%run_scoped3A_64 : memref<!tpu.dma_semaphore, #tpu.memory_space<semaphore_mem>>) src(%dma_wait3A_80 : memref<640xi32, #tpu.memory_space<hbm>>) dst(%dma_wait3A_79 : memref<640xi32, #tpu.memory_space<vmem>>)
      tpu.yield
    }) : () -> ()
    %dma_start3A_19 = arith.constant 1 : i32
    %dma_start3A_20 = arith.constant 1 : i32
    %dma_start3A_21 = arith.constant 0 : i32
    %dma_start3A_22 = arith.constant 0 : i32
    %dma_start3A_23 = tpu.memref_slice %arg6[%dma_start3A_20, %dma_start3A_21, %dma_start3A_22] : memref<2x640x64xf32, #tpu.memory_space<vmem>> -> memref<1x640x64xf32, #tpu.memory_space<vmem>>
    %dma_start3A_24 = tpu.memref_squeeze %dma_start3A_23 : memref<1x640x64xf32, #tpu.memory_space<vmem>> -> memref<640x64xf32, #tpu.memory_space<vmem>>
    %dma_start3A_25 = arith.constant 0 : i32
    %dma_start3A_26 = tpu.memref_slice %arg5[%dma_start3A_19, %dma_start3A_25] : memref<2x640xi32, #tpu.memory_space<vmem>> -> memref<1x640xi32, #tpu.memory_space<vmem>>
    %dma_start3A_27 = tpu.memref_squeeze %dma_start3A_26 : memref<1x640xi32, #tpu.memory_space<vmem>> -> memref<640xi32, #tpu.memory_space<vmem>>
    %dma_start3A_28 = arith.constant 0 : i32
    %dma_start3A_29 = arith.constant 0 : i32
    %dma_start3A_30 = tpu.memref_slice %arg2[%dma_start3A_28, %dma_start3A_29] : memref<10240x64xf32, #tpu.memory_space<hbm>> -> memref<10240x64xf32, #tpu.memory_space<hbm>>
    tpu.enqueue_indirect_dma source(%dma_start3A_30 : memref<10240x64xf32, #tpu.memory_space<hbm>>) target(%dma_start3A_24 : memref<640x64xf32, #tpu.memory_space<vmem>>) offsets(%dma_start3A_27 : memref<640xi32, #tpu.memory_space<vmem>>) semaphore(%arg8 : memref<!tpu.dma_semaphore, #tpu.memory_space<semaphore_mem>>)
    %scan3A = arith.constant 0 : i32
    %scan3A_31 = arith.constant 5 : i32
    %scan3A_32 = arith.addi %scan3A, %scan3A_31 : i32
    %scan3A_33 = arith.constant 1 : i32
    scf.for %scan3A_64 = %scan3A to %scan3A_32 step %scan3A_33  : i32 {
      %mul3A_65 = arith.constant 2 : i32
      %mul3A_66 = arith.muli %scan3A_64, %mul3A_65 : i32
      %add3A_67 = arith.constant 0 : i32
      %add3A_68 = arith.addi %add3A_67, %mul3A_66 : i32
      %dma_wait3A_69 = arith.constant 0 : i32
      %dma_wait3A_70 = arith.constant 0 : i32
      %dma_wait3A_71 = arith.constant 0 : i32
      %dma_wait3A_72 = arith.constant 0 : i32
      %dma_wait3A_73 = tpu.memref_slice %arg6[%dma_wait3A_70, %dma_wait3A_71, %dma_wait3A_72] : memref<2x640x64xf32, #tpu.memory_space<vmem>> -> memref<1x640x64xf32, #tpu.memory_space<vmem>>
      %dma_wait3A_74 = tpu.memref_squeeze %dma_wait3A_73 : memref<1x640x64xf32, #tpu.memory_space<vmem>> -> memref<640x64xf32, #tpu.memory_space<vmem>>
      %dma_wait3A_75 = arith.constant 0 : i32
      %dma_wait3A_76 = tpu.memref_slice %arg5[%dma_wait3A_69, %dma_wait3A_75] : memref<2x640xi32, #tpu.memory_space<vmem>> -> memref<1x640xi32, #tpu.memory_space<vmem>>
      %dma_wait3A_77 = tpu.memref_squeeze %dma_wait3A_76 : memref<1x640xi32, #tpu.memory_space<vmem>> -> memref<640xi32, #tpu.memory_space<vmem>>
      %dma_wait3A_78 = arith.constant 0 : i32
      %dma_wait3A_79 = arith.constant 0 : i32
      %dma_wait3A_80 = tpu.memref_slice %arg2[%dma_wait3A_78, %dma_wait3A_79] : memref<10240x64xf32, #tpu.memory_space<hbm>> -> memref<10240x64xf32, #tpu.memory_space<hbm>>
      tpu.wait_indirect_dma semaphore(%arg7 : memref<!tpu.dma_semaphore, #tpu.memory_space<semaphore_mem>>) src(%dma_wait3A_80 : memref<10240x64xf32, #tpu.memory_space<hbm>>) dst(%dma_wait3A_74 : memref<640x64xf32, #tpu.memory_space<vmem>>)
      %mul3A_81 = arith.constant 640 : i32
      %mul3A_82 = arith.muli %add3A_68, %mul3A_81 : i32
      %add3A_83 = arith.addi %mul3A_2, %mul3A_82 : i32
      %dma_start3A_84 = arith.constant 0 : i32
      %dma_start3A_85 = arith.constant 0 : i32
      %dma_start3A_86 = arith.constant 0 : i32
      %dma_start3A_87 = tpu.memref_slice %arg6[%dma_start3A_84, %dma_start3A_85, %dma_start3A_86] : memref<2x640x64xf32, #tpu.memory_space<vmem>> -> memref<1x640x64xf32, #tpu.memory_space<vmem>>
      %dma_start3A_88 = tpu.memref_squeeze %dma_start3A_87 : memref<1x640x64xf32, #tpu.memory_space<vmem>> -> memref<640x64xf32, #tpu.memory_space<vmem>>
      %dma_start3A_89 = arith.constant 0 : i32
      %dma_start3A_90 = tpu.memref_slice %arg4[%add3A_83, %dma_start3A_89] : memref<204800x64xf32, #tpu.memory_space<hbm>> -> memref<640x64xf32, #tpu.memory_space<hbm>>
      %dma_start3A_91 = arith.constant 0 : i32
      %dma_start3A_92 = tpu.memref_slice %arg4[%add3A_83, %dma_start3A_91] : memref<204800x64xf32, #tpu.memory_space<hbm>> -> memref<640x64xf32, #tpu.memory_space<hbm>>
      %dma_start3A_93 = arith.constant 0 : i32
      %dma_start3A_94 = arith.constant 0 : i32
      %dma_start3A_95 = tpu.memref_slice %arg6[%dma_start3A_84, %dma_start3A_93, %dma_start3A_94] : memref<2x640x64xf32, #tpu.memory_space<vmem>> -> memref<1x640x64xf32, #tpu.memory_space<vmem>>
      %dma_start3A_96 = tpu.memref_squeeze %dma_start3A_95 : memref<1x640x64xf32, #tpu.memory_space<vmem>> -> memref<640x64xf32, #tpu.memory_space<vmem>>
      tpu.enqueue_dma source(%dma_start3A_96 : memref<640x64xf32, #tpu.memory_space<vmem>>) target(%dma_start3A_92 : memref<640x64xf32, #tpu.memory_space<hbm>>) target_semaphore(%arg9 : memref<!tpu.dma_semaphore, #tpu.memory_space<semaphore_mem>>)
      %dma_wait3A_97 = arith.constant 1 : i32
      %dma_wait3A_98 = arith.constant 1 : i32
      %dma_wait3A_99 = arith.constant 0 : i32
      %dma_wait3A_100 = arith.constant 0 : i32
      %dma_wait3A_101 = tpu.memref_slice %arg6[%dma_wait3A_98, %dma_wait3A_99, %dma_wait3A_100] : memref<2x640x64xf32, #tpu.memory_space<vmem>> -> memref<1x640x64xf32, #tpu.memory_space<vmem>>
      %dma_wait3A_102 = tpu.memref_squeeze %dma_wait3A_101 : memref<1x640x64xf32, #tpu.memory_space<vmem>> -> memref<640x64xf32, #tpu.memory_space<vmem>>
      %dma_wait3A_103 = arith.constant 0 : i32
      %dma_wait3A_104 = tpu.memref_slice %arg5[%dma_wait3A_97, %dma_wait3A_103] : memref<2x640xi32, #tpu.memory_space<vmem>> -> memref<1x640xi32, #tpu.memory_space<vmem>>
      %dma_wait3A_105 = tpu.memref_squeeze %dma_wait3A_104 : memref<1x640xi32, #tpu.memory_space<vmem>> -> memref<640xi32, #tpu.memory_space<vmem>>
      %dma_wait3A_106 = arith.constant 0 : i32
      %dma_wait3A_107 = arith.constant 0 : i32
      %dma_wait3A_108 = tpu.memref_slice %arg2[%dma_wait3A_106, %dma_wait3A_107] : memref<10240x64xf32, #tpu.memory_space<hbm>> -> memref<10240x64xf32, #tpu.memory_space<hbm>>
      tpu.wait_indirect_dma semaphore(%arg8 : memref<!tpu.dma_semaphore, #tpu.memory_space<semaphore_mem>>) src(%dma_wait3A_108 : memref<10240x64xf32, #tpu.memory_space<hbm>>) dst(%dma_wait3A_102 : memref<640x64xf32, #tpu.memory_space<vmem>>)
      %add3A_109 = arith.constant 1 : i32
      %add3A_110 = arith.addi %add3A_68, %add3A_109 : i32
      %mul3A_111 = arith.constant 640 : i32
      %mul3A_112 = arith.muli %add3A_110, %mul3A_111 : i32
      %add3A_113 = arith.addi %mul3A_2, %mul3A_112 : i32
      %dma_start3A_114 = arith.constant 1 : i32
      %dma_start3A_115 = arith.constant 0 : i32
      %dma_start3A_116 = arith.constant 0 : i32
      %dma_start3A_117 = tpu.memref_slice %arg6[%dma_start3A_114, %dma_start3A_115, %dma_start3A_116] : memref<2x640x64xf32, #tpu.memory_space<vmem>> -> memref<1x640x64xf32, #tpu.memory_space<vmem>>
      %dma_start3A_118 = tpu.memref_squeeze %dma_start3A_117 : memref<1x640x64xf32, #tpu.memory_space<vmem>> -> memref<640x64xf32, #tpu.memory_space<vmem>>
      %dma_start3A_119 = arith.constant 0 : i32
      %dma_start3A_120 = tpu.memref_slice %arg4[%add3A_113, %dma_start3A_119] : memref<204800x64xf32, #tpu.memory_space<hbm>> -> memref<640x64xf32, #tpu.memory_space<hbm>>
      %dma_start3A_121 = arith.constant 0 : i32
      %dma_start3A_122 = tpu.memref_slice %arg4[%add3A_113, %dma_start3A_121] : memref<204800x64xf32, #tpu.memory_space<hbm>> -> memref<640x64xf32, #tpu.memory_space<hbm>>
      %dma_start3A_123 = arith.constant 0 : i32
      %dma_start3A_124 = arith.constant 0 : i32
      %dma_start3A_125 = tpu.memref_slice %arg6[%dma_start3A_114, %dma_start3A_123, %dma_start3A_124] : memref<2x640x64xf32, #tpu.memory_space<vmem>> -> memref<1x640x64xf32, #tpu.memory_space<vmem>>
      %dma_start3A_126 = tpu.memref_squeeze %dma_start3A_125 : memref<1x640x64xf32, #tpu.memory_space<vmem>> -> memref<640x64xf32, #tpu.memory_space<vmem>>
      tpu.enqueue_dma source(%dma_start3A_126 : memref<640x64xf32, #tpu.memory_space<vmem>>) target(%dma_start3A_122 : memref<640x64xf32, #tpu.memory_space<hbm>>) target_semaphore(%arg10 : memref<!tpu.dma_semaphore, #tpu.memory_space<semaphore_mem>>)
      %add3A_127 = arith.constant 2 : i32
      %add3A_128 = arith.addi %add3A_68, %add3A_127 : i32
      %lt3A = arith.constant 10 : i32
      %lt3A_129 = arith.cmpi slt, %add3A_128, %lt3A : i32
      %convert_element_type3A = arith.extui %lt3A_129 : i1 to i32
      %cond3A = arith.constant 0 : i32
      %cond3A_130 = arith.cmpi ne, %convert_element_type3A, %cond3A : i32
      scf.if %cond3A_130 {
        %add3A_138 = arith.constant 2 : i32
        %add3A_139 = arith.addi %add3A_68, %add3A_138 : i32
        %mul3A_140 = arith.constant 640 : i32
        %mul3A_141 = arith.muli %add3A_139, %mul3A_140 : i32
        %add3A_142 = arith.addi %mul3A_2, %mul3A_141 : i32
        %run_scoped3A_143 = arith.constant 0 : i32
        "tpu.region"() ({
          %run_scoped3A_171 = tpu.sem_alloc : memref<!tpu.dma_semaphore, #tpu.memory_space<semaphore_mem>>
          %dma_start3A_172 = arith.constant 0 : i32
          %dma_start3A_173 = tpu.memref_slice %arg5[%run_scoped3A_143, %dma_start3A_172] : memref<2x640xi32, #tpu.memory_space<vmem>> -> memref<1x640xi32, #tpu.memory_space<vmem>>
          %dma_start3A_174 = tpu.memref_squeeze %dma_start3A_173 : memref<1x640xi32, #tpu.memory_space<vmem>> -> memref<640xi32, #tpu.memory_space<vmem>>
          %dma_start3A_175 = tpu.memref_slice %arg3[%add3A_142] : memref<204800xi32, #tpu.memory_space<hbm>> -> memref<640xi32, #tpu.memory_space<hbm>>
          %dma_start3A_176 = arith.constant 0 : i32
          %dma_start3A_177 = tpu.memref_slice %arg5[%run_scoped3A_143, %dma_start3A_176] : memref<2x640xi32, #tpu.memory_space<vmem>> -> memref<1x640xi32, #tpu.memory_space<vmem>>
          %dma_start3A_178 = tpu.memref_squeeze %dma_start3A_177 : memref<1x640xi32, #tpu.memory_space<vmem>> -> memref<640xi32, #tpu.memory_space<vmem>>
          %dma_start3A_179 = tpu.memref_slice %arg3[%add3A_142] : memref<204800xi32, #tpu.memory_space<hbm>> -> memref<640xi32, #tpu.memory_space<hbm>>
          tpu.enqueue_dma source(%dma_start3A_179 : memref<640xi32, #tpu.memory_space<hbm>>) target(%dma_start3A_178 : memref<640xi32, #tpu.memory_space<vmem>>) target_semaphore(%run_scoped3A_171 : memref<!tpu.dma_semaphore, #tpu.memory_space<semaphore_mem>>)
          %dma_wait3A_180 = arith.constant 0 : i32
          %dma_wait3A_181 = tpu.memref_slice %arg5[%run_scoped3A_143, %dma_wait3A_180] : memref<2x640xi32, #tpu.memory_space<vmem>> -> memref<1x640xi32, #tpu.memory_space<vmem>>
          %dma_wait3A_182 = tpu.memref_squeeze %dma_wait3A_181 : memref<1x640xi32, #tpu.memory_space<vmem>> -> memref<640xi32, #tpu.memory_space<vmem>>
          %dma_wait3A_183 = tpu.memref_slice %arg3[%add3A_142] : memref<204800xi32, #tpu.memory_space<hbm>> -> memref<640xi32, #tpu.memory_space<hbm>>
          %dma_wait3A_184 = arith.constant 0 : i32
          %dma_wait3A_185 = tpu.memref_slice %arg5[%run_scoped3A_143, %dma_wait3A_184] : memref<2x640xi32, #tpu.memory_space<vmem>> -> memref<1x640xi32, #tpu.memory_space<vmem>>
          %dma_wait3A_186 = tpu.memref_squeeze %dma_wait3A_185 : memref<1x640xi32, #tpu.memory_space<vmem>> -> memref<640xi32, #tpu.memory_space<vmem>>
          %dma_wait3A_187 = tpu.memref_slice %arg3[%add3A_142] : memref<204800xi32, #tpu.memory_space<hbm>> -> memref<640xi32, #tpu.memory_space<hbm>>
          tpu.wait_dma2 semaphore(%run_scoped3A_171 : memref<!tpu.dma_semaphore, #tpu.memory_space<semaphore_mem>>) src(%dma_wait3A_187 : memref<640xi32, #tpu.memory_space<hbm>>) dst(%dma_wait3A_186 : memref<640xi32, #tpu.memory_space<vmem>>)
          tpu.yield
        }) : () -> ()
        %dma_wait3A_144 = arith.constant 0 : i32
        %dma_wait3A_145 = arith.constant 0 : i32
        %dma_wait3A_146 = arith.constant 0 : i32
        %dma_wait3A_147 = tpu.memref_slice %arg6[%dma_wait3A_144, %dma_wait3A_145, %dma_wait3A_146] : memref<2x640x64xf32, #tpu.memory_space<vmem>> -> memref<1x640x64xf32, #tpu.memory_space<vmem>>
        %dma_wait3A_148 = tpu.memref_squeeze %dma_wait3A_147 : memref<1x640x64xf32, #tpu.memory_space<vmem>> -> memref<640x64xf32, #tpu.memory_space<vmem>>
        %dma_wait3A_149 = arith.constant 0 : i32
        %dma_wait3A_150 = arith.constant 0 : i32
        %dma_wait3A_151 = tpu.memref_slice %arg4[%dma_wait3A_149, %dma_wait3A_150] : memref<204800x64xf32, #tpu.memory_space<hbm>> -> memref<640x64xf32, #tpu.memory_space<hbm>>
        %dma_wait3A_152 = arith.constant 0 : i32
        %dma_wait3A_153 = arith.constant 0 : i32
        %dma_wait3A_154 = tpu.memref_slice %arg4[%dma_wait3A_152, %dma_wait3A_153] : memref<204800x64xf32, #tpu.memory_space<hbm>> -> memref<640x64xf32, #tpu.memory_space<hbm>>
        %dma_wait3A_155 = arith.constant 0 : i32
        %dma_wait3A_156 = arith.constant 0 : i32
        %dma_wait3A_157 = tpu.memref_slice %arg6[%dma_wait3A_144, %dma_wait3A_155, %dma_wait3A_156] : memref<2x640x64xf32, #tpu.memory_space<vmem>> -> memref<1x640x64xf32, #tpu.memory_space<vmem>>
        %dma_wait3A_158 = tpu.memref_squeeze %dma_wait3A_157 : memref<1x640x64xf32, #tpu.memory_space<vmem>> -> memref<640x64xf32, #tpu.memory_space<vmem>>
        tpu.wait_dma2 semaphore(%arg9 : memref<!tpu.dma_semaphore, #tpu.memory_space<semaphore_mem>>) src(%dma_wait3A_158 : memref<640x64xf32, #tpu.memory_space<vmem>>) dst(%dma_wait3A_154 : memref<640x64xf32, #tpu.memory_space<hbm>>)
        %dma_start3A_159 = arith.constant 0 : i32
        %dma_start3A_160 = arith.constant 0 : i32
        %dma_start3A_161 = arith.constant 0 : i32
        %dma_start3A_162 = arith.constant 0 : i32
        %dma_start3A_163 = tpu.memref_slice %arg6[%dma_start3A_160, %dma_start3A_161, %dma_start3A_162] : memref<2x640x64xf32, #tpu.memory_space<vmem>> -> memref<1x640x64xf32, #tpu.memory_space<vmem>>
        %dma_start3A_164 = tpu.memref_squeeze %dma_start3A_163 : memref<1x640x64xf32, #tpu.memory_space<vmem>> -> memref<640x64xf32, #tpu.memory_space<vmem>>
        %dma_start3A_165 = arith.constant 0 : i32
        %dma_start3A_166 = tpu.memref_slice %arg5[%dma_start3A_159, %dma_start3A_165] : memref<2x640xi32, #tpu.memory_space<vmem>> -> memref<1x640xi32, #tpu.memory_space<vmem>>
        %dma_start3A_167 = tpu.memref_squeeze %dma_start3A_166 : memref<1x640xi32, #tpu.memory_space<vmem>> -> memref<640xi32, #tpu.memory_space<vmem>>
        %dma_start3A_168 = arith.constant 0 : i32
        %dma_start3A_169 = arith.constant 0 : i32
        %dma_start3A_170 = tpu.memref_slice %arg2[%dma_start3A_168, %dma_start3A_169] : memref<10240x64xf32, #tpu.memory_space<hbm>> -> memref<10240x64xf32, #tpu.memory_space<hbm>>
        tpu.enqueue_indirect_dma source(%dma_start3A_170 : memref<10240x64xf32, #tpu.memory_space<hbm>>) target(%dma_start3A_164 : memref<640x64xf32, #tpu.memory_space<vmem>>) offsets(%dma_start3A_167 : memref<640xi32, #tpu.memory_space<vmem>>) semaphore(%arg7 : memref<!tpu.dma_semaphore, #tpu.memory_space<semaphore_mem>>)
      } else {
      }
      %add3A_131 = arith.constant 3 : i32
      %add3A_132 = arith.addi %add3A_68, %add3A_131 : i32
      %lt3A_133 = arith.constant 10 : i32
      %lt3A_134 = arith.cmpi slt, %add3A_132, %lt3A_133 : i32
      %convert_element_type3A_135 = arith.extui %lt3A_134 : i1 to i32
      %cond3A_136 = arith.constant 0 : i32
      %cond3A_137 = arith.cmpi ne, %convert_element_type3A_135, %cond3A_136 : i32
      scf.if %cond3A_137 {
        %add3A_138 = arith.constant 3 : i32
        %add3A_139 = arith.addi %add3A_68, %add3A_138 : i32
        %mul3A_140 = arith.constant 640 : i32
        %mul3A_141 = arith.muli %add3A_139, %mul3A_140 : i32
        %add3A_142 = arith.addi %mul3A_2, %mul3A_141 : i32
        %run_scoped3A_143 = arith.constant 1 : i32
        "tpu.region"() ({
          %run_scoped3A_171 = tpu.sem_alloc : memref<!tpu.dma_semaphore, #tpu.memory_space<semaphore_mem>>
          %dma_start3A_172 = arith.constant 0 : i32
          %dma_start3A_173 = tpu.memref_slice %arg5[%run_scoped3A_143, %dma_start3A_172] : memref<2x640xi32, #tpu.memory_space<vmem>> -> memref<1x640xi32, #tpu.memory_space<vmem>>
          %dma_start3A_174 = tpu.memref_squeeze %dma_start3A_173 : memref<1x640xi32, #tpu.memory_space<vmem>> -> memref<640xi32, #tpu.memory_space<vmem>>
          %dma_start3A_175 = tpu.memref_slice %arg3[%add3A_142] : memref<204800xi32, #tpu.memory_space<hbm>> -> memref<640xi32, #tpu.memory_space<hbm>>
          %dma_start3A_176 = arith.constant 0 : i32
          %dma_start3A_177 = tpu.memref_slice %arg5[%run_scoped3A_143, %dma_start3A_176] : memref<2x640xi32, #tpu.memory_space<vmem>> -> memref<1x640xi32, #tpu.memory_space<vmem>>
          %dma_start3A_178 = tpu.memref_squeeze %dma_start3A_177 : memref<1x640xi32, #tpu.memory_space<vmem>> -> memref<640xi32, #tpu.memory_space<vmem>>
          %dma_start3A_179 = tpu.memref_slice %arg3[%add3A_142] : memref<204800xi32, #tpu.memory_space<hbm>> -> memref<640xi32, #tpu.memory_space<hbm>>
          tpu.enqueue_dma source(%dma_start3A_179 : memref<640xi32, #tpu.memory_space<hbm>>) target(%dma_start3A_178 : memref<640xi32, #tpu.memory_space<vmem>>) target_semaphore(%run_scoped3A_171 : memref<!tpu.dma_semaphore, #tpu.memory_space<semaphore_mem>>)
          %dma_wait3A_180 = arith.constant 0 : i32
          %dma_wait3A_181 = tpu.memref_slice %arg5[%run_scoped3A_143, %dma_wait3A_180] : memref<2x640xi32, #tpu.memory_space<vmem>> -> memref<1x640xi32, #tpu.memory_space<vmem>>
          %dma_wait3A_182 = tpu.memref_squeeze %dma_wait3A_181 : memref<1x640xi32, #tpu.memory_space<vmem>> -> memref<640xi32, #tpu.memory_space<vmem>>
          %dma_wait3A_183 = tpu.memref_slice %arg3[%add3A_142] : memref<204800xi32, #tpu.memory_space<hbm>> -> memref<640xi32, #tpu.memory_space<hbm>>
          %dma_wait3A_184 = arith.constant 0 : i32
          %dma_wait3A_185 = tpu.memref_slice %arg5[%run_scoped3A_143, %dma_wait3A_184] : memref<2x640xi32, #tpu.memory_space<vmem>> -> memref<1x640xi32, #tpu.memory_space<vmem>>
          %dma_wait3A_186 = tpu.memref_squeeze %dma_wait3A_185 : memref<1x640xi32, #tpu.memory_space<vmem>> -> memref<640xi32, #tpu.memory_space<vmem>>
          %dma_wait3A_187 = tpu.memref_slice %arg3[%add3A_142] : memref<204800xi32, #tpu.memory_space<hbm>> -> memref<640xi32, #tpu.memory_space<hbm>>
          tpu.wait_dma2 semaphore(%run_scoped3A_171 : memref<!tpu.dma_semaphore, #tpu.memory_space<semaphore_mem>>) src(%dma_wait3A_187 : memref<640xi32, #tpu.memory_space<hbm>>) dst(%dma_wait3A_186 : memref<640xi32, #tpu.memory_space<vmem>>)
          tpu.yield
        }) : () -> ()
        %dma_wait3A_144 = arith.constant 1 : i32
        %dma_wait3A_145 = arith.constant 0 : i32
        %dma_wait3A_146 = arith.constant 0 : i32
        %dma_wait3A_147 = tpu.memref_slice %arg6[%dma_wait3A_144, %dma_wait3A_145, %dma_wait3A_146] : memref<2x640x64xf32, #tpu.memory_space<vmem>> -> memref<1x640x64xf32, #tpu.memory_space<vmem>>
        %dma_wait3A_148 = tpu.memref_squeeze %dma_wait3A_147 : memref<1x640x64xf32, #tpu.memory_space<vmem>> -> memref<640x64xf32, #tpu.memory_space<vmem>>
        %dma_wait3A_149 = arith.constant 0 : i32
        %dma_wait3A_150 = arith.constant 0 : i32
        %dma_wait3A_151 = tpu.memref_slice %arg4[%dma_wait3A_149, %dma_wait3A_150] : memref<204800x64xf32, #tpu.memory_space<hbm>> -> memref<640x64xf32, #tpu.memory_space<hbm>>
        %dma_wait3A_152 = arith.constant 0 : i32
        %dma_wait3A_153 = arith.constant 0 : i32
        %dma_wait3A_154 = tpu.memref_slice %arg4[%dma_wait3A_152, %dma_wait3A_153] : memref<204800x64xf32, #tpu.memory_space<hbm>> -> memref<640x64xf32, #tpu.memory_space<hbm>>
        %dma_wait3A_155 = arith.constant 0 : i32
        %dma_wait3A_156 = arith.constant 0 : i32
        %dma_wait3A_157 = tpu.memref_slice %arg6[%dma_wait3A_144, %dma_wait3A_155, %dma_wait3A_156] : memref<2x640x64xf32, #tpu.memory_space<vmem>> -> memref<1x640x64xf32, #tpu.memory_space<vmem>>
        %dma_wait3A_158 = tpu.memref_squeeze %dma_wait3A_157 : memref<1x640x64xf32, #tpu.memory_space<vmem>> -> memref<640x64xf32, #tpu.memory_space<vmem>>
        tpu.wait_dma2 semaphore(%arg10 : memref<!tpu.dma_semaphore, #tpu.memory_space<semaphore_mem>>) src(%dma_wait3A_158 : memref<640x64xf32, #tpu.memory_space<vmem>>) dst(%dma_wait3A_154 : memref<640x64xf32, #tpu.memory_space<hbm>>)
        %dma_start3A_159 = arith.constant 1 : i32
        %dma_start3A_160 = arith.constant 1 : i32
        %dma_start3A_161 = arith.constant 0 : i32
        %dma_start3A_162 = arith.constant 0 : i32
        %dma_start3A_163 = tpu.memref_slice %arg6[%dma_start3A_160, %dma_start3A_161, %dma_start3A_162] : memref<2x640x64xf32, #tpu.memory_space<vmem>> -> memref<1x640x64xf32, #tpu.memory_space<vmem>>
        %dma_start3A_164 = tpu.memref_squeeze %dma_start3A_163 : memref<1x640x64xf32, #tpu.memory_space<vmem>> -> memref<640x64xf32, #tpu.memory_space<vmem>>
        %dma_start3A_165 = arith.constant 0 : i32
        %dma_start3A_166 = tpu.memref_slice %arg5[%dma_start3A_159, %dma_start3A_165] : memref<2x640xi32, #tpu.memory_space<vmem>> -> memref<1x640xi32, #tpu.memory_space<vmem>>
        %dma_start3A_167 = tpu.memref_squeeze %dma_start3A_166 : memref<1x640xi32, #tpu.memory_space<vmem>> -> memref<640xi32, #tpu.memory_space<vmem>>
        %dma_start3A_168 = arith.constant 0 : i32
        %dma_start3A_169 = arith.constant 0 : i32
        %dma_start3A_170 = tpu.memref_slice %arg2[%dma_start3A_168, %dma_start3A_169] : memref<10240x64xf32, #tpu.memory_space<hbm>> -> memref<10240x64xf32, #tpu.memory_space<hbm>>
        tpu.enqueue_indirect_dma source(%dma_start3A_170 : memref<10240x64xf32, #tpu.memory_space<hbm>>) target(%dma_start3A_164 : memref<640x64xf32, #tpu.memory_space<vmem>>) offsets(%dma_start3A_167 : memref<640xi32, #tpu.memory_space<vmem>>) semaphore(%arg8 : memref<!tpu.dma_semaphore, #tpu.memory_space<semaphore_mem>>)
      } else {
      }
    }
    %scan3A_34 = arith.constant 5 : i32
    %dma_wait3A = arith.constant 0 : i32
    %dma_wait3A_35 = arith.constant 0 : i32
    %dma_wait3A_36 = arith.constant 0 : i32
    %dma_wait3A_37 = tpu.memref_slice %arg6[%dma_wait3A, %dma_wait3A_35, %dma_wait3A_36] : memref<2x640x64xf32, #tpu.memory_space<vmem>> -> memref<1x640x64xf32, #tpu.memory_space<vmem>>
    %dma_wait3A_38 = tpu.memref_squeeze %dma_wait3A_37 : memref<1x640x64xf32, #tpu.memory_space<vmem>> -> memref<640x64xf32, #tpu.memory_space<vmem>>
    %dma_wait3A_39 = arith.constant 0 : i32
    %dma_wait3A_40 = arith.constant 0 : i32
    %dma_wait3A_41 = tpu.memref_slice %arg4[%dma_wait3A_39, %dma_wait3A_40] : memref<204800x64xf32, #tpu.memory_space<hbm>> -> memref<640x64xf32, #tpu.memory_space<hbm>>
    %dma_wait3A_42 = arith.constant 0 : i32
    %dma_wait3A_43 = arith.constant 0 : i32
    %dma_wait3A_44 = tpu.memref_slice %arg4[%dma_wait3A_42, %dma_wait3A_43] : memref<204800x64xf32, #tpu.memory_space<hbm>> -> memref<640x64xf32, #tpu.memory_space<hbm>>
    %dma_wait3A_45 = arith.constant 0 : i32
    %dma_wait3A_46 = arith.constant 0 : i32
    %dma_wait3A_47 = tpu.memref_slice %arg6[%dma_wait3A, %dma_wait3A_45, %dma_wait3A_46] : memref<2x640x64xf32, #tpu.memory_space<vmem>> -> memref<1x640x64xf32, #tpu.memory_space<vmem>>
    %dma_wait3A_48 = tpu.memref_squeeze %dma_wait3A_47 : memref<1x640x64xf32, #tpu.memory_space<vmem>> -> memref<640x64xf32, #tpu.memory_space<vmem>>
    tpu.wait_dma2 semaphore(%arg9 : memref<!tpu.dma_semaphore, #tpu.memory_space<semaphore_mem>>) src(%dma_wait3A_48 : memref<640x64xf32, #tpu.memory_space<vmem>>) dst(%dma_wait3A_44 : memref<640x64xf32, #tpu.memory_space<hbm>>)
    %dma_wait3A_49 = arith.constant 1 : i32
    %dma_wait3A_50 = arith.constant 0 : i32
    %dma_wait3A_51 = arith.constant 0 : i32
    %dma_wait3A_52 = tpu.memref_slice %arg6[%dma_wait3A_49, %dma_wait3A_50, %dma_wait3A_51] : memref<2x640x64xf32, #tpu.memory_space<vmem>> -> memref<1x640x64xf32, #tpu.memory_space<vmem>>
    %dma_wait3A_53 = tpu.memref_squeeze %dma_wait3A_52 : memref<1x640x64xf32, #tpu.memory_space<vmem>> -> memref<640x64xf32, #tpu.memory_space<vmem>>
    %dma_wait3A_54 = arith.constant 0 : i32
    %dma_wait3A_55 = arith.constant 0 : i32
    %dma_wait3A_56 = tpu.memref_slice %arg4[%dma_wait3A_54, %dma_wait3A_55] : memref<204800x64xf32, #tpu.memory_space<hbm>> -> memref<640x64xf32, #tpu.memory_space<hbm>>
    %dma_wait3A_57 = arith.constant 0 : i32
    %dma_wait3A_58 = arith.constant 0 : i32
    %dma_wait3A_59 = tpu.memref_slice %arg4[%dma_wait3A_57, %dma_wait3A_58] : memref<204800x64xf32, #tpu.memory_space<hbm>> -> memref<640x64xf32, #tpu.memory_space<hbm>>
    %dma_wait3A_60 = arith.constant 0 : i32
    %dma_wait3A_61 = arith.constant 0 : i32
    %dma_wait3A_62 = tpu.memref_slice %arg6[%dma_wait3A_49, %dma_wait3A_60, %dma_wait3A_61] : memref<2x640x64xf32, #tpu.memory_space<vmem>> -> memref<1x640x64xf32, #tpu.memory_space<vmem>>
    %dma_wait3A_63 = tpu.memref_squeeze %dma_wait3A_62 : memref<1x640x64xf32, #tpu.memory_space<vmem>> -> memref<640x64xf32, #tpu.memory_space<vmem>>
    tpu.wait_dma2 semaphore(%arg10 : memref<!tpu.dma_semaphore, #tpu.memory_space<semaphore_mem>>) src(%dma_wait3A_63 : memref<640x64xf32, #tpu.memory_space<vmem>>) dst(%dma_wait3A_59 : memref<640x64xf32, #tpu.memory_space<hbm>>)
    return
  }
}

#map = affine_map<(d0, d1) -> (0, 0)>
#map1 = affine_map<(d0, d1) -> (0)>
module attributes {stable_mosaic.version = 14 : i64} {
  func.func @k(%arg0: i32, %arg1: i32, %arg2: memref<10240x64xf32, #tpu.memory_space<hbm>>, %arg3: memref<204800xi32, #tpu.memory_space<hbm>>, %arg4: memref<204800x64xf32, #tpu.memory_space<hbm>>, %arg5: memref<2x640xi32, #tpu.memory_space<vmem>>, %arg6: memref<2x640x64xf32, #tpu.memory_space<vmem>>, %arg7: memref<!tpu.dma_semaphore, #tpu.memory_space<semaphore_mem>>, %arg8: memref<!tpu.dma_semaphore, #tpu.memory_space<semaphore_mem>>, %arg9: memref<!tpu.dma_semaphore, #tpu.memory_space<semaphore_mem>>, %arg10: memref<!tpu.dma_semaphore, #tpu.memory_space<semaphore_mem>>) attributes {dimension_semantics = [#tpu.dimension_semantics<core_parallel>, #tpu.dimension_semantics<subcore_parallel>], iteration_bounds = array<i64: 2, 16>, scalar_prefetch = 0 : i64, scratch_operands = 6 : i64, tpu.core_type = #tpu.core_type<sc_vector_subcore>, window_params = [{transform_indices = #map}, {transform_indices = #map1}, {transform_indices = #map}]} {
    %mul3A = arith.constant 2 : i32
    %mul3A_0 = arith.muli %arg1, %mul3A : i32
    %add3A = arith.addi %mul3A_0, %arg0 : i32
    %mul3A_1 = arith.constant 6400 : i32
    %mul3A_2 = arith.muli %add3A, %mul3A_1 : i32
    %add3A_3 = arith.constant 0 : i32
    %add3A_4 = arith.addi %mul3A_2, %add3A_3 : i32
    %run_scoped3A = arith.constant 0 : i32
    "tpu.region"() ({
      %run_scoped3A_64 = tpu.sem_alloc : memref<!tpu.dma_semaphore, #tpu.memory_space<semaphore_mem>>
      %dma_start3A_65 = arith.constant 0 : i32
      %dma_start3A_66 = tpu.memref_slice %arg5[%run_scoped3A, %dma_start3A_65] : memref<2x640xi32, #tpu.memory_space<vmem>> -> memref<1x640xi32, #tpu.memory_space<vmem>>
      %dma_start3A_67 = tpu.memref_squeeze %dma_start3A_66 : memref<1x640xi32, #tpu.memory_space<vmem>> -> memref<640xi32, #tpu.memory_space<vmem>>
      %dma_start3A_68 = tpu.memref_slice %arg3[%add3A_4] : memref<204800xi32, #tpu.memory_space<hbm>> -> memref<640xi32, #tpu.memory_space<hbm>>
      %dma_start3A_69 = arith.constant 0 : i32
      %dma_start3A_70 = tpu.memref_slice %arg5[%run_scoped3A, %dma_start3A_69] : memref<2x640xi32, #tpu.memory_space<vmem>> -> memref<1x640xi32, #tpu.memory_space<vmem>>
      %dma_start3A_71 = tpu.memref_squeeze %dma_start3A_70 : memref<1x640xi32, #tpu.memory_space<vmem>> -> memref<640xi32, #tpu.memory_space<vmem>>
      %dma_start3A_72 = tpu.memref_slice %arg3[%add3A_4] : memref<204800xi32, #tpu.memory_space<hbm>> -> memref<640xi32, #tpu.memory_space<hbm>>
      tpu.enqueue_dma source(%dma_start3A_72 : memref<640xi32, #tpu.memory_space<hbm>>) target(%dma_start3A_71 : memref<640xi32, #tpu.memory_space<vmem>>) target_semaphore(%run_scoped3A_64 : memref<!tpu.dma_semaphore, #tpu.memory_space<semaphore_mem>>)
      %dma_wait3A_73 = arith.constant 0 : i32
      %dma_wait3A_74 = tpu.memref_slice %arg5[%run_scoped3A, %dma_wait3A_73] : memref<2x640xi32, #tpu.memory_space<vmem>> -> memref<1x640xi32, #tpu.memory_space<vmem>>
      %dma_wait3A_75 = tpu.memref_squeeze %dma_wait3A_74 : memref<1x640xi32, #tpu.memory_space<vmem>> -> memref<640xi32, #tpu.memory_space<vmem>>
      %dma_wait3A_76 = tpu.memref_slice %arg3[%add3A_4] : memref<204800xi32, #tpu.memory_space<hbm>> -> memref<640xi32, #tpu.memory_space<hbm>>
      %dma_wait3A_77 = arith.constant 0 : i32
      %dma_wait3A_78 = tpu.memref_slice %arg5[%run_scoped3A, %dma_wait3A_77] : memref<2x640xi32, #tpu.memory_space<vmem>> -> memref<1x640xi32, #tpu.memory_space<vmem>>
      %dma_wait3A_79 = tpu.memref_squeeze %dma_wait3A_78 : memref<1x640xi32, #tpu.memory_space<vmem>> -> memref<640xi32, #tpu.memory_space<vmem>>
      %dma_wait3A_80 = tpu.memref_slice %arg3[%add3A_4] : memref<204800xi32, #tpu.memory_space<hbm>> -> memref<640xi32, #tpu.memory_space<hbm>>
      tpu.wait_dma2 semaphore(%run_scoped3A_64 : memref<!tpu.dma_semaphore, #tpu.memory_space<semaphore_mem>>) src(%dma_wait3A_80 : memref<640xi32, #tpu.memory_space<hbm>>) dst(%dma_wait3A_79 : memref<640xi32, #tpu.memory_space<vmem>>)
      tpu.yield
    }) : () -> ()
    %dma_start3A = arith.constant 0 : i32
    %dma_start3A_5 = arith.constant 0 : i32
    %dma_start3A_6 = arith.constant 0 : i32
    %dma_start3A_7 = arith.constant 0 : i32
    %dma_start3A_8 = tpu.memref_slice %arg6[%dma_start3A_5, %dma_start3A_6, %dma_start3A_7] : memref<2x640x64xf32, #tpu.memory_space<vmem>> -> memref<1x640x64xf32, #tpu.memory_space<vmem>>
    %dma_start3A_9 = tpu.memref_squeeze %dma_start3A_8 : memref<1x640x64xf32, #tpu.memory_space<vmem>> -> memref<640x64xf32, #tpu.memory_space<vmem>>
    %dma_start3A_10 = arith.constant 0 : i32
    %dma_start3A_11 = tpu.memref_slice %arg5[%dma_start3A, %dma_start3A_10] : memref<2x640xi32, #tpu.memory_space<vmem>> -> memref<1x640xi32, #tpu.memory_space<vmem>>
    %dma_start3A_12 = tpu.memref_squeeze %dma_start3A_11 : memref<1x640xi32, #tpu.memory_space<vmem>> -> memref<640xi32, #tpu.memory_space<vmem>>
    %dma_start3A_13 = arith.constant 0 : i32
    %dma_start3A_14 = arith.constant 0 : i32
    %dma_start3A_15 = tpu.memref_slice %arg2[%dma_start3A_13, %dma_start3A_14] : memref<10240x64xf32, #tpu.memory_space<hbm>> -> memref<10240x64xf32, #tpu.memory_space<hbm>>
    tpu.enqueue_indirect_dma source(%dma_start3A_15 : memref<10240x64xf32, #tpu.memory_space<hbm>>) target(%dma_start3A_9 : memref<640x64xf32, #tpu.memory_space<vmem>>) offsets(%dma_start3A_12 : memref<640xi32, #tpu.memory_space<vmem>>) semaphore(%arg7 : memref<!tpu.dma_semaphore, #tpu.memory_space<semaphore_mem>>)
    %add3A_16 = arith.constant 640 : i32
    %add3A_17 = arith.addi %mul3A_2, %add3A_16 : i32
    %run_scoped3A_18 = arith.constant 1 : i32
    "tpu.region"() ({
      %run_scoped3A_64 = tpu.sem_alloc : memref<!tpu.dma_semaphore, #tpu.memory_space<semaphore_mem>>
      %dma_start3A_65 = arith.constant 0 : i32
      %dma_start3A_66 = tpu.memref_slice %arg5[%run_scoped3A_18, %dma_start3A_65] : memref<2x640xi32, #tpu.memory_space<vmem>> -> memref<1x640xi32, #tpu.memory_space<vmem>>
      %dma_start3A_67 = tpu.memref_squeeze %dma_start3A_66 : memref<1x640xi32, #tpu.memory_space<vmem>> -> memref<640xi32, #tpu.memory_space<vmem>>
      %dma_start3A_68 = tpu.memref_slice %arg3[%add3A_17] : memref<204800xi32, #tpu.memory_space<hbm>> -> memref<640xi32, #tpu.memory_space<hbm>>
      %dma_start3A_69 = arith.constant 0 : i32
      %dma_start3A_70 = tpu.memref_slice %arg5[%run_scoped3A_18, %dma_start3A_69] : memref<2x640xi32, #tpu.memory_space<vmem>> -> memref<1x640xi32, #tpu.memory_space<vmem>>
      %dma_start3A_71 = tpu.memref_squeeze %dma_start3A_70 : memref<1x640xi32, #tpu.memory_space<vmem>> -> memref<640xi32, #tpu.memory_space<vmem>>
      %dma_start3A_72 = tpu.memref_slice %arg3[%add3A_17] : memref<204800xi32, #tpu.memory_space<hbm>> -> memref<640xi32, #tpu.memory_space<hbm>>
      tpu.enqueue_dma source(%dma_start3A_72 : memref<640xi32, #tpu.memory_space<hbm>>) target(%dma_start3A_71 : memref<640xi32, #tpu.memory_space<vmem>>) target_semaphore(%run_scoped3A_64 : memref<!tpu.dma_semaphore, #tpu.memory_space<semaphore_mem>>)
      %dma_wait3A_73 = arith.constant 0 : i32
      %dma_wait3A_74 = tpu.memref_slice %arg5[%run_scoped3A_18, %dma_wait3A_73] : memref<2x640xi32, #tpu.memory_space<vmem>> -> memref<1x640xi32, #tpu.memory_space<vmem>>
      %dma_wait3A_75 = tpu.memref_squeeze %dma_wait3A_74 : memref<1x640xi32, #tpu.memory_space<vmem>> -> memref<640xi32, #tpu.memory_space<vmem>>
      %dma_wait3A_76 = tpu.memref_slice %arg3[%add3A_17] : memref<204800xi32, #tpu.memory_space<hbm>> -> memref<640xi32, #tpu.memory_space<hbm>>
      %dma_wait3A_77 = arith.constant 0 : i32
      %dma_wait3A_78 = tpu.memref_slice %arg5[%run_scoped3A_18, %dma_wait3A_77] : memref<2x640xi32, #tpu.memory_space<vmem>> -> memref<1x640xi32, #tpu.memory_space<vmem>>
      %dma_wait3A_79 = tpu.memref_squeeze %dma_wait3A_78 : memref<1x640xi32, #tpu.memory_space<vmem>> -> memref<640xi32, #tpu.memory_space<vmem>>
      %dma_wait3A_80 = tpu.memref_slice %arg3[%add3A_17] : memref<204800xi32, #tpu.memory_space<hbm>> -> memref<640xi32, #tpu.memory_space<hbm>>
      tpu.wait_dma2 semaphore(%run_scoped3A_64 : memref<!tpu.dma_semaphore, #tpu.memory_space<semaphore_mem>>) src(%dma_wait3A_80 : memref<640xi32, #tpu.memory_space<hbm>>) dst(%dma_wait3A_79 : memref<640xi32, #tpu.memory_space<vmem>>)
      tpu.yield
    }) : () -> ()
    %dma_start3A_19 = arith.constant 1 : i32
    %dma_start3A_20 = arith.constant 1 : i32
    %dma_start3A_21 = arith.constant 0 : i32
    %dma_start3A_22 = arith.constant 0 : i32
    %dma_start3A_23 = tpu.memref_slice %arg6[%dma_start3A_20, %dma_start3A_21, %dma_start3A_22] : memref<2x640x64xf32, #tpu.memory_space<vmem>> -> memref<1x640x64xf32, #tpu.memory_space<vmem>>
    %dma_start3A_24 = tpu.memref_squeeze %dma_start3A_23 : memref<1x640x64xf32, #tpu.memory_space<vmem>> -> memref<640x64xf32, #tpu.memory_space<vmem>>
    %dma_start3A_25 = arith.constant 0 : i32
    %dma_start3A_26 = tpu.memref_slice %arg5[%dma_start3A_19, %dma_start3A_25] : memref<2x640xi32, #tpu.memory_space<vmem>> -> memref<1x640xi32, #tpu.memory_space<vmem>>
    %dma_start3A_27 = tpu.memref_squeeze %dma_start3A_26 : memref<1x640xi32, #tpu.memory_space<vmem>> -> memref<640xi32, #tpu.memory_space<vmem>>
    %dma_start3A_28 = arith.constant 0 : i32
    %dma_start3A_29 = arith.constant 0 : i32
    %dma_start3A_30 = tpu.memref_slice %arg2[%dma_start3A_28, %dma_start3A_29] : memref<10240x64xf32, #tpu.memory_space<hbm>> -> memref<10240x64xf32, #tpu.memory_space<hbm>>
    tpu.enqueue_indirect_dma source(%dma_start3A_30 : memref<10240x64xf32, #tpu.memory_space<hbm>>) target(%dma_start3A_24 : memref<640x64xf32, #tpu.memory_space<vmem>>) offsets(%dma_start3A_27 : memref<640xi32, #tpu.memory_space<vmem>>) semaphore(%arg8 : memref<!tpu.dma_semaphore, #tpu.memory_space<semaphore_mem>>)
    %scan3A = arith.constant 0 : i32
    %scan3A_31 = arith.constant 5 : i32
    %scan3A_32 = arith.addi %scan3A, %scan3A_31 : i32
    %scan3A_33 = arith.constant 1 : i32
    scf.for %scan3A_64 = %scan3A to %scan3A_32 step %scan3A_33  : i32 {
      %mul3A_65 = arith.constant 2 : i32
      %mul3A_66 = arith.muli %scan3A_64, %mul3A_65 : i32
      %add3A_67 = arith.constant 0 : i32
      %add3A_68 = arith.addi %add3A_67, %mul3A_66 : i32
      %dma_wait3A_69 = arith.constant 0 : i32
      %dma_wait3A_70 = arith.constant 0 : i32
      %dma_wait3A_71 = arith.constant 0 : i32
      %dma_wait3A_72 = arith.constant 0 : i32
      %dma_wait3A_73 = tpu.memref_slice %arg6[%dma_wait3A_70, %dma_wait3A_71, %dma_wait3A_72] : memref<2x640x64xf32, #tpu.memory_space<vmem>> -> memref<1x640x64xf32, #tpu.memory_space<vmem>>
      %dma_wait3A_74 = tpu.memref_squeeze %dma_wait3A_73 : memref<1x640x64xf32, #tpu.memory_space<vmem>> -> memref<640x64xf32, #tpu.memory_space<vmem>>
      %dma_wait3A_75 = arith.constant 0 : i32
      %dma_wait3A_76 = tpu.memref_slice %arg5[%dma_wait3A_69, %dma_wait3A_75] : memref<2x640xi32, #tpu.memory_space<vmem>> -> memref<1x640xi32, #tpu.memory_space<vmem>>
      %dma_wait3A_77 = tpu.memref_squeeze %dma_wait3A_76 : memref<1x640xi32, #tpu.memory_space<vmem>> -> memref<640xi32, #tpu.memory_space<vmem>>
      %dma_wait3A_78 = arith.constant 0 : i32
      %dma_wait3A_79 = arith.constant 0 : i32
      %dma_wait3A_80 = tpu.memref_slice %arg2[%dma_wait3A_78, %dma_wait3A_79] : memref<10240x64xf32, #tpu.memory_space<hbm>> -> memref<10240x64xf32, #tpu.memory_space<hbm>>
      tpu.wait_indirect_dma semaphore(%arg7 : memref<!tpu.dma_semaphore, #tpu.memory_space<semaphore_mem>>) src(%dma_wait3A_80 : memref<10240x64xf32, #tpu.memory_space<hbm>>) dst(%dma_wait3A_74 : memref<640x64xf32, #tpu.memory_space<vmem>>)
      %mul3A_81 = arith.constant 640 : i32
      %mul3A_82 = arith.muli %add3A_68, %mul3A_81 : i32
      %add3A_83 = arith.addi %mul3A_2, %mul3A_82 : i32
      %dma_start3A_84 = arith.constant 0 : i32
      %dma_start3A_85 = arith.constant 0 : i32
      %dma_start3A_86 = arith.constant 0 : i32
      %dma_start3A_87 = tpu.memref_slice %arg6[%dma_start3A_84, %dma_start3A_85, %dma_start3A_86] : memref<2x640x64xf32, #tpu.memory_space<vmem>> -> memref<1x640x64xf32, #tpu.memory_space<vmem>>
      %dma_start3A_88 = tpu.memref_squeeze %dma_start3A_87 : memref<1x640x64xf32, #tpu.memory_space<vmem>> -> memref<640x64xf32, #tpu.memory_space<vmem>>
      %dma_start3A_89 = arith.constant 0 : i32
      %dma_start3A_90 = tpu.memref_slice %arg4[%add3A_83, %dma_start3A_89] : memref<204800x64xf32, #tpu.memory_space<hbm>> -> memref<640x64xf32, #tpu.memory_space<hbm>>
      %dma_start3A_91 = arith.constant 0 : i32
      %dma_start3A_92 = tpu.memref_slice %arg4[%add3A_83, %dma_start3A_91] : memref<204800x64xf32, #tpu.memory_space<hbm>> -> memref<640x64xf32, #tpu.memory_space<hbm>>
      %dma_start3A_93 = arith.constant 0 : i32
      %dma_start3A_94 = arith.constant 0 : i32
      %dma_start3A_95 = tpu.memref_slice %arg6[%dma_start3A_84, %dma_start3A_93, %dma_start3A_94] : memref<2x640x64xf32, #tpu.memory_space<vmem>> -> memref<1x640x64xf32, #tpu.memory_space<vmem>>
      %dma_start3A_96 = tpu.memref_squeeze %dma_start3A_95 : memref<1x640x64xf32, #tpu.memory_space<vmem>> -> memref<640x64xf32, #tpu.memory_space<vmem>>
      tpu.enqueue_dma source(%dma_start3A_96 : memref<640x64xf32, #tpu.memory_space<vmem>>) target(%dma_start3A_92 : memref<640x64xf32, #tpu.memory_space<hbm>>) target_semaphore(%arg9 : memref<!tpu.dma_semaphore, #tpu.memory_space<semaphore_mem>>)
      %dma_wait3A_97 = arith.constant 1 : i32
      %dma_wait3A_98 = arith.constant 1 : i32
      %dma_wait3A_99 = arith.constant 0 : i32
      %dma_wait3A_100 = arith.constant 0 : i32
      %dma_wait3A_101 = tpu.memref_slice %arg6[%dma_wait3A_98, %dma_wait3A_99, %dma_wait3A_100] : memref<2x640x64xf32, #tpu.memory_space<vmem>> -> memref<1x640x64xf32, #tpu.memory_space<vmem>>
      %dma_wait3A_102 = tpu.memref_squeeze %dma_wait3A_101 : memref<1x640x64xf32, #tpu.memory_space<vmem>> -> memref<640x64xf32, #tpu.memory_space<vmem>>
      %dma_wait3A_103 = arith.constant 0 : i32
      %dma_wait3A_104 = tpu.memref_slice %arg5[%dma_wait3A_97, %dma_wait3A_103] : memref<2x640xi32, #tpu.memory_space<vmem>> -> memref<1x640xi32, #tpu.memory_space<vmem>>
      %dma_wait3A_105 = tpu.memref_squeeze %dma_wait3A_104 : memref<1x640xi32, #tpu.memory_space<vmem>> -> memref<640xi32, #tpu.memory_space<vmem>>
      %dma_wait3A_106 = arith.constant 0 : i32
      %dma_wait3A_107 = arith.constant 0 : i32
      %dma_wait3A_108 = tpu.memref_slice %arg2[%dma_wait3A_106, %dma_wait3A_107] : memref<10240x64xf32, #tpu.memory_space<hbm>> -> memref<10240x64xf32, #tpu.memory_space<hbm>>
      tpu.wait_indirect_dma semaphore(%arg8 : memref<!tpu.dma_semaphore, #tpu.memory_space<semaphore_mem>>) src(%dma_wait3A_108 : memref<10240x64xf32, #tpu.memory_space<hbm>>) dst(%dma_wait3A_102 : memref<640x64xf32, #tpu.memory_space<vmem>>)
      %add3A_109 = arith.constant 1 : i32
      %add3A_110 = arith.addi %add3A_68, %add3A_109 : i32
      %mul3A_111 = arith.constant 640 : i32
      %mul3A_112 = arith.muli %add3A_110, %mul3A_111 : i32
      %add3A_113 = arith.addi %mul3A_2, %mul3A_112 : i32
      %dma_start3A_114 = arith.constant 1 : i32
      %dma_start3A_115 = arith.constant 0 : i32
      %dma_start3A_116 = arith.constant 0 : i32
      %dma_start3A_117 = tpu.memref_slice %arg6[%dma_start3A_114, %dma_start3A_115, %dma_start3A_116] : memref<2x640x64xf32, #tpu.memory_space<vmem>> -> memref<1x640x64xf32, #tpu.memory_space<vmem>>
      %dma_start3A_118 = tpu.memref_squeeze %dma_start3A_117 : memref<1x640x64xf32, #tpu.memory_space<vmem>> -> memref<640x64xf32, #tpu.memory_space<vmem>>
      %dma_start3A_119 = arith.constant 0 : i32
      %dma_start3A_120 = tpu.memref_slice %arg4[%add3A_113, %dma_start3A_119] : memref<204800x64xf32, #tpu.memory_space<hbm>> -> memref<640x64xf32, #tpu.memory_space<hbm>>
      %dma_start3A_121 = arith.constant 0 : i32
      %dma_start3A_122 = tpu.memref_slice %arg4[%add3A_113, %dma_start3A_121] : memref<204800x64xf32, #tpu.memory_space<hbm>> -> memref<640x64xf32, #tpu.memory_space<hbm>>
      %dma_start3A_123 = arith.constant 0 : i32
      %dma_start3A_124 = arith.constant 0 : i32
      %dma_start3A_125 = tpu.memref_slice %arg6[%dma_start3A_114, %dma_start3A_123, %dma_start3A_124] : memref<2x640x64xf32, #tpu.memory_space<vmem>> -> memref<1x640x64xf32, #tpu.memory_space<vmem>>
      %dma_start3A_126 = tpu.memref_squeeze %dma_start3A_125 : memref<1x640x64xf32, #tpu.memory_space<vmem>> -> memref<640x64xf32, #tpu.memory_space<vmem>>
      tpu.enqueue_dma source(%dma_start3A_126 : memref<640x64xf32, #tpu.memory_space<vmem>>) target(%dma_start3A_122 : memref<640x64xf32, #tpu.memory_space<hbm>>) target_semaphore(%arg10 : memref<!tpu.dma_semaphore, #tpu.memory_space<semaphore_mem>>)
      %add3A_127 = arith.constant 2 : i32
      %add3A_128 = arith.addi %add3A_68, %add3A_127 : i32
      %lt3A = arith.constant 10 : i32
      %lt3A_129 = arith.cmpi slt, %add3A_128, %lt3A : i32
      %convert_element_type3A = arith.extui %lt3A_129 : i1 to i32
      %cond3A = arith.constant 0 : i32
      %cond3A_130 = arith.cmpi ne, %convert_element_type3A, %cond3A : i32
      scf.if %cond3A_130 {
        %add3A_138 = arith.constant 2 : i32
        %add3A_139 = arith.addi %add3A_68, %add3A_138 : i32
        %mul3A_140 = arith.constant 640 : i32
        %mul3A_141 = arith.muli %add3A_139, %mul3A_140 : i32
        %add3A_142 = arith.addi %mul3A_2, %mul3A_141 : i32
        %run_scoped3A_143 = arith.constant 0 : i32
        "tpu.region"() ({
          %run_scoped3A_171 = tpu.sem_alloc : memref<!tpu.dma_semaphore, #tpu.memory_space<semaphore_mem>>
          %dma_start3A_172 = arith.constant 0 : i32
          %dma_start3A_173 = tpu.memref_slice %arg5[%run_scoped3A_143, %dma_start3A_172] : memref<2x640xi32, #tpu.memory_space<vmem>> -> memref<1x640xi32, #tpu.memory_space<vmem>>
          %dma_start3A_174 = tpu.memref_squeeze %dma_start3A_173 : memref<1x640xi32, #tpu.memory_space<vmem>> -> memref<640xi32, #tpu.memory_space<vmem>>
          %dma_start3A_175 = tpu.memref_slice %arg3[%add3A_142] : memref<204800xi32, #tpu.memory_space<hbm>> -> memref<640xi32, #tpu.memory_space<hbm>>
          %dma_start3A_176 = arith.constant 0 : i32
          %dma_start3A_177 = tpu.memref_slice %arg5[%run_scoped3A_143, %dma_start3A_176] : memref<2x640xi32, #tpu.memory_space<vmem>> -> memref<1x640xi32, #tpu.memory_space<vmem>>
          %dma_start3A_178 = tpu.memref_squeeze %dma_start3A_177 : memref<1x640xi32, #tpu.memory_space<vmem>> -> memref<640xi32, #tpu.memory_space<vmem>>
          %dma_start3A_179 = tpu.memref_slice %arg3[%add3A_142] : memref<204800xi32, #tpu.memory_space<hbm>> -> memref<640xi32, #tpu.memory_space<hbm>>
          tpu.enqueue_dma source(%dma_start3A_179 : memref<640xi32, #tpu.memory_space<hbm>>) target(%dma_start3A_178 : memref<640xi32, #tpu.memory_space<vmem>>) target_semaphore(%run_scoped3A_171 : memref<!tpu.dma_semaphore, #tpu.memory_space<semaphore_mem>>)
          %dma_wait3A_180 = arith.constant 0 : i32
          %dma_wait3A_181 = tpu.memref_slice %arg5[%run_scoped3A_143, %dma_wait3A_180] : memref<2x640xi32, #tpu.memory_space<vmem>> -> memref<1x640xi32, #tpu.memory_space<vmem>>
          %dma_wait3A_182 = tpu.memref_squeeze %dma_wait3A_181 : memref<1x640xi32, #tpu.memory_space<vmem>> -> memref<640xi32, #tpu.memory_space<vmem>>
          %dma_wait3A_183 = tpu.memref_slice %arg3[%add3A_142] : memref<204800xi32, #tpu.memory_space<hbm>> -> memref<640xi32, #tpu.memory_space<hbm>>
          %dma_wait3A_184 = arith.constant 0 : i32
          %dma_wait3A_185 = tpu.memref_slice %arg5[%run_scoped3A_143, %dma_wait3A_184] : memref<2x640xi32, #tpu.memory_space<vmem>> -> memref<1x640xi32, #tpu.memory_space<vmem>>
          %dma_wait3A_186 = tpu.memref_squeeze %dma_wait3A_185 : memref<1x640xi32, #tpu.memory_space<vmem>> -> memref<640xi32, #tpu.memory_space<vmem>>
          %dma_wait3A_187 = tpu.memref_slice %arg3[%add3A_142] : memref<204800xi32, #tpu.memory_space<hbm>> -> memref<640xi32, #tpu.memory_space<hbm>>
          tpu.wait_dma2 semaphore(%run_scoped3A_171 : memref<!tpu.dma_semaphore, #tpu.memory_space<semaphore_mem>>) src(%dma_wait3A_187 : memref<640xi32, #tpu.memory_space<hbm>>) dst(%dma_wait3A_186 : memref<640xi32, #tpu.memory_space<vmem>>)
          tpu.yield
        }) : () -> ()
        %dma_wait3A_144 = arith.constant 0 : i32
        %dma_wait3A_145 = arith.constant 0 : i32
        %dma_wait3A_146 = arith.constant 0 : i32
        %dma_wait3A_147 = tpu.memref_slice %arg6[%dma_wait3A_144, %dma_wait3A_145, %dma_wait3A_146] : memref<2x640x64xf32, #tpu.memory_space<vmem>> -> memref<1x640x64xf32, #tpu.memory_space<vmem>>
        %dma_wait3A_148 = tpu.memref_squeeze %dma_wait3A_147 : memref<1x640x64xf32, #tpu.memory_space<vmem>> -> memref<640x64xf32, #tpu.memory_space<vmem>>
        %dma_wait3A_149 = arith.constant 0 : i32
        %dma_wait3A_150 = arith.constant 0 : i32
        %dma_wait3A_151 = tpu.memref_slice %arg4[%dma_wait3A_149, %dma_wait3A_150] : memref<204800x64xf32, #tpu.memory_space<hbm>> -> memref<640x64xf32, #tpu.memory_space<hbm>>
        %dma_wait3A_152 = arith.constant 0 : i32
        %dma_wait3A_153 = arith.constant 0 : i32
        %dma_wait3A_154 = tpu.memref_slice %arg4[%dma_wait3A_152, %dma_wait3A_153] : memref<204800x64xf32, #tpu.memory_space<hbm>> -> memref<640x64xf32, #tpu.memory_space<hbm>>
        %dma_wait3A_155 = arith.constant 0 : i32
        %dma_wait3A_156 = arith.constant 0 : i32
        %dma_wait3A_157 = tpu.memref_slice %arg6[%dma_wait3A_144, %dma_wait3A_155, %dma_wait3A_156] : memref<2x640x64xf32, #tpu.memory_space<vmem>> -> memref<1x640x64xf32, #tpu.memory_space<vmem>>
        %dma_wait3A_158 = tpu.memref_squeeze %dma_wait3A_157 : memref<1x640x64xf32, #tpu.memory_space<vmem>> -> memref<640x64xf32, #tpu.memory_space<vmem>>
        tpu.wait_dma2 semaphore(%arg9 : memref<!tpu.dma_semaphore, #tpu.memory_space<semaphore_mem>>) src(%dma_wait3A_158 : memref<640x64xf32, #tpu.memory_space<vmem>>) dst(%dma_wait3A_154 : memref<640x64xf32, #tpu.memory_space<hbm>>)
        %dma_start3A_159 = arith.constant 0 : i32
        %dma_start3A_160 = arith.constant 0 : i32
        %dma_start3A_161 = arith.constant 0 : i32
        %dma_start3A_162 = arith.constant 0 : i32
        %dma_start3A_163 = tpu.memref_slice %arg6[%dma_start3A_160, %dma_start3A_161, %dma_start3A_162] : memref<2x640x64xf32, #tpu.memory_space<vmem>> -> memref<1x640x64xf32, #tpu.memory_space<vmem>>
        %dma_start3A_164 = tpu.memref_squeeze %dma_start3A_163 : memref<1x640x64xf32, #tpu.memory_space<vmem>> -> memref<640x64xf32, #tpu.memory_space<vmem>>
        %dma_start3A_165 = arith.constant 0 : i32
        %dma_start3A_166 = tpu.memref_slice %arg5[%dma_start3A_159, %dma_start3A_165] : memref<2x640xi32, #tpu.memory_space<vmem>> -> memref<1x640xi32, #tpu.memory_space<vmem>>
        %dma_start3A_167 = tpu.memref_squeeze %dma_start3A_166 : memref<1x640xi32, #tpu.memory_space<vmem>> -> memref<640xi32, #tpu.memory_space<vmem>>
        %dma_start3A_168 = arith.constant 0 : i32
        %dma_start3A_169 = arith.constant 0 : i32
        %dma_start3A_170 = tpu.memref_slice %arg2[%dma_start3A_168, %dma_start3A_169] : memref<10240x64xf32, #tpu.memory_space<hbm>> -> memref<10240x64xf32, #tpu.memory_space<hbm>>
        tpu.enqueue_indirect_dma source(%dma_start3A_170 : memref<10240x64xf32, #tpu.memory_space<hbm>>) target(%dma_start3A_164 : memref<640x64xf32, #tpu.memory_space<vmem>>) offsets(%dma_start3A_167 : memref<640xi32, #tpu.memory_space<vmem>>) semaphore(%arg7 : memref<!tpu.dma_semaphore, #tpu.memory_space<semaphore_mem>>)
      } else {
      }
      %add3A_131 = arith.constant 3 : i32
      %add3A_132 = arith.addi %add3A_68, %add3A_131 : i32
      %lt3A_133 = arith.constant 10 : i32
      %lt3A_134 = arith.cmpi slt, %add3A_132, %lt3A_133 : i32
      %convert_element_type3A_135 = arith.extui %lt3A_134 : i1 to i32
      %cond3A_136 = arith.constant 0 : i32
      %cond3A_137 = arith.cmpi ne, %convert_element_type3A_135, %cond3A_136 : i32
      scf.if %cond3A_137 {
        %add3A_138 = arith.constant 3 : i32
        %add3A_139 = arith.addi %add3A_68, %add3A_138 : i32
        %mul3A_140 = arith.constant 640 : i32
        %mul3A_141 = arith.muli %add3A_139, %mul3A_140 : i32
        %add3A_142 = arith.addi %mul3A_2, %mul3A_141 : i32
        %run_scoped3A_143 = arith.constant 1 : i32
        "tpu.region"() ({
          %run_scoped3A_171 = tpu.sem_alloc : memref<!tpu.dma_semaphore, #tpu.memory_space<semaphore_mem>>
          %dma_start3A_172 = arith.constant 0 : i32
          %dma_start3A_173 = tpu.memref_slice %arg5[%run_scoped3A_143, %dma_start3A_172] : memref<2x640xi32, #tpu.memory_space<vmem>> -> memref<1x640xi32, #tpu.memory_space<vmem>>
          %dma_start3A_174 = tpu.memref_squeeze %dma_start3A_173 : memref<1x640xi32, #tpu.memory_space<vmem>> -> memref<640xi32, #tpu.memory_space<vmem>>
          %dma_start3A_175 = tpu.memref_slice %arg3[%add3A_142] : memref<204800xi32, #tpu.memory_space<hbm>> -> memref<640xi32, #tpu.memory_space<hbm>>
          %dma_start3A_176 = arith.constant 0 : i32
          %dma_start3A_177 = tpu.memref_slice %arg5[%run_scoped3A_143, %dma_start3A_176] : memref<2x640xi32, #tpu.memory_space<vmem>> -> memref<1x640xi32, #tpu.memory_space<vmem>>
          %dma_start3A_178 = tpu.memref_squeeze %dma_start3A_177 : memref<1x640xi32, #tpu.memory_space<vmem>> -> memref<640xi32, #tpu.memory_space<vmem>>
          %dma_start3A_179 = tpu.memref_slice %arg3[%add3A_142] : memref<204800xi32, #tpu.memory_space<hbm>> -> memref<640xi32, #tpu.memory_space<hbm>>
          tpu.enqueue_dma source(%dma_start3A_179 : memref<640xi32, #tpu.memory_space<hbm>>) target(%dma_start3A_178 : memref<640xi32, #tpu.memory_space<vmem>>) target_semaphore(%run_scoped3A_171 : memref<!tpu.dma_semaphore, #tpu.memory_space<semaphore_mem>>)
          %dma_wait3A_180 = arith.constant 0 : i32
          %dma_wait3A_181 = tpu.memref_slice %arg5[%run_scoped3A_143, %dma_wait3A_180] : memref<2x640xi32, #tpu.memory_space<vmem>> -> memref<1x640xi32, #tpu.memory_space<vmem>>
          %dma_wait3A_182 = tpu.memref_squeeze %dma_wait3A_181 : memref<1x640xi32, #tpu.memory_space<vmem>> -> memref<640xi32, #tpu.memory_space<vmem>>
          %dma_wait3A_183 = tpu.memref_slice %arg3[%add3A_142] : memref<204800xi32, #tpu.memory_space<hbm>> -> memref<640xi32, #tpu.memory_space<hbm>>
          %dma_wait3A_184 = arith.constant 0 : i32
          %dma_wait3A_185 = tpu.memref_slice %arg5[%run_scoped3A_143, %dma_wait3A_184] : memref<2x640xi32, #tpu.memory_space<vmem>> -> memref<1x640xi32, #tpu.memory_space<vmem>>
          %dma_wait3A_186 = tpu.memref_squeeze %dma_wait3A_185 : memref<1x640xi32, #tpu.memory_space<vmem>> -> memref<640xi32, #tpu.memory_space<vmem>>
          %dma_wait3A_187 = tpu.memref_slice %arg3[%add3A_142] : memref<204800xi32, #tpu.memory_space<hbm>> -> memref<640xi32, #tpu.memory_space<hbm>>
          tpu.wait_dma2 semaphore(%run_scoped3A_171 : memref<!tpu.dma_semaphore, #tpu.memory_space<semaphore_mem>>) src(%dma_wait3A_187 : memref<640xi32, #tpu.memory_space<hbm>>) dst(%dma_wait3A_186 : memref<640xi32, #tpu.memory_space<vmem>>)
          tpu.yield
        }) : () -> ()
        %dma_wait3A_144 = arith.constant 1 : i32
        %dma_wait3A_145 = arith.constant 0 : i32
        %dma_wait3A_146 = arith.constant 0 : i32
        %dma_wait3A_147 = tpu.memref_slice %arg6[%dma_wait3A_144, %dma_wait3A_145, %dma_wait3A_146] : memref<2x640x64xf32, #tpu.memory_space<vmem>> -> memref<1x640x64xf32, #tpu.memory_space<vmem>>
        %dma_wait3A_148 = tpu.memref_squeeze %dma_wait3A_147 : memref<1x640x64xf32, #tpu.memory_space<vmem>> -> memref<640x64xf32, #tpu.memory_space<vmem>>
        %dma_wait3A_149 = arith.constant 0 : i32
        %dma_wait3A_150 = arith.constant 0 : i32
        %dma_wait3A_151 = tpu.memref_slice %arg4[%dma_wait3A_149, %dma_wait3A_150] : memref<204800x64xf32, #tpu.memory_space<hbm>> -> memref<640x64xf32, #tpu.memory_space<hbm>>
        %dma_wait3A_152 = arith.constant 0 : i32
        %dma_wait3A_153 = arith.constant 0 : i32
        %dma_wait3A_154 = tpu.memref_slice %arg4[%dma_wait3A_152, %dma_wait3A_153] : memref<204800x64xf32, #tpu.memory_space<hbm>> -> memref<640x64xf32, #tpu.memory_space<hbm>>
        %dma_wait3A_155 = arith.constant 0 : i32
        %dma_wait3A_156 = arith.constant 0 : i32
        %dma_wait3A_157 = tpu.memref_slice %arg6[%dma_wait3A_144, %dma_wait3A_155, %dma_wait3A_156] : memref<2x640x64xf32, #tpu.memory_space<vmem>> -> memref<1x640x64xf32, #tpu.memory_space<vmem>>
        %dma_wait3A_158 = tpu.memref_squeeze %dma_wait3A_157 : memref<1x640x64xf32, #tpu.memory_space<vmem>> -> memref<640x64xf32, #tpu.memory_space<vmem>>
        tpu.wait_dma2 semaphore(%arg10 : memref<!tpu.dma_semaphore, #tpu.memory_space<semaphore_mem>>) src(%dma_wait3A_158 : memref<640x64xf32, #tpu.memory_space<vmem>>) dst(%dma_wait3A_154 : memref<640x64xf32, #tpu.memory_space<hbm>>)
        %dma_start3A_159 = arith.constant 1 : i32
        %dma_start3A_160 = arith.constant 1 : i32
        %dma_start3A_161 = arith.constant 0 : i32
        %dma_start3A_162 = arith.constant 0 : i32
        %dma_start3A_163 = tpu.memref_slice %arg6[%dma_start3A_160, %dma_start3A_161, %dma_start3A_162] : memref<2x640x64xf32, #tpu.memory_space<vmem>> -> memref<1x640x64xf32, #tpu.memory_space<vmem>>
        %dma_start3A_164 = tpu.memref_squeeze %dma_start3A_163 : memref<1x640x64xf32, #tpu.memory_space<vmem>> -> memref<640x64xf32, #tpu.memory_space<vmem>>
        %dma_start3A_165 = arith.constant 0 : i32
        %dma_start3A_166 = tpu.memref_slice %arg5[%dma_start3A_159, %dma_start3A_165] : memref<2x640xi32, #tpu.memory_space<vmem>> -> memref<1x640xi32, #tpu.memory_space<vmem>>
        %dma_start3A_167 = tpu.memref_squeeze %dma_start3A_166 : memref<1x640xi32, #tpu.memory_space<vmem>> -> memref<640xi32, #tpu.memory_space<vmem>>
        %dma_start3A_168 = arith.constant 0 : i32
        %dma_start3A_169 = arith.constant 0 : i32
        %dma_start3A_170 = tpu.memref_slice %arg2[%dma_start3A_168, %dma_start3A_169] : memref<10240x64xf32, #tpu.memory_space<hbm>> -> memref<10240x64xf32, #tpu.memory_space<hbm>>
        tpu.enqueue_indirect_dma source(%dma_start3A_170 : memref<10240x64xf32, #tpu.memory_space<hbm>>) target(%dma_start3A_164 : memref<640x64xf32, #tpu.memory_space<vmem>>) offsets(%dma_start3A_167 : memref<640xi32, #tpu.memory_space<vmem>>) semaphore(%arg8 : memref<!tpu.dma_semaphore, #tpu.memory_space<semaphore_mem>>)
      } else {
      }
    }
    %scan3A_34 = arith.constant 5 : i32
    %dma_wait3A = arith.constant 0 : i32
    %dma_wait3A_35 = arith.constant 0 : i32
    %dma_wait3A_36 = arith.constant 0 : i32
    %dma_wait3A_37 = tpu.memref_slice %arg6[%dma_wait3A, %dma_wait3A_35, %dma_wait3A_36] : memref<2x640x64xf32, #tpu.memory_space<vmem>> -> memref<1x640x64xf32, #tpu.memory_space<vmem>>
    %dma_wait3A_38 = tpu.memref_squeeze %dma_wait3A_37 : memref<1x640x64xf32, #tpu.memory_space<vmem>> -> memref<640x64xf32, #tpu.memory_space<vmem>>
    %dma_wait3A_39 = arith.constant 0 : i32
    %dma_wait3A_40 = arith.constant 0 : i32
    %dma_wait3A_41 = tpu.memref_slice %arg4[%dma_wait3A_39, %dma_wait3A_40] : memref<204800x64xf32, #tpu.memory_space<hbm>> -> memref<640x64xf32, #tpu.memory_space<hbm>>
    %dma_wait3A_42 = arith.constant 0 : i32
    %dma_wait3A_43 = arith.constant 0 : i32
    %dma_wait3A_44 = tpu.memref_slice %arg4[%dma_wait3A_42, %dma_wait3A_43] : memref<204800x64xf32, #tpu.memory_space<hbm>> -> memref<640x64xf32, #tpu.memory_space<hbm>>
    %dma_wait3A_45 = arith.constant 0 : i32
    %dma_wait3A_46 = arith.constant 0 : i32
    %dma_wait3A_47 = tpu.memref_slice %arg6[%dma_wait3A, %dma_wait3A_45, %dma_wait3A_46] : memref<2x640x64xf32, #tpu.memory_space<vmem>> -> memref<1x640x64xf32, #tpu.memory_space<vmem>>
    %dma_wait3A_48 = tpu.memref_squeeze %dma_wait3A_47 : memref<1x640x64xf32, #tpu.memory_space<vmem>> -> memref<640x64xf32, #tpu.memory_space<vmem>>
    tpu.wait_dma2 semaphore(%arg9 : memref<!tpu.dma_semaphore, #tpu.memory_space<semaphore_mem>>) src(%dma_wait3A_48 : memref<640x64xf32, #tpu.memory_space<vmem>>) dst(%dma_wait3A_44 : memref<640x64xf32, #tpu.memory_space<hbm>>)
    %dma_wait3A_49 = arith.constant 1 : i32
    %dma_wait3A_50 = arith.constant 0 : i32
    %dma_wait3A_51 = arith.constant 0 : i32
    %dma_wait3A_52 = tpu.memref_slice %arg6[%dma_wait3A_49, %dma_wait3A_50, %dma_wait3A_51] : memref<2x640x64xf32, #tpu.memory_space<vmem>> -> memref<1x640x64xf32, #tpu.memory_space<vmem>>
    %dma_wait3A_53 = tpu.memref_squeeze %dma_wait3A_52 : memref<1x640x64xf32, #tpu.memory_space<vmem>> -> memref<640x64xf32, #tpu.memory_space<vmem>>
    %dma_wait3A_54 = arith.constant 0 : i32
    %dma_wait3A_55 = arith.constant 0 : i32
    %dma_wait3A_56 = tpu.memref_slice %arg4[%dma_wait3A_54, %dma_wait3A_55] : memref<204800x64xf32, #tpu.memory_space<hbm>> -> memref<640x64xf32, #tpu.memory_space<hbm>>
    %dma_wait3A_57 = arith.constant 0 : i32
    %dma_wait3A_58 = arith.constant 0 : i32
    %dma_wait3A_59 = tpu.memref_slice %arg4[%dma_wait3A_57, %dma_wait3A_58] : memref<204800x64xf32, #tpu.memory_space<hbm>> -> memref<640x64xf32, #tpu.memory_space<hbm>>
    %dma_wait3A_60 = arith.constant 0 : i32
    %dma_wait3A_61 = arith.constant 0 : i32
    %dma_wait3A_62 = tpu.memref_slice %arg6[%dma_wait3A_49, %dma_wait3A_60, %dma_wait3A_61] : memref<2x640x64xf32, #tpu.memory_space<vmem>> -> memref<1x640x64xf32, #tpu.memory_space<vmem>>
    %dma_wait3A_63 = tpu.memref_squeeze %dma_wait3A_62 : memref<1x640x64xf32, #tpu.memory_space<vmem>> -> memref<640x64xf32, #tpu.memory_space<vmem>>
    tpu.wait_dma2 semaphore(%arg10 : memref<!tpu.dma_semaphore, #tpu.memory_space<semaphore_mem>>) src(%dma_wait3A_63 : memref<640x64xf32, #tpu.memory_space<vmem>>) dst(%dma_wait3A_59 : memref<640x64xf32, #tpu.memory_space<hbm>>)
    return
  }
}

#map = affine_map<(d0, d1) -> (0, 0)>
#map1 = affine_map<(d0, d1) -> (0)>
module attributes {stable_mosaic.version = 14 : i64} {
  func.func @k(%arg0: i32, %arg1: i32, %arg2: memref<163840x64xf32, #tpu.memory_space<hbm>>, %arg3: memref<163840xi32, #tpu.memory_space<hbm>>, %arg4: memref<655360xf32, #tpu.memory_space<hbm>>, %arg5: memref<16384xi32, #tpu.memory_space<vmem>>, %arg6: memref<1040xi32, #tpu.memory_space<vmem>>, %arg7: memref<1024xi32, #tpu.memory_space<vmem>>, %arg8: memref<16400xi32, #tpu.memory_space<vmem>>, %arg9: memref<16400xi32, #tpu.memory_space<vmem>>, %arg10: memref<2x256x64xf32, #tpu.memory_space<vmem>>, %arg11: memref<20480xf32, #tpu.memory_space<vmem>>, %arg12: memref<!tpu.dma_semaphore, #tpu.memory_space<semaphore_mem>>) attributes {dimension_semantics = [#tpu.dimension_semantics<core_parallel>, #tpu.dimension_semantics<subcore_parallel>], iteration_bounds = array<i64: 2, 16>, scalar_prefetch = 0 : i64, scratch_operands = 8 : i64, tpu.core_type = #tpu.core_type<sc_vector_subcore>, window_params = [{transform_indices = #map}, {transform_indices = #map1}, {transform_indices = #map1}]} {
    %mul3A = arith.constant 2 : i32
    %mul3A_0 = arith.muli %arg1, %mul3A : i32
    %add3A = arith.addi %mul3A_0, %arg0 : i32
    %mul3A_1 = arith.constant 320 : i32
    %mul3A_2 = arith.muli %add3A, %mul3A_1 : i32
    %broadcast_in_dim3A = arith.constant 0.000000e+00 : f32
    %broadcast_in_dim3A_3 = vector.broadcast %broadcast_in_dim3A : f32 to vector<16xf32>
    %broadcast_in_dim3A_4 = arith.constant 0 : i32
    %broadcast_in_dim3A_5 = vector.broadcast %broadcast_in_dim3A_4 : i32 to vector<16xi32>
    %scan3A = arith.constant 0 : i32
    %scan3A_6 = arith.constant 1280 : i32
    %scan3A_7 = arith.addi %scan3A, %scan3A_6 : i32
    %scan3A_8 = arith.constant 1 : i32
    scf.for %scan3A_24 = %scan3A to %scan3A_7 step %scan3A_8  : i32 {
      %mul3A_25 = arith.constant 1 : i32
      %mul3A_26 = arith.muli %scan3A_24, %mul3A_25 : i32
      %add3A_27 = arith.constant 0 : i32
      %add3A_28 = arith.addi %add3A_27, %mul3A_26 : i32
      %mul3A_29 = arith.constant 16 : i32
      %mul3A_30 = arith.muli %add3A_28, %mul3A_29 : i32
      %swap3A = arith.index_cast %mul3A_30 : i32 to index
      %swap3A_31 = tpu.vector_load %arg11[%swap3A] {strides = array<i32>} : memref<20480xf32, #tpu.memory_space<vmem>>, vector<16xf32>,
      tpu.vector_store %arg11[%swap3A], %broadcast_in_dim3A_3 {strides = array<i32>} : memref<20480xf32, #tpu.memory_space<vmem>>, vector<16xf32>,
    }
    %scan3A_9 = arith.constant 1280 : i32
    %scan3A_10 = arith.constant 0 : i32
    %scan3A_11 = arith.constant 1025 : i32
    %scan3A_12 = arith.addi %scan3A_10, %scan3A_11 : i32
    %scan3A_13 = arith.constant 1 : i32
    scf.for %scan3A_24 = %scan3A_10 to %scan3A_12 step %scan3A_13  : i32 {
      %mul3A_25 = arith.constant 1 : i32
      %mul3A_26 = arith.muli %scan3A_24, %mul3A_25 : i32
      %add3A_27 = arith.constant 0 : i32
      %add3A_28 = arith.addi %add3A_27, %mul3A_26 : i32
      %mul3A_29 = arith.constant 16 : i32
      %mul3A_30 = arith.muli %add3A_28, %mul3A_29 : i32
      %swap3A = arith.index_cast %mul3A_30 : i32 to index
      %swap3A_31 = tpu.vector_load %arg8[%swap3A] {strides = array<i32>} : memref<16400xi32, #tpu.memory_space<vmem>>, vector<16xi32>,
      tpu.vector_store %arg8[%swap3A], %broadcast_in_dim3A_5 {strides = array<i32>} : memref<16400xi32, #tpu.memory_space<vmem>>, vector<16xi32>,
    }
    %scan3A_14 = arith.constant 1025 : i32
    %iota3A = tpu.iota {dimensions = array<i32: 0>} : vector<16xi32>
    %scan3A_15 = arith.constant 0 : i32
    %scan3A_16 = arith.constant 10 : i32
    %scan3A_17 = arith.addi %scan3A_15, %scan3A_16 : i32
    %scan3A_18 = arith.constant 1 : i32
    scf.for %scan3A_24 = %scan3A_15 to %scan3A_17 step %scan3A_18  : i32 {
      %mul3A_25 = arith.constant 1 : i32
      %mul3A_26 = arith.muli %scan3A_24, %mul3A_25 : i32
      %add3A_27 = arith.constant 0 : i32
      %add3A_28 = arith.addi %add3A_27, %mul3A_26 : i32
      %mul3A_29 = arith.constant 16384 : i32
      %mul3A_30 = arith.muli %add3A_28, %mul3A_29 : i32
      "tpu.region"() ({
        %run_scoped3A = tpu.sem_alloc : memref<!tpu.dma_semaphore, #tpu.memory_space<semaphore_mem>>
        %dma_start3A = tpu.memref_slice %arg3[%mul3A_30] : memref<163840xi32, #tpu.memory_space<hbm>> -> memref<16384xi32, #tpu.memory_space<hbm>>
        %dma_start3A_85 = tpu.memref_slice %arg3[%mul3A_30] : memref<163840xi32, #tpu.memory_space<hbm>> -> memref<16384xi32, #tpu.memory_space<hbm>>
        tpu.enqueue_dma source(%dma_start3A_85 : memref<16384xi32, #tpu.memory_space<hbm>>) target(%arg5 : memref<16384xi32, #tpu.memory_space<vmem>>) target_semaphore(%run_scoped3A : memref<!tpu.dma_semaphore, #tpu.memory_space<semaphore_mem>>)
        %dma_wait3A = tpu.memref_slice %arg3[%mul3A_30] : memref<163840xi32, #tpu.memory_space<hbm>> -> memref<16384xi32, #tpu.memory_space<hbm>>
        %dma_wait3A_86 = tpu.memref_slice %arg3[%mul3A_30] : memref<163840xi32, #tpu.memory_space<hbm>> -> memref<16384xi32, #tpu.memory_space<hbm>>
        tpu.wait_dma2 semaphore(%run_scoped3A : memref<!tpu.dma_semaphore, #tpu.memory_space<semaphore_mem>>) src(%dma_wait3A_86 : memref<16384xi32, #tpu.memory_space<hbm>>) dst(%arg5 : memref<16384xi32, #tpu.memory_space<vmem>>)
        tpu.yield
      }) : () -> ()
      %eq3A = arith.constant 0 : i32
      %eq3A_31 = vector.broadcast %eq3A : i32 to vector<16xi32>
      %eq3A_32 = arith.cmpi eq, %iota3A, %eq3A_31 : vector<16xi32>
      %scan3A_33 = arith.constant 0 : i32
      %scan3A_34 = arith.constant 0 : i32
      %scan3A_35 = arith.constant 1024 : i32
      %scan3A_36 = arith.addi %scan3A_34, %scan3A_35 : i32
      %scan3A_37 = arith.constant 8 : i32
      %scan3A_38 = scf.for %scan3A_85 = %scan3A_34 to %scan3A_36 step %scan3A_37 iter_args(%scan3A_86 = %scan3A_33) -> (i32)  : i32 {
        %mul3A_87 = arith.constant 16 : i32
        %mul3A_88 = arith.muli %scan3A_85, %mul3A_87 : i32
        %get3A = arith.index_cast %mul3A_88 : i32 to index
        %get3A_89 = tpu.vector_load %arg5[%get3A] {strides = array<i32>} : memref<16384xi32, #tpu.memory_space<vmem>>, vector<16xi32>,
        %ge3A = vector.broadcast %mul3A_2 : i32 to vector<16xi32>
        %ge3A_90 = arith.cmpi sge, %get3A_89, %ge3A : vector<16xi32>
        %add3A_91 = arith.constant 320 : i32
        %add3A_92 = arith.addi %mul3A_2, %add3A_91 : i32
        %lt3A = vector.broadcast %add3A_92 : i32 to vector<16xi32>
        %lt3A_93 = arith.cmpi slt, %get3A_89, %lt3A : vector<16xi32>
        %and3A_94 = arith.andi %ge3A_90, %lt3A_93 : vector<16xi1>
        %all_reduce_population_count3A = tpu.all_reduce %and3A_94 {dim = 0 : i64, kind = #tpu.reduction_kind<sum>} : vector<16xi1> -> vector<16xi32>
        %swap3A = arith.index_cast %scan3A_85 : i32 to index
        %swap3A_95 = tpu.vector_load %arg6[%swap3A] masked %eq3A_32 {strides = array<i32>} : memref<1040xi32, #tpu.memory_space<vmem>>, vector<16xi32>, vector<16xi1>
        tpu.vector_store %arg6[%swap3A], %all_reduce_population_count3A masked %eq3A_32 {strides = array<i32>} : memref<1040xi32, #tpu.memory_space<vmem>>, vector<16xi32>, vector<16xi1>
        %scan3A_96 = arith.constant 0 : i32
        %scan3A_97 = arith.constant 1 : i32
        %scan3A_98 = arith.addi %scan3A_85, %scan3A_97 : i32
        %mul3A_99 = arith.constant 16 : i32
        %mul3A_100 = arith.muli %scan3A_98, %mul3A_99 : i32
        %get3A_101 = arith.index_cast %mul3A_100 : i32 to index
        %get3A_102 = tpu.vector_load %arg5[%get3A_101] {strides = array<i32>} : memref<16384xi32, #tpu.memory_space<vmem>>, vector<16xi32>,
        %ge3A_103 = vector.broadcast %mul3A_2 : i32 to vector<16xi32>
        %ge3A_104 = arith.cmpi sge, %get3A_102, %ge3A_103 : vector<16xi32>
        %add3A_105 = arith.constant 320 : i32
        %add3A_106 = arith.addi %mul3A_2, %add3A_105 : i32
        %lt3A_107 = vector.broadcast %add3A_106 : i32 to vector<16xi32>
        %lt3A_108 = arith.cmpi slt, %get3A_102, %lt3A_107 : vector<16xi32>
        %and3A_109 = arith.andi %ge3A_104, %lt3A_108 : vector<16xi1>
        %all_reduce_population_count3A_110 = tpu.all_reduce %and3A_109 {dim = 0 : i64, kind = #tpu.reduction_kind<sum>} : vector<16xi1> -> vector<16xi32>
        %swap3A_111 = arith.index_cast %scan3A_98 : i32 to index
        %swap3A_112 = tpu.vector_load %arg6[%swap3A_111] masked %eq3A_32 {strides = array<i32>} : memref<1040xi32, #tpu.memory_space<vmem>>, vector<16xi32>, vector<16xi1>
        tpu.vector_store %arg6[%swap3A_111], %all_reduce_population_count3A_110 masked %eq3A_32 {strides = array<i32>} : memref<1040xi32, #tpu.memory_space<vmem>>, vector<16xi32>, vector<16xi1>
        %scan3A_113 = arith.constant 0 : i32
        %scan3A_114 = arith.constant 2 : i32
        %scan3A_115 = arith.addi %scan3A_85, %scan3A_114 : i32
        %mul3A_116 = arith.constant 16 : i32
        %mul3A_117 = arith.muli %scan3A_115, %mul3A_116 : i32
        %get3A_118 = arith.index_cast %mul3A_117 : i32 to index
        %get3A_119 = tpu.vector_load %arg5[%get3A_118] {strides = array<i32>} : memref<16384xi32, #tpu.memory_space<vmem>>, vector<16xi32>,
        %ge3A_120 = vector.broadcast %mul3A_2 : i32 to vector<16xi32>
        %ge3A_121 = arith.cmpi sge, %get3A_119, %ge3A_120 : vector<16xi32>
        %add3A_122 = arith.constant 320 : i32
        %add3A_123 = arith.addi %mul3A_2, %add3A_122 : i32
        %lt3A_124 = vector.broadcast %add3A_123 : i32 to vector<16xi32>
        %lt3A_125 = arith.cmpi slt, %get3A_119, %lt3A_124 : vector<16xi32>
        %and3A_126 = arith.andi %ge3A_121, %lt3A_125 : vector<16xi1>
        %all_reduce_population_count3A_127 = tpu.all_reduce %and3A_126 {dim = 0 : i64, kind = #tpu.reduction_kind<sum>} : vector<16xi1> -> vector<16xi32>
        %swap3A_128 = arith.index_cast %scan3A_115 : i32 to index
        %swap3A_129 = tpu.vector_load %arg6[%swap3A_128] masked %eq3A_32 {strides = array<i32>} : memref<1040xi32, #tpu.memory_space<vmem>>, vector<16xi32>, vector<16xi1>
        tpu.vector_store %arg6[%swap3A_128], %all_reduce_population_count3A_127 masked %eq3A_32 {strides = array<i32>} : memref<1040xi32, #tpu.memory_space<vmem>>, vector<16xi32>, vector<16xi1>
        %scan3A_130 = arith.constant 0 : i32
        %scan3A_131 = arith.constant 3 : i32
        %scan3A_132 = arith.addi %scan3A_85, %scan3A_131 : i32
        %mul3A_133 = arith.constant 16 : i32
        %mul3A_134 = arith.muli %scan3A_132, %mul3A_133 : i32
        %get3A_135 = arith.index_cast %mul3A_134 : i32 to index
        %get3A_136 = tpu.vector_load %arg5[%get3A_135] {strides = array<i32>} : memref<16384xi32, #tpu.memory_space<vmem>>, vector<16xi32>,
        %ge3A_137 = vector.broadcast %mul3A_2 : i32 to vector<16xi32>
        %ge3A_138 = arith.cmpi sge, %get3A_136, %ge3A_137 : vector<16xi32>
        %add3A_139 = arith.constant 320 : i32
        %add3A_140 = arith.addi %mul3A_2, %add3A_139 : i32
        %lt3A_141 = vector.broadcast %add3A_140 : i32 to vector<16xi32>
        %lt3A_142 = arith.cmpi slt, %get3A_136, %lt3A_141 : vector<16xi32>
        %and3A_143 = arith.andi %ge3A_138, %lt3A_142 : vector<16xi1>
        %all_reduce_population_count3A_144 = tpu.all_reduce %and3A_143 {dim = 0 : i64, kind = #tpu.reduction_kind<sum>} : vector<16xi1> -> vector<16xi32>
        %swap3A_145 = arith.index_cast %scan3A_132 : i32 to index
        %swap3A_146 = tpu.vector_load %arg6[%swap3A_145] masked %eq3A_32 {strides = array<i32>} : memref<1040xi32, #tpu.memory_space<vmem>>, vector<16xi32>, vector<16xi1>
        tpu.vector_store %arg6[%swap3A_145], %all_reduce_population_count3A_144 masked %eq3A_32 {strides = array<i32>} : memref<1040xi32, #tpu.memory_space<vmem>>, vector<16xi32>, vector<16xi1>
        %scan3A_147 = arith.constant 0 : i32
        %scan3A_148 = arith.constant 4 : i32
        %scan3A_149 = arith.addi %scan3A_85, %scan3A_148 : i32
        %mul3A_150 = arith.constant 16 : i32
        %mul3A_151 = arith.muli %scan3A_149, %mul3A_150 : i32
        %get3A_152 = arith.index_cast %mul3A_151 : i32 to index
        %get3A_153 = tpu.vector_load %arg5[%get3A_152] {strides = array<i32>} : memref<16384xi32, #tpu.memory_space<vmem>>, vector<16xi32>,
        %ge3A_154 = vector.broadcast %mul3A_2 : i32 to vector<16xi32>
        %ge3A_155 = arith.cmpi sge, %get3A_153, %ge3A_154 : vector<16xi32>
        %add3A_156 = arith.constant 320 : i32
        %add3A_157 = arith.addi %mul3A_2, %add3A_156 : i32
        %lt3A_158 = vector.broadcast %add3A_157 : i32 to vector<16xi32>
        %lt3A_159 = arith.cmpi slt, %get3A_153, %lt3A_158 : vector<16xi32>
        %and3A_160 = arith.andi %ge3A_155, %lt3A_159 : vector<16xi1>
        %all_reduce_population_count3A_161 = tpu.all_reduce %and3A_160 {dim = 0 : i64, kind = #tpu.reduction_kind<sum>} : vector<16xi1> -> vector<16xi32>
        %swap3A_162 = arith.index_cast %scan3A_149 : i32 to index
        %swap3A_163 = tpu.vector_load %arg6[%swap3A_162] masked %eq3A_32 {strides = array<i32>} : memref<1040xi32, #tpu.memory_space<vmem>>, vector<16xi32>, vector<16xi1>
        tpu.vector_store %arg6[%swap3A_162], %all_reduce_population_count3A_161 masked %eq3A_32 {strides = array<i32>} : memref<1040xi32, #tpu.memory_space<vmem>>, vector<16xi32>, vector<16xi1>
        %scan3A_164 = arith.constant 0 : i32
        %scan3A_165 = arith.constant 5 : i32
        %scan3A_166 = arith.addi %scan3A_85, %scan3A_165 : i32
        %mul3A_167 = arith.constant 16 : i32
        %mul3A_168 = arith.muli %scan3A_166, %mul3A_167 : i32
        %get3A_169 = arith.index_cast %mul3A_168 : i32 to index
        %get3A_170 = tpu.vector_load %arg5[%get3A_169] {strides = array<i32>} : memref<16384xi32, #tpu.memory_space<vmem>>, vector<16xi32>,
        %ge3A_171 = vector.broadcast %mul3A_2 : i32 to vector<16xi32>
        %ge3A_172 = arith.cmpi sge, %get3A_170, %ge3A_171 : vector<16xi32>
        %add3A_173 = arith.constant 320 : i32
        %add3A_174 = arith.addi %mul3A_2, %add3A_173 : i32
        %lt3A_175 = vector.broadcast %add3A_174 : i32 to vector<16xi32>
        %lt3A_176 = arith.cmpi slt, %get3A_170, %lt3A_175 : vector<16xi32>
        %and3A_177 = arith.andi %ge3A_172, %lt3A_176 : vector<16xi1>
        %all_reduce_population_count3A_178 = tpu.all_reduce %and3A_177 {dim = 0 : i64, kind = #tpu.reduction_kind<sum>} : vector<16xi1> -> vector<16xi32>
        %swap3A_179 = arith.index_cast %scan3A_166 : i32 to index
        %swap3A_180 = tpu.vector_load %arg6[%swap3A_179] masked %eq3A_32 {strides = array<i32>} : memref<1040xi32, #tpu.memory_space<vmem>>, vector<16xi32>, vector<16xi1>
        tpu.vector_store %arg6[%swap3A_179], %all_reduce_population_count3A_178 masked %eq3A_32 {strides = array<i32>} : memref<1040xi32, #tpu.memory_space<vmem>>, vector<16xi32>, vector<16xi1>
        %scan3A_181 = arith.constant 0 : i32
        %scan3A_182 = arith.constant 6 : i32
        %scan3A_183 = arith.addi %scan3A_85, %scan3A_182 : i32
        %mul3A_184 = arith.constant 16 : i32
        %mul3A_185 = arith.muli %scan3A_183, %mul3A_184 : i32
        %get3A_186 = arith.index_cast %mul3A_185 : i32 to index
        %get3A_187 = tpu.vector_load %arg5[%get3A_186] {strides = array<i32>} : memref<16384xi32, #tpu.memory_space<vmem>>, vector<16xi32>,
        %ge3A_188 = vector.broadcast %mul3A_2 : i32 to vector<16xi32>
        %ge3A_189 = arith.cmpi sge, %get3A_187, %ge3A_188 : vector<16xi32>
        %add3A_190 = arith.constant 320 : i32
        %add3A_191 = arith.addi %mul3A_2, %add3A_190 : i32
        %lt3A_192 = vector.broadcast %add3A_191 : i32 to vector<16xi32>
        %lt3A_193 = arith.cmpi slt, %get3A_187, %lt3A_192 : vector<16xi32>
        %and3A_194 = arith.andi %ge3A_189, %lt3A_193 : vector<16xi1>
        %all_reduce_population_count3A_195 = tpu.all_reduce %and3A_194 {dim = 0 : i64, kind = #tpu.reduction_kind<sum>} : vector<16xi1> -> vector<16xi32>
        %swap3A_196 = arith.index_cast %scan3A_183 : i32 to index
        %swap3A_197 = tpu.vector_load %arg6[%swap3A_196] masked %eq3A_32 {strides = array<i32>} : memref<1040xi32, #tpu.memory_space<vmem>>, vector<16xi32>, vector<16xi1>
        tpu.vector_store %arg6[%swap3A_196], %all_reduce_population_count3A_195 masked %eq3A_32 {strides = array<i32>} : memref<1040xi32, #tpu.memory_space<vmem>>, vector<16xi32>, vector<16xi1>
        %scan3A_198 = arith.constant 0 : i32
        %scan3A_199 = arith.constant 7 : i32
        %scan3A_200 = arith.addi %scan3A_85, %scan3A_199 : i32
        %mul3A_201 = arith.constant 16 : i32
        %mul3A_202 = arith.muli %scan3A_200, %mul3A_201 : i32
        %get3A_203 = arith.index_cast %mul3A_202 : i32 to index
        %get3A_204 = tpu.vector_load %arg5[%get3A_203] {strides = array<i32>} : memref<16384xi32, #tpu.memory_space<vmem>>, vector<16xi32>,
        %ge3A_205 = vector.broadcast %mul3A_2 : i32 to vector<16xi32>
        %ge3A_206 = arith.cmpi sge, %get3A_204, %ge3A_205 : vector<16xi32>
        %add3A_207 = arith.constant 320 : i32
        %add3A_208 = arith.addi %mul3A_2, %add3A_207 : i32
        %lt3A_209 = vector.broadcast %add3A_208 : i32 to vector<16xi32>
        %lt3A_210 = arith.cmpi slt, %get3A_204, %lt3A_209 : vector<16xi32>
        %and3A_211 = arith.andi %ge3A_206, %lt3A_210 : vector<16xi1>
        %all_reduce_population_count3A_212 = tpu.all_reduce %and3A_211 {dim = 0 : i64, kind = #tpu.reduction_kind<sum>} : vector<16xi1> -> vector<16xi32>
        %swap3A_213 = arith.index_cast %scan3A_200 : i32 to index
        %swap3A_214 = tpu.vector_load %arg6[%swap3A_213] masked %eq3A_32 {strides = array<i32>} : memref<1040xi32, #tpu.memory_space<vmem>>, vector<16xi32>, vector<16xi1>
        tpu.vector_store %arg6[%swap3A_213], %all_reduce_population_count3A_212 masked %eq3A_32 {strides = array<i32>} : memref<1040xi32, #tpu.memory_space<vmem>>, vector<16xi32>, vector<16xi1>
        %scan3A_215 = arith.constant 0 : i32
        scf.yield %scan3A_215 : i32
      }
      %scan3A_39 = arith.constant 1024 : i32
      %scan3A_40 = arith.constant 0 : i32
      %scan3A_41 = arith.constant 0 : i32
      %scan3A_42 = arith.constant 64 : i32
      %scan3A_43 = arith.addi %scan3A_41, %scan3A_42 : i32
      %scan3A_44 = arith.constant 1 : i32
      %scan3A_45 = scf.for %scan3A_85 = %scan3A_41 to %scan3A_43 step %scan3A_44 iter_args(%scan3A_86 = %scan3A_40) -> (i32)  : i32 {
        %mul3A_87 = arith.constant 16 : i32
        %mul3A_88 = arith.muli %scan3A_85, %mul3A_87 : i32
        %get3A = arith.index_cast %mul3A_88 : i32 to index
        %get3A_89 = tpu.vector_load %arg6[%get3A] {strides = array<i32>} : memref<1040xi32, #tpu.memory_space<vmem>>, vector<16xi32>,
        %broadcast_in_dim3A_90 = arith.constant true
        %broadcast_in_dim3A_91 = vector.broadcast %broadcast_in_dim3A_90 : i1 to vector<16xi1>
        %masked_cumsum3A = tpu.scan <sum>, %get3A_89 masked %broadcast_in_dim3A_91 : vector<16xi32>, vector<16xi1> -> vector<16xi32>
        %add3A_92 = vector.broadcast %scan3A_86 : i32 to vector<16xi32>
        %add3A_93 = arith.addi %add3A_92, %masked_cumsum3A : vector<16xi32>
        %sub3A_94 = arith.subi %add3A_93, %get3A_89 : vector<16xi32>
        %mul3A_95 = arith.constant 16 : i32
        %mul3A_96 = arith.muli %scan3A_85, %mul3A_95 : i32
        %swap3A = arith.index_cast %mul3A_96 : i32 to index
        %swap3A_97 = tpu.vector_load %arg7[%swap3A] {strides = array<i32>} : memref<1024xi32, #tpu.memory_space<vmem>>, vector<16xi32>,
        tpu.vector_store %arg7[%swap3A], %sub3A_94 {strides = array<i32>} : memref<1024xi32, #tpu.memory_space<vmem>>, vector<16xi32>,
        %slice3A = vector.extract_strided_slice %masked_cumsum3A {offsets = [15], sizes = [1], strides = [1]} : vector<16xi32> to vector<1xi32>
        %squeeze3A = vector.extract %slice3A[0] : i32 from vector<1xi32>
        %add3A_98 = arith.addi %scan3A_86, %squeeze3A : i32
        scf.yield %add3A_98 : i32
      }
      %scan3A_46 = arith.constant 64 : i32
      %scan3A_47 = arith.constant 0 : i32
      %scan3A_48 = arith.constant 0 : i32
      %scan3A_49 = arith.constant 64 : i32
      %scan3A_50 = arith.addi %scan3A_48, %scan3A_49 : i32
      %scan3A_51 = arith.constant 1 : i32
      %scan3A_52 = scf.for %scan3A_85 = %scan3A_48 to %scan3A_50 step %scan3A_51 iter_args(%scan3A_86 = %scan3A_47) -> (i32)  : i32 {
        %mul3A_87 = arith.constant 16 : i32
        %mul3A_88 = arith.muli %scan3A_85, %mul3A_87 : i32
        %get3A = arith.index_cast %mul3A_88 : i32 to index
        %get3A_89 = tpu.vector_load %arg7[%get3A] {strides = array<i32>} : memref<1024xi32, #tpu.memory_space<vmem>>, vector<16xi32>,
        %mul3A_90 = arith.constant 16 : i32
        %mul3A_91 = arith.muli %scan3A_85, %mul3A_90 : i32
        %add3A_92 = arith.constant 0 : i32
        %add3A_93 = arith.addi %mul3A_91, %add3A_92 : i32
        %mul3A_94 = arith.constant 16 : i32
        %mul3A_95 = arith.muli %add3A_93, %mul3A_94 : i32
        %get3A_96 = arith.index_cast %mul3A_95 : i32 to index
        %get3A_97 = tpu.vector_load %arg5[%get3A_96] {strides = array<i32>} : memref<16384xi32, #tpu.memory_space<vmem>>, vector<16xi32>,
        %ge3A = vector.broadcast %mul3A_2 : i32 to vector<16xi32>
        %ge3A_98 = arith.cmpi sge, %get3A_97, %ge3A : vector<16xi32>
        %add3A_99 = arith.constant 320 : i32
        %add3A_100 = arith.addi %mul3A_2, %add3A_99 : i32
        %lt3A = vector.broadcast %add3A_100 : i32 to vector<16xi32>
        %lt3A_101 = arith.cmpi slt, %get3A_97, %lt3A : vector<16xi32>
        %and3A_102 = arith.andi %ge3A_98, %lt3A_101 : vector<16xi1>
        %mul3A_103 = arith.constant 16 : i32
        %mul3A_104 = arith.muli %add3A_93, %mul3A_103 : i32
        %add3A_105 = arith.addi %mul3A_30, %mul3A_104 : i32
        %add3A_106 = vector.broadcast %add3A_105 : i32 to vector<16xi32>
        %add3A_107 = arith.addi %add3A_106, %iota3A : vector<16xi32>
        %slice3A = vector.extract_strided_slice %get3A_89 {offsets = [0], sizes = [1], strides = [1]} : vector<16xi32> to vector<1xi32>
        %squeeze3A = vector.extract %slice3A[0] : i32 from vector<1xi32>
        %swap3A = arith.index_cast %squeeze3A : i32 to index
        %swap3A_108 = tpu.vector_load %arg8[%swap3A] masked %and3A_102 {strides = array<i32>} : memref<16400xi32, #tpu.memory_space<vmem>>, vector<16xi32>, vector<16xi1>
        tpu.vector_store %arg8[%swap3A], %add3A_107 masked %and3A_102 {strides = array<i32>} : memref<16400xi32, #tpu.memory_space<vmem>>, vector<16xi32>, vector<16xi1>
        %swap3A_109 = arith.index_cast %squeeze3A : i32 to index
        %swap3A_110 = tpu.vector_load %arg9[%swap3A_109] masked %and3A_102 {strides = array<i32>} : memref<16400xi32, #tpu.memory_space<vmem>>, vector<16xi32>, vector<16xi1>
        tpu.vector_store %arg9[%swap3A_109], %get3A_97 masked %and3A_102 {strides = array<i32>} : memref<16400xi32, #tpu.memory_space<vmem>>, vector<16xi32>, vector<16xi1>
        %mul3A_111 = arith.constant 16 : i32
        %mul3A_112 = arith.muli %scan3A_85, %mul3A_111 : i32
        %add3A_113 = arith.constant 1 : i32
        %add3A_114 = arith.addi %mul3A_112, %add3A_113 : i32
        %mul3A_115 = arith.constant 16 : i32
        %mul3A_116 = arith.muli %add3A_114, %mul3A_115 : i32
        %get3A_117 = arith.index_cast %mul3A_116 : i32 to index
        %get3A_118 = tpu.vector_load %arg5[%get3A_117] {strides = array<i32>} : memref<16384xi32, #tpu.memory_space<vmem>>, vector<16xi32>,
        %ge3A_119 = vector.broadcast %mul3A_2 : i32 to vector<16xi32>
        %ge3A_120 = arith.cmpi sge, %get3A_118, %ge3A_119 : vector<16xi32>
        %add3A_121 = arith.constant 320 : i32
        %add3A_122 = arith.addi %mul3A_2, %add3A_121 : i32
        %lt3A_123 = vector.broadcast %add3A_122 : i32 to vector<16xi32>
        %lt3A_124 = arith.cmpi slt, %get3A_118, %lt3A_123 : vector<16xi32>
        %and3A_125 = arith.andi %ge3A_120, %lt3A_124 : vector<16xi1>
        %mul3A_126 = arith.constant 16 : i32
        %mul3A_127 = arith.muli %add3A_114, %mul3A_126 : i32
        %add3A_128 = arith.addi %mul3A_30, %mul3A_127 : i32
        %add3A_129 = vector.broadcast %add3A_128 : i32 to vector<16xi32>
        %add3A_130 = arith.addi %add3A_129, %iota3A : vector<16xi32>
        %slice3A_131 = vector.extract_strided_slice %get3A_89 {offsets = [1], sizes = [1], strides = [1]} : vector<16xi32> to vector<1xi32>
        %squeeze3A_132 = vector.extract %slice3A_131[0] : i32 from vector<1xi32>
        %swap3A_133 = arith.index_cast %squeeze3A_132 : i32 to index
        %swap3A_134 = tpu.vector_load %arg8[%swap3A_133] masked %and3A_125 {strides = array<i32>} : memref<16400xi32, #tpu.memory_space<vmem>>, vector<16xi32>, vector<16xi1>
        tpu.vector_store %arg8[%swap3A_133], %add3A_130 masked %and3A_125 {strides = array<i32>} : memref<16400xi32, #tpu.memory_space<vmem>>, vector<16xi32>, vector<16xi1>
        %swap3A_135 = arith.index_cast %squeeze3A_132 : i32 to index
        %swap3A_136 = tpu.vector_load %arg9[%swap3A_135] masked %and3A_125 {strides = array<i32>} : memref<16400xi32, #tpu.memory_space<vmem>>, vector<16xi32>, vector<16xi1>
        tpu.vector_store %arg9[%swap3A_135], %get3A_118 masked %and3A_125 {strides = array<i32>} : memref<16400xi32, #tpu.memory_space<vmem>>, vector<16xi32>, vector<16xi1>
        %mul3A_137 = arith.constant 16 : i32
        %mul3A_138 = arith.muli %scan3A_85, %mul3A_137 : i32
        %add3A_139 = arith.constant 2 : i32
        %add3A_140 = arith.addi %mul3A_138, %add3A_139 : i32
        %mul3A_141 = arith.constant 16 : i32
        %mul3A_142 = arith.muli %add3A_140, %mul3A_141 : i32
        %get3A_143 = arith.index_cast %mul3A_142 : i32 to index
        %get3A_144 = tpu.vector_load %arg5[%get3A_143] {strides = array<i32>} : memref<16384xi32, #tpu.memory_space<vmem>>, vector<16xi32>,
        %ge3A_145 = vector.broadcast %mul3A_2 : i32 to vector<16xi32>
        %ge3A_146 = arith.cmpi sge, %get3A_144, %ge3A_145 : vector<16xi32>
        %add3A_147 = arith.constant 320 : i32
        %add3A_148 = arith.addi %mul3A_2, %add3A_147 : i32
        %lt3A_149 = vector.broadcast %add3A_148 : i32 to vector<16xi32>
        %lt3A_150 = arith.cmpi slt, %get3A_144, %lt3A_149 : vector<16xi32>
        %and3A_151 = arith.andi %ge3A_146, %lt3A_150 : vector<16xi1>
        %mul3A_152 = arith.constant 16 : i32
        %mul3A_153 = arith.muli %add3A_140, %mul3A_152 : i32
        %add3A_154 = arith.addi %mul3A_30, %mul3A_153 : i32
        %add3A_155 = vector.broadcast %add3A_154 : i32 to vector<16xi32>
        %add3A_156 = arith.addi %add3A_155, %iota3A : vector<16xi32>
        %slice3A_157 = vector.extract_strided_slice %get3A_89 {offsets = [2], sizes = [1], strides = [1]} : vector<16xi32> to vector<1xi32>
        %squeeze3A_158 = vector.extract %slice3A_157[0] : i32 from vector<1xi32>
        %swap3A_159 = arith.index_cast %squeeze3A_158 : i32 to index
        %swap3A_160 = tpu.vector_load %arg8[%swap3A_159] masked %and3A_151 {strides = array<i32>} : memref<16400xi32, #tpu.memory_space<vmem>>, vector<16xi32>, vector<16xi1>
        tpu.vector_store %arg8[%swap3A_159], %add3A_156 masked %and3A_151 {strides = array<i32>} : memref<16400xi32, #tpu.memory_space<vmem>>, vector<16xi32>, vector<16xi1>
        %swap3A_161 = arith.index_cast %squeeze3A_158 : i32 to index
        %swap3A_162 = tpu.vector_load %arg9[%swap3A_161] masked %and3A_151 {strides = array<i32>} : memref<16400xi32, #tpu.memory_space<vmem>>, vector<16xi32>, vector<16xi1>
        tpu.vector_store %arg9[%swap3A_161], %get3A_144 masked %and3A_151 {strides = array<i32>} : memref<16400xi32, #tpu.memory_space<vmem>>, vector<16xi32>, vector<16xi1>
        %mul3A_163 = arith.constant 16 : i32
        %mul3A_164 = arith.muli %scan3A_85, %mul3A_163 : i32
        %add3A_165 = arith.constant 3 : i32
        %add3A_166 = arith.addi %mul3A_164, %add3A_165 : i32
        %mul3A_167 = arith.constant 16 : i32
        %mul3A_168 = arith.muli %add3A_166, %mul3A_167 : i32
        %get3A_169 = arith.index_cast %mul3A_168 : i32 to index
        %get3A_170 = tpu.vector_load %arg5[%get3A_169] {strides = array<i32>} : memref<16384xi32, #tpu.memory_space<vmem>>, vector<16xi32>,
        %ge3A_171 = vector.broadcast %mul3A_2 : i32 to vector<16xi32>
        %ge3A_172 = arith.cmpi sge, %get3A_170, %ge3A_171 : vector<16xi32>
        %add3A_173 = arith.constant 320 : i32
        %add3A_174 = arith.addi %mul3A_2, %add3A_173 : i32
        %lt3A_175 = vector.broadcast %add3A_174 : i32 to vector<16xi32>
        %lt3A_176 = arith.cmpi slt, %get3A_170, %lt3A_175 : vector<16xi32>
        %and3A_177 = arith.andi %ge3A_172, %lt3A_176 : vector<16xi1>
        %mul3A_178 = arith.constant 16 : i32
        %mul3A_179 = arith.muli %add3A_166, %mul3A_178 : i32
        %add3A_180 = arith.addi %mul3A_30, %mul3A_179 : i32
        %add3A_181 = vector.broadcast %add3A_180 : i32 to vector<16xi32>
        %add3A_182 = arith.addi %add3A_181, %iota3A : vector<16xi32>
        %slice3A_183 = vector.extract_strided_slice %get3A_89 {offsets = [3], sizes = [1], strides = [1]} : vector<16xi32> to vector<1xi32>
        %squeeze3A_184 = vector.extract %slice3A_183[0] : i32 from vector<1xi32>
        %swap3A_185 = arith.index_cast %squeeze3A_184 : i32 to index
        %swap3A_186 = tpu.vector_load %arg8[%swap3A_185] masked %and3A_177 {strides = array<i32>} : memref<16400xi32, #tpu.memory_space<vmem>>, vector<16xi32>, vector<16xi1>
        tpu.vector_store %arg8[%swap3A_185], %add3A_182 masked %and3A_177 {strides = array<i32>} : memref<16400xi32, #tpu.memory_space<vmem>>, vector<16xi32>, vector<16xi1>
        %swap3A_187 = arith.index_cast %squeeze3A_184 : i32 to index
        %swap3A_188 = tpu.vector_load %arg9[%swap3A_187] masked %and3A_177 {strides = array<i32>} : memref<16400xi32, #tpu.memory_space<vmem>>, vector<16xi32>, vector<16xi1>
        tpu.vector_store %arg9[%swap3A_187], %get3A_170 masked %and3A_177 {strides = array<i32>} : memref<16400xi32, #tpu.memory_space<vmem>>, vector<16xi32>, vector<16xi1>
        %mul3A_189 = arith.constant 16 : i32
        %mul3A_190 = arith.muli %scan3A_85, %mul3A_189 : i32
        %add3A_191 = arith.constant 4 : i32
        %add3A_192 = arith.addi %mul3A_190, %add3A_191 : i32
        %mul3A_193 = arith.constant 16 : i32
        %mul3A_194 = arith.muli %add3A_192, %mul3A_193 : i32
        %get3A_195 = arith.index_cast %mul3A_194 : i32 to index
        %get3A_196 = tpu.vector_load %arg5[%get3A_195] {strides = array<i32>} : memref<16384xi32, #tpu.memory_space<vmem>>, vector<16xi32>,
        %ge3A_197 = vector.broadcast %mul3A_2 : i32 to vector<16xi32>
        %ge3A_198 = arith.cmpi sge, %get3A_196, %ge3A_197 : vector<16xi32>
        %add3A_199 = arith.constant 320 : i32
        %add3A_200 = arith.addi %mul3A_2, %add3A_199 : i32
        %lt3A_201 = vector.broadcast %add3A_200 : i32 to vector<16xi32>
        %lt3A_202 = arith.cmpi slt, %get3A_196, %lt3A_201 : vector<16xi32>
        %and3A_203 = arith.andi %ge3A_198, %lt3A_202 : vector<16xi1>
        %mul3A_204 = arith.constant 16 : i32
        %mul3A_205 = arith.muli %add3A_192, %mul3A_204 : i32
        %add3A_206 = arith.addi %mul3A_30, %mul3A_205 : i32
        %add3A_207 = vector.broadcast %add3A_206 : i32 to vector<16xi32>
        %add3A_208 = arith.addi %add3A_207, %iota3A : vector<16xi32>
        %slice3A_209 = vector.extract_strided_slice %get3A_89 {offsets = [4], sizes = [1], strides = [1]} : vector<16xi32> to vector<1xi32>
        %squeeze3A_210 = vector.extract %slice3A_209[0] : i32 from vector<1xi32>
        %swap3A_211 = arith.index_cast %squeeze3A_210 : i32 to index
        %swap3A_212 = tpu.vector_load %arg8[%swap3A_211] masked %and3A_203 {strides = array<i32>} : memref<16400xi32, #tpu.memory_space<vmem>>, vector<16xi32>, vector<16xi1>
        tpu.vector_store %arg8[%swap3A_211], %add3A_208 masked %and3A_203 {strides = array<i32>} : memref<16400xi32, #tpu.memory_space<vmem>>, vector<16xi32>, vector<16xi1>
        %swap3A_213 = arith.index_cast %squeeze3A_210 : i32 to index
        %swap3A_214 = tpu.vector_load %arg9[%swap3A_213] masked %and3A_203 {strides = array<i32>} : memref<16400xi32, #tpu.memory_space<vmem>>, vector<16xi32>, vector<16xi1>
        tpu.vector_store %arg9[%swap3A_213], %get3A_196 masked %and3A_203 {strides = array<i32>} : memref<16400xi32, #tpu.memory_space<vmem>>, vector<16xi32>, vector<16xi1>
        %mul3A_215 = arith.constant 16 : i32
        %mul3A_216 = arith.muli %scan3A_85, %mul3A_215 : i32
        %add3A_217 = arith.constant 5 : i32
        %add3A_218 = arith.addi %mul3A_216, %add3A_217 : i32
        %mul3A_219 = arith.constant 16 : i32
        %mul3A_220 = arith.muli %add3A_218, %mul3A_219 : i32
        %get3A_221 = arith.index_cast %mul3A_220 : i32 to index
        %get3A_222 = tpu.vector_load %arg5[%get3A_221] {strides = array<i32>} : memref<16384xi32, #tpu.memory_space<vmem>>, vector<16xi32>,
        %ge3A_223 = vector.broadcast %mul3A_2 : i32 to vector<16xi32>
        %ge3A_224 = arith.cmpi sge, %get3A_222, %ge3A_223 : vector<16xi32>
        %add3A_225 = arith.constant 320 : i32
        %add3A_226 = arith.addi %mul3A_2, %add3A_225 : i32
        %lt3A_227 = vector.broadcast %add3A_226 : i32 to vector<16xi32>
        %lt3A_228 = arith.cmpi slt, %get3A_222, %lt3A_227 : vector<16xi32>
        %and3A_229 = arith.andi %ge3A_224, %lt3A_228 : vector<16xi1>
        %mul3A_230 = arith.constant 16 : i32
        %mul3A_231 = arith.muli %add3A_218, %mul3A_230 : i32
        %add3A_232 = arith.addi %mul3A_30, %mul3A_231 : i32
        %add3A_233 = vector.broadcast %add3A_232 : i32 to vector<16xi32>
        %add3A_234 = arith.addi %add3A_233, %iota3A : vector<16xi32>
        %slice3A_235 = vector.extract_strided_slice %get3A_89 {offsets = [5], sizes = [1], strides = [1]} : vector<16xi32> to vector<1xi32>
        %squeeze3A_236 = vector.extract %slice3A_235[0] : i32 from vector<1xi32>
        %swap3A_237 = arith.index_cast %squeeze3A_236 : i32 to index
        %swap3A_238 = tpu.vector_load %arg8[%swap3A_237] masked %and3A_229 {strides = array<i32>} : memref<16400xi32, #tpu.memory_space<vmem>>, vector<16xi32>, vector<16xi1>
        tpu.vector_store %arg8[%swap3A_237], %add3A_234 masked %and3A_229 {strides = array<i32>} : memref<16400xi32, #tpu.memory_space<vmem>>, vector<16xi32>, vector<16xi1>
        %swap3A_239 = arith.index_cast %squeeze3A_236 : i32 to index
        %swap3A_240 = tpu.vector_load %arg9[%swap3A_239] masked %and3A_229 {strides = array<i32>} : memref<16400xi32, #tpu.memory_space<vmem>>, vector<16xi32>, vector<16xi1>
        tpu.vector_store %arg9[%swap3A_239], %get3A_222 masked %and3A_229 {strides = array<i32>} : memref<16400xi32, #tpu.memory_space<vmem>>, vector<16xi32>, vector<16xi1>
        %mul3A_241 = arith.constant 16 : i32
        %mul3A_242 = arith.muli %scan3A_85, %mul3A_241 : i32
        %add3A_243 = arith.constant 6 : i32
        %add3A_244 = arith.addi %mul3A_242, %add3A_243 : i32
        %mul3A_245 = arith.constant 16 : i32
        %mul3A_246 = arith.muli %add3A_244, %mul3A_245 : i32
        %get3A_247 = arith.index_cast %mul3A_246 : i32 to index
        %get3A_248 = tpu.vector_load %arg5[%get3A_247] {strides = array<i32>} : memref<16384xi32, #tpu.memory_space<vmem>>, vector<16xi32>,
        %ge3A_249 = vector.broadcast %mul3A_2 : i32 to vector<16xi32>
        %ge3A_250 = arith.cmpi sge, %get3A_248, %ge3A_249 : vector<16xi32>
        %add3A_251 = arith.constant 320 : i32
        %add3A_252 = arith.addi %mul3A_2, %add3A_251 : i32
        %lt3A_253 = vector.broadcast %add3A_252 : i32 to vector<16xi32>
        %lt3A_254 = arith.cmpi slt, %get3A_248, %lt3A_253 : vector<16xi32>
        %and3A_255 = arith.andi %ge3A_250, %lt3A_254 : vector<16xi1>
        %mul3A_256 = arith.constant 16 : i32
        %mul3A_257 = arith.muli %add3A_244, %mul3A_256 : i32
        %add3A_258 = arith.addi %mul3A_30, %mul3A_257 : i32
        %add3A_259 = vector.broadcast %add3A_258 : i32 to vector<16xi32>
        %add3A_260 = arith.addi %add3A_259, %iota3A : vector<16xi32>
        %slice3A_261 = vector.extract_strided_slice %get3A_89 {offsets = [6], sizes = [1], strides = [1]} : vector<16xi32> to vector<1xi32>
        %squeeze3A_262 = vector.extract %slice3A_261[0] : i32 from vector<1xi32>
        %swap3A_263 = arith.index_cast %squeeze3A_262 : i32 to index
        %swap3A_264 = tpu.vector_load %arg8[%swap3A_263] masked %and3A_255 {strides = array<i32>} : memref<16400xi32, #tpu.memory_space<vmem>>, vector<16xi32>, vector<16xi1>
        tpu.vector_store %arg8[%swap3A_263], %add3A_260 masked %and3A_255 {strides = array<i32>} : memref<16400xi32, #tpu.memory_space<vmem>>, vector<16xi32>, vector<16xi1>
        %swap3A_265 = arith.index_cast %squeeze3A_262 : i32 to index
        %swap3A_266 = tpu.vector_load %arg9[%swap3A_265] masked %and3A_255 {strides = array<i32>} : memref<16400xi32, #tpu.memory_space<vmem>>, vector<16xi32>, vector<16xi1>
        tpu.vector_store %arg9[%swap3A_265], %get3A_248 masked %and3A_255 {strides = array<i32>} : memref<16400xi32, #tpu.memory_space<vmem>>, vector<16xi32>, vector<16xi1>
        %mul3A_267 = arith.constant 16 : i32
        %mul3A_268 = arith.muli %scan3A_85, %mul3A_267 : i32
        %add3A_269 = arith.constant 7 : i32
        %add3A_270 = arith.addi %mul3A_268, %add3A_269 : i32
        %mul3A_271 = arith.constant 16 : i32
        %mul3A_272 = arith.muli %add3A_270, %mul3A_271 : i32
        %get3A_273 = arith.index_cast %mul3A_272 : i32 to index
        %get3A_274 = tpu.vector_load %arg5[%get3A_273] {strides = array<i32>} : memref<16384xi32, #tpu.memory_space<vmem>>, vector<16xi32>,
        %ge3A_275 = vector.broadcast %mul3A_2 : i32 to vector<16xi32>
        %ge3A_276 = arith.cmpi sge, %get3A_274, %ge3A_275 : vector<16xi32>
        %add3A_277 = arith.constant 320 : i32
        %add3A_278 = arith.addi %mul3A_2, %add3A_277 : i32
        %lt3A_279 = vector.broadcast %add3A_278 : i32 to vector<16xi32>
        %lt3A_280 = arith.cmpi slt, %get3A_274, %lt3A_279 : vector<16xi32>
        %and3A_281 = arith.andi %ge3A_276, %lt3A_280 : vector<16xi1>
        %mul3A_282 = arith.constant 16 : i32
        %mul3A_283 = arith.muli %add3A_270, %mul3A_282 : i32
        %add3A_284 = arith.addi %mul3A_30, %mul3A_283 : i32
        %add3A_285 = vector.broadcast %add3A_284 : i32 to vector<16xi32>
        %add3A_286 = arith.addi %add3A_285, %iota3A : vector<16xi32>
        %slice3A_287 = vector.extract_strided_slice %get3A_89 {offsets = [7], sizes = [1], strides = [1]} : vector<16xi32> to vector<1xi32>
        %squeeze3A_288 = vector.extract %slice3A_287[0] : i32 from vector<1xi32>
        %swap3A_289 = arith.index_cast %squeeze3A_288 : i32 to index
        %swap3A_290 = tpu.vector_load %arg8[%swap3A_289] masked %and3A_281 {strides = array<i32>} : memref<16400xi32, #tpu.memory_space<vmem>>, vector<16xi32>, vector<16xi1>
        tpu.vector_store %arg8[%swap3A_289], %add3A_286 masked %and3A_281 {strides = array<i32>} : memref<16400xi32, #tpu.memory_space<vmem>>, vector<16xi32>, vector<16xi1>
        %swap3A_291 = arith.index_cast %squeeze3A_288 : i32 to index
        %swap3A_292 = tpu.vector_load %arg9[%swap3A_291] masked %and3A_281 {strides = array<i32>} : memref<16400xi32, #tpu.memory_space<vmem>>, vector<16xi32>, vector<16xi1>
        tpu.vector_store %arg9[%swap3A_291], %get3A_274 masked %and3A_281 {strides = array<i32>} : memref<16400xi32, #tpu.memory_space<vmem>>, vector<16xi32>, vector<16xi1>
        %mul3A_293 = arith.constant 16 : i32
        %mul3A_294 = arith.muli %scan3A_85, %mul3A_293 : i32
        %add3A_295 = arith.constant 8 : i32
        %add3A_296 = arith.addi %mul3A_294, %add3A_295 : i32
        %mul3A_297 = arith.constant 16 : i32
        %mul3A_298 = arith.muli %add3A_296, %mul3A_297 : i32
        %get3A_299 = arith.index_cast %mul3A_298 : i32 to index
        %get3A_300 = tpu.vector_load %arg5[%get3A_299] {strides = array<i32>} : memref<16384xi32, #tpu.memory_space<vmem>>, vector<16xi32>,
        %ge3A_301 = vector.broadcast %mul3A_2 : i32 to vector<16xi32>
        %ge3A_302 = arith.cmpi sge, %get3A_300, %ge3A_301 : vector<16xi32>
        %add3A_303 = arith.constant 320 : i32
        %add3A_304 = arith.addi %mul3A_2, %add3A_303 : i32
        %lt3A_305 = vector.broadcast %add3A_304 : i32 to vector<16xi32>
        %lt3A_306 = arith.cmpi slt, %get3A_300, %lt3A_305 : vector<16xi32>
        %and3A_307 = arith.andi %ge3A_302, %lt3A_306 : vector<16xi1>
        %mul3A_308 = arith.constant 16 : i32
        %mul3A_309 = arith.muli %add3A_296, %mul3A_308 : i32
        %add3A_310 = arith.addi %mul3A_30, %mul3A_309 : i32
        %add3A_311 = vector.broadcast %add3A_310 : i32 to vector<16xi32>
        %add3A_312 = arith.addi %add3A_311, %iota3A : vector<16xi32>
        %slice3A_313 = vector.extract_strided_slice %get3A_89 {offsets = [8], sizes = [1], strides = [1]} : vector<16xi32> to vector<1xi32>
        %squeeze3A_314 = vector.extract %slice3A_313[0] : i32 from vector<1xi32>
        %swap3A_315 = arith.index_cast %squeeze3A_314 : i32 to index
        %swap3A_316 = tpu.vector_load %arg8[%swap3A_315] masked %and3A_307 {strides = array<i32>} : memref<16400xi32, #tpu.memory_space<vmem>>, vector<16xi32>, vector<16xi1>
        tpu.vector_store %arg8[%swap3A_315], %add3A_312 masked %and3A_307 {strides = array<i32>} : memref<16400xi32, #tpu.memory_space<vmem>>, vector<16xi32>, vector<16xi1>
        %swap3A_317 = arith.index_cast %squeeze3A_314 : i32 to index
        %swap3A_318 = tpu.vector_load %arg9[%swap3A_317] masked %and3A_307 {strides = array<i32>} : memref<16400xi32, #tpu.memory_space<vmem>>, vector<16xi32>, vector<16xi1>
        tpu.vector_store %arg9[%swap3A_317], %get3A_300 masked %and3A_307 {strides = array<i32>} : memref<16400xi32, #tpu.memory_space<vmem>>, vector<16xi32>, vector<16xi1>
        %mul3A_319 = arith.constant 16 : i32
        %mul3A_320 = arith.muli %scan3A_85, %mul3A_319 : i32
        %add3A_321 = arith.constant 9 : i32
        %add3A_322 = arith.addi %mul3A_320, %add3A_321 : i32
        %mul3A_323 = arith.constant 16 : i32
        %mul3A_324 = arith.muli %add3A_322, %mul3A_323 : i32
        %get3A_325 = arith.index_cast %mul3A_324 : i32 to index
        %get3A_326 = tpu.vector_load %arg5[%get3A_325] {strides = array<i32>} : memref<16384xi32, #tpu.memory_space<vmem>>, vector<16xi32>,
        %ge3A_327 = vector.broadcast %mul3A_2 : i32 to vector<16xi32>
        %ge3A_328 = arith.cmpi sge, %get3A_326, %ge3A_327 : vector<16xi32>
        %add3A_329 = arith.constant 320 : i32
        %add3A_330 = arith.addi %mul3A_2, %add3A_329 : i32
        %lt3A_331 = vector.broadcast %add3A_330 : i32 to vector<16xi32>
        %lt3A_332 = arith.cmpi slt, %get3A_326, %lt3A_331 : vector<16xi32>
        %and3A_333 = arith.andi %ge3A_328, %lt3A_332 : vector<16xi1>
        %mul3A_334 = arith.constant 16 : i32
        %mul3A_335 = arith.muli %add3A_322, %mul3A_334 : i32
        %add3A_336 = arith.addi %mul3A_30, %mul3A_335 : i32
        %add3A_337 = vector.broadcast %add3A_336 : i32 to vector<16xi32>
        %add3A_338 = arith.addi %add3A_337, %iota3A : vector<16xi32>
        %slice3A_339 = vector.extract_strided_slice %get3A_89 {offsets = [9], sizes = [1], strides = [1]} : vector<16xi32> to vector<1xi32>
        %squeeze3A_340 = vector.extract %slice3A_339[0] : i32 from vector<1xi32>
        %swap3A_341 = arith.index_cast %squeeze3A_340 : i32 to index
        %swap3A_342 = tpu.vector_load %arg8[%swap3A_341] masked %and3A_333 {strides = array<i32>} : memref<16400xi32, #tpu.memory_space<vmem>>, vector<16xi32>, vector<16xi1>
        tpu.vector_store %arg8[%swap3A_341], %add3A_338 masked %and3A_333 {strides = array<i32>} : memref<16400xi32, #tpu.memory_space<vmem>>, vector<16xi32>, vector<16xi1>
        %swap3A_343 = arith.index_cast %squeeze3A_340 : i32 to index
        %swap3A_344 = tpu.vector_load %arg9[%swap3A_343] masked %and3A_333 {strides = array<i32>} : memref<16400xi32, #tpu.memory_space<vmem>>, vector<16xi32>, vector<16xi1>
        tpu.vector_store %arg9[%swap3A_343], %get3A_326 masked %and3A_333 {strides = array<i32>} : memref<16400xi32, #tpu.memory_space<vmem>>, vector<16xi32>, vector<16xi1>
        %mul3A_345 = arith.constant 16 : i32
        %mul3A_346 = arith.muli %scan3A_85, %mul3A_345 : i32
        %add3A_347 = arith.constant 10 : i32
        %add3A_348 = arith.addi %mul3A_346, %add3A_347 : i32
        %mul3A_349 = arith.constant 16 : i32
        %mul3A_350 = arith.muli %add3A_348, %mul3A_349 : i32
        %get3A_351 = arith.index_cast %mul3A_350 : i32 to index
        %get3A_352 = tpu.vector_load %arg5[%get3A_351] {strides = array<i32>} : memref<16384xi32, #tpu.memory_space<vmem>>, vector<16xi32>,
        %ge3A_353 = vector.broadcast %mul3A_2 : i32 to vector<16xi32>
        %ge3A_354 = arith.cmpi sge, %get3A_352, %ge3A_353 : vector<16xi32>
        %add3A_355 = arith.constant 320 : i32
        %add3A_356 = arith.addi %mul3A_2, %add3A_355 : i32
        %lt3A_357 = vector.broadcast %add3A_356 : i32 to vector<16xi32>
        %lt3A_358 = arith.cmpi slt, %get3A_352, %lt3A_357 : vector<16xi32>
        %and3A_359 = arith.andi %ge3A_354, %lt3A_358 : vector<16xi1>
        %mul3A_360 = arith.constant 16 : i32
        %mul3A_361 = arith.muli %add3A_348, %mul3A_360 : i32
        %add3A_362 = arith.addi %mul3A_30, %mul3A_361 : i32
        %add3A_363 = vector.broadcast %add3A_362 : i32 to vector<16xi32>
        %add3A_364 = arith.addi %add3A_363, %iota3A : vector<16xi32>
        %slice3A_365 = vector.extract_strided_slice %get3A_89 {offsets = [10], sizes = [1], strides = [1]} : vector<16xi32> to vector<1xi32>
        %squeeze3A_366 = vector.extract %slice3A_365[0] : i32 from vector<1xi32>
        %swap3A_367 = arith.index_cast %squeeze3A_366 : i32 to index
        %swap3A_368 = tpu.vector_load %arg8[%swap3A_367] masked %and3A_359 {strides = array<i32>} : memref<16400xi32, #tpu.memory_space<vmem>>, vector<16xi32>, vector<16xi1>
        tpu.vector_store %arg8[%swap3A_367], %add3A_364 masked %and3A_359 {strides = array<i32>} : memref<16400xi32, #tpu.memory_space<vmem>>, vector<16xi32>, vector<16xi1>
        %swap3A_369 = arith.index_cast %squeeze3A_366 : i32 to index
        %swap3A_370 = tpu.vector_load %arg9[%swap3A_369] masked %and3A_359 {strides = array<i32>} : memref<16400xi32, #tpu.memory_space<vmem>>, vector<16xi32>, vector<16xi1>
        tpu.vector_store %arg9[%swap3A_369], %get3A_352 masked %and3A_359 {strides = array<i32>} : memref<16400xi32, #tpu.memory_space<vmem>>, vector<16xi32>, vector<16xi1>
        %mul3A_371 = arith.constant 16 : i32
        %mul3A_372 = arith.muli %scan3A_85, %mul3A_371 : i32
        %add3A_373 = arith.constant 11 : i32
        %add3A_374 = arith.addi %mul3A_372, %add3A_373 : i32
        %mul3A_375 = arith.constant 16 : i32
        %mul3A_376 = arith.muli %add3A_374, %mul3A_375 : i32
        %get3A_377 = arith.index_cast %mul3A_376 : i32 to index
        %get3A_378 = tpu.vector_load %arg5[%get3A_377] {strides = array<i32>} : memref<16384xi32, #tpu.memory_space<vmem>>, vector<16xi32>,
        %ge3A_379 = vector.broadcast %mul3A_2 : i32 to vector<16xi32>
        %ge3A_380 = arith.cmpi sge, %get3A_378, %ge3A_379 : vector<16xi32>
        %add3A_381 = arith.constant 320 : i32
        %add3A_382 = arith.addi %mul3A_2, %add3A_381 : i32
        %lt3A_383 = vector.broadcast %add3A_382 : i32 to vector<16xi32>
        %lt3A_384 = arith.cmpi slt, %get3A_378, %lt3A_383 : vector<16xi32>
        %and3A_385 = arith.andi %ge3A_380, %lt3A_384 : vector<16xi1>
        %mul3A_386 = arith.constant 16 : i32
        %mul3A_387 = arith.muli %add3A_374, %mul3A_386 : i32
        %add3A_388 = arith.addi %mul3A_30, %mul3A_387 : i32
        %add3A_389 = vector.broadcast %add3A_388 : i32 to vector<16xi32>
        %add3A_390 = arith.addi %add3A_389, %iota3A : vector<16xi32>
        %slice3A_391 = vector.extract_strided_slice %get3A_89 {offsets = [11], sizes = [1], strides = [1]} : vector<16xi32> to vector<1xi32>
        %squeeze3A_392 = vector.extract %slice3A_391[0] : i32 from vector<1xi32>
        %swap3A_393 = arith.index_cast %squeeze3A_392 : i32 to index
        %swap3A_394 = tpu.vector_load %arg8[%swap3A_393] masked %and3A_385 {strides = array<i32>} : memref<16400xi32, #tpu.memory_space<vmem>>, vector<16xi32>, vector<16xi1>
        tpu.vector_store %arg8[%swap3A_393], %add3A_390 masked %and3A_385 {strides = array<i32>} : memref<16400xi32, #tpu.memory_space<vmem>>, vector<16xi32>, vector<16xi1>
        %swap3A_395 = arith.index_cast %squeeze3A_392 : i32 to index
        %swap3A_396 = tpu.vector_load %arg9[%swap3A_395] masked %and3A_385 {strides = array<i32>} : memref<16400xi32, #tpu.memory_space<vmem>>, vector<16xi32>, vector<16xi1>
        tpu.vector_store %arg9[%swap3A_395], %get3A_378 masked %and3A_385 {strides = array<i32>} : memref<16400xi32, #tpu.memory_space<vmem>>, vector<16xi32>, vector<16xi1>
        %mul3A_397 = arith.constant 16 : i32
        %mul3A_398 = arith.muli %scan3A_85, %mul3A_397 : i32
        %add3A_399 = arith.constant 12 : i32
        %add3A_400 = arith.addi %mul3A_398, %add3A_399 : i32
        %mul3A_401 = arith.constant 16 : i32
        %mul3A_402 = arith.muli %add3A_400, %mul3A_401 : i32
        %get3A_403 = arith.index_cast %mul3A_402 : i32 to index
        %get3A_404 = tpu.vector_load %arg5[%get3A_403] {strides = array<i32>} : memref<16384xi32, #tpu.memory_space<vmem>>, vector<16xi32>,
        %ge3A_405 = vector.broadcast %mul3A_2 : i32 to vector<16xi32>
        %ge3A_406 = arith.cmpi sge, %get3A_404, %ge3A_405 : vector<16xi32>
        %add3A_407 = arith.constant 320 : i32
        %add3A_408 = arith.addi %mul3A_2, %add3A_407 : i32
        %lt3A_409 = vector.broadcast %add3A_408 : i32 to vector<16xi32>
        %lt3A_410 = arith.cmpi slt, %get3A_404, %lt3A_409 : vector<16xi32>
        %and3A_411 = arith.andi %ge3A_406, %lt3A_410 : vector<16xi1>
        %mul3A_412 = arith.constant 16 : i32
        %mul3A_413 = arith.muli %add3A_400, %mul3A_412 : i32
        %add3A_414 = arith.addi %mul3A_30, %mul3A_413 : i32
        %add3A_415 = vector.broadcast %add3A_414 : i32 to vector<16xi32>
        %add3A_416 = arith.addi %add3A_415, %iota3A : vector<16xi32>
        %slice3A_417 = vector.extract_strided_slice %get3A_89 {offsets = [12], sizes = [1], strides = [1]} : vector<16xi32> to vector<1xi32>
        %squeeze3A_418 = vector.extract %slice3A_417[0] : i32 from vector<1xi32>
        %swap3A_419 = arith.index_cast %squeeze3A_418 : i32 to index
        %swap3A_420 = tpu.vector_load %arg8[%swap3A_419] masked %and3A_411 {strides = array<i32>} : memref<16400xi32, #tpu.memory_space<vmem>>, vector<16xi32>, vector<16xi1>
        tpu.vector_store %arg8[%swap3A_419], %add3A_416 masked %and3A_411 {strides = array<i32>} : memref<16400xi32, #tpu.memory_space<vmem>>, vector<16xi32>, vector<16xi1>
        %swap3A_421 = arith.index_cast %squeeze3A_418 : i32 to index
        %swap3A_422 = tpu.vector_load %arg9[%swap3A_421] masked %and3A_411 {strides = array<i32>} : memref<16400xi32, #tpu.memory_space<vmem>>, vector<16xi32>, vector<16xi1>
        tpu.vector_store %arg9[%swap3A_421], %get3A_404 masked %and3A_411 {strides = array<i32>} : memref<16400xi32, #tpu.memory_space<vmem>>, vector<16xi32>, vector<16xi1>
        %mul3A_423 = arith.constant 16 : i32
        %mul3A_424 = arith.muli %scan3A_85, %mul3A_423 : i32
        %add3A_425 = arith.constant 13 : i32
        %add3A_426 = arith.addi %mul3A_424, %add3A_425 : i32
        %mul3A_427 = arith.constant 16 : i32
        %mul3A_428 = arith.muli %add3A_426, %mul3A_427 : i32
        %get3A_429 = arith.index_cast %mul3A_428 : i32 to index
        %get3A_430 = tpu.vector_load %arg5[%get3A_429] {strides = array<i32>} : memref<16384xi32, #tpu.memory_space<vmem>>, vector<16xi32>,
        %ge3A_431 = vector.broadcast %mul3A_2 : i32 to vector<16xi32>
        %ge3A_432 = arith.cmpi sge, %get3A_430, %ge3A_431 : vector<16xi32>
        %add3A_433 = arith.constant 320 : i32
        %add3A_434 = arith.addi %mul3A_2, %add3A_433 : i32
        %lt3A_435 = vector.broadcast %add3A_434 : i32 to vector<16xi32>
        %lt3A_436 = arith.cmpi slt, %get3A_430, %lt3A_435 : vector<16xi32>
        %and3A_437 = arith.andi %ge3A_432, %lt3A_436 : vector<16xi1>
        %mul3A_438 = arith.constant 16 : i32
        %mul3A_439 = arith.muli %add3A_426, %mul3A_438 : i32
        %add3A_440 = arith.addi %mul3A_30, %mul3A_439 : i32
        %add3A_441 = vector.broadcast %add3A_440 : i32 to vector<16xi32>
        %add3A_442 = arith.addi %add3A_441, %iota3A : vector<16xi32>
        %slice3A_443 = vector.extract_strided_slice %get3A_89 {offsets = [13], sizes = [1], strides = [1]} : vector<16xi32> to vector<1xi32>
        %squeeze3A_444 = vector.extract %slice3A_443[0] : i32 from vector<1xi32>
        %swap3A_445 = arith.index_cast %squeeze3A_444 : i32 to index
        %swap3A_446 = tpu.vector_load %arg8[%swap3A_445] masked %and3A_437 {strides = array<i32>} : memref<16400xi32, #tpu.memory_space<vmem>>, vector<16xi32>, vector<16xi1>
        tpu.vector_store %arg8[%swap3A_445], %add3A_442 masked %and3A_437 {strides = array<i32>} : memref<16400xi32, #tpu.memory_space<vmem>>, vector<16xi32>, vector<16xi1>
        %swap3A_447 = arith.index_cast %squeeze3A_444 : i32 to index
        %swap3A_448 = tpu.vector_load %arg9[%swap3A_447] masked %and3A_437 {strides = array<i32>} : memref<16400xi32, #tpu.memory_space<vmem>>, vector<16xi32>, vector<16xi1>
        tpu.vector_store %arg9[%swap3A_447], %get3A_430 masked %and3A_437 {strides = array<i32>} : memref<16400xi32, #tpu.memory_space<vmem>>, vector<16xi32>, vector<16xi1>
        %mul3A_449 = arith.constant 16 : i32
        %mul3A_450 = arith.muli %scan3A_85, %mul3A_449 : i32
        %add3A_451 = arith.constant 14 : i32
        %add3A_452 = arith.addi %mul3A_450, %add3A_451 : i32
        %mul3A_453 = arith.constant 16 : i32
        %mul3A_454 = arith.muli %add3A_452, %mul3A_453 : i32
        %get3A_455 = arith.index_cast %mul3A_454 : i32 to index
        %get3A_456 = tpu.vector_load %arg5[%get3A_455] {strides = array<i32>} : memref<16384xi32, #tpu.memory_space<vmem>>, vector<16xi32>,
        %ge3A_457 = vector.broadcast %mul3A_2 : i32 to vector<16xi32>
        %ge3A_458 = arith.cmpi sge, %get3A_456, %ge3A_457 : vector<16xi32>
        %add3A_459 = arith.constant 320 : i32
        %add3A_460 = arith.addi %mul3A_2, %add3A_459 : i32
        %lt3A_461 = vector.broadcast %add3A_460 : i32 to vector<16xi32>
        %lt3A_462 = arith.cmpi slt, %get3A_456, %lt3A_461 : vector<16xi32>
        %and3A_463 = arith.andi %ge3A_458, %lt3A_462 : vector<16xi1>
        %mul3A_464 = arith.constant 16 : i32
        %mul3A_465 = arith.muli %add3A_452, %mul3A_464 : i32
        %add3A_466 = arith.addi %mul3A_30, %mul3A_465 : i32
        %add3A_467 = vector.broadcast %add3A_466 : i32 to vector<16xi32>
        %add3A_468 = arith.addi %add3A_467, %iota3A : vector<16xi32>
        %slice3A_469 = vector.extract_strided_slice %get3A_89 {offsets = [14], sizes = [1], strides = [1]} : vector<16xi32> to vector<1xi32>
        %squeeze3A_470 = vector.extract %slice3A_469[0] : i32 from vector<1xi32>
        %swap3A_471 = arith.index_cast %squeeze3A_470 : i32 to index
        %swap3A_472 = tpu.vector_load %arg8[%swap3A_471] masked %and3A_463 {strides = array<i32>} : memref<16400xi32, #tpu.memory_space<vmem>>, vector<16xi32>, vector<16xi1>
        tpu.vector_store %arg8[%swap3A_471], %add3A_468 masked %and3A_463 {strides = array<i32>} : memref<16400xi32, #tpu.memory_space<vmem>>, vector<16xi32>, vector<16xi1>
        %swap3A_473 = arith.index_cast %squeeze3A_470 : i32 to index
        %swap3A_474 = tpu.vector_load %arg9[%swap3A_473] masked %and3A_463 {strides = array<i32>} : memref<16400xi32, #tpu.memory_space<vmem>>, vector<16xi32>, vector<16xi1>
        tpu.vector_store %arg9[%swap3A_473], %get3A_456 masked %and3A_463 {strides = array<i32>} : memref<16400xi32, #tpu.memory_space<vmem>>, vector<16xi32>, vector<16xi1>
        %mul3A_475 = arith.constant 16 : i32
        %mul3A_476 = arith.muli %scan3A_85, %mul3A_475 : i32
        %add3A_477 = arith.constant 15 : i32
        %add3A_478 = arith.addi %mul3A_476, %add3A_477 : i32
        %mul3A_479 = arith.constant 16 : i32
        %mul3A_480 = arith.muli %add3A_478, %mul3A_479 : i32
        %get3A_481 = arith.index_cast %mul3A_480 : i32 to index
        %get3A_482 = tpu.vector_load %arg5[%get3A_481] {strides = array<i32>} : memref<16384xi32, #tpu.memory_space<vmem>>, vector<16xi32>,
        %ge3A_483 = vector.broadcast %mul3A_2 : i32 to vector<16xi32>
        %ge3A_484 = arith.cmpi sge, %get3A_482, %ge3A_483 : vector<16xi32>
        %add3A_485 = arith.constant 320 : i32
        %add3A_486 = arith.addi %mul3A_2, %add3A_485 : i32
        %lt3A_487 = vector.broadcast %add3A_486 : i32 to vector<16xi32>
        %lt3A_488 = arith.cmpi slt, %get3A_482, %lt3A_487 : vector<16xi32>
        %and3A_489 = arith.andi %ge3A_484, %lt3A_488 : vector<16xi1>
        %mul3A_490 = arith.constant 16 : i32
        %mul3A_491 = arith.muli %add3A_478, %mul3A_490 : i32
        %add3A_492 = arith.addi %mul3A_30, %mul3A_491 : i32
        %add3A_493 = vector.broadcast %add3A_492 : i32 to vector<16xi32>
        %add3A_494 = arith.addi %add3A_493, %iota3A : vector<16xi32>
        %slice3A_495 = vector.extract_strided_slice %get3A_89 {offsets = [15], sizes = [1], strides = [1]} : vector<16xi32> to vector<1xi32>
        %squeeze3A_496 = vector.extract %slice3A_495[0] : i32 from vector<1xi32>
        %swap3A_497 = arith.index_cast %squeeze3A_496 : i32 to index
        %swap3A_498 = tpu.vector_load %arg8[%swap3A_497] masked %and3A_489 {strides = array<i32>} : memref<16400xi32, #tpu.memory_space<vmem>>, vector<16xi32>, vector<16xi1>
        tpu.vector_store %arg8[%swap3A_497], %add3A_494 masked %and3A_489 {strides = array<i32>} : memref<16400xi32, #tpu.memory_space<vmem>>, vector<16xi32>, vector<16xi1>
        %swap3A_499 = arith.index_cast %squeeze3A_496 : i32 to index
        %swap3A_500 = tpu.vector_load %arg9[%swap3A_499] masked %and3A_489 {strides = array<i32>} : memref<16400xi32, #tpu.memory_space<vmem>>, vector<16xi32>, vector<16xi1>
        tpu.vector_store %arg9[%swap3A_499], %get3A_482 masked %and3A_489 {strides = array<i32>} : memref<16400xi32, #tpu.memory_space<vmem>>, vector<16xi32>, vector<16xi1>
        %scan3A_501 = arith.constant 0 : i32
        scf.yield %scan3A_501 : i32
      }
      %scan3A_53 = arith.constant 64 : i32
      %add3A_54 = arith.constant 255 : i32
      %add3A_55 = arith.addi %scan3A_45, %add3A_54 : i32
      %jit3A = arith.constant 256 : i32
      %div3A = arith.divsi %add3A_55, %jit3A : i32
      %sign3A = arith.constant 0 : i32
      %sign3A_56 = arith.cmpi sgt, %add3A_55, %sign3A : i32
      %sign3A_57 = arith.extui %sign3A_56 : i1 to i32
      %sign3A_58 = arith.constant 0 : i32
      %sign3A_59 = arith.cmpi slt, %add3A_55, %sign3A_58 : i32
      %sign3A_60 = arith.extui %sign3A_59 : i1 to i32
      %sign3A_61 = arith.subi %sign3A_57, %sign3A_60 : i32
      %sign3A_62 = arith.constant 0 : i32
      %sign3A_63 = arith.cmpi sgt, %jit3A, %sign3A_62 : i32
      %sign3A_64 = arith.extui %sign3A_63 : i1 to i32
      %sign3A_65 = arith.constant 0 : i32
      %sign3A_66 = arith.cmpi slt, %jit3A, %sign3A_65 : i32
      %sign3A_67 = arith.extui %sign3A_66 : i1 to i32
      %sign3A_68 = arith.subi %sign3A_64, %sign3A_67 : i32
      %ne3A = arith.cmpi ne, %sign3A_61, %sign3A_68 : i32
      %rem3A = arith.remsi %add3A_55, %jit3A : i32
      %ne3A_69 = arith.constant 0 : i32
      %ne3A_70 = arith.cmpi ne, %rem3A, %ne3A_69 : i32
      %and3A = arith.andi %ne3A, %ne3A_70 : i1
      %sub3A = arith.constant 1 : i32
      %sub3A_71 = arith.subi %div3A, %sub3A : i32
      %select_n3A = arith.select %and3A, %sub3A_71, %div3A : i32
      %gt3A = arith.constant 0 : i32
      %gt3A_72 = arith.cmpi sgt, %select_n3A, %gt3A : i32
      %convert_element_type3A = arith.extui %gt3A_72 : i1 to i32
      %cond3A = arith.constant 0 : i32
      %cond3A_73 = arith.cmpi ne, %convert_element_type3A, %cond3A : i32
      scf.if %cond3A_73 {
        %dma_start3A = arith.constant 0 : i32
        %dma_start3A_85 = arith.constant 0 : i32
        %dma_start3A_86 = arith.constant 0 : i32
        %dma_start3A_87 = tpu.memref_slice %arg10[%dma_start3A, %dma_start3A_85, %dma_start3A_86] : memref<2x256x64xf32, #tpu.memory_space<vmem>> -> memref<1x256x64xf32, #tpu.memory_space<vmem>>
        %dma_start3A_88 = tpu.memref_squeeze %dma_start3A_87 : memref<1x256x64xf32, #tpu.memory_space<vmem>> -> memref<256x64xf32, #tpu.memory_space<vmem>>
        %dma_start3A_89 = arith.constant 0 : i32
        %dma_start3A_90 = tpu.memref_slice %arg8[%dma_start3A_89] : memref<16400xi32, #tpu.memory_space<vmem>> -> memref<256xi32, #tpu.memory_space<vmem>>
        %dma_start3A_91 = arith.constant 0 : i32
        %dma_start3A_92 = arith.constant 0 : i32
        %dma_start3A_93 = tpu.memref_slice %arg2[%dma_start3A_91, %dma_start3A_92] : memref<163840x64xf32, #tpu.memory_space<hbm>> -> memref<163840x64xf32, #tpu.memory_space<hbm>>
        tpu.enqueue_indirect_dma source(%dma_start3A_93 : memref<163840x64xf32, #tpu.memory_space<hbm>>) target(%dma_start3A_88 : memref<256x64xf32, #tpu.memory_space<vmem>>) offsets(%dma_start3A_90 : memref<256xi32, #tpu.memory_space<vmem>>) semaphore(%arg12 : memref<!tpu.dma_semaphore, #tpu.memory_space<semaphore_mem>>)
      } else {
      }
      %while3A = arith.constant 0 : i32
      %while3A_74 = arith.constant 0 : i32
      %while3A_75 = arith.subi %select_n3A, %while3A : i32
      %while3A_76 = arith.addi %while3A, %while3A_75 : i32
      %while3A_77 = arith.constant 1 : i32
      %while3A_78 = arith.divsi %while3A_75, %while3A_77 : i32
      %while3A_79 = arith.muli %while3A_78, %while3A_77 : i32
      %while3A_80 = arith.addi %while3A, %while3A_79 : i32
      %while3A_81 = arith.constant 1 : i32
      %while3A_82 = scf.for %while3A_85 = %while3A to %while3A_80 step %while3A_81 iter_args(%while3A_86 = %while3A_74) -> (i32)  : i32 {
        %jit3A_87 = arith.constant 2 : i32
        %eq3A_88 = arith.constant 0 : i32
        %eq3A_89 = arith.cmpi eq, %jit3A_87, %eq3A_88 : i32
        %jit3A_90 = arith.constant 1 : i32
        %select_n3A_91 = arith.select %eq3A_89, %jit3A_90, %jit3A_87 : i32
        %rem3A_92 = arith.remsi %while3A_85, %select_n3A_91 : i32
        %ne3A_93 = arith.constant 0 : i32
        %ne3A_94 = arith.cmpi ne, %rem3A_92, %ne3A_93 : i32
        %lt3A = arith.constant 0 : i32
        %lt3A_95 = arith.cmpi slt, %rem3A_92, %lt3A : i32
        %lt3A_96 = arith.constant 0 : i32
        %lt3A_97 = arith.cmpi slt, %select_n3A_91, %lt3A_96 : i32
        %ne3A_98 = arith.xori %lt3A_95, %lt3A_97 : i1
        %and3A_99 = arith.andi %ne3A_98, %ne3A_94 : i1
        %add3A_100 = arith.addi %rem3A_92, %select_n3A_91 : i32
        %select_n3A_101 = arith.select %and3A_99, %add3A_100, %rem3A_92 : i32
        %mul3A_102 = arith.constant 256 : i32
        %mul3A_103 = arith.muli %while3A_85, %mul3A_102 : i32
        %dma_wait3A = arith.constant 0 : i32
        %dma_wait3A_104 = arith.constant 0 : i32
        %dma_wait3A_105 = tpu.memref_slice %arg10[%select_n3A_101, %dma_wait3A, %dma_wait3A_104] : memref<2x256x64xf32, #tpu.memory_space<vmem>> -> memref<1x256x64xf32, #tpu.memory_space<vmem>>
        %dma_wait3A_106 = tpu.memref_squeeze %dma_wait3A_105 : memref<1x256x64xf32, #tpu.memory_space<vmem>> -> memref<256x64xf32, #tpu.memory_space<vmem>>
        %dma_wait3A_107 = tpu.memref_slice %arg8[%mul3A_103] : memref<16400xi32, #tpu.memory_space<vmem>> -> memref<256xi32, #tpu.memory_space<vmem>>
        %dma_wait3A_108 = arith.constant 0 : i32
        %dma_wait3A_109 = arith.constant 0 : i32
        %dma_wait3A_110 = tpu.memref_slice %arg2[%dma_wait3A_108, %dma_wait3A_109] : memref<163840x64xf32, #tpu.memory_space<hbm>> -> memref<163840x64xf32, #tpu.memory_space<hbm>>
        tpu.wait_indirect_dma semaphore(%arg12 : memref<!tpu.dma_semaphore, #tpu.memory_space<semaphore_mem>>) src(%dma_wait3A_110 : memref<163840x64xf32, #tpu.memory_space<hbm>>) dst(%dma_wait3A_106 : memref<256x64xf32, #tpu.memory_space<vmem>>)
        %add3A_111 = arith.constant 1 : i32
        %add3A_112 = arith.addi %while3A_85, %add3A_111 : i32
        %lt3A_113 = arith.cmpi slt, %add3A_112, %select_n3A : i32
        %convert_element_type3A_114 = arith.extui %lt3A_113 : i1 to i32
        %cond3A_115 = arith.constant 0 : i32
        %cond3A_116 = arith.cmpi ne, %convert_element_type3A_114, %cond3A_115 : i32
        scf.if %cond3A_116 {
          %add3A_132 = arith.constant 256 : i32
          %add3A_133 = arith.addi %mul3A_103, %add3A_132 : i32
          %sub3A_134 = arith.constant 1 : i32
          %sub3A_135 = arith.subi %sub3A_134, %select_n3A_101 : i32
          %dma_start3A = arith.constant 0 : i32
          %dma_start3A_136 = arith.constant 0 : i32
          %dma_start3A_137 = tpu.memref_slice %arg10[%sub3A_135, %dma_start3A, %dma_start3A_136] : memref<2x256x64xf32, #tpu.memory_space<vmem>> -> memref<1x256x64xf32, #tpu.memory_space<vmem>>
          %dma_start3A_138 = tpu.memref_squeeze %dma_start3A_137 : memref<1x256x64xf32, #tpu.memory_space<vmem>> -> memref<256x64xf32, #tpu.memory_space<vmem>>
          %dma_start3A_139 = tpu.memref_slice %arg8[%add3A_133] : memref<16400xi32, #tpu.memory_space<vmem>> -> memref<256xi32, #tpu.memory_space<vmem>>
          %dma_start3A_140 = arith.constant 0 : i32
          %dma_start3A_141 = arith.constant 0 : i32
          %dma_start3A_142 = tpu.memref_slice %arg2[%dma_start3A_140, %dma_start3A_141] : memref<163840x64xf32, #tpu.memory_space<hbm>> -> memref<163840x64xf32, #tpu.memory_space<hbm>>
          tpu.enqueue_indirect_dma source(%dma_start3A_142 : memref<163840x64xf32, #tpu.memory_space<hbm>>) target(%dma_start3A_138 : memref<256x64xf32, #tpu.memory_space<vmem>>) offsets(%dma_start3A_139 : memref<256xi32, #tpu.memory_space<vmem>>) semaphore(%arg12 : memref<!tpu.dma_semaphore, #tpu.memory_space<semaphore_mem>>)
        } else {
        }
        %sub3A_117 = arith.subi %scan3A_45, %mul3A_103 : i32
        %min3A = arith.constant 256 : i32
        %min3A_118 = arith.minsi %min3A, %sub3A_117 : i32
        %while3A_119 = arith.constant 0 : i32
        %while3A_120 = arith.constant 0 : i32
        %while3A_121 = arith.subi %min3A_118, %while3A_119 : i32
        %while3A_122 = arith.addi %while3A_119, %while3A_121 : i32
        %while3A_123 = arith.constant 1 : i32
        %while3A_124 = arith.divsi %while3A_121, %while3A_123 : i32
        %while3A_125 = arith.muli %while3A_124, %while3A_123 : i32
        %while3A_126 = arith.addi %while3A_119, %while3A_125 : i32
        %while3A_127 = arith.constant 1 : i32
        %while3A_128 = scf.for %while3A_132 = %while3A_119 to %while3A_126 step %while3A_127 iter_args(%while3A_133 = %while3A_120) -> (i32)  : i32 {
          %add3A_134 = arith.addi %mul3A_103, %while3A_132 : i32
          %get3A = arith.index_cast %add3A_134 : i32 to index
          %get3A_135 = tpu.vector_load %arg9[%get3A] {strides = array<i32>} : memref<16400xi32, #tpu.memory_space<vmem>>, vector<16xi32>,
          %slice3A = vector.extract_strided_slice %get3A_135 {offsets = [0], sizes = [1], strides = [1]} : vector<16xi32> to vector<1xi32>
          %squeeze3A = vector.extract %slice3A[0] : i32 from vector<1xi32>
          %sub3A_136 = arith.subi %squeeze3A, %mul3A_2 : i32
          %mul3A_137 = arith.constant 64 : i32
          %mul3A_138 = arith.muli %sub3A_136, %mul3A_137 : i32
          %add3A_139 = arith.constant 0 : i32
          %add3A_140 = arith.addi %mul3A_138, %add3A_139 : i32
          %get3A_141 = arith.index_cast %add3A_140 : i32 to index
          %get3A_142 = tpu.vector_load %arg11[%get3A_141] {strides = array<i32>} : memref<20480xf32, #tpu.memory_space<vmem>>, vector<16xf32>,
          %get3A_143 = arith.index_cast %select_n3A_101 : i32 to index
          %get3A_144 = arith.index_cast %while3A_132 : i32 to index
          %get3A_145 = arith.constant 0 : index
          %get3A_146 = tpu.vector_load %arg10[%get3A_143, %get3A_144, %get3A_145] {strides = array<i32>} : memref<2x256x64xf32, #tpu.memory_space<vmem>>, vector<16xf32>,
          %max3A = arith.maximumf %get3A_142, %get3A_146 : vector<16xf32>
          %swap3A = arith.index_cast %add3A_140 : i32 to index
          %swap3A_147 = tpu.vector_load %arg11[%swap3A] {strides = array<i32>} : memref<20480xf32, #tpu.memory_space<vmem>>, vector<16xf32>,
          tpu.vector_store %arg11[%swap3A], %max3A {strides = array<i32>} : memref<20480xf32, #tpu.memory_space<vmem>>, vector<16xf32>,
          %add3A_148 = arith.constant 16 : i32
          %add3A_149 = arith.addi %mul3A_138, %add3A_148 : i32
          %get3A_150 = arith.index_cast %add3A_149 : i32 to index
          %get3A_151 = tpu.vector_load %arg11[%get3A_150] {strides = array<i32>} : memref<20480xf32, #tpu.memory_space<vmem>>, vector<16xf32>,
          %get3A_152 = arith.index_cast %select_n3A_101 : i32 to index
          %get3A_153 = arith.index_cast %while3A_132 : i32 to index
          %get3A_154 = arith.constant 16 : index
          %get3A_155 = tpu.vector_load %arg10[%get3A_152, %get3A_153, %get3A_154] {strides = array<i32>} : memref<2x256x64xf32, #tpu.memory_space<vmem>>, vector<16xf32>,
          %max3A_156 = arith.maximumf %get3A_151, %get3A_155 : vector<16xf32>
          %swap3A_157 = arith.index_cast %add3A_149 : i32 to index
          %swap3A_158 = tpu.vector_load %arg11[%swap3A_157] {strides = array<i32>} : memref<20480xf32, #tpu.memory_space<vmem>>, vector<16xf32>,
          tpu.vector_store %arg11[%swap3A_157], %max3A_156 {strides = array<i32>} : memref<20480xf32, #tpu.memory_space<vmem>>, vector<16xf32>,
          %add3A_159 = arith.constant 32 : i32
          %add3A_160 = arith.addi %mul3A_138, %add3A_159 : i32
          %get3A_161 = arith.index_cast %add3A_160 : i32 to index
          %get3A_162 = tpu.vector_load %arg11[%get3A_161] {strides = array<i32>} : memref<20480xf32, #tpu.memory_space<vmem>>, vector<16xf32>,
          %get3A_163 = arith.index_cast %select_n3A_101 : i32 to index
          %get3A_164 = arith.index_cast %while3A_132 : i32 to index
          %get3A_165 = arith.constant 32 : index
          %get3A_166 = tpu.vector_load %arg10[%get3A_163, %get3A_164, %get3A_165] {strides = array<i32>} : memref<2x256x64xf32, #tpu.memory_space<vmem>>, vector<16xf32>,
          %max3A_167 = arith.maximumf %get3A_162, %get3A_166 : vector<16xf32>
          %swap3A_168 = arith.index_cast %add3A_160 : i32 to index
          %swap3A_169 = tpu.vector_load %arg11[%swap3A_168] {strides = array<i32>} : memref<20480xf32, #tpu.memory_space<vmem>>, vector<16xf32>,
          tpu.vector_store %arg11[%swap3A_168], %max3A_167 {strides = array<i32>} : memref<20480xf32, #tpu.memory_space<vmem>>, vector<16xf32>,
          %add3A_170 = arith.constant 48 : i32
          %add3A_171 = arith.addi %mul3A_138, %add3A_170 : i32
          %get3A_172 = arith.index_cast %add3A_171 : i32 to index
          %get3A_173 = tpu.vector_load %arg11[%get3A_172] {strides = array<i32>} : memref<20480xf32, #tpu.memory_space<vmem>>, vector<16xf32>,
          %get3A_174 = arith.index_cast %select_n3A_101 : i32 to index
          %get3A_175 = arith.index_cast %while3A_132 : i32 to index
          %get3A_176 = arith.constant 48 : index
          %get3A_177 = tpu.vector_load %arg10[%get3A_174, %get3A_175, %get3A_176] {strides = array<i32>} : memref<2x256x64xf32, #tpu.memory_space<vmem>>, vector<16xf32>,
          %max3A_178 = arith.maximumf %get3A_173, %get3A_177 : vector<16xf32>
          %swap3A_179 = arith.index_cast %add3A_171 : i32 to index
          %swap3A_180 = tpu.vector_load %arg11[%swap3A_179] {strides = array<i32>} : memref<20480xf32, #tpu.memory_space<vmem>>, vector<16xf32>,
          tpu.vector_store %arg11[%swap3A_179], %max3A_178 {strides = array<i32>} : memref<20480xf32, #tpu.memory_space<vmem>>, vector<16xf32>,
          %while3A_181 = arith.constant 0 : i32
          scf.yield %while3A_181 : i32
        }
        %while3A_129 = arith.constant 1 : i32
        %while3A_130 = scf.for %while3A_132 = %while3A_126 to %while3A_122 step %while3A_129 iter_args(%while3A_133 = %while3A_128) -> (i32)  : i32 {
          %add3A_134 = arith.addi %mul3A_103, %while3A_132 : i32
          %get3A = arith.index_cast %add3A_134 : i32 to index
          %get3A_135 = tpu.vector_load %arg9[%get3A] {strides = array<i32>} : memref<16400xi32, #tpu.memory_space<vmem>>, vector<16xi32>,
          %slice3A = vector.extract_strided_slice %get3A_135 {offsets = [0], sizes = [1], strides = [1]} : vector<16xi32> to vector<1xi32>
          %squeeze3A = vector.extract %slice3A[0] : i32 from vector<1xi32>
          %sub3A_136 = arith.subi %squeeze3A, %mul3A_2 : i32
          %mul3A_137 = arith.constant 64 : i32
          %mul3A_138 = arith.muli %sub3A_136, %mul3A_137 : i32
          %add3A_139 = arith.constant 0 : i32
          %add3A_140 = arith.addi %mul3A_138, %add3A_139 : i32
          %get3A_141 = arith.index_cast %add3A_140 : i32 to index
          %get3A_142 = tpu.vector_load %arg11[%get3A_141] {strides = array<i32>} : memref<20480xf32, #tpu.memory_space<vmem>>, vector<16xf32>,
          %get3A_143 = arith.index_cast %select_n3A_101 : i32 to index
          %get3A_144 = arith.index_cast %while3A_132 : i32 to index
          %get3A_145 = arith.constant 0 : index
          %get3A_146 = tpu.vector_load %arg10[%get3A_143, %get3A_144, %get3A_145] {strides = array<i32>} : memref<2x256x64xf32, #tpu.memory_space<vmem>>, vector<16xf32>,
          %max3A = arith.maximumf %get3A_142, %get3A_146 : vector<16xf32>
          %swap3A = arith.index_cast %add3A_140 : i32 to index
          %swap3A_147 = tpu.vector_load %arg11[%swap3A] {strides = array<i32>} : memref<20480xf32, #tpu.memory_space<vmem>>, vector<16xf32>,
          tpu.vector_store %arg11[%swap3A], %max3A {strides = array<i32>} : memref<20480xf32, #tpu.memory_space<vmem>>, vector<16xf32>,
          %add3A_148 = arith.constant 16 : i32
          %add3A_149 = arith.addi %mul3A_138, %add3A_148 : i32
          %get3A_150 = arith.index_cast %add3A_149 : i32 to index
          %get3A_151 = tpu.vector_load %arg11[%get3A_150] {strides = array<i32>} : memref<20480xf32, #tpu.memory_space<vmem>>, vector<16xf32>,
          %get3A_152 = arith.index_cast %select_n3A_101 : i32 to index
          %get3A_153 = arith.index_cast %while3A_132 : i32 to index
          %get3A_154 = arith.constant 16 : index
          %get3A_155 = tpu.vector_load %arg10[%get3A_152, %get3A_153, %get3A_154] {strides = array<i32>} : memref<2x256x64xf32, #tpu.memory_space<vmem>>, vector<16xf32>,
          %max3A_156 = arith.maximumf %get3A_151, %get3A_155 : vector<16xf32>
          %swap3A_157 = arith.index_cast %add3A_149 : i32 to index
          %swap3A_158 = tpu.vector_load %arg11[%swap3A_157] {strides = array<i32>} : memref<20480xf32, #tpu.memory_space<vmem>>, vector<16xf32>,
          tpu.vector_store %arg11[%swap3A_157], %max3A_156 {strides = array<i32>} : memref<20480xf32, #tpu.memory_space<vmem>>, vector<16xf32>,
          %add3A_159 = arith.constant 32 : i32
          %add3A_160 = arith.addi %mul3A_138, %add3A_159 : i32
          %get3A_161 = arith.index_cast %add3A_160 : i32 to index
          %get3A_162 = tpu.vector_load %arg11[%get3A_161] {strides = array<i32>} : memref<20480xf32, #tpu.memory_space<vmem>>, vector<16xf32>,
          %get3A_163 = arith.index_cast %select_n3A_101 : i32 to index
          %get3A_164 = arith.index_cast %while3A_132 : i32 to index
          %get3A_165 = arith.constant 32 : index
          %get3A_166 = tpu.vector_load %arg10[%get3A_163, %get3A_164, %get3A_165] {strides = array<i32>} : memref<2x256x64xf32, #tpu.memory_space<vmem>>, vector<16xf32>,
          %max3A_167 = arith.maximumf %get3A_162, %get3A_166 : vector<16xf32>
          %swap3A_168 = arith.index_cast %add3A_160 : i32 to index
          %swap3A_169 = tpu.vector_load %arg11[%swap3A_168] {strides = array<i32>} : memref<20480xf32, #tpu.memory_space<vmem>>, vector<16xf32>,
          tpu.vector_store %arg11[%swap3A_168], %max3A_167 {strides = array<i32>} : memref<20480xf32, #tpu.memory_space<vmem>>, vector<16xf32>,
          %add3A_170 = arith.constant 48 : i32
          %add3A_171 = arith.addi %mul3A_138, %add3A_170 : i32
          %get3A_172 = arith.index_cast %add3A_171 : i32 to index
          %get3A_173 = tpu.vector_load %arg11[%get3A_172] {strides = array<i32>} : memref<20480xf32, #tpu.memory_space<vmem>>, vector<16xf32>,
          %get3A_174 = arith.index_cast %select_n3A_101 : i32 to index
          %get3A_175 = arith.index_cast %while3A_132 : i32 to index
          %get3A_176 = arith.constant 48 : index
          %get3A_177 = tpu.vector_load %arg10[%get3A_174, %get3A_175, %get3A_176] {strides = array<i32>} : memref<2x256x64xf32, #tpu.memory_space<vmem>>, vector<16xf32>,
          %max3A_178 = arith.maximumf %get3A_173, %get3A_177 : vector<16xf32>
          %swap3A_179 = arith.index_cast %add3A_171 : i32 to index
          %swap3A_180 = tpu.vector_load %arg11[%swap3A_179] {strides = array<i32>} : memref<20480xf32, #tpu.memory_space<vmem>>, vector<16xf32>,
          tpu.vector_store %arg11[%swap3A_179], %max3A_178 {strides = array<i32>} : memref<20480xf32, #tpu.memory_space<vmem>>, vector<16xf32>,
          %while3A_181 = arith.constant 0 : i32
          scf.yield %while3A_181 : i32
        }
        %while3A_131 = arith.constant 0 : i32
        scf.yield %while3A_131 : i32
      }
      %while3A_83 = arith.constant 1 : i32
      %while3A_84 = scf.for %while3A_85 = %while3A_80 to %while3A_76 step %while3A_83 iter_args(%while3A_86 = %while3A_82) -> (i32)  : i32 {
        %jit3A_87 = arith.constant 2 : i32
        %eq3A_88 = arith.constant 0 : i32
        %eq3A_89 = arith.cmpi eq, %jit3A_87, %eq3A_88 : i32
        %jit3A_90 = arith.constant 1 : i32
        %select_n3A_91 = arith.select %eq3A_89, %jit3A_90, %jit3A_87 : i32
        %rem3A_92 = arith.remsi %while3A_85, %select_n3A_91 : i32
        %ne3A_93 = arith.constant 0 : i32
        %ne3A_94 = arith.cmpi ne, %rem3A_92, %ne3A_93 : i32
        %lt3A = arith.constant 0 : i32
        %lt3A_95 = arith.cmpi slt, %rem3A_92, %lt3A : i32
        %lt3A_96 = arith.constant 0 : i32
        %lt3A_97 = arith.cmpi slt, %select_n3A_91, %lt3A_96 : i32
        %ne3A_98 = arith.xori %lt3A_95, %lt3A_97 : i1
        %and3A_99 = arith.andi %ne3A_98, %ne3A_94 : i1
        %add3A_100 = arith.addi %rem3A_92, %select_n3A_91 : i32
        %select_n3A_101 = arith.select %and3A_99, %add3A_100, %rem3A_92 : i32
        %mul3A_102 = arith.constant 256 : i32
        %mul3A_103 = arith.muli %while3A_85, %mul3A_102 : i32
        %dma_wait3A = arith.constant 0 : i32
        %dma_wait3A_104 = arith.constant 0 : i32
        %dma_wait3A_105 = tpu.memref_slice %arg10[%select_n3A_101, %dma_wait3A, %dma_wait3A_104] : memref<2x256x64xf32, #tpu.memory_space<vmem>> -> memref<1x256x64xf32, #tpu.memory_space<vmem>>
        %dma_wait3A_106 = tpu.memref_squeeze %dma_wait3A_105 : memref<1x256x64xf32, #tpu.memory_space<vmem>> -> memref<256x64xf32, #tpu.memory_space<vmem>>
        %dma_wait3A_107 = tpu.memref_slice %arg8[%mul3A_103] : memref<16400xi32, #tpu.memory_space<vmem>> -> memref<256xi32, #tpu.memory_space<vmem>>
        %dma_wait3A_108 = arith.constant 0 : i32
        %dma_wait3A_109 = arith.constant 0 : i32
        %dma_wait3A_110 = tpu.memref_slice %arg2[%dma_wait3A_108, %dma_wait3A_109] : memref<163840x64xf32, #tpu.memory_space<hbm>> -> memref<163840x64xf32, #tpu.memory_space<hbm>>
        tpu.wait_indirect_dma semaphore(%arg12 : memref<!tpu.dma_semaphore, #tpu.memory_space<semaphore_mem>>) src(%dma_wait3A_110 : memref<163840x64xf32, #tpu.memory_space<hbm>>) dst(%dma_wait3A_106 : memref<256x64xf32, #tpu.memory_space<vmem>>)
        %add3A_111 = arith.constant 1 : i32
        %add3A_112 = arith.addi %while3A_85, %add3A_111 : i32
        %lt3A_113 = arith.cmpi slt, %add3A_112, %select_n3A : i32
        %convert_element_type3A_114 = arith.extui %lt3A_113 : i1 to i32
        %cond3A_115 = arith.constant 0 : i32
        %cond3A_116 = arith.cmpi ne, %convert_element_type3A_114, %cond3A_115 : i32
        scf.if %cond3A_116 {
          %add3A_132 = arith.constant 256 : i32
          %add3A_133 = arith.addi %mul3A_103, %add3A_132 : i32
          %sub3A_134 = arith.constant 1 : i32
          %sub3A_135 = arith.subi %sub3A_134, %select_n3A_101 : i32
          %dma_start3A = arith.constant 0 : i32
          %dma_start3A_136 = arith.constant 0 : i32
          %dma_start3A_137 = tpu.memref_slice %arg10[%sub3A_135, %dma_start3A, %dma_start3A_136] : memref<2x256x64xf32, #tpu.memory_space<vmem>> -> memref<1x256x64xf32, #tpu.memory_space<vmem>>
          %dma_start3A_138 = tpu.memref_squeeze %dma_start3A_137 : memref<1x256x64xf32, #tpu.memory_space<vmem>> -> memref<256x64xf32, #tpu.memory_space<vmem>>
          %dma_start3A_139 = tpu.memref_slice %arg8[%add3A_133] : memref<16400xi32, #tpu.memory_space<vmem>> -> memref<256xi32, #tpu.memory_space<vmem>>
          %dma_start3A_140 = arith.constant 0 : i32
          %dma_start3A_141 = arith.constant 0 : i32
          %dma_start3A_142 = tpu.memref_slice %arg2[%dma_start3A_140, %dma_start3A_141] : memref<163840x64xf32, #tpu.memory_space<hbm>> -> memref<163840x64xf32, #tpu.memory_space<hbm>>
          tpu.enqueue_indirect_dma source(%dma_start3A_142 : memref<163840x64xf32, #tpu.memory_space<hbm>>) target(%dma_start3A_138 : memref<256x64xf32, #tpu.memory_space<vmem>>) offsets(%dma_start3A_139 : memref<256xi32, #tpu.memory_space<vmem>>) semaphore(%arg12 : memref<!tpu.dma_semaphore, #tpu.memory_space<semaphore_mem>>)
        } else {
        }
        %sub3A_117 = arith.subi %scan3A_45, %mul3A_103 : i32
        %min3A = arith.constant 256 : i32
        %min3A_118 = arith.minsi %min3A, %sub3A_117 : i32
        %while3A_119 = arith.constant 0 : i32
        %while3A_120 = arith.constant 0 : i32
        %while3A_121 = arith.subi %min3A_118, %while3A_119 : i32
        %while3A_122 = arith.addi %while3A_119, %while3A_121 : i32
        %while3A_123 = arith.constant 1 : i32
        %while3A_124 = arith.divsi %while3A_121, %while3A_123 : i32
        %while3A_125 = arith.muli %while3A_124, %while3A_123 : i32
        %while3A_126 = arith.addi %while3A_119, %while3A_125 : i32
        %while3A_127 = arith.constant 1 : i32
        %while3A_128 = scf.for %while3A_132 = %while3A_119 to %while3A_126 step %while3A_127 iter_args(%while3A_133 = %while3A_120) -> (i32)  : i32 {
          %add3A_134 = arith.addi %mul3A_103, %while3A_132 : i32
          %get3A = arith.index_cast %add3A_134 : i32 to index
          %get3A_135 = tpu.vector_load %arg9[%get3A] {strides = array<i32>} : memref<16400xi32, #tpu.memory_space<vmem>>, vector<16xi32>,
          %slice3A = vector.extract_strided_slice %get3A_135 {offsets = [0], sizes = [1], strides = [1]} : vector<16xi32> to vector<1xi32>
          %squeeze3A = vector.extract %slice3A[0] : i32 from vector<1xi32>
          %sub3A_136 = arith.subi %squeeze3A, %mul3A_2 : i32
          %mul3A_137 = arith.constant 64 : i32
          %mul3A_138 = arith.muli %sub3A_136, %mul3A_137 : i32
          %add3A_139 = arith.constant 0 : i32
          %add3A_140 = arith.addi %mul3A_138, %add3A_139 : i32
          %get3A_141 = arith.index_cast %add3A_140 : i32 to index
          %get3A_142 = tpu.vector_load %arg11[%get3A_141] {strides = array<i32>} : memref<20480xf32, #tpu.memory_space<vmem>>, vector<16xf32>,
          %get3A_143 = arith.index_cast %select_n3A_101 : i32 to index
          %get3A_144 = arith.index_cast %while3A_132 : i32 to index
          %get3A_145 = arith.constant 0 : index
          %get3A_146 = tpu.vector_load %arg10[%get3A_143, %get3A_144, %get3A_145] {strides = array<i32>} : memref<2x256x64xf32, #tpu.memory_space<vmem>>, vector<16xf32>,
          %max3A = arith.maximumf %get3A_142, %get3A_146 : vector<16xf32>
          %swap3A = arith.index_cast %add3A_140 : i32 to index
          %swap3A_147 = tpu.vector_load %arg11[%swap3A] {strides = array<i32>} : memref<20480xf32, #tpu.memory_space<vmem>>, vector<16xf32>,
          tpu.vector_store %arg11[%swap3A], %max3A {strides = array<i32>} : memref<20480xf32, #tpu.memory_space<vmem>>, vector<16xf32>,
          %add3A_148 = arith.constant 16 : i32
          %add3A_149 = arith.addi %mul3A_138, %add3A_148 : i32
          %get3A_150 = arith.index_cast %add3A_149 : i32 to index
          %get3A_151 = tpu.vector_load %arg11[%get3A_150] {strides = array<i32>} : memref<20480xf32, #tpu.memory_space<vmem>>, vector<16xf32>,
          %get3A_152 = arith.index_cast %select_n3A_101 : i32 to index
          %get3A_153 = arith.index_cast %while3A_132 : i32 to index
          %get3A_154 = arith.constant 16 : index
          %get3A_155 = tpu.vector_load %arg10[%get3A_152, %get3A_153, %get3A_154] {strides = array<i32>} : memref<2x256x64xf32, #tpu.memory_space<vmem>>, vector<16xf32>,
          %max3A_156 = arith.maximumf %get3A_151, %get3A_155 : vector<16xf32>
          %swap3A_157 = arith.index_cast %add3A_149 : i32 to index
          %swap3A_158 = tpu.vector_load %arg11[%swap3A_157] {strides = array<i32>} : memref<20480xf32, #tpu.memory_space<vmem>>, vector<16xf32>,
          tpu.vector_store %arg11[%swap3A_157], %max3A_156 {strides = array<i32>} : memref<20480xf32, #tpu.memory_space<vmem>>, vector<16xf32>,
          %add3A_159 = arith.constant 32 : i32
          %add3A_160 = arith.addi %mul3A_138, %add3A_159 : i32
          %get3A_161 = arith.index_cast %add3A_160 : i32 to index
          %get3A_162 = tpu.vector_load %arg11[%get3A_161] {strides = array<i32>} : memref<20480xf32, #tpu.memory_space<vmem>>, vector<16xf32>,
          %get3A_163 = arith.index_cast %select_n3A_101 : i32 to index
          %get3A_164 = arith.index_cast %while3A_132 : i32 to index
          %get3A_165 = arith.constant 32 : index
          %get3A_166 = tpu.vector_load %arg10[%get3A_163, %get3A_164, %get3A_165] {strides = array<i32>} : memref<2x256x64xf32, #tpu.memory_space<vmem>>, vector<16xf32>,
          %max3A_167 = arith.maximumf %get3A_162, %get3A_166 : vector<16xf32>
          %swap3A_168 = arith.index_cast %add3A_160 : i32 to index
          %swap3A_169 = tpu.vector_load %arg11[%swap3A_168] {strides = array<i32>} : memref<20480xf32, #tpu.memory_space<vmem>>, vector<16xf32>,
          tpu.vector_store %arg11[%swap3A_168], %max3A_167 {strides = array<i32>} : memref<20480xf32, #tpu.memory_space<vmem>>, vector<16xf32>,
          %add3A_170 = arith.constant 48 : i32
          %add3A_171 = arith.addi %mul3A_138, %add3A_170 : i32
          %get3A_172 = arith.index_cast %add3A_171 : i32 to index
          %get3A_173 = tpu.vector_load %arg11[%get3A_172] {strides = array<i32>} : memref<20480xf32, #tpu.memory_space<vmem>>, vector<16xf32>,
          %get3A_174 = arith.index_cast %select_n3A_101 : i32 to index
          %get3A_175 = arith.index_cast %while3A_132 : i32 to index
          %get3A_176 = arith.constant 48 : index
          %get3A_177 = tpu.vector_load %arg10[%get3A_174, %get3A_175, %get3A_176] {strides = array<i32>} : memref<2x256x64xf32, #tpu.memory_space<vmem>>, vector<16xf32>,
          %max3A_178 = arith.maximumf %get3A_173, %get3A_177 : vector<16xf32>
          %swap3A_179 = arith.index_cast %add3A_171 : i32 to index
          %swap3A_180 = tpu.vector_load %arg11[%swap3A_179] {strides = array<i32>} : memref<20480xf32, #tpu.memory_space<vmem>>, vector<16xf32>,
          tpu.vector_store %arg11[%swap3A_179], %max3A_178 {strides = array<i32>} : memref<20480xf32, #tpu.memory_space<vmem>>, vector<16xf32>,
          %while3A_181 = arith.constant 0 : i32
          scf.yield %while3A_181 : i32
        }
        %while3A_129 = arith.constant 1 : i32
        %while3A_130 = scf.for %while3A_132 = %while3A_126 to %while3A_122 step %while3A_129 iter_args(%while3A_133 = %while3A_128) -> (i32)  : i32 {
          %add3A_134 = arith.addi %mul3A_103, %while3A_132 : i32
          %get3A = arith.index_cast %add3A_134 : i32 to index
          %get3A_135 = tpu.vector_load %arg9[%get3A] {strides = array<i32>} : memref<16400xi32, #tpu.memory_space<vmem>>, vector<16xi32>,
          %slice3A = vector.extract_strided_slice %get3A_135 {offsets = [0], sizes = [1], strides = [1]} : vector<16xi32> to vector<1xi32>
          %squeeze3A = vector.extract %slice3A[0] : i32 from vector<1xi32>
          %sub3A_136 = arith.subi %squeeze3A, %mul3A_2 : i32
          %mul3A_137 = arith.constant 64 : i32
          %mul3A_138 = arith.muli %sub3A_136, %mul3A_137 : i32
          %add3A_139 = arith.constant 0 : i32
          %add3A_140 = arith.addi %mul3A_138, %add3A_139 : i32
          %get3A_141 = arith.index_cast %add3A_140 : i32 to index
          %get3A_142 = tpu.vector_load %arg11[%get3A_141] {strides = array<i32>} : memref<20480xf32, #tpu.memory_space<vmem>>, vector<16xf32>,
          %get3A_143 = arith.index_cast %select_n3A_101 : i32 to index
          %get3A_144 = arith.index_cast %while3A_132 : i32 to index
          %get3A_145 = arith.constant 0 : index
          %get3A_146 = tpu.vector_load %arg10[%get3A_143, %get3A_144, %get3A_145] {strides = array<i32>} : memref<2x256x64xf32, #tpu.memory_space<vmem>>, vector<16xf32>,
          %max3A = arith.maximumf %get3A_142, %get3A_146 : vector<16xf32>
          %swap3A = arith.index_cast %add3A_140 : i32 to index
          %swap3A_147 = tpu.vector_load %arg11[%swap3A] {strides = array<i32>} : memref<20480xf32, #tpu.memory_space<vmem>>, vector<16xf32>,
          tpu.vector_store %arg11[%swap3A], %max3A {strides = array<i32>} : memref<20480xf32, #tpu.memory_space<vmem>>, vector<16xf32>,
          %add3A_148 = arith.constant 16 : i32
          %add3A_149 = arith.addi %mul3A_138, %add3A_148 : i32
          %get3A_150 = arith.index_cast %add3A_149 : i32 to index
          %get3A_151 = tpu.vector_load %arg11[%get3A_150] {strides = array<i32>} : memref<20480xf32, #tpu.memory_space<vmem>>, vector<16xf32>,
          %get3A_152 = arith.index_cast %select_n3A_101 : i32 to index
          %get3A_153 = arith.index_cast %while3A_132 : i32 to index
          %get3A_154 = arith.constant 16 : index
          %get3A_155 = tpu.vector_load %arg10[%get3A_152, %get3A_153, %get3A_154] {strides = array<i32>} : memref<2x256x64xf32, #tpu.memory_space<vmem>>, vector<16xf32>,
          %max3A_156 = arith.maximumf %get3A_151, %get3A_155 : vector<16xf32>
          %swap3A_157 = arith.index_cast %add3A_149 : i32 to index
          %swap3A_158 = tpu.vector_load %arg11[%swap3A_157] {strides = array<i32>} : memref<20480xf32, #tpu.memory_space<vmem>>, vector<16xf32>,
          tpu.vector_store %arg11[%swap3A_157], %max3A_156 {strides = array<i32>} : memref<20480xf32, #tpu.memory_space<vmem>>, vector<16xf32>,
          %add3A_159 = arith.constant 32 : i32
          %add3A_160 = arith.addi %mul3A_138, %add3A_159 : i32
          %get3A_161 = arith.index_cast %add3A_160 : i32 to index
          %get3A_162 = tpu.vector_load %arg11[%get3A_161] {strides = array<i32>} : memref<20480xf32, #tpu.memory_space<vmem>>, vector<16xf32>,
          %get3A_163 = arith.index_cast %select_n3A_101 : i32 to index
          %get3A_164 = arith.index_cast %while3A_132 : i32 to index
          %get3A_165 = arith.constant 32 : index
          %get3A_166 = tpu.vector_load %arg10[%get3A_163, %get3A_164, %get3A_165] {strides = array<i32>} : memref<2x256x64xf32, #tpu.memory_space<vmem>>, vector<16xf32>,
          %max3A_167 = arith.maximumf %get3A_162, %get3A_166 : vector<16xf32>
          %swap3A_168 = arith.index_cast %add3A_160 : i32 to index
          %swap3A_169 = tpu.vector_load %arg11[%swap3A_168] {strides = array<i32>} : memref<20480xf32, #tpu.memory_space<vmem>>, vector<16xf32>,
          tpu.vector_store %arg11[%swap3A_168], %max3A_167 {strides = array<i32>} : memref<20480xf32, #tpu.memory_space<vmem>>, vector<16xf32>,
          %add3A_170 = arith.constant 48 : i32
          %add3A_171 = arith.addi %mul3A_138, %add3A_170 : i32
          %get3A_172 = arith.index_cast %add3A_171 : i32 to index
          %get3A_173 = tpu.vector_load %arg11[%get3A_172] {strides = array<i32>} : memref<20480xf32, #tpu.memory_space<vmem>>, vector<16xf32>,
          %get3A_174 = arith.index_cast %select_n3A_101 : i32 to index
          %get3A_175 = arith.index_cast %while3A_132 : i32 to index
          %get3A_176 = arith.constant 48 : index
          %get3A_177 = tpu.vector_load %arg10[%get3A_174, %get3A_175, %get3A_176] {strides = array<i32>} : memref<2x256x64xf32, #tpu.memory_space<vmem>>, vector<16xf32>,
          %max3A_178 = arith.maximumf %get3A_173, %get3A_177 : vector<16xf32>
          %swap3A_179 = arith.index_cast %add3A_171 : i32 to index
          %swap3A_180 = tpu.vector_load %arg11[%swap3A_179] {strides = array<i32>} : memref<20480xf32, #tpu.memory_space<vmem>>, vector<16xf32>,
          tpu.vector_store %arg11[%swap3A_179], %max3A_178 {strides = array<i32>} : memref<20480xf32, #tpu.memory_space<vmem>>, vector<16xf32>,
          %while3A_181 = arith.constant 0 : i32
          scf.yield %while3A_181 : i32
        }
        %while3A_131 = arith.constant 0 : i32
        scf.yield %while3A_131 : i32
      }
    }
    %scan3A_19 = arith.constant 10 : i32
    %mul3A_20 = arith.constant 320 : i32
    %mul3A_21 = arith.muli %add3A, %mul3A_20 : i32
    %mul3A_22 = arith.constant 64 : i32
    %mul3A_23 = arith.muli %mul3A_21, %mul3A_22 : i32
    "tpu.region"() ({
      %run_scoped3A = tpu.sem_alloc : memref<!tpu.dma_semaphore, #tpu.memory_space<semaphore_mem>>
      %dma_start3A = tpu.memref_slice %arg4[%mul3A_23] : memref<655360xf32, #tpu.memory_space<hbm>> -> memref<20480xf32, #tpu.memory_space<hbm>>
      %dma_start3A_24 = tpu.memref_slice %arg4[%mul3A_23] : memref<655360xf32, #tpu.memory_space<hbm>> -> memref<20480xf32, #tpu.memory_space<hbm>>
      tpu.enqueue_dma source(%arg11 : memref<20480xf32, #tpu.memory_space<vmem>>) target(%dma_start3A_24 : memref<20480xf32, #tpu.memory_space<hbm>>) target_semaphore(%run_scoped3A : memref<!tpu.dma_semaphore, #tpu.memory_space<semaphore_mem>>)
      %dma_wait3A = tpu.memref_slice %arg4[%mul3A_23] : memref<655360xf32, #tpu.memory_space<hbm>> -> memref<20480xf32, #tpu.memory_space<hbm>>
      %dma_wait3A_25 = tpu.memref_slice %arg4[%mul3A_23] : memref<655360xf32, #tpu.memory_space<hbm>> -> memref<20480xf32, #tpu.memory_space<hbm>>
      tpu.wait_dma2 semaphore(%run_scoped3A : memref<!tpu.dma_semaphore, #tpu.memory_space<semaphore_mem>>) src(%arg11 : memref<20480xf32, #tpu.memory_space<vmem>>) dst(%dma_wait3A_25 : memref<20480xf32, #tpu.memory_space<hbm>>)
      tpu.yield
    }) : () -> ()
    return
  }
}

module attributes {stable_mosaic.version = 14 : i64} {
  func.func @body(%arg0: i32, %arg1: memref<2048x128xf32, #tpu.memory_space<vmem>>, %arg2: memref<2048x128xf32, #tpu.memory_space<vmem>>, %arg3: memref<256x64xf32, #tpu.memory_space<vmem>>, %arg4: memref<64x64xf32, #tpu.memory_space<vmem>>, %arg5: memref<1x64xf32, #tpu.memory_space<vmem>>, %arg6: memref<1x64xf32, #tpu.memory_space<vmem>>, %arg7: memref<2048x64xf32, #tpu.memory_space<vmem>>) attributes {dimension_semantics = [#tpu.dimension_semantics<arbitrary>], iteration_bounds = array<i64: 80>, scalar_prefetch = 0 : i64, scratch_operands = 0 : i64, tpu.core_type = #tpu.core_type<tc>, window_params = [{transform_indices = @transform_0, window_bounds = array<i64: 2048, 128>}, {transform_indices = @transform_1, window_bounds = array<i64: 2048, 128>}, {pipeline_mode = #tpu.pipeline_mode<synchronous>, transform_indices = @transform_2, window_bounds = array<i64: 256, 64>}, {pipeline_mode = #tpu.pipeline_mode<synchronous>, transform_indices = @transform_3, window_bounds = array<i64: 64, 64>}, {pipeline_mode = #tpu.pipeline_mode<synchronous>, transform_indices = @transform_4, window_bounds = array<i64: 1, 64>}, {pipeline_mode = #tpu.pipeline_mode<synchronous>, transform_indices = @transform_5, window_bounds = array<i64: 1, 64>}, {transform_indices = @transform_6, window_bounds = array<i64: 2048, 64>}]} {
    %get3A = arith.constant 0 : index
    %get3A_0 = arith.constant 0 : index
    %get3A_1 = vector.load %arg1[%get3A, %get3A_0] : memref<2048x128xf32, #tpu.memory_space<vmem>>, vector<2048x128xf32>
    %get3A_2 = arith.constant 0 : index
    %get3A_3 = arith.constant 0 : index
    %get3A_4 = vector.load %arg2[%get3A_2, %get3A_3] : memref<2048x128xf32, #tpu.memory_space<vmem>>, vector<2048x128xf32>
    %sub3A = arith.subf %get3A_4, %get3A_1 : vector<2048x128xf32>
    %concatenate3A = tpu.concatenate %get3A_1, %sub3A in 1 : vector<2048x128xf32>, vector<2048x128xf32> -> vector<2048x256xf32>
    %get3A_5 = arith.constant 0 : index
    %get3A_6 = arith.constant 0 : index
    %get3A_7 = vector.load %arg3[%get3A_5, %get3A_6] : memref<256x64xf32, #tpu.memory_space<vmem>>, vector<256x64xf32>
    %dot_general3A = arith.constant dense<0.000000e+00> : vector<2048x64xf32>
    %dot_general3A_8 = tpu.matmul %concatenate3A, %get3A_7, %dot_general3A {dimension_numbers = #tpu.dot_dimension_numbers<[1], [0], [0], [1], [0, 0, 1, 1], [], []>, transpose_lhs_hint = false} : vector<2048x256xf32>, vector<256x64xf32>, vector<2048x64xf32> -> vector<2048x64xf32>
    %get3A_9 = arith.constant 0 : index
    %get3A_10 = arith.constant 0 : index
    %get3A_11 = vector.load %arg5[%get3A_9, %get3A_10] : memref<1x64xf32, #tpu.memory_space<vmem>>, vector<1x64xf32>
    %add3A = vector.broadcast %get3A_11 : vector<1x64xf32> to vector<2048x64xf32>
    %add3A_12 = arith.addf %dot_general3A_8, %add3A : vector<2048x64xf32>
    %max3A = arith.constant 0.000000e+00 : f32
    %max3A_13 = vector.broadcast %max3A : f32 to vector<2048x64xf32>
    %max3A_14 = arith.maximumf %add3A_12, %max3A_13 : vector<2048x64xf32>
    %get3A_15 = arith.constant 0 : index
    %get3A_16 = arith.constant 0 : index
    %get3A_17 = vector.load %arg4[%get3A_15, %get3A_16] : memref<64x64xf32, #tpu.memory_space<vmem>>, vector<64x64xf32>
    %dot_general3A_18 = arith.constant dense<0.000000e+00> : vector<2048x64xf32>
    %dot_general3A_19 = tpu.matmul %max3A_14, %get3A_17, %dot_general3A_18 {dimension_numbers = #tpu.dot_dimension_numbers<[1], [0], [0], [1], [0, 0, 1, 1], [], []>, transpose_lhs_hint = false} : vector<2048x64xf32>, vector<64x64xf32>, vector<2048x64xf32> -> vector<2048x64xf32>
    %get3A_20 = arith.constant 0 : index
    %get3A_21 = arith.constant 0 : index
    %get3A_22 = vector.load %arg6[%get3A_20, %get3A_21] : memref<1x64xf32, #tpu.memory_space<vmem>>, vector<1x64xf32>
    %add3A_23 = vector.broadcast %get3A_22 : vector<1x64xf32> to vector<2048x64xf32>
    %add3A_24 = arith.addf %dot_general3A_19, %add3A_23 : vector<2048x64xf32>
    %max3A_25 = arith.constant 0.000000e+00 : f32
    %max3A_26 = vector.broadcast %max3A_25 : f32 to vector<2048x64xf32>
    %max3A_27 = arith.maximumf %add3A_24, %max3A_26 : vector<2048x64xf32>
    %swap3A = arith.constant 0 : index
    %swap3A_28 = arith.constant 0 : index
    %swap3A_29 = vector.load %arg7[%swap3A, %swap3A_28] : memref<2048x64xf32, #tpu.memory_space<vmem>>, vector<2048x64xf32>
    tpu.vector_store %arg7[%swap3A, %swap3A_28], %max3A_27 {strides = array<i32>} : memref<2048x64xf32, #tpu.memory_space<vmem>>, vector<2048x64xf32>,
    return
  }
  func.func @transform_0(%arg0: i32) -> (i32, i32) {
    %c0_i32 = arith.constant 0 : i32
    %c0_i32_0 = arith.constant 0 : i32
    return %arg0, %c0_i32 : i32, i32
  }
  func.func @transform_1(%arg0: i32) -> (i32, i32) {
    %add3A = arith.constant 80 : i32
    %add3A_0 = arith.addi %arg0, %add3A : i32
    %c0_i32 = arith.constant 0 : i32
    %c0_i32_1 = arith.constant 0 : i32
    return %add3A_0, %c0_i32 : i32, i32
  }
  func.func @transform_2(%arg0: i32) -> (i32, i32) {
    %c0_i32 = arith.constant 0 : i32
    %c0_i32_0 = arith.constant 0 : i32
    %c0_i32_1 = arith.constant 0 : i32
    return %c0_i32, %c0_i32_0 : i32, i32
  }
  func.func @transform_3(%arg0: i32) -> (i32, i32) {
    %c0_i32 = arith.constant 0 : i32
    %c0_i32_0 = arith.constant 0 : i32
    %c0_i32_1 = arith.constant 0 : i32
    return %c0_i32, %c0_i32_0 : i32, i32
  }
  func.func @transform_4(%arg0: i32) -> (i32, i32) {
    %c0_i32 = arith.constant 0 : i32
    %c0_i32_0 = arith.constant 0 : i32
    %c0_i32_1 = arith.constant 0 : i32
    return %c0_i32, %c0_i32_0 : i32, i32
  }
  func.func @transform_5(%arg0: i32) -> (i32, i32) {
    %c0_i32 = arith.constant 0 : i32
    %c0_i32_0 = arith.constant 0 : i32
    %c0_i32_1 = arith.constant 0 : i32
    return %c0_i32, %c0_i32_0 : i32, i32
  }
  func.func @transform_6(%arg0: i32) -> (i32, i32) {
    %c0_i32 = arith.constant 0 : i32
    %c0_i32_0 = arith.constant 0 : i32
    return %arg0, %c0_i32 : i32, i32
  }
}

module attributes {stable_mosaic.version = 14 : i64} {
  func.func @body(%arg0: memref<10240x64xf32, #tpu.memory_space<vmem>>, %arg1: memref<10240x64xf32, #tpu.memory_space<vmem>>) attributes {dimension_semantics = [], scalar_prefetch = 0 : i64, scratch_operands = 0 : i64, tpu.core_type = #tpu.core_type<tc>} {
    %get3A = arith.constant 0 : index
    %get3A_0 = arith.constant 0 : index
    %get3A_1 = vector.load %arg0[%get3A, %get3A_0] : memref<10240x64xf32, #tpu.memory_space<vmem>>, vector<10240x64xf32>
    %gt3A = arith.constant 0.000000e+00 : f32
    %gt3A_2 = vector.broadcast %gt3A : f32 to vector<10240x64xf32>
    %gt3A_3 = arith.cmpf ogt, %get3A_1, %gt3A_2 : vector<10240x64xf32>
    %exp3A = math.exp %get3A_1 : vector<10240x64xf32>
    %sub3A = arith.constant 1.000000e+00 : f32
    %sub3A_4 = vector.broadcast %sub3A : f32 to vector<10240x64xf32>
    %sub3A_5 = arith.subf %exp3A, %sub3A_4 : vector<10240x64xf32>
    %select_n3A = arith.select %gt3A_3, %get3A_1, %sub3A_5 : vector<10240x64xi1>, vector<10240x64xf32>
    %swap3A = arith.constant 0 : index
    %swap3A_6 = arith.constant 0 : index
    %swap3A_7 = vector.load %arg1[%swap3A, %swap3A_6] : memref<10240x64xf32, #tpu.memory_space<vmem>>, vector<10240x64xf32>
    tpu.vector_store %arg1[%swap3A, %swap3A_6], %select_n3A {strides = array<i32>} : memref<10240x64xf32, #tpu.memory_space<vmem>>, vector<10240x64xf32>,
    return
  }
}

module attributes {stable_mosaic.version = 14 : i64} {
  func.func @body(%arg0: i32, %arg1: memref<10240x64xf32, #tpu.memory_space<vmem>>, %arg2: memref<10240x1xi32, #tpu.memory_space<vmem>>, %arg3: memref<1x10240xi32, #tpu.memory_space<vmem>>, %arg4: memref<512x32xi32, #tpu.memory_space<vmem>>, %arg5: memref<512x10240xf32, #tpu.memory_space<vmem>>) attributes {dimension_semantics = [#tpu.dimension_semantics<arbitrary>], iteration_bounds = array<i64: 20>, scalar_prefetch = 0 : i64, scratch_operands = 1 : i64, tpu.core_type = #tpu.core_type<tc>, window_params = [{pipeline_mode = #tpu.pipeline_mode<synchronous>, transform_indices = @transform_0, window_bounds = array<i64: 10240, 64>}, {pipeline_mode = #tpu.pipeline_mode<synchronous>, transform_indices = @transform_1, window_bounds = array<i64: 10240, 1>}, {pipeline_mode = #tpu.pipeline_mode<synchronous>, transform_indices = @transform_2, window_bounds = array<i64: 1, 10240>}, {transform_indices = @transform_3, window_bounds = array<i64: 512, 32>}]} {
    %mul3A = arith.constant 512 : i32
    %mul3A_0 = arith.muli %arg0, %mul3A : i32
    %get3A = arith.index_cast %mul3A_0 : i32 to index
    %get3A_1 = arith.constant 0 : index
    %get3A_2 = vector.load %arg1[%get3A, %get3A_1] : memref<10240x64xf32, #tpu.memory_space<vmem>>, vector<512x64xf32>
    %mul3A_3 = arith.mulf %get3A_2, %get3A_2 : vector<512x64xf32>
    %reduce_sum3A = arith.constant dense<0.000000e+00> : vector<512xf32>
    %reduce_sum3A_4 = vector.multi_reduction <add>, %mul3A_3, %reduce_sum3A [1] : vector<512x64xf32> to vector<512xf32>
    %broadcast_in_dim3A = vector.shape_cast %reduce_sum3A_4 : vector<512xf32> to vector<512x1xf32>
    %mul3A_5 = arith.constant 512 : i32
    %mul3A_6 = arith.muli %arg0, %mul3A_5 : i32
    %get3A_7 = arith.index_cast %mul3A_6 : i32 to index
    %get3A_8 = arith.constant 0 : index
    %get3A_9 = vector.load %arg2[%get3A_7, %get3A_8] : memref<10240x1xi32, #tpu.memory_space<vmem>>, vector<512x1xi32>
    %broadcast_in_dim3A_10 = arith.constant 0 : i32
    %broadcast_in_dim3A_11 = vector.broadcast %broadcast_in_dim3A_10 : i32 to vector<512x1xi32>
    %broadcast_in_dim3A_12 = arith.constant 0 : i32
    %broadcast_in_dim3A_13 = vector.broadcast %broadcast_in_dim3A_12 : i32 to vector<512x1xi32>
    %get3A_14 = arith.constant 0 : index
    %get3A_15 = arith.constant 0 : index
    %get3A_16 = vector.load %arg3[%get3A_14, %get3A_15] : memref<1x10240xi32, #tpu.memory_space<vmem>>, vector<1x10240xi32>
    %eq3A = arith.constant 0 : i32
    %eq3A_17 = vector.broadcast %eq3A : i32 to vector<1x10240xi32>
    %eq3A_18 = arith.cmpi eq, %get3A_16, %eq3A_17 : vector<1x10240xi32>
    %jit3A = arith.constant 1 : i32
    %jit3A_19 = arith.constant 0 : i32
    %broadcast_in_dim3A_20 = vector.broadcast %jit3A : i32 to vector<1x10240xi32>
    %broadcast_in_dim3A_21 = vector.broadcast %jit3A_19 : i32 to vector<1x10240xi32>
    %select_n3A = arith.select %eq3A_18, %broadcast_in_dim3A_20, %broadcast_in_dim3A_21 : vector<1x10240xi1>, vector<1x10240xi32>
    %reduce_sum3A_22 = vector.shape_cast %select_n3A : vector<1x10240xi32> to vector<1x1x10240xi32>
    %reduce_sum3A_23 = arith.constant dense<0> : vector<1xi32>
    %reduce_sum3A_24 = vector.multi_reduction <add>, %reduce_sum3A_22, %reduce_sum3A_23 [1, 2] : vector<1x1x10240xi32> to vector<1xi32>
    %reduce_sum3A_25 = vector.shape_cast %reduce_sum3A_24 : vector<1xi32> to vector<1x1x1xi32>
    %reduce_sum3A_26 = vector.extract %reduce_sum3A_25[0, 0, 0] : i32 from vector<1x1x1xi32>
    %gt3A = arith.constant 0 : i32
    %gt3A_27 = vector.broadcast %gt3A : i32 to vector<512x1xi32>
    %gt3A_28 = arith.cmpi sgt, %get3A_9, %gt3A_27 : vector<512x1xi32>
    %jit3A_29 = arith.constant 0 : i32
    %broadcast_in_dim3A_30 = vector.broadcast %reduce_sum3A_26 : i32 to vector<512x1xi32>
    %broadcast_in_dim3A_31 = vector.broadcast %jit3A_29 : i32 to vector<512x1xi32>
    %select_n3A_32 = arith.select %gt3A_28, %broadcast_in_dim3A_30, %broadcast_in_dim3A_31 : vector<512x1xi1>, vector<512x1xi32>
    %add3A = arith.addi %broadcast_in_dim3A_11, %select_n3A_32 : vector<512x1xi32>
    %ge3A = arith.constant 0 : i32
    %ge3A_33 = vector.broadcast %ge3A : i32 to vector<512x1xi32>
    %ge3A_34 = arith.cmpi sge, %get3A_9, %ge3A_33 : vector<512x1xi32>
    %jit3A_35 = arith.constant 0 : i32
    %broadcast_in_dim3A_36 = vector.broadcast %reduce_sum3A_26 : i32 to vector<512x1xi32>
    %broadcast_in_dim3A_37 = vector.broadcast %jit3A_35 : i32 to vector<512x1xi32>
    %select_n3A_38 = arith.select %ge3A_34, %broadcast_in_dim3A_36, %broadcast_in_dim3A_37 : vector<512x1xi1>, vector<512x1xi32>
    %add3A_39 = arith.addi %broadcast_in_dim3A_13, %select_n3A_38 : vector<512x1xi32>
    %eq3A_40 = arith.constant 1 : i32
    %eq3A_41 = vector.broadcast %eq3A_40 : i32 to vector<1x10240xi32>
    %eq3A_42 = arith.cmpi eq, %get3A_16, %eq3A_41 : vector<1x10240xi32>
    %jit3A_43 = arith.constant 1 : i32
    %jit3A_44 = arith.constant 0 : i32
    %broadcast_in_dim3A_45 = vector.broadcast %jit3A_43 : i32 to vector<1x10240xi32>
    %broadcast_in_dim3A_46 = vector.broadcast %jit3A_44 : i32 to vector<1x10240xi32>
    %select_n3A_47 = arith.select %eq3A_42, %broadcast_in_dim3A_45, %broadcast_in_dim3A_46 : vector<1x10240xi1>, vector<1x10240xi32>
    %reduce_sum3A_48 = vector.shape_cast %select_n3A_47 : vector<1x10240xi32> to vector<1x1x10240xi32>
    %reduce_sum3A_49 = arith.constant dense<0> : vector<1xi32>
    %reduce_sum3A_50 = vector.multi_reduction <add>, %reduce_sum3A_48, %reduce_sum3A_49 [1, 2] : vector<1x1x10240xi32> to vector<1xi32>
    %reduce_sum3A_51 = vector.shape_cast %reduce_sum3A_50 : vector<1xi32> to vector<1x1x1xi32>
    %reduce_sum3A_52 = vector.extract %reduce_sum3A_51[0, 0, 0] : i32 from vector<1x1x1xi32>
    %gt3A_53 = arith.constant 1 : i32
    %gt3A_54 = vector.broadcast %gt3A_53 : i32 to vector<512x1xi32>
    %gt3A_55 = arith.cmpi sgt, %get3A_9, %gt3A_54 : vector<512x1xi32>
    %jit3A_56 = arith.constant 0 : i32
    %broadcast_in_dim3A_57 = vector.broadcast %reduce_sum3A_52 : i32 to vector<512x1xi32>
    %broadcast_in_dim3A_58 = vector.broadcast %jit3A_56 : i32 to vector<512x1xi32>
    %select_n3A_59 = arith.select %gt3A_55, %broadcast_in_dim3A_57, %broadcast_in_dim3A_58 : vector<512x1xi1>, vector<512x1xi32>
    %add3A_60 = arith.addi %add3A, %select_n3A_59 : vector<512x1xi32>
    %ge3A_61 = arith.constant 1 : i32
    %ge3A_62 = vector.broadcast %ge3A_61 : i32 to vector<512x1xi32>
    %ge3A_63 = arith.cmpi sge, %get3A_9, %ge3A_62 : vector<512x1xi32>
    %jit3A_64 = arith.constant 0 : i32
    %broadcast_in_dim3A_65 = vector.broadcast %reduce_sum3A_52 : i32 to vector<512x1xi32>
    %broadcast_in_dim3A_66 = vector.broadcast %jit3A_64 : i32 to vector<512x1xi32>
    %select_n3A_67 = arith.select %ge3A_63, %broadcast_in_dim3A_65, %broadcast_in_dim3A_66 : vector<512x1xi1>, vector<512x1xi32>
    %add3A_68 = arith.addi %add3A_39, %select_n3A_67 : vector<512x1xi32>
    %eq3A_69 = arith.constant 2 : i32
    %eq3A_70 = vector.broadcast %eq3A_69 : i32 to vector<1x10240xi32>
    %eq3A_71 = arith.cmpi eq, %get3A_16, %eq3A_70 : vector<1x10240xi32>
    %jit3A_72 = arith.constant 1 : i32
    %jit3A_73 = arith.constant 0 : i32
    %broadcast_in_dim3A_74 = vector.broadcast %jit3A_72 : i32 to vector<1x10240xi32>
    %broadcast_in_dim3A_75 = vector.broadcast %jit3A_73 : i32 to vector<1x10240xi32>
    %select_n3A_76 = arith.select %eq3A_71, %broadcast_in_dim3A_74, %broadcast_in_dim3A_75 : vector<1x10240xi1>, vector<1x10240xi32>
    %reduce_sum3A_77 = vector.shape_cast %select_n3A_76 : vector<1x10240xi32> to vector<1x1x10240xi32>
    %reduce_sum3A_78 = arith.constant dense<0> : vector<1xi32>
    %reduce_sum3A_79 = vector.multi_reduction <add>, %reduce_sum3A_77, %reduce_sum3A_78 [1, 2] : vector<1x1x10240xi32> to vector<1xi32>
    %reduce_sum3A_80 = vector.shape_cast %reduce_sum3A_79 : vector<1xi32> to vector<1x1x1xi32>
    %reduce_sum3A_81 = vector.extract %reduce_sum3A_80[0, 0, 0] : i32 from vector<1x1x1xi32>
    %gt3A_82 = arith.constant 2 : i32
    %gt3A_83 = vector.broadcast %gt3A_82 : i32 to vector<512x1xi32>
    %gt3A_84 = arith.cmpi sgt, %get3A_9, %gt3A_83 : vector<512x1xi32>
    %jit3A_85 = arith.constant 0 : i32
    %broadcast_in_dim3A_86 = vector.broadcast %reduce_sum3A_81 : i32 to vector<512x1xi32>
    %broadcast_in_dim3A_87 = vector.broadcast %jit3A_85 : i32 to vector<512x1xi32>
    %select_n3A_88 = arith.select %gt3A_84, %broadcast_in_dim3A_86, %broadcast_in_dim3A_87 : vector<512x1xi1>, vector<512x1xi32>
    %add3A_89 = arith.addi %add3A_60, %select_n3A_88 : vector<512x1xi32>
    %ge3A_90 = arith.constant 2 : i32
    %ge3A_91 = vector.broadcast %ge3A_90 : i32 to vector<512x1xi32>
    %ge3A_92 = arith.cmpi sge, %get3A_9, %ge3A_91 : vector<512x1xi32>
    %jit3A_93 = arith.constant 0 : i32
    %broadcast_in_dim3A_94 = vector.broadcast %reduce_sum3A_81 : i32 to vector<512x1xi32>
    %broadcast_in_dim3A_95 = vector.broadcast %jit3A_93 : i32 to vector<512x1xi32>
    %select_n3A_96 = arith.select %ge3A_92, %broadcast_in_dim3A_94, %broadcast_in_dim3A_95 : vector<512x1xi1>, vector<512x1xi32>
    %add3A_97 = arith.addi %add3A_68, %select_n3A_96 : vector<512x1xi32>
    %eq3A_98 = arith.constant 3 : i32
    %eq3A_99 = vector.broadcast %eq3A_98 : i32 to vector<1x10240xi32>
    %eq3A_100 = arith.cmpi eq, %get3A_16, %eq3A_99 : vector<1x10240xi32>
    %jit3A_101 = arith.constant 1 : i32
    %jit3A_102 = arith.constant 0 : i32
    %broadcast_in_dim3A_103 = vector.broadcast %jit3A_101 : i32 to vector<1x10240xi32>
    %broadcast_in_dim3A_104 = vector.broadcast %jit3A_102 : i32 to vector<1x10240xi32>
    %select_n3A_105 = arith.select %eq3A_100, %broadcast_in_dim3A_103, %broadcast_in_dim3A_104 : vector<1x10240xi1>, vector<1x10240xi32>
    %reduce_sum3A_106 = vector.shape_cast %select_n3A_105 : vector<1x10240xi32> to vector<1x1x10240xi32>
    %reduce_sum3A_107 = arith.constant dense<0> : vector<1xi32>
    %reduce_sum3A_108 = vector.multi_reduction <add>, %reduce_sum3A_106, %reduce_sum3A_107 [1, 2] : vector<1x1x10240xi32> to vector<1xi32>
    %reduce_sum3A_109 = vector.shape_cast %reduce_sum3A_108 : vector<1xi32> to vector<1x1x1xi32>
    %reduce_sum3A_110 = vector.extract %reduce_sum3A_109[0, 0, 0] : i32 from vector<1x1x1xi32>
    %gt3A_111 = arith.constant 3 : i32
    %gt3A_112 = vector.broadcast %gt3A_111 : i32 to vector<512x1xi32>
    %gt3A_113 = arith.cmpi sgt, %get3A_9, %gt3A_112 : vector<512x1xi32>
    %jit3A_114 = arith.constant 0 : i32
    %broadcast_in_dim3A_115 = vector.broadcast %reduce_sum3A_110 : i32 to vector<512x1xi32>
    %broadcast_in_dim3A_116 = vector.broadcast %jit3A_114 : i32 to vector<512x1xi32>
    %select_n3A_117 = arith.select %gt3A_113, %broadcast_in_dim3A_115, %broadcast_in_dim3A_116 : vector<512x1xi1>, vector<512x1xi32>
    %add3A_118 = arith.addi %add3A_89, %select_n3A_117 : vector<512x1xi32>
    %ge3A_119 = arith.constant 3 : i32
    %ge3A_120 = vector.broadcast %ge3A_119 : i32 to vector<512x1xi32>
    %ge3A_121 = arith.cmpi sge, %get3A_9, %ge3A_120 : vector<512x1xi32>
    %jit3A_122 = arith.constant 0 : i32
    %broadcast_in_dim3A_123 = vector.broadcast %reduce_sum3A_110 : i32 to vector<512x1xi32>
    %broadcast_in_dim3A_124 = vector.broadcast %jit3A_122 : i32 to vector<512x1xi32>
    %select_n3A_125 = arith.select %ge3A_121, %broadcast_in_dim3A_123, %broadcast_in_dim3A_124 : vector<512x1xi1>, vector<512x1xi32>
    %add3A_126 = arith.addi %add3A_97, %select_n3A_125 : vector<512x1xi32>
    %eq3A_127 = arith.constant 4 : i32
    %eq3A_128 = vector.broadcast %eq3A_127 : i32 to vector<1x10240xi32>
    %eq3A_129 = arith.cmpi eq, %get3A_16, %eq3A_128 : vector<1x10240xi32>
    %jit3A_130 = arith.constant 1 : i32
    %jit3A_131 = arith.constant 0 : i32
    %broadcast_in_dim3A_132 = vector.broadcast %jit3A_130 : i32 to vector<1x10240xi32>
    %broadcast_in_dim3A_133 = vector.broadcast %jit3A_131 : i32 to vector<1x10240xi32>
    %select_n3A_134 = arith.select %eq3A_129, %broadcast_in_dim3A_132, %broadcast_in_dim3A_133 : vector<1x10240xi1>, vector<1x10240xi32>
    %reduce_sum3A_135 = vector.shape_cast %select_n3A_134 : vector<1x10240xi32> to vector<1x1x10240xi32>
    %reduce_sum3A_136 = arith.constant dense<0> : vector<1xi32>
    %reduce_sum3A_137 = vector.multi_reduction <add>, %reduce_sum3A_135, %reduce_sum3A_136 [1, 2] : vector<1x1x10240xi32> to vector<1xi32>
    %reduce_sum3A_138 = vector.shape_cast %reduce_sum3A_137 : vector<1xi32> to vector<1x1x1xi32>
    %reduce_sum3A_139 = vector.extract %reduce_sum3A_138[0, 0, 0] : i32 from vector<1x1x1xi32>
    %gt3A_140 = arith.constant 4 : i32
    %gt3A_141 = vector.broadcast %gt3A_140 : i32 to vector<512x1xi32>
    %gt3A_142 = arith.cmpi sgt, %get3A_9, %gt3A_141 : vector<512x1xi32>
    %jit3A_143 = arith.constant 0 : i32
    %broadcast_in_dim3A_144 = vector.broadcast %reduce_sum3A_139 : i32 to vector<512x1xi32>
    %broadcast_in_dim3A_145 = vector.broadcast %jit3A_143 : i32 to vector<512x1xi32>
    %select_n3A_146 = arith.select %gt3A_142, %broadcast_in_dim3A_144, %broadcast_in_dim3A_145 : vector<512x1xi1>, vector<512x1xi32>
    %add3A_147 = arith.addi %add3A_118, %select_n3A_146 : vector<512x1xi32>
    %ge3A_148 = arith.constant 4 : i32
    %ge3A_149 = vector.broadcast %ge3A_148 : i32 to vector<512x1xi32>
    %ge3A_150 = arith.cmpi sge, %get3A_9, %ge3A_149 : vector<512x1xi32>
    %jit3A_151 = arith.constant 0 : i32
    %broadcast_in_dim3A_152 = vector.broadcast %reduce_sum3A_139 : i32 to vector<512x1xi32>
    %broadcast_in_dim3A_153 = vector.broadcast %jit3A_151 : i32 to vector<512x1xi32>
    %select_n3A_154 = arith.select %ge3A_150, %broadcast_in_dim3A_152, %broadcast_in_dim3A_153 : vector<512x1xi1>, vector<512x1xi32>
    %add3A_155 = arith.addi %add3A_126, %select_n3A_154 : vector<512x1xi32>
    %eq3A_156 = arith.constant 5 : i32
    %eq3A_157 = vector.broadcast %eq3A_156 : i32 to vector<1x10240xi32>
    %eq3A_158 = arith.cmpi eq, %get3A_16, %eq3A_157 : vector<1x10240xi32>
    %jit3A_159 = arith.constant 1 : i32
    %jit3A_160 = arith.constant 0 : i32
    %broadcast_in_dim3A_161 = vector.broadcast %jit3A_159 : i32 to vector<1x10240xi32>
    %broadcast_in_dim3A_162 = vector.broadcast %jit3A_160 : i32 to vector<1x10240xi32>
    %select_n3A_163 = arith.select %eq3A_158, %broadcast_in_dim3A_161, %broadcast_in_dim3A_162 : vector<1x10240xi1>, vector<1x10240xi32>
    %reduce_sum3A_164 = vector.shape_cast %select_n3A_163 : vector<1x10240xi32> to vector<1x1x10240xi32>
    %reduce_sum3A_165 = arith.constant dense<0> : vector<1xi32>
    %reduce_sum3A_166 = vector.multi_reduction <add>, %reduce_sum3A_164, %reduce_sum3A_165 [1, 2] : vector<1x1x10240xi32> to vector<1xi32>
    %reduce_sum3A_167 = vector.shape_cast %reduce_sum3A_166 : vector<1xi32> to vector<1x1x1xi32>
    %reduce_sum3A_168 = vector.extract %reduce_sum3A_167[0, 0, 0] : i32 from vector<1x1x1xi32>
    %gt3A_169 = arith.constant 5 : i32
    %gt3A_170 = vector.broadcast %gt3A_169 : i32 to vector<512x1xi32>
    %gt3A_171 = arith.cmpi sgt, %get3A_9, %gt3A_170 : vector<512x1xi32>
    %jit3A_172 = arith.constant 0 : i32
    %broadcast_in_dim3A_173 = vector.broadcast %reduce_sum3A_168 : i32 to vector<512x1xi32>
    %broadcast_in_dim3A_174 = vector.broadcast %jit3A_172 : i32 to vector<512x1xi32>
    %select_n3A_175 = arith.select %gt3A_171, %broadcast_in_dim3A_173, %broadcast_in_dim3A_174 : vector<512x1xi1>, vector<512x1xi32>
    %add3A_176 = arith.addi %add3A_147, %select_n3A_175 : vector<512x1xi32>
    %ge3A_177 = arith.constant 5 : i32
    %ge3A_178 = vector.broadcast %ge3A_177 : i32 to vector<512x1xi32>
    %ge3A_179 = arith.cmpi sge, %get3A_9, %ge3A_178 : vector<512x1xi32>
    %jit3A_180 = arith.constant 0 : i32
    %broadcast_in_dim3A_181 = vector.broadcast %reduce_sum3A_168 : i32 to vector<512x1xi32>
    %broadcast_in_dim3A_182 = vector.broadcast %jit3A_180 : i32 to vector<512x1xi32>
    %select_n3A_183 = arith.select %ge3A_179, %broadcast_in_dim3A_181, %broadcast_in_dim3A_182 : vector<512x1xi1>, vector<512x1xi32>
    %add3A_184 = arith.addi %add3A_155, %select_n3A_183 : vector<512x1xi32>
    %eq3A_185 = arith.constant 6 : i32
    %eq3A_186 = vector.broadcast %eq3A_185 : i32 to vector<1x10240xi32>
    %eq3A_187 = arith.cmpi eq, %get3A_16, %eq3A_186 : vector<1x10240xi32>
    %jit3A_188 = arith.constant 1 : i32
    %jit3A_189 = arith.constant 0 : i32
    %broadcast_in_dim3A_190 = vector.broadcast %jit3A_188 : i32 to vector<1x10240xi32>
    %broadcast_in_dim3A_191 = vector.broadcast %jit3A_189 : i32 to vector<1x10240xi32>
    %select_n3A_192 = arith.select %eq3A_187, %broadcast_in_dim3A_190, %broadcast_in_dim3A_191 : vector<1x10240xi1>, vector<1x10240xi32>
    %reduce_sum3A_193 = vector.shape_cast %select_n3A_192 : vector<1x10240xi32> to vector<1x1x10240xi32>
    %reduce_sum3A_194 = arith.constant dense<0> : vector<1xi32>
    %reduce_sum3A_195 = vector.multi_reduction <add>, %reduce_sum3A_193, %reduce_sum3A_194 [1, 2] : vector<1x1x10240xi32> to vector<1xi32>
    %reduce_sum3A_196 = vector.shape_cast %reduce_sum3A_195 : vector<1xi32> to vector<1x1x1xi32>
    %reduce_sum3A_197 = vector.extract %reduce_sum3A_196[0, 0, 0] : i32 from vector<1x1x1xi32>
    %gt3A_198 = arith.constant 6 : i32
    %gt3A_199 = vector.broadcast %gt3A_198 : i32 to vector<512x1xi32>
    %gt3A_200 = arith.cmpi sgt, %get3A_9, %gt3A_199 : vector<512x1xi32>
    %jit3A_201 = arith.constant 0 : i32
    %broadcast_in_dim3A_202 = vector.broadcast %reduce_sum3A_197 : i32 to vector<512x1xi32>
    %broadcast_in_dim3A_203 = vector.broadcast %jit3A_201 : i32 to vector<512x1xi32>
    %select_n3A_204 = arith.select %gt3A_200, %broadcast_in_dim3A_202, %broadcast_in_dim3A_203 : vector<512x1xi1>, vector<512x1xi32>
    %add3A_205 = arith.addi %add3A_176, %select_n3A_204 : vector<512x1xi32>
    %ge3A_206 = arith.constant 6 : i32
    %ge3A_207 = vector.broadcast %ge3A_206 : i32 to vector<512x1xi32>
    %ge3A_208 = arith.cmpi sge, %get3A_9, %ge3A_207 : vector<512x1xi32>
    %jit3A_209 = arith.constant 0 : i32
    %broadcast_in_dim3A_210 = vector.broadcast %reduce_sum3A_197 : i32 to vector<512x1xi32>
    %broadcast_in_dim3A_211 = vector.broadcast %jit3A_209 : i32 to vector<512x1xi32>
    %select_n3A_212 = arith.select %ge3A_208, %broadcast_in_dim3A_210, %broadcast_in_dim3A_211 : vector<512x1xi1>, vector<512x1xi32>
    %add3A_213 = arith.addi %add3A_184, %select_n3A_212 : vector<512x1xi32>
    %eq3A_214 = arith.constant 7 : i32
    %eq3A_215 = vector.broadcast %eq3A_214 : i32 to vector<1x10240xi32>
    %eq3A_216 = arith.cmpi eq, %get3A_16, %eq3A_215 : vector<1x10240xi32>
    %jit3A_217 = arith.constant 1 : i32
    %jit3A_218 = arith.constant 0 : i32
    %broadcast_in_dim3A_219 = vector.broadcast %jit3A_217 : i32 to vector<1x10240xi32>
    %broadcast_in_dim3A_220 = vector.broadcast %jit3A_218 : i32 to vector<1x10240xi32>
    %select_n3A_221 = arith.select %eq3A_216, %broadcast_in_dim3A_219, %broadcast_in_dim3A_220 : vector<1x10240xi1>, vector<1x10240xi32>
    %reduce_sum3A_222 = vector.shape_cast %select_n3A_221 : vector<1x10240xi32> to vector<1x1x10240xi32>
    %reduce_sum3A_223 = arith.constant dense<0> : vector<1xi32>
    %reduce_sum3A_224 = vector.multi_reduction <add>, %reduce_sum3A_222, %reduce_sum3A_223 [1, 2] : vector<1x1x10240xi32> to vector<1xi32>
    %reduce_sum3A_225 = vector.shape_cast %reduce_sum3A_224 : vector<1xi32> to vector<1x1x1xi32>
    %reduce_sum3A_226 = vector.extract %reduce_sum3A_225[0, 0, 0] : i32 from vector<1x1x1xi32>
    %gt3A_227 = arith.constant 7 : i32
    %gt3A_228 = vector.broadcast %gt3A_227 : i32 to vector<512x1xi32>
    %gt3A_229 = arith.cmpi sgt, %get3A_9, %gt3A_228 : vector<512x1xi32>
    %jit3A_230 = arith.constant 0 : i32
    %broadcast_in_dim3A_231 = vector.broadcast %reduce_sum3A_226 : i32 to vector<512x1xi32>
    %broadcast_in_dim3A_232 = vector.broadcast %jit3A_230 : i32 to vector<512x1xi32>
    %select_n3A_233 = arith.select %gt3A_229, %broadcast_in_dim3A_231, %broadcast_in_dim3A_232 : vector<512x1xi1>, vector<512x1xi32>
    %add3A_234 = arith.addi %add3A_205, %select_n3A_233 : vector<512x1xi32>
    %ge3A_235 = arith.constant 7 : i32
    %ge3A_236 = vector.broadcast %ge3A_235 : i32 to vector<512x1xi32>
    %ge3A_237 = arith.cmpi sge, %get3A_9, %ge3A_236 : vector<512x1xi32>
    %jit3A_238 = arith.constant 0 : i32
    %broadcast_in_dim3A_239 = vector.broadcast %reduce_sum3A_226 : i32 to vector<512x1xi32>
    %broadcast_in_dim3A_240 = vector.broadcast %jit3A_238 : i32 to vector<512x1xi32>
    %select_n3A_241 = arith.select %ge3A_237, %broadcast_in_dim3A_239, %broadcast_in_dim3A_240 : vector<512x1xi1>, vector<512x1xi32>
    %add3A_242 = arith.addi %add3A_213, %select_n3A_241 : vector<512x1xi32>
    %reduce_min3A = vector.shape_cast %add3A_234 : vector<512x1xi32> to vector<1x512x1xi32>
    %reduce_min3A_243 = arith.constant dense<2147483647> : vector<1xi32>
    %reduce_min3A_244 = vector.multi_reduction <minsi>, %reduce_min3A, %reduce_min3A_243 [1, 2] : vector<1x512x1xi32> to vector<1xi32>
    %reduce_min3A_245 = vector.shape_cast %reduce_min3A_244 : vector<1xi32> to vector<1x1x1xi32>
    %reduce_min3A_246 = vector.extract %reduce_min3A_245[0, 0, 0] : i32 from vector<1x1x1xi32>
    %jit3A_247 = arith.constant 1024 : i32
    %div3A = arith.divsi %reduce_min3A_246, %jit3A_247 : i32
    %sign3A = arith.constant 0 : i32
    %sign3A_248 = arith.cmpi sgt, %reduce_min3A_246, %sign3A : i32
    %sign3A_249 = arith.extui %sign3A_248 : i1 to i32
    %sign3A_250 = arith.constant 0 : i32
    %sign3A_251 = arith.cmpi slt, %reduce_min3A_246, %sign3A_250 : i32
    %sign3A_252 = arith.extui %sign3A_251 : i1 to i32
    %sign3A_253 = arith.subi %sign3A_249, %sign3A_252 : i32
    %sign3A_254 = arith.constant 0 : i32
    %sign3A_255 = arith.cmpi sgt, %jit3A_247, %sign3A_254 : i32
    %sign3A_256 = arith.extui %sign3A_255 : i1 to i32
    %sign3A_257 = arith.constant 0 : i32
    %sign3A_258 = arith.cmpi slt, %jit3A_247, %sign3A_257 : i32
    %sign3A_259 = arith.extui %sign3A_258 : i1 to i32
    %sign3A_260 = arith.subi %sign3A_256, %sign3A_259 : i32
    %ne3A = arith.cmpi ne, %sign3A_253, %sign3A_260 : i32
    %rem3A = arith.remsi %reduce_min3A_246, %jit3A_247 : i32
    %ne3A_261 = arith.constant 0 : i32
    %ne3A_262 = arith.cmpi ne, %rem3A, %ne3A_261 : i32
    %and3A = arith.andi %ne3A, %ne3A_262 : i1
    %sub3A = arith.constant 1 : i32
    %sub3A_263 = arith.subi %div3A, %sub3A : i32
    %select_n3A_264 = arith.select %and3A, %sub3A_263, %div3A : i32
    %reduce_max3A = vector.shape_cast %add3A_242 : vector<512x1xi32> to vector<1x512x1xi32>
    %reduce_max3A_265 = arith.constant dense<-2147483648> : vector<1xi32>
    %reduce_max3A_266 = vector.multi_reduction <maxsi>, %reduce_max3A, %reduce_max3A_265 [1, 2] : vector<1x512x1xi32> to vector<1xi32>
    %reduce_max3A_267 = vector.shape_cast %reduce_max3A_266 : vector<1xi32> to vector<1x1x1xi32>
    %reduce_max3A_268 = vector.extract %reduce_max3A_267[0, 0, 0] : i32 from vector<1x1x1xi32>
    %add3A_269 = arith.constant 1024 : i32
    %add3A_270 = arith.addi %reduce_max3A_268, %add3A_269 : i32
    %sub3A_271 = arith.constant 1 : i32
    %sub3A_272 = arith.subi %add3A_270, %sub3A_271 : i32
    %jit3A_273 = arith.constant 1024 : i32
    %div3A_274 = arith.divsi %sub3A_272, %jit3A_273 : i32
    %sign3A_275 = arith.constant 0 : i32
    %sign3A_276 = arith.cmpi sgt, %sub3A_272, %sign3A_275 : i32
    %sign3A_277 = arith.extui %sign3A_276 : i1 to i32
    %sign3A_278 = arith.constant 0 : i32
    %sign3A_279 = arith.cmpi slt, %sub3A_272, %sign3A_278 : i32
    %sign3A_280 = arith.extui %sign3A_279 : i1 to i32
    %sign3A_281 = arith.subi %sign3A_277, %sign3A_280 : i32
    %sign3A_282 = arith.constant 0 : i32
    %sign3A_283 = arith.cmpi sgt, %jit3A_273, %sign3A_282 : i32
    %sign3A_284 = arith.extui %sign3A_283 : i1 to i32
    %sign3A_285 = arith.constant 0 : i32
    %sign3A_286 = arith.cmpi slt, %jit3A_273, %sign3A_285 : i32
    %sign3A_287 = arith.extui %sign3A_286 : i1 to i32
    %sign3A_288 = arith.subi %sign3A_284, %sign3A_287 : i32
    %ne3A_289 = arith.cmpi ne, %sign3A_281, %sign3A_288 : i32
    %rem3A_290 = arith.remsi %sub3A_272, %jit3A_273 : i32
    %ne3A_291 = arith.constant 0 : i32
    %ne3A_292 = arith.cmpi ne, %rem3A_290, %ne3A_291 : i32
    %and3A_293 = arith.andi %ne3A_289, %ne3A_292 : i1
    %sub3A_294 = arith.constant 1 : i32
    %sub3A_295 = arith.subi %div3A_274, %sub3A_294 : i32
    %select_n3A_296 = arith.select %and3A_293, %sub3A_295, %div3A_274 : i32
    %while3A = arith.constant 0x7F800000 : f32
    %while3A_297 = arith.constant 0 : i32
    %while3A_298 = arith.subi %select_n3A_296, %select_n3A_264 : i32
    %while3A_299 = arith.addi %select_n3A_264, %while3A_298 : i32
    %while3A_300 = arith.constant 1 : i32
    %while3A_301 = arith.divsi %while3A_298, %while3A_300 : i32
    %while3A_302 = arith.muli %while3A_301, %while3A_300 : i32
    %while3A_303 = arith.addi %select_n3A_264, %while3A_302 : i32
    %while3A_304 = arith.constant 1 : i32
    %while3A_305 = scf.for %while3A_827 = %select_n3A_264 to %while3A_303 step %while3A_304 iter_args(%while3A_828 = %while3A_297) -> (i32)  : i32 {
      %mul3A_829 = arith.constant 1024 : i32
      %mul3A_830 = arith.muli %while3A_827, %mul3A_829 : i32
      %get3A_831 = arith.index_cast %mul3A_830 : i32 to index
      %get3A_832 = arith.constant 0 : index
      %get3A_833 = vector.load %arg1[%get3A_831, %get3A_832] : memref<10240x64xf32, #tpu.memory_space<vmem>>, vector<1024x64xf32>
      %mul3A_834 = arith.mulf %get3A_833, %get3A_833 : vector<1024x64xf32>
      %reduce_sum3A_835 = arith.constant dense<0.000000e+00> : vector<1024xf32>
      %reduce_sum3A_836 = vector.multi_reduction <add>, %mul3A_834, %reduce_sum3A_835 [1] : vector<1024x64xf32> to vector<1024xf32>
      %broadcast_in_dim3A_837 = vector.shape_cast %reduce_sum3A_836 : vector<1024xf32> to vector<1x1024xf32>
      %dot_general3A = arith.constant dense<0.000000e+00> : vector<512x1024xf32>
      %dot_general3A_838 = tpu.matmul %get3A_2, %get3A_833, %dot_general3A {dimension_numbers = #tpu.dot_dimension_numbers<[1], [1], [0], [0], [0, 0, 1, 0], [], []>, transpose_lhs_hint = false} : vector<512x64xf32>, vector<1024x64xf32>, vector<512x1024xf32> -> vector<512x1024xf32>
      %add3A_839 = vector.broadcast %broadcast_in_dim3A : vector<512x1xf32> to vector<512x1024xf32>
      %add3A_840 = vector.broadcast %broadcast_in_dim3A_837 : vector<1x1024xf32> to vector<512x1024xf32>
      %add3A_841 = arith.addf %add3A_839, %add3A_840 : vector<512x1024xf32>
      %mul3A_842 = arith.constant 2.000000e+00 : f32
      %mul3A_843 = vector.broadcast %mul3A_842 : f32 to vector<512x1024xf32>
      %mul3A_844 = arith.mulf %mul3A_843, %dot_general3A_838 : vector<512x1024xf32>
      %sub3A_845 = arith.subf %add3A_841, %mul3A_844 : vector<512x1024xf32>
      %mul3A_846 = arith.constant 1024 : i32
      %mul3A_847 = arith.muli %while3A_827, %mul3A_846 : i32
      %get3A_848 = arith.constant 0 : index
      %get3A_849 = arith.index_cast %mul3A_847 : i32 to index
      %get3A_850 = vector.load %arg3[%get3A_848, %get3A_849] : memref<1x10240xi32, #tpu.memory_space<vmem>>, vector<1x1024xi32>
      %eq3A_851 = vector.broadcast %get3A_9 : vector<512x1xi32> to vector<512x1024xi32>
      %eq3A_852 = vector.broadcast %get3A_850 : vector<1x1024xi32> to vector<512x1024xi32>
      %eq3A_853 = arith.cmpi eq, %eq3A_851, %eq3A_852 : vector<512x1024xi32>
      %broadcast_in_dim3A_854 = vector.broadcast %while3A : f32 to vector<512x1024xf32>
      %select_n3A_855 = arith.select %eq3A_853, %sub3A_845, %broadcast_in_dim3A_854 : vector<512x1024xi1>, vector<512x1024xf32>
      %mul3A_856 = arith.constant 1024 : i32
      %mul3A_857 = arith.muli %while3A_827, %mul3A_856 : i32
      %swap3A_858 = arith.constant 0 : index
      %swap3A_859 = arith.index_cast %mul3A_857 : i32 to index
      %swap3A_860 = vector.load %arg5[%swap3A_858, %swap3A_859] : memref<512x10240xf32, #tpu.memory_space<vmem>>, vector<512x1024xf32>
      tpu.vector_store %arg5[%swap3A_858, %swap3A_859], %select_n3A_855 {strides = array<i32>} : memref<512x10240xf32, #tpu.memory_space<vmem>>, vector<512x1024xf32>,
      %while3A_861 = arith.constant 0 : i32
      scf.yield %while3A_861 : i32
    }
    %while3A_306 = arith.constant 1 : i32
    %while3A_307 = scf.for %while3A_827 = %while3A_303 to %while3A_299 step %while3A_306 iter_args(%while3A_828 = %while3A_305) -> (i32)  : i32 {
      %mul3A_829 = arith.constant 1024 : i32
      %mul3A_830 = arith.muli %while3A_827, %mul3A_829 : i32
      %get3A_831 = arith.index_cast %mul3A_830 : i32 to index
      %get3A_832 = arith.constant 0 : index
      %get3A_833 = vector.load %arg1[%get3A_831, %get3A_832] : memref<10240x64xf32, #tpu.memory_space<vmem>>, vector<1024x64xf32>
      %mul3A_834 = arith.mulf %get3A_833, %get3A_833 : vector<1024x64xf32>
      %reduce_sum3A_835 = arith.constant dense<0.000000e+00> : vector<1024xf32>
      %reduce_sum3A_836 = vector.multi_reduction <add>, %mul3A_834, %reduce_sum3A_835 [1] : vector<1024x64xf32> to vector<1024xf32>
      %broadcast_in_dim3A_837 = vector.shape_cast %reduce_sum3A_836 : vector<1024xf32> to vector<1x1024xf32>
      %dot_general3A = arith.constant dense<0.000000e+00> : vector<512x1024xf32>
      %dot_general3A_838 = tpu.matmul %get3A_2, %get3A_833, %dot_general3A {dimension_numbers = #tpu.dot_dimension_numbers<[1], [1], [0], [0], [0, 0, 1, 0], [], []>, transpose_lhs_hint = false} : vector<512x64xf32>, vector<1024x64xf32>, vector<512x1024xf32> -> vector<512x1024xf32>
      %add3A_839 = vector.broadcast %broadcast_in_dim3A : vector<512x1xf32> to vector<512x1024xf32>
      %add3A_840 = vector.broadcast %broadcast_in_dim3A_837 : vector<1x1024xf32> to vector<512x1024xf32>
      %add3A_841 = arith.addf %add3A_839, %add3A_840 : vector<512x1024xf32>
      %mul3A_842 = arith.constant 2.000000e+00 : f32
      %mul3A_843 = vector.broadcast %mul3A_842 : f32 to vector<512x1024xf32>
      %mul3A_844 = arith.mulf %mul3A_843, %dot_general3A_838 : vector<512x1024xf32>
      %sub3A_845 = arith.subf %add3A_841, %mul3A_844 : vector<512x1024xf32>
      %mul3A_846 = arith.constant 1024 : i32
      %mul3A_847 = arith.muli %while3A_827, %mul3A_846 : i32
      %get3A_848 = arith.constant 0 : index
      %get3A_849 = arith.index_cast %mul3A_847 : i32 to index
      %get3A_850 = vector.load %arg3[%get3A_848, %get3A_849] : memref<1x10240xi32, #tpu.memory_space<vmem>>, vector<1x1024xi32>
      %eq3A_851 = vector.broadcast %get3A_9 : vector<512x1xi32> to vector<512x1024xi32>
      %eq3A_852 = vector.broadcast %get3A_850 : vector<1x1024xi32> to vector<512x1024xi32>
      %eq3A_853 = arith.cmpi eq, %eq3A_851, %eq3A_852 : vector<512x1024xi32>
      %broadcast_in_dim3A_854 = vector.broadcast %while3A : f32 to vector<512x1024xf32>
      %select_n3A_855 = arith.select %eq3A_853, %sub3A_845, %broadcast_in_dim3A_854 : vector<512x1024xi1>, vector<512x1024xf32>
      %mul3A_856 = arith.constant 1024 : i32
      %mul3A_857 = arith.muli %while3A_827, %mul3A_856 : i32
      %swap3A_858 = arith.constant 0 : index
      %swap3A_859 = arith.index_cast %mul3A_857 : i32 to index
      %swap3A_860 = vector.load %arg5[%swap3A_858, %swap3A_859] : memref<512x10240xf32, #tpu.memory_space<vmem>>, vector<512x1024xf32>
      tpu.vector_store %arg5[%swap3A_858, %swap3A_859], %select_n3A_855 {strides = array<i32>} : memref<512x10240xf32, #tpu.memory_space<vmem>>, vector<512x1024xf32>,
      %while3A_861 = arith.constant 0 : i32
      scf.yield %while3A_861 : i32
    }
    %iota3A = tpu.iota {dimensions = array<i32: 1>} : vector<512x1024xi32>
    %convert_element_type3A = arith.sitofp %iota3A : vector<512x1024xi32> to vector<512x1024xf32>
    %broadcast_in_dim3A_308 = arith.constant 2.048000e+04 : f32
    %broadcast_in_dim3A_309 = vector.broadcast %broadcast_in_dim3A_308 : f32 to vector<512x1xf32>
    %broadcast_in_dim3A_310 = arith.constant 0x7F800000 : f32
    %broadcast_in_dim3A_311 = vector.broadcast %broadcast_in_dim3A_310 : f32 to vector<512x1xf32>
    %broadcast_in_dim3A_312 = arith.constant 2.048000e+04 : f32
    %broadcast_in_dim3A_313 = vector.broadcast %broadcast_in_dim3A_312 : f32 to vector<512x1xf32>
    %while3A_314 = arith.constant 0x7F800000 : f32
    %while3A_315 = arith.constant 2.048000e+04 : f32
    %while3A_316 = arith.subi %select_n3A_296, %select_n3A_264 : i32
    %while3A_317 = arith.addi %select_n3A_264, %while3A_316 : i32
    %while3A_318 = arith.constant 1 : i32
    %while3A_319 = arith.divsi %while3A_316, %while3A_318 : i32
    %while3A_320 = arith.muli %while3A_319, %while3A_318 : i32
    %while3A_321 = arith.addi %select_n3A_264, %while3A_320 : i32
    %while3A_322 = arith.constant 1 : i32
    %while3A_323:2 = scf.for %while3A_827 = %select_n3A_264 to %while3A_321 step %while3A_322 iter_args(%while3A_828 = %broadcast_in_dim3A_311, %while3A_829 = %broadcast_in_dim3A_313) -> (vector<512x1xf32>, vector<512x1xf32>)  : i32 {
      %mul3A_830 = arith.constant 1024 : i32
      %mul3A_831 = arith.muli %while3A_827, %mul3A_830 : i32
      %convert_element_type3A_832 = arith.sitofp %mul3A_831 : i32 to f32
      %add3A_833 = vector.broadcast %convert_element_type3A_832 : f32 to vector<512x1024xf32>
      %add3A_834 = arith.addf %convert_element_type3A, %add3A_833 : vector<512x1024xf32>
      %mul3A_835 = arith.constant 1024 : i32
      %mul3A_836 = arith.muli %while3A_827, %mul3A_835 : i32
      %get3A_837 = arith.constant 0 : index
      %get3A_838 = arith.index_cast %mul3A_836 : i32 to index
      %get3A_839 = vector.load %arg5[%get3A_837, %get3A_838] : memref<512x10240xf32, #tpu.memory_space<vmem>>, vector<512x1024xf32>
      %eq3A_840 = vector.broadcast %broadcast_in_dim3A_309 : vector<512x1xf32> to vector<512x1024xf32>
      %eq3A_841 = arith.cmpf oeq, %add3A_834, %eq3A_840 : vector<512x1024xf32>
      %broadcast_in_dim3A_842 = vector.broadcast %while3A_314 : f32 to vector<512x1024xf32>
      %select_n3A_843 = arith.select %eq3A_841, %broadcast_in_dim3A_842, %get3A_839 : vector<512x1024xi1>, vector<512x1024xf32>
      %mul3A_844 = arith.constant 1024 : i32
      %mul3A_845 = arith.muli %while3A_827, %mul3A_844 : i32
      %swap3A_846 = arith.constant 0 : index
      %swap3A_847 = arith.index_cast %mul3A_845 : i32 to index
      %swap3A_848 = vector.load %arg5[%swap3A_846, %swap3A_847] : memref<512x10240xf32, #tpu.memory_space<vmem>>, vector<512x1024xf32>
      tpu.vector_store %arg5[%swap3A_846, %swap3A_847], %select_n3A_843 {strides = array<i32>} : memref<512x10240xf32, #tpu.memory_space<vmem>>, vector<512x1024xf32>,
      %reduce_min3A_849 = arith.constant dense<0x7F800000> : vector<512xf32>
      %reduce_min3A_850 = vector.multi_reduction <minimumf>, %select_n3A_843, %reduce_min3A_849 [1] : vector<512x1024xf32> to vector<512xf32>
      %broadcast_in_dim3A_851 = vector.shape_cast %reduce_min3A_850 : vector<512xf32> to vector<512x1xf32>
      %eq3A_852 = vector.broadcast %broadcast_in_dim3A_851 : vector<512x1xf32> to vector<512x1024xf32>
      %eq3A_853 = arith.cmpf oeq, %select_n3A_843, %eq3A_852 : vector<512x1024xf32>
      %broadcast_in_dim3A_854 = vector.broadcast %while3A_315 : f32 to vector<512x1024xf32>
      %select_n3A_855 = arith.select %eq3A_853, %add3A_834, %broadcast_in_dim3A_854 : vector<512x1024xi1>, vector<512x1024xf32>
      %reduce_min3A_856 = arith.constant dense<0x7F800000> : vector<512xf32>
      %reduce_min3A_857 = vector.multi_reduction <minimumf>, %select_n3A_855, %reduce_min3A_856 [1] : vector<512x1024xf32> to vector<512xf32>
      %broadcast_in_dim3A_858 = vector.shape_cast %reduce_min3A_857 : vector<512xf32> to vector<512x1xf32>
      %lt3A = arith.cmpf olt, %broadcast_in_dim3A_851, %while3A_828 : vector<512x1xf32>
      %select_n3A_859 = arith.select %lt3A, %broadcast_in_dim3A_851, %while3A_828 : vector<512x1xi1>, vector<512x1xf32>
      %select_n3A_860 = arith.select %lt3A, %broadcast_in_dim3A_858, %while3A_829 : vector<512x1xi1>, vector<512x1xf32>
      scf.yield %select_n3A_859, %select_n3A_860 : vector<512x1xf32>, vector<512x1xf32>
    }
    %while3A_324 = arith.constant 1 : i32
    %while3A_325:2 = scf.for %while3A_827 = %while3A_321 to %while3A_317 step %while3A_324 iter_args(%while3A_828 = %while3A_323#0, %while3A_829 = %while3A_323#1) -> (vector<512x1xf32>, vector<512x1xf32>)  : i32 {
      %mul3A_830 = arith.constant 1024 : i32
      %mul3A_831 = arith.muli %while3A_827, %mul3A_830 : i32
      %convert_element_type3A_832 = arith.sitofp %mul3A_831 : i32 to f32
      %add3A_833 = vector.broadcast %convert_element_type3A_832 : f32 to vector<512x1024xf32>
      %add3A_834 = arith.addf %convert_element_type3A, %add3A_833 : vector<512x1024xf32>
      %mul3A_835 = arith.constant 1024 : i32
      %mul3A_836 = arith.muli %while3A_827, %mul3A_835 : i32
      %get3A_837 = arith.constant 0 : index
      %get3A_838 = arith.index_cast %mul3A_836 : i32 to index
      %get3A_839 = vector.load %arg5[%get3A_837, %get3A_838] : memref<512x10240xf32, #tpu.memory_space<vmem>>, vector<512x1024xf32>
      %eq3A_840 = vector.broadcast %broadcast_in_dim3A_309 : vector<512x1xf32> to vector<512x1024xf32>
      %eq3A_841 = arith.cmpf oeq, %add3A_834, %eq3A_840 : vector<512x1024xf32>
      %broadcast_in_dim3A_842 = vector.broadcast %while3A_314 : f32 to vector<512x1024xf32>
      %select_n3A_843 = arith.select %eq3A_841, %broadcast_in_dim3A_842, %get3A_839 : vector<512x1024xi1>, vector<512x1024xf32>
      %mul3A_844 = arith.constant 1024 : i32
      %mul3A_845 = arith.muli %while3A_827, %mul3A_844 : i32
      %swap3A_846 = arith.constant 0 : index
      %swap3A_847 = arith.index_cast %mul3A_845 : i32 to index
      %swap3A_848 = vector.load %arg5[%swap3A_846, %swap3A_847] : memref<512x10240xf32, #tpu.memory_space<vmem>>, vector<512x1024xf32>
      tpu.vector_store %arg5[%swap3A_846, %swap3A_847], %select_n3A_843 {strides = array<i32>} : memref<512x10240xf32, #tpu.memory_space<vmem>>, vector<512x1024xf32>,
      %reduce_min3A_849 = arith.constant dense<0x7F800000> : vector<512xf32>
      %reduce_min3A_850 = vector.multi_reduction <minimumf>, %select_n3A_843, %reduce_min3A_849 [1] : vector<512x1024xf32> to vector<512xf32>
      %broadcast_in_dim3A_851 = vector.shape_cast %reduce_min3A_850 : vector<512xf32> to vector<512x1xf32>
      %eq3A_852 = vector.broadcast %broadcast_in_dim3A_851 : vector<512x1xf32> to vector<512x1024xf32>
      %eq3A_853 = arith.cmpf oeq, %select_n3A_843, %eq3A_852 : vector<512x1024xf32>
      %broadcast_in_dim3A_854 = vector.broadcast %while3A_315 : f32 to vector<512x1024xf32>
      %select_n3A_855 = arith.select %eq3A_853, %add3A_834, %broadcast_in_dim3A_854 : vector<512x1024xi1>, vector<512x1024xf32>
      %reduce_min3A_856 = arith.constant dense<0x7F800000> : vector<512xf32>
      %reduce_min3A_857 = vector.multi_reduction <minimumf>, %select_n3A_855, %reduce_min3A_856 [1] : vector<512x1024xf32> to vector<512xf32>
      %broadcast_in_dim3A_858 = vector.shape_cast %reduce_min3A_857 : vector<512xf32> to vector<512x1xf32>
      %lt3A = arith.cmpf olt, %broadcast_in_dim3A_851, %while3A_828 : vector<512x1xf32>
      %select_n3A_859 = arith.select %lt3A, %broadcast_in_dim3A_851, %while3A_828 : vector<512x1xi1>, vector<512x1xf32>
      %select_n3A_860 = arith.select %lt3A, %broadcast_in_dim3A_858, %while3A_829 : vector<512x1xi1>, vector<512x1xf32>
      scf.yield %select_n3A_859, %select_n3A_860 : vector<512x1xf32>, vector<512x1xf32>
    }
    %convert_element_type3A_326 = arith.fptosi %while3A_325#1 : vector<512x1xf32> to vector<512x1xi32>
    %jit3A_327 = arith.constant 0 : i32
    %jit3A_328 = arith.constant 9999 : i32
    %max3A = vector.broadcast %jit3A_327 : i32 to vector<512x1xi32>
    %max3A_329 = arith.maxsi %max3A, %convert_element_type3A_326 : vector<512x1xi32>
    %min3A = vector.broadcast %jit3A_328 : i32 to vector<512x1xi32>
    %min3A_330 = arith.minsi %min3A, %max3A_329 : vector<512x1xi32>
    %swap3A = arith.constant 0 : index
    %swap3A_331 = arith.constant 0 : index
    %swap3A_332 = vector.load %arg4[%swap3A, %swap3A_331] : memref<512x32xi32, #tpu.memory_space<vmem>>, vector<512x1xi32>
    tpu.vector_store %arg4[%swap3A, %swap3A_331], %min3A_330 {strides = array<i32>} : memref<512x32xi32, #tpu.memory_space<vmem>>, vector<512x1xi32>,
    %broadcast_in_dim3A_333 = arith.constant 0x7F800000 : f32
    %broadcast_in_dim3A_334 = vector.broadcast %broadcast_in_dim3A_333 : f32 to vector<512x1xf32>
    %broadcast_in_dim3A_335 = arith.constant 2.048000e+04 : f32
    %broadcast_in_dim3A_336 = vector.broadcast %broadcast_in_dim3A_335 : f32 to vector<512x1xf32>
    %while3A_337 = arith.constant 0x7F800000 : f32
    %while3A_338 = arith.constant 2.048000e+04 : f32
    %while3A_339 = arith.subi %select_n3A_296, %select_n3A_264 : i32
    %while3A_340 = arith.addi %select_n3A_264, %while3A_339 : i32
    %while3A_341 = arith.constant 1 : i32
    %while3A_342 = arith.divsi %while3A_339, %while3A_341 : i32
    %while3A_343 = arith.muli %while3A_342, %while3A_341 : i32
    %while3A_344 = arith.addi %select_n3A_264, %while3A_343 : i32
    %while3A_345 = arith.constant 1 : i32
    %while3A_346:2 = scf.for %while3A_827 = %select_n3A_264 to %while3A_344 step %while3A_345 iter_args(%while3A_828 = %broadcast_in_dim3A_334, %while3A_829 = %broadcast_in_dim3A_336) -> (vector<512x1xf32>, vector<512x1xf32>)  : i32 {
      %mul3A_830 = arith.constant 1024 : i32
      %mul3A_831 = arith.muli %while3A_827, %mul3A_830 : i32
      %convert_element_type3A_832 = arith.sitofp %mul3A_831 : i32 to f32
      %add3A_833 = vector.broadcast %convert_element_type3A_832 : f32 to vector<512x1024xf32>
      %add3A_834 = arith.addf %convert_element_type3A, %add3A_833 : vector<512x1024xf32>
      %mul3A_835 = arith.constant 1024 : i32
      %mul3A_836 = arith.muli %while3A_827, %mul3A_835 : i32
      %get3A_837 = arith.constant 0 : index
      %get3A_838 = arith.index_cast %mul3A_836 : i32 to index
      %get3A_839 = vector.load %arg5[%get3A_837, %get3A_838] : memref<512x10240xf32, #tpu.memory_space<vmem>>, vector<512x1024xf32>
      %eq3A_840 = vector.broadcast %while3A_325#1 : vector<512x1xf32> to vector<512x1024xf32>
      %eq3A_841 = arith.cmpf oeq, %add3A_834, %eq3A_840 : vector<512x1024xf32>
      %broadcast_in_dim3A_842 = vector.broadcast %while3A_337 : f32 to vector<512x1024xf32>
      %select_n3A_843 = arith.select %eq3A_841, %broadcast_in_dim3A_842, %get3A_839 : vector<512x1024xi1>, vector<512x1024xf32>
      %mul3A_844 = arith.constant 1024 : i32
      %mul3A_845 = arith.muli %while3A_827, %mul3A_844 : i32
      %swap3A_846 = arith.constant 0 : index
      %swap3A_847 = arith.index_cast %mul3A_845 : i32 to index
      %swap3A_848 = vector.load %arg5[%swap3A_846, %swap3A_847] : memref<512x10240xf32, #tpu.memory_space<vmem>>, vector<512x1024xf32>
      tpu.vector_store %arg5[%swap3A_846, %swap3A_847], %select_n3A_843 {strides = array<i32>} : memref<512x10240xf32, #tpu.memory_space<vmem>>, vector<512x1024xf32>,
      %reduce_min3A_849 = arith.constant dense<0x7F800000> : vector<512xf32>
      %reduce_min3A_850 = vector.multi_reduction <minimumf>, %select_n3A_843, %reduce_min3A_849 [1] : vector<512x1024xf32> to vector<512xf32>
      %broadcast_in_dim3A_851 = vector.shape_cast %reduce_min3A_850 : vector<512xf32> to vector<512x1xf32>
      %eq3A_852 = vector.broadcast %broadcast_in_dim3A_851 : vector<512x1xf32> to vector<512x1024xf32>
      %eq3A_853 = arith.cmpf oeq, %select_n3A_843, %eq3A_852 : vector<512x1024xf32>
      %broadcast_in_dim3A_854 = vector.broadcast %while3A_338 : f32 to vector<512x1024xf32>
      %select_n3A_855 = arith.select %eq3A_853, %add3A_834, %broadcast_in_dim3A_854 : vector<512x1024xi1>, vector<512x1024xf32>
      %reduce_min3A_856 = arith.constant dense<0x7F800000> : vector<512xf32>
      %reduce_min3A_857 = vector.multi_reduction <minimumf>, %select_n3A_855, %reduce_min3A_856 [1] : vector<512x1024xf32> to vector<512xf32>
      %broadcast_in_dim3A_858 = vector.shape_cast %reduce_min3A_857 : vector<512xf32> to vector<512x1xf32>
      %lt3A = arith.cmpf olt, %broadcast_in_dim3A_851, %while3A_828 : vector<512x1xf32>
      %select_n3A_859 = arith.select %lt3A, %broadcast_in_dim3A_851, %while3A_828 : vector<512x1xi1>, vector<512x1xf32>
      %select_n3A_860 = arith.select %lt3A, %broadcast_in_dim3A_858, %while3A_829 : vector<512x1xi1>, vector<512x1xf32>
      scf.yield %select_n3A_859, %select_n3A_860 : vector<512x1xf32>, vector<512x1xf32>
    }
    %while3A_347 = arith.constant 1 : i32
    %while3A_348:2 = scf.for %while3A_827 = %while3A_344 to %while3A_340 step %while3A_347 iter_args(%while3A_828 = %while3A_346#0, %while3A_829 = %while3A_346#1) -> (vector<512x1xf32>, vector<512x1xf32>)  : i32 {
      %mul3A_830 = arith.constant 1024 : i32
      %mul3A_831 = arith.muli %while3A_827, %mul3A_830 : i32
      %convert_element_type3A_832 = arith.sitofp %mul3A_831 : i32 to f32
      %add3A_833 = vector.broadcast %convert_element_type3A_832 : f32 to vector<512x1024xf32>
      %add3A_834 = arith.addf %convert_element_type3A, %add3A_833 : vector<512x1024xf32>
      %mul3A_835 = arith.constant 1024 : i32
      %mul3A_836 = arith.muli %while3A_827, %mul3A_835 : i32
      %get3A_837 = arith.constant 0 : index
      %get3A_838 = arith.index_cast %mul3A_836 : i32 to index
      %get3A_839 = vector.load %arg5[%get3A_837, %get3A_838] : memref<512x10240xf32, #tpu.memory_space<vmem>>, vector<512x1024xf32>
      %eq3A_840 = vector.broadcast %while3A_325#1 : vector<512x1xf32> to vector<512x1024xf32>
      %eq3A_841 = arith.cmpf oeq, %add3A_834, %eq3A_840 : vector<512x1024xf32>
      %broadcast_in_dim3A_842 = vector.broadcast %while3A_337 : f32 to vector<512x1024xf32>
      %select_n3A_843 = arith.select %eq3A_841, %broadcast_in_dim3A_842, %get3A_839 : vector<512x1024xi1>, vector<512x1024xf32>
      %mul3A_844 = arith.constant 1024 : i32
      %mul3A_845 = arith.muli %while3A_827, %mul3A_844 : i32
      %swap3A_846 = arith.constant 0 : index
      %swap3A_847 = arith.index_cast %mul3A_845 : i32 to index
      %swap3A_848 = vector.load %arg5[%swap3A_846, %swap3A_847] : memref<512x10240xf32, #tpu.memory_space<vmem>>, vector<512x1024xf32>
      tpu.vector_store %arg5[%swap3A_846, %swap3A_847], %select_n3A_843 {strides = array<i32>} : memref<512x10240xf32, #tpu.memory_space<vmem>>, vector<512x1024xf32>,
      %reduce_min3A_849 = arith.constant dense<0x7F800000> : vector<512xf32>
      %reduce_min3A_850 = vector.multi_reduction <minimumf>, %select_n3A_843, %reduce_min3A_849 [1] : vector<512x1024xf32> to vector<512xf32>
      %broadcast_in_dim3A_851 = vector.shape_cast %reduce_min3A_850 : vector<512xf32> to vector<512x1xf32>
      %eq3A_852 = vector.broadcast %broadcast_in_dim3A_851 : vector<512x1xf32> to vector<512x1024xf32>
      %eq3A_853 = arith.cmpf oeq, %select_n3A_843, %eq3A_852 : vector<512x1024xf32>
      %broadcast_in_dim3A_854 = vector.broadcast %while3A_338 : f32 to vector<512x1024xf32>
      %select_n3A_855 = arith.select %eq3A_853, %add3A_834, %broadcast_in_dim3A_854 : vector<512x1024xi1>, vector<512x1024xf32>
      %reduce_min3A_856 = arith.constant dense<0x7F800000> : vector<512xf32>
      %reduce_min3A_857 = vector.multi_reduction <minimumf>, %select_n3A_855, %reduce_min3A_856 [1] : vector<512x1024xf32> to vector<512xf32>
      %broadcast_in_dim3A_858 = vector.shape_cast %reduce_min3A_857 : vector<512xf32> to vector<512x1xf32>
      %lt3A = arith.cmpf olt, %broadcast_in_dim3A_851, %while3A_828 : vector<512x1xf32>
      %select_n3A_859 = arith.select %lt3A, %broadcast_in_dim3A_851, %while3A_828 : vector<512x1xi1>, vector<512x1xf32>
      %select_n3A_860 = arith.select %lt3A, %broadcast_in_dim3A_858, %while3A_829 : vector<512x1xi1>, vector<512x1xf32>
      scf.yield %select_n3A_859, %select_n3A_860 : vector<512x1xf32>, vector<512x1xf32>
    }
    %convert_element_type3A_349 = arith.fptosi %while3A_348#1 : vector<512x1xf32> to vector<512x1xi32>
    %jit3A_350 = arith.constant 0 : i32
    %jit3A_351 = arith.constant 9999 : i32
    %max3A_352 = vector.broadcast %jit3A_350 : i32 to vector<512x1xi32>
    %max3A_353 = arith.maxsi %max3A_352, %convert_element_type3A_349 : vector<512x1xi32>
    %min3A_354 = vector.broadcast %jit3A_351 : i32 to vector<512x1xi32>
    %min3A_355 = arith.minsi %min3A_354, %max3A_353 : vector<512x1xi32>
    %swap3A_356 = arith.constant 0 : index
    %swap3A_357 = arith.constant 1 : index
    %swap3A_358 = vector.load %arg4[%swap3A_356, %swap3A_357] : memref<512x32xi32, #tpu.memory_space<vmem>>, vector<512x1xi32>
    tpu.vector_store %arg4[%swap3A_356, %swap3A_357], %min3A_355 {strides = array<i32>} : memref<512x32xi32, #tpu.memory_space<vmem>>, vector<512x1xi32>,
    %broadcast_in_dim3A_359 = arith.constant 0x7F800000 : f32
    %broadcast_in_dim3A_360 = vector.broadcast %broadcast_in_dim3A_359 : f32 to vector<512x1xf32>
    %broadcast_in_dim3A_361 = arith.constant 2.048000e+04 : f32
    %broadcast_in_dim3A_362 = vector.broadcast %broadcast_in_dim3A_361 : f32 to vector<512x1xf32>
    %while3A_363 = arith.constant 0x7F800000 : f32
    %while3A_364 = arith.constant 2.048000e+04 : f32
    %while3A_365 = arith.subi %select_n3A_296, %select_n3A_264 : i32
    %while3A_366 = arith.addi %select_n3A_264, %while3A_365 : i32
    %while3A_367 = arith.constant 1 : i32
    %while3A_368 = arith.divsi %while3A_365, %while3A_367 : i32
    %while3A_369 = arith.muli %while3A_368, %while3A_367 : i32
    %while3A_370 = arith.addi %select_n3A_264, %while3A_369 : i32
    %while3A_371 = arith.constant 1 : i32
    %while3A_372:2 = scf.for %while3A_827 = %select_n3A_264 to %while3A_370 step %while3A_371 iter_args(%while3A_828 = %broadcast_in_dim3A_360, %while3A_829 = %broadcast_in_dim3A_362) -> (vector<512x1xf32>, vector<512x1xf32>)  : i32 {
      %mul3A_830 = arith.constant 1024 : i32
      %mul3A_831 = arith.muli %while3A_827, %mul3A_830 : i32
      %convert_element_type3A_832 = arith.sitofp %mul3A_831 : i32 to f32
      %add3A_833 = vector.broadcast %convert_element_type3A_832 : f32 to vector<512x1024xf32>
      %add3A_834 = arith.addf %convert_element_type3A, %add3A_833 : vector<512x1024xf32>
      %mul3A_835 = arith.constant 1024 : i32
      %mul3A_836 = arith.muli %while3A_827, %mul3A_835 : i32
      %get3A_837 = arith.constant 0 : index
      %get3A_838 = arith.index_cast %mul3A_836 : i32 to index
      %get3A_839 = vector.load %arg5[%get3A_837, %get3A_838] : memref<512x10240xf32, #tpu.memory_space<vmem>>, vector<512x1024xf32>
      %eq3A_840 = vector.broadcast %while3A_348#1 : vector<512x1xf32> to vector<512x1024xf32>
      %eq3A_841 = arith.cmpf oeq, %add3A_834, %eq3A_840 : vector<512x1024xf32>
      %broadcast_in_dim3A_842 = vector.broadcast %while3A_363 : f32 to vector<512x1024xf32>
      %select_n3A_843 = arith.select %eq3A_841, %broadcast_in_dim3A_842, %get3A_839 : vector<512x1024xi1>, vector<512x1024xf32>
      %mul3A_844 = arith.constant 1024 : i32
      %mul3A_845 = arith.muli %while3A_827, %mul3A_844 : i32
      %swap3A_846 = arith.constant 0 : index
      %swap3A_847 = arith.index_cast %mul3A_845 : i32 to index
      %swap3A_848 = vector.load %arg5[%swap3A_846, %swap3A_847] : memref<512x10240xf32, #tpu.memory_space<vmem>>, vector<512x1024xf32>
      tpu.vector_store %arg5[%swap3A_846, %swap3A_847], %select_n3A_843 {strides = array<i32>} : memref<512x10240xf32, #tpu.memory_space<vmem>>, vector<512x1024xf32>,
      %reduce_min3A_849 = arith.constant dense<0x7F800000> : vector<512xf32>
      %reduce_min3A_850 = vector.multi_reduction <minimumf>, %select_n3A_843, %reduce_min3A_849 [1] : vector<512x1024xf32> to vector<512xf32>
      %broadcast_in_dim3A_851 = vector.shape_cast %reduce_min3A_850 : vector<512xf32> to vector<512x1xf32>
      %eq3A_852 = vector.broadcast %broadcast_in_dim3A_851 : vector<512x1xf32> to vector<512x1024xf32>
      %eq3A_853 = arith.cmpf oeq, %select_n3A_843, %eq3A_852 : vector<512x1024xf32>
      %broadcast_in_dim3A_854 = vector.broadcast %while3A_364 : f32 to vector<512x1024xf32>
      %select_n3A_855 = arith.select %eq3A_853, %add3A_834, %broadcast_in_dim3A_854 : vector<512x1024xi1>, vector<512x1024xf32>
      %reduce_min3A_856 = arith.constant dense<0x7F800000> : vector<512xf32>
      %reduce_min3A_857 = vector.multi_reduction <minimumf>, %select_n3A_855, %reduce_min3A_856 [1] : vector<512x1024xf32> to vector<512xf32>
      %broadcast_in_dim3A_858 = vector.shape_cast %reduce_min3A_857 : vector<512xf32> to vector<512x1xf32>
      %lt3A = arith.cmpf olt, %broadcast_in_dim3A_851, %while3A_828 : vector<512x1xf32>
      %select_n3A_859 = arith.select %lt3A, %broadcast_in_dim3A_851, %while3A_828 : vector<512x1xi1>, vector<512x1xf32>
      %select_n3A_860 = arith.select %lt3A, %broadcast_in_dim3A_858, %while3A_829 : vector<512x1xi1>, vector<512x1xf32>
      scf.yield %select_n3A_859, %select_n3A_860 : vector<512x1xf32>, vector<512x1xf32>
    }
    %while3A_373 = arith.constant 1 : i32
    %while3A_374:2 = scf.for %while3A_827 = %while3A_370 to %while3A_366 step %while3A_373 iter_args(%while3A_828 = %while3A_372#0, %while3A_829 = %while3A_372#1) -> (vector<512x1xf32>, vector<512x1xf32>)  : i32 {
      %mul3A_830 = arith.constant 1024 : i32
      %mul3A_831 = arith.muli %while3A_827, %mul3A_830 : i32
      %convert_element_type3A_832 = arith.sitofp %mul3A_831 : i32 to f32
      %add3A_833 = vector.broadcast %convert_element_type3A_832 : f32 to vector<512x1024xf32>
      %add3A_834 = arith.addf %convert_element_type3A, %add3A_833 : vector<512x1024xf32>
      %mul3A_835 = arith.constant 1024 : i32
      %mul3A_836 = arith.muli %while3A_827, %mul3A_835 : i32
      %get3A_837 = arith.constant 0 : index
      %get3A_838 = arith.index_cast %mul3A_836 : i32 to index
      %get3A_839 = vector.load %arg5[%get3A_837, %get3A_838] : memref<512x10240xf32, #tpu.memory_space<vmem>>, vector<512x1024xf32>
      %eq3A_840 = vector.broadcast %while3A_348#1 : vector<512x1xf32> to vector<512x1024xf32>
      %eq3A_841 = arith.cmpf oeq, %add3A_834, %eq3A_840 : vector<512x1024xf32>
      %broadcast_in_dim3A_842 = vector.broadcast %while3A_363 : f32 to vector<512x1024xf32>
      %select_n3A_843 = arith.select %eq3A_841, %broadcast_in_dim3A_842, %get3A_839 : vector<512x1024xi1>, vector<512x1024xf32>
      %mul3A_844 = arith.constant 1024 : i32
      %mul3A_845 = arith.muli %while3A_827, %mul3A_844 : i32
      %swap3A_846 = arith.constant 0 : index
      %swap3A_847 = arith.index_cast %mul3A_845 : i32 to index
      %swap3A_848 = vector.load %arg5[%swap3A_846, %swap3A_847] : memref<512x10240xf32, #tpu.memory_space<vmem>>, vector<512x1024xf32>
      tpu.vector_store %arg5[%swap3A_846, %swap3A_847], %select_n3A_843 {strides = array<i32>} : memref<512x10240xf32, #tpu.memory_space<vmem>>, vector<512x1024xf32>,
      %reduce_min3A_849 = arith.constant dense<0x7F800000> : vector<512xf32>
      %reduce_min3A_850 = vector.multi_reduction <minimumf>, %select_n3A_843, %reduce_min3A_849 [1] : vector<512x1024xf32> to vector<512xf32>
      %broadcast_in_dim3A_851 = vector.shape_cast %reduce_min3A_850 : vector<512xf32> to vector<512x1xf32>
      %eq3A_852 = vector.broadcast %broadcast_in_dim3A_851 : vector<512x1xf32> to vector<512x1024xf32>
      %eq3A_853 = arith.cmpf oeq, %select_n3A_843, %eq3A_852 : vector<512x1024xf32>
      %broadcast_in_dim3A_854 = vector.broadcast %while3A_364 : f32 to vector<512x1024xf32>
      %select_n3A_855 = arith.select %eq3A_853, %add3A_834, %broadcast_in_dim3A_854 : vector<512x1024xi1>, vector<512x1024xf32>
      %reduce_min3A_856 = arith.constant dense<0x7F800000> : vector<512xf32>
      %reduce_min3A_857 = vector.multi_reduction <minimumf>, %select_n3A_855, %reduce_min3A_856 [1] : vector<512x1024xf32> to vector<512xf32>
      %broadcast_in_dim3A_858 = vector.shape_cast %reduce_min3A_857 : vector<512xf32> to vector<512x1xf32>
      %lt3A = arith.cmpf olt, %broadcast_in_dim3A_851, %while3A_828 : vector<512x1xf32>
      %select_n3A_859 = arith.select %lt3A, %broadcast_in_dim3A_851, %while3A_828 : vector<512x1xi1>, vector<512x1xf32>
      %select_n3A_860 = arith.select %lt3A, %broadcast_in_dim3A_858, %while3A_829 : vector<512x1xi1>, vector<512x1xf32>
      scf.yield %select_n3A_859, %select_n3A_860 : vector<512x1xf32>, vector<512x1xf32>
    }
    %convert_element_type3A_375 = arith.fptosi %while3A_374#1 : vector<512x1xf32> to vector<512x1xi32>
    %jit3A_376 = arith.constant 0 : i32
    %jit3A_377 = arith.constant 9999 : i32
    %max3A_378 = vector.broadcast %jit3A_376 : i32 to vector<512x1xi32>
    %max3A_379 = arith.maxsi %max3A_378, %convert_element_type3A_375 : vector<512x1xi32>
    %min3A_380 = vector.broadcast %jit3A_377 : i32 to vector<512x1xi32>
    %min3A_381 = arith.minsi %min3A_380, %max3A_379 : vector<512x1xi32>
    %swap3A_382 = arith.constant 0 : index
    %swap3A_383 = arith.constant 2 : index
    %swap3A_384 = vector.load %arg4[%swap3A_382, %swap3A_383] : memref<512x32xi32, #tpu.memory_space<vmem>>, vector<512x1xi32>
    tpu.vector_store %arg4[%swap3A_382, %swap3A_383], %min3A_381 {strides = array<i32>} : memref<512x32xi32, #tpu.memory_space<vmem>>, vector<512x1xi32>,
    %broadcast_in_dim3A_385 = arith.constant 0x7F800000 : f32
    %broadcast_in_dim3A_386 = vector.broadcast %broadcast_in_dim3A_385 : f32 to vector<512x1xf32>
    %broadcast_in_dim3A_387 = arith.constant 2.048000e+04 : f32
    %broadcast_in_dim3A_388 = vector.broadcast %broadcast_in_dim3A_387 : f32 to vector<512x1xf32>
    %while3A_389 = arith.constant 0x7F800000 : f32
    %while3A_390 = arith.constant 2.048000e+04 : f32
    %while3A_391 = arith.subi %select_n3A_296, %select_n3A_264 : i32
    %while3A_392 = arith.addi %select_n3A_264, %while3A_391 : i32
    %while3A_393 = arith.constant 1 : i32
    %while3A_394 = arith.divsi %while3A_391, %while3A_393 : i32
    %while3A_395 = arith.muli %while3A_394, %while3A_393 : i32
    %while3A_396 = arith.addi %select_n3A_264, %while3A_395 : i32
    %while3A_397 = arith.constant 1 : i32
    %while3A_398:2 = scf.for %while3A_827 = %select_n3A_264 to %while3A_396 step %while3A_397 iter_args(%while3A_828 = %broadcast_in_dim3A_386, %while3A_829 = %broadcast_in_dim3A_388) -> (vector<512x1xf32>, vector<512x1xf32>)  : i32 {
      %mul3A_830 = arith.constant 1024 : i32
      %mul3A_831 = arith.muli %while3A_827, %mul3A_830 : i32
      %convert_element_type3A_832 = arith.sitofp %mul3A_831 : i32 to f32
      %add3A_833 = vector.broadcast %convert_element_type3A_832 : f32 to vector<512x1024xf32>
      %add3A_834 = arith.addf %convert_element_type3A, %add3A_833 : vector<512x1024xf32>
      %mul3A_835 = arith.constant 1024 : i32
      %mul3A_836 = arith.muli %while3A_827, %mul3A_835 : i32
      %get3A_837 = arith.constant 0 : index
      %get3A_838 = arith.index_cast %mul3A_836 : i32 to index
      %get3A_839 = vector.load %arg5[%get3A_837, %get3A_838] : memref<512x10240xf32, #tpu.memory_space<vmem>>, vector<512x1024xf32>
      %eq3A_840 = vector.broadcast %while3A_374#1 : vector<512x1xf32> to vector<512x1024xf32>
      %eq3A_841 = arith.cmpf oeq, %add3A_834, %eq3A_840 : vector<512x1024xf32>
      %broadcast_in_dim3A_842 = vector.broadcast %while3A_389 : f32 to vector<512x1024xf32>
      %select_n3A_843 = arith.select %eq3A_841, %broadcast_in_dim3A_842, %get3A_839 : vector<512x1024xi1>, vector<512x1024xf32>
      %mul3A_844 = arith.constant 1024 : i32
      %mul3A_845 = arith.muli %while3A_827, %mul3A_844 : i32
      %swap3A_846 = arith.constant 0 : index
      %swap3A_847 = arith.index_cast %mul3A_845 : i32 to index
      %swap3A_848 = vector.load %arg5[%swap3A_846, %swap3A_847] : memref<512x10240xf32, #tpu.memory_space<vmem>>, vector<512x1024xf32>
      tpu.vector_store %arg5[%swap3A_846, %swap3A_847], %select_n3A_843 {strides = array<i32>} : memref<512x10240xf32, #tpu.memory_space<vmem>>, vector<512x1024xf32>,
      %reduce_min3A_849 = arith.constant dense<0x7F800000> : vector<512xf32>
      %reduce_min3A_850 = vector.multi_reduction <minimumf>, %select_n3A_843, %reduce_min3A_849 [1] : vector<512x1024xf32> to vector<512xf32>
      %broadcast_in_dim3A_851 = vector.shape_cast %reduce_min3A_850 : vector<512xf32> to vector<512x1xf32>
      %eq3A_852 = vector.broadcast %broadcast_in_dim3A_851 : vector<512x1xf32> to vector<512x1024xf32>
      %eq3A_853 = arith.cmpf oeq, %select_n3A_843, %eq3A_852 : vector<512x1024xf32>
      %broadcast_in_dim3A_854 = vector.broadcast %while3A_390 : f32 to vector<512x1024xf32>
      %select_n3A_855 = arith.select %eq3A_853, %add3A_834, %broadcast_in_dim3A_854 : vector<512x1024xi1>, vector<512x1024xf32>
      %reduce_min3A_856 = arith.constant dense<0x7F800000> : vector<512xf32>
      %reduce_min3A_857 = vector.multi_reduction <minimumf>, %select_n3A_855, %reduce_min3A_856 [1] : vector<512x1024xf32> to vector<512xf32>
      %broadcast_in_dim3A_858 = vector.shape_cast %reduce_min3A_857 : vector<512xf32> to vector<512x1xf32>
      %lt3A = arith.cmpf olt, %broadcast_in_dim3A_851, %while3A_828 : vector<512x1xf32>
      %select_n3A_859 = arith.select %lt3A, %broadcast_in_dim3A_851, %while3A_828 : vector<512x1xi1>, vector<512x1xf32>
      %select_n3A_860 = arith.select %lt3A, %broadcast_in_dim3A_858, %while3A_829 : vector<512x1xi1>, vector<512x1xf32>
      scf.yield %select_n3A_859, %select_n3A_860 : vector<512x1xf32>, vector<512x1xf32>
    }
    %while3A_399 = arith.constant 1 : i32
    %while3A_400:2 = scf.for %while3A_827 = %while3A_396 to %while3A_392 step %while3A_399 iter_args(%while3A_828 = %while3A_398#0, %while3A_829 = %while3A_398#1) -> (vector<512x1xf32>, vector<512x1xf32>)  : i32 {
      %mul3A_830 = arith.constant 1024 : i32
      %mul3A_831 = arith.muli %while3A_827, %mul3A_830 : i32
      %convert_element_type3A_832 = arith.sitofp %mul3A_831 : i32 to f32
      %add3A_833 = vector.broadcast %convert_element_type3A_832 : f32 to vector<512x1024xf32>
      %add3A_834 = arith.addf %convert_element_type3A, %add3A_833 : vector<512x1024xf32>
      %mul3A_835 = arith.constant 1024 : i32
      %mul3A_836 = arith.muli %while3A_827, %mul3A_835 : i32
      %get3A_837 = arith.constant 0 : index
      %get3A_838 = arith.index_cast %mul3A_836 : i32 to index
      %get3A_839 = vector.load %arg5[%get3A_837, %get3A_838] : memref<512x10240xf32, #tpu.memory_space<vmem>>, vector<512x1024xf32>
      %eq3A_840 = vector.broadcast %while3A_374#1 : vector<512x1xf32> to vector<512x1024xf32>
      %eq3A_841 = arith.cmpf oeq, %add3A_834, %eq3A_840 : vector<512x1024xf32>
      %broadcast_in_dim3A_842 = vector.broadcast %while3A_389 : f32 to vector<512x1024xf32>
      %select_n3A_843 = arith.select %eq3A_841, %broadcast_in_dim3A_842, %get3A_839 : vector<512x1024xi1>, vector<512x1024xf32>
      %mul3A_844 = arith.constant 1024 : i32
      %mul3A_845 = arith.muli %while3A_827, %mul3A_844 : i32
      %swap3A_846 = arith.constant 0 : index
      %swap3A_847 = arith.index_cast %mul3A_845 : i32 to index
      %swap3A_848 = vector.load %arg5[%swap3A_846, %swap3A_847] : memref<512x10240xf32, #tpu.memory_space<vmem>>, vector<512x1024xf32>
      tpu.vector_store %arg5[%swap3A_846, %swap3A_847], %select_n3A_843 {strides = array<i32>} : memref<512x10240xf32, #tpu.memory_space<vmem>>, vector<512x1024xf32>,
      %reduce_min3A_849 = arith.constant dense<0x7F800000> : vector<512xf32>
      %reduce_min3A_850 = vector.multi_reduction <minimumf>, %select_n3A_843, %reduce_min3A_849 [1] : vector<512x1024xf32> to vector<512xf32>
      %broadcast_in_dim3A_851 = vector.shape_cast %reduce_min3A_850 : vector<512xf32> to vector<512x1xf32>
      %eq3A_852 = vector.broadcast %broadcast_in_dim3A_851 : vector<512x1xf32> to vector<512x1024xf32>
      %eq3A_853 = arith.cmpf oeq, %select_n3A_843, %eq3A_852 : vector<512x1024xf32>
      %broadcast_in_dim3A_854 = vector.broadcast %while3A_390 : f32 to vector<512x1024xf32>
      %select_n3A_855 = arith.select %eq3A_853, %add3A_834, %broadcast_in_dim3A_854 : vector<512x1024xi1>, vector<512x1024xf32>
      %reduce_min3A_856 = arith.constant dense<0x7F800000> : vector<512xf32>
      %reduce_min3A_857 = vector.multi_reduction <minimumf>, %select_n3A_855, %reduce_min3A_856 [1] : vector<512x1024xf32> to vector<512xf32>
      %broadcast_in_dim3A_858 = vector.shape_cast %reduce_min3A_857 : vector<512xf32> to vector<512x1xf32>
      %lt3A = arith.cmpf olt, %broadcast_in_dim3A_851, %while3A_828 : vector<512x1xf32>
      %select_n3A_859 = arith.select %lt3A, %broadcast_in_dim3A_851, %while3A_828 : vector<512x1xi1>, vector<512x1xf32>
      %select_n3A_860 = arith.select %lt3A, %broadcast_in_dim3A_858, %while3A_829 : vector<512x1xi1>, vector<512x1xf32>
      scf.yield %select_n3A_859, %select_n3A_860 : vector<512x1xf32>, vector<512x1xf32>
    }
    %convert_element_type3A_401 = arith.fptosi %while3A_400#1 : vector<512x1xf32> to vector<512x1xi32>
    %jit3A_402 = arith.constant 0 : i32
    %jit3A_403 = arith.constant 9999 : i32
    %max3A_404 = vector.broadcast %jit3A_402 : i32 to vector<512x1xi32>
    %max3A_405 = arith.maxsi %max3A_404, %convert_element_type3A_401 : vector<512x1xi32>
    %min3A_406 = vector.broadcast %jit3A_403 : i32 to vector<512x1xi32>
    %min3A_407 = arith.minsi %min3A_406, %max3A_405 : vector<512x1xi32>
    %swap3A_408 = arith.constant 0 : index
    %swap3A_409 = arith.constant 3 : index
    %swap3A_410 = vector.load %arg4[%swap3A_408, %swap3A_409] : memref<512x32xi32, #tpu.memory_space<vmem>>, vector<512x1xi32>
    tpu.vector_store %arg4[%swap3A_408, %swap3A_409], %min3A_407 {strides = array<i32>} : memref<512x32xi32, #tpu.memory_space<vmem>>, vector<512x1xi32>,
    %broadcast_in_dim3A_411 = arith.constant 0x7F800000 : f32
    %broadcast_in_dim3A_412 = vector.broadcast %broadcast_in_dim3A_411 : f32 to vector<512x1xf32>
    %broadcast_in_dim3A_413 = arith.constant 2.048000e+04 : f32
    %broadcast_in_dim3A_414 = vector.broadcast %broadcast_in_dim3A_413 : f32 to vector<512x1xf32>
    %while3A_415 = arith.constant 0x7F800000 : f32
    %while3A_416 = arith.constant 2.048000e+04 : f32
    %while3A_417 = arith.subi %select_n3A_296, %select_n3A_264 : i32
    %while3A_418 = arith.addi %select_n3A_264, %while3A_417 : i32
    %while3A_419 = arith.constant 1 : i32
    %while3A_420 = arith.divsi %while3A_417, %while3A_419 : i32
    %while3A_421 = arith.muli %while3A_420, %while3A_419 : i32
    %while3A_422 = arith.addi %select_n3A_264, %while3A_421 : i32
    %while3A_423 = arith.constant 1 : i32
    %while3A_424:2 = scf.for %while3A_827 = %select_n3A_264 to %while3A_422 step %while3A_423 iter_args(%while3A_828 = %broadcast_in_dim3A_412, %while3A_829 = %broadcast_in_dim3A_414) -> (vector<512x1xf32>, vector<512x1xf32>)  : i32 {
      %mul3A_830 = arith.constant 1024 : i32
      %mul3A_831 = arith.muli %while3A_827, %mul3A_830 : i32
      %convert_element_type3A_832 = arith.sitofp %mul3A_831 : i32 to f32
      %add3A_833 = vector.broadcast %convert_element_type3A_832 : f32 to vector<512x1024xf32>
      %add3A_834 = arith.addf %convert_element_type3A, %add3A_833 : vector<512x1024xf32>
      %mul3A_835 = arith.constant 1024 : i32
      %mul3A_836 = arith.muli %while3A_827, %mul3A_835 : i32
      %get3A_837 = arith.constant 0 : index
      %get3A_838 = arith.index_cast %mul3A_836 : i32 to index
      %get3A_839 = vector.load %arg5[%get3A_837, %get3A_838] : memref<512x10240xf32, #tpu.memory_space<vmem>>, vector<512x1024xf32>
      %eq3A_840 = vector.broadcast %while3A_400#1 : vector<512x1xf32> to vector<512x1024xf32>
      %eq3A_841 = arith.cmpf oeq, %add3A_834, %eq3A_840 : vector<512x1024xf32>
      %broadcast_in_dim3A_842 = vector.broadcast %while3A_415 : f32 to vector<512x1024xf32>
      %select_n3A_843 = arith.select %eq3A_841, %broadcast_in_dim3A_842, %get3A_839 : vector<512x1024xi1>, vector<512x1024xf32>
      %mul3A_844 = arith.constant 1024 : i32
      %mul3A_845 = arith.muli %while3A_827, %mul3A_844 : i32
      %swap3A_846 = arith.constant 0 : index
      %swap3A_847 = arith.index_cast %mul3A_845 : i32 to index
      %swap3A_848 = vector.load %arg5[%swap3A_846, %swap3A_847] : memref<512x10240xf32, #tpu.memory_space<vmem>>, vector<512x1024xf32>
      tpu.vector_store %arg5[%swap3A_846, %swap3A_847], %select_n3A_843 {strides = array<i32>} : memref<512x10240xf32, #tpu.memory_space<vmem>>, vector<512x1024xf32>,
      %reduce_min3A_849 = arith.constant dense<0x7F800000> : vector<512xf32>
      %reduce_min3A_850 = vector.multi_reduction <minimumf>, %select_n3A_843, %reduce_min3A_849 [1] : vector<512x1024xf32> to vector<512xf32>
      %broadcast_in_dim3A_851 = vector.shape_cast %reduce_min3A_850 : vector<512xf32> to vector<512x1xf32>
      %eq3A_852 = vector.broadcast %broadcast_in_dim3A_851 : vector<512x1xf32> to vector<512x1024xf32>
      %eq3A_853 = arith.cmpf oeq, %select_n3A_843, %eq3A_852 : vector<512x1024xf32>
      %broadcast_in_dim3A_854 = vector.broadcast %while3A_416 : f32 to vector<512x1024xf32>
      %select_n3A_855 = arith.select %eq3A_853, %add3A_834, %broadcast_in_dim3A_854 : vector<512x1024xi1>, vector<512x1024xf32>
      %reduce_min3A_856 = arith.constant dense<0x7F800000> : vector<512xf32>
      %reduce_min3A_857 = vector.multi_reduction <minimumf>, %select_n3A_855, %reduce_min3A_856 [1] : vector<512x1024xf32> to vector<512xf32>
      %broadcast_in_dim3A_858 = vector.shape_cast %reduce_min3A_857 : vector<512xf32> to vector<512x1xf32>
      %lt3A = arith.cmpf olt, %broadcast_in_dim3A_851, %while3A_828 : vector<512x1xf32>
      %select_n3A_859 = arith.select %lt3A, %broadcast_in_dim3A_851, %while3A_828 : vector<512x1xi1>, vector<512x1xf32>
      %select_n3A_860 = arith.select %lt3A, %broadcast_in_dim3A_858, %while3A_829 : vector<512x1xi1>, vector<512x1xf32>
      scf.yield %select_n3A_859, %select_n3A_860 : vector<512x1xf32>, vector<512x1xf32>
    }
    %while3A_425 = arith.constant 1 : i32
    %while3A_426:2 = scf.for %while3A_827 = %while3A_422 to %while3A_418 step %while3A_425 iter_args(%while3A_828 = %while3A_424#0, %while3A_829 = %while3A_424#1) -> (vector<512x1xf32>, vector<512x1xf32>)  : i32 {
      %mul3A_830 = arith.constant 1024 : i32
      %mul3A_831 = arith.muli %while3A_827, %mul3A_830 : i32
      %convert_element_type3A_832 = arith.sitofp %mul3A_831 : i32 to f32
      %add3A_833 = vector.broadcast %convert_element_type3A_832 : f32 to vector<512x1024xf32>
      %add3A_834 = arith.addf %convert_element_type3A, %add3A_833 : vector<512x1024xf32>
      %mul3A_835 = arith.constant 1024 : i32
      %mul3A_836 = arith.muli %while3A_827, %mul3A_835 : i32
      %get3A_837 = arith.constant 0 : index
      %get3A_838 = arith.index_cast %mul3A_836 : i32 to index
      %get3A_839 = vector.load %arg5[%get3A_837, %get3A_838] : memref<512x10240xf32, #tpu.memory_space<vmem>>, vector<512x1024xf32>
      %eq3A_840 = vector.broadcast %while3A_400#1 : vector<512x1xf32> to vector<512x1024xf32>
      %eq3A_841 = arith.cmpf oeq, %add3A_834, %eq3A_840 : vector<512x1024xf32>
      %broadcast_in_dim3A_842 = vector.broadcast %while3A_415 : f32 to vector<512x1024xf32>
      %select_n3A_843 = arith.select %eq3A_841, %broadcast_in_dim3A_842, %get3A_839 : vector<512x1024xi1>, vector<512x1024xf32>
      %mul3A_844 = arith.constant 1024 : i32
      %mul3A_845 = arith.muli %while3A_827, %mul3A_844 : i32
      %swap3A_846 = arith.constant 0 : index
      %swap3A_847 = arith.index_cast %mul3A_845 : i32 to index
      %swap3A_848 = vector.load %arg5[%swap3A_846, %swap3A_847] : memref<512x10240xf32, #tpu.memory_space<vmem>>, vector<512x1024xf32>
      tpu.vector_store %arg5[%swap3A_846, %swap3A_847], %select_n3A_843 {strides = array<i32>} : memref<512x10240xf32, #tpu.memory_space<vmem>>, vector<512x1024xf32>,
      %reduce_min3A_849 = arith.constant dense<0x7F800000> : vector<512xf32>
      %reduce_min3A_850 = vector.multi_reduction <minimumf>, %select_n3A_843, %reduce_min3A_849 [1] : vector<512x1024xf32> to vector<512xf32>
      %broadcast_in_dim3A_851 = vector.shape_cast %reduce_min3A_850 : vector<512xf32> to vector<512x1xf32>
      %eq3A_852 = vector.broadcast %broadcast_in_dim3A_851 : vector<512x1xf32> to vector<512x1024xf32>
      %eq3A_853 = arith.cmpf oeq, %select_n3A_843, %eq3A_852 : vector<512x1024xf32>
      %broadcast_in_dim3A_854 = vector.broadcast %while3A_416 : f32 to vector<512x1024xf32>
      %select_n3A_855 = arith.select %eq3A_853, %add3A_834, %broadcast_in_dim3A_854 : vector<512x1024xi1>, vector<512x1024xf32>
      %reduce_min3A_856 = arith.constant dense<0x7F800000> : vector<512xf32>
      %reduce_min3A_857 = vector.multi_reduction <minimumf>, %select_n3A_855, %reduce_min3A_856 [1] : vector<512x1024xf32> to vector<512xf32>
      %broadcast_in_dim3A_858 = vector.shape_cast %reduce_min3A_857 : vector<512xf32> to vector<512x1xf32>
      %lt3A = arith.cmpf olt, %broadcast_in_dim3A_851, %while3A_828 : vector<512x1xf32>
      %select_n3A_859 = arith.select %lt3A, %broadcast_in_dim3A_851, %while3A_828 : vector<512x1xi1>, vector<512x1xf32>
      %select_n3A_860 = arith.select %lt3A, %broadcast_in_dim3A_858, %while3A_829 : vector<512x1xi1>, vector<512x1xf32>
      scf.yield %select_n3A_859, %select_n3A_860 : vector<512x1xf32>, vector<512x1xf32>
    }
    %convert_element_type3A_427 = arith.fptosi %while3A_426#1 : vector<512x1xf32> to vector<512x1xi32>
    %jit3A_428 = arith.constant 0 : i32
    %jit3A_429 = arith.constant 9999 : i32
    %max3A_430 = vector.broadcast %jit3A_428 : i32 to vector<512x1xi32>
    %max3A_431 = arith.maxsi %max3A_430, %convert_element_type3A_427 : vector<512x1xi32>
    %min3A_432 = vector.broadcast %jit3A_429 : i32 to vector<512x1xi32>
    %min3A_433 = arith.minsi %min3A_432, %max3A_431 : vector<512x1xi32>
    %swap3A_434 = arith.constant 0 : index
    %swap3A_435 = arith.constant 4 : index
    %swap3A_436 = vector.load %arg4[%swap3A_434, %swap3A_435] : memref<512x32xi32, #tpu.memory_space<vmem>>, vector<512x1xi32>
    tpu.vector_store %arg4[%swap3A_434, %swap3A_435], %min3A_433 {strides = array<i32>} : memref<512x32xi32, #tpu.memory_space<vmem>>, vector<512x1xi32>,
    %broadcast_in_dim3A_437 = arith.constant 0x7F800000 : f32
    %broadcast_in_dim3A_438 = vector.broadcast %broadcast_in_dim3A_437 : f32 to vector<512x1xf32>
    %broadcast_in_dim3A_439 = arith.constant 2.048000e+04 : f32
    %broadcast_in_dim3A_440 = vector.broadcast %broadcast_in_dim3A_439 : f32 to vector<512x1xf32>
    %while3A_441 = arith.constant 0x7F800000 : f32
    %while3A_442 = arith.constant 2.048000e+04 : f32
    %while3A_443 = arith.subi %select_n3A_296, %select_n3A_264 : i32
    %while3A_444 = arith.addi %select_n3A_264, %while3A_443 : i32
    %while3A_445 = arith.constant 1 : i32
    %while3A_446 = arith.divsi %while3A_443, %while3A_445 : i32
    %while3A_447 = arith.muli %while3A_446, %while3A_445 : i32
    %while3A_448 = arith.addi %select_n3A_264, %while3A_447 : i32
    %while3A_449 = arith.constant 1 : i32
    %while3A_450:2 = scf.for %while3A_827 = %select_n3A_264 to %while3A_448 step %while3A_449 iter_args(%while3A_828 = %broadcast_in_dim3A_438, %while3A_829 = %broadcast_in_dim3A_440) -> (vector<512x1xf32>, vector<512x1xf32>)  : i32 {
      %mul3A_830 = arith.constant 1024 : i32
      %mul3A_831 = arith.muli %while3A_827, %mul3A_830 : i32
      %convert_element_type3A_832 = arith.sitofp %mul3A_831 : i32 to f32
      %add3A_833 = vector.broadcast %convert_element_type3A_832 : f32 to vector<512x1024xf32>
      %add3A_834 = arith.addf %convert_element_type3A, %add3A_833 : vector<512x1024xf32>
      %mul3A_835 = arith.constant 1024 : i32
      %mul3A_836 = arith.muli %while3A_827, %mul3A_835 : i32
      %get3A_837 = arith.constant 0 : index
      %get3A_838 = arith.index_cast %mul3A_836 : i32 to index
      %get3A_839 = vector.load %arg5[%get3A_837, %get3A_838] : memref<512x10240xf32, #tpu.memory_space<vmem>>, vector<512x1024xf32>
      %eq3A_840 = vector.broadcast %while3A_426#1 : vector<512x1xf32> to vector<512x1024xf32>
      %eq3A_841 = arith.cmpf oeq, %add3A_834, %eq3A_840 : vector<512x1024xf32>
      %broadcast_in_dim3A_842 = vector.broadcast %while3A_441 : f32 to vector<512x1024xf32>
      %select_n3A_843 = arith.select %eq3A_841, %broadcast_in_dim3A_842, %get3A_839 : vector<512x1024xi1>, vector<512x1024xf32>
      %mul3A_844 = arith.constant 1024 : i32
      %mul3A_845 = arith.muli %while3A_827, %mul3A_844 : i32
      %swap3A_846 = arith.constant 0 : index
      %swap3A_847 = arith.index_cast %mul3A_845 : i32 to index
      %swap3A_848 = vector.load %arg5[%swap3A_846, %swap3A_847] : memref<512x10240xf32, #tpu.memory_space<vmem>>, vector<512x1024xf32>
      tpu.vector_store %arg5[%swap3A_846, %swap3A_847], %select_n3A_843 {strides = array<i32>} : memref<512x10240xf32, #tpu.memory_space<vmem>>, vector<512x1024xf32>,
      %reduce_min3A_849 = arith.constant dense<0x7F800000> : vector<512xf32>
      %reduce_min3A_850 = vector.multi_reduction <minimumf>, %select_n3A_843, %reduce_min3A_849 [1] : vector<512x1024xf32> to vector<512xf32>
      %broadcast_in_dim3A_851 = vector.shape_cast %reduce_min3A_850 : vector<512xf32> to vector<512x1xf32>
      %eq3A_852 = vector.broadcast %broadcast_in_dim3A_851 : vector<512x1xf32> to vector<512x1024xf32>
      %eq3A_853 = arith.cmpf oeq, %select_n3A_843, %eq3A_852 : vector<512x1024xf32>
      %broadcast_in_dim3A_854 = vector.broadcast %while3A_442 : f32 to vector<512x1024xf32>
      %select_n3A_855 = arith.select %eq3A_853, %add3A_834, %broadcast_in_dim3A_854 : vector<512x1024xi1>, vector<512x1024xf32>
      %reduce_min3A_856 = arith.constant dense<0x7F800000> : vector<512xf32>
      %reduce_min3A_857 = vector.multi_reduction <minimumf>, %select_n3A_855, %reduce_min3A_856 [1] : vector<512x1024xf32> to vector<512xf32>
      %broadcast_in_dim3A_858 = vector.shape_cast %reduce_min3A_857 : vector<512xf32> to vector<512x1xf32>
      %lt3A = arith.cmpf olt, %broadcast_in_dim3A_851, %while3A_828 : vector<512x1xf32>
      %select_n3A_859 = arith.select %lt3A, %broadcast_in_dim3A_851, %while3A_828 : vector<512x1xi1>, vector<512x1xf32>
      %select_n3A_860 = arith.select %lt3A, %broadcast_in_dim3A_858, %while3A_829 : vector<512x1xi1>, vector<512x1xf32>
      scf.yield %select_n3A_859, %select_n3A_860 : vector<512x1xf32>, vector<512x1xf32>
    }
    %while3A_451 = arith.constant 1 : i32
    %while3A_452:2 = scf.for %while3A_827 = %while3A_448 to %while3A_444 step %while3A_451 iter_args(%while3A_828 = %while3A_450#0, %while3A_829 = %while3A_450#1) -> (vector<512x1xf32>, vector<512x1xf32>)  : i32 {
      %mul3A_830 = arith.constant 1024 : i32
      %mul3A_831 = arith.muli %while3A_827, %mul3A_830 : i32
      %convert_element_type3A_832 = arith.sitofp %mul3A_831 : i32 to f32
      %add3A_833 = vector.broadcast %convert_element_type3A_832 : f32 to vector<512x1024xf32>
      %add3A_834 = arith.addf %convert_element_type3A, %add3A_833 : vector<512x1024xf32>
      %mul3A_835 = arith.constant 1024 : i32
      %mul3A_836 = arith.muli %while3A_827, %mul3A_835 : i32
      %get3A_837 = arith.constant 0 : index
      %get3A_838 = arith.index_cast %mul3A_836 : i32 to index
      %get3A_839 = vector.load %arg5[%get3A_837, %get3A_838] : memref<512x10240xf32, #tpu.memory_space<vmem>>, vector<512x1024xf32>
      %eq3A_840 = vector.broadcast %while3A_426#1 : vector<512x1xf32> to vector<512x1024xf32>
      %eq3A_841 = arith.cmpf oeq, %add3A_834, %eq3A_840 : vector<512x1024xf32>
      %broadcast_in_dim3A_842 = vector.broadcast %while3A_441 : f32 to vector<512x1024xf32>
      %select_n3A_843 = arith.select %eq3A_841, %broadcast_in_dim3A_842, %get3A_839 : vector<512x1024xi1>, vector<512x1024xf32>
      %mul3A_844 = arith.constant 1024 : i32
      %mul3A_845 = arith.muli %while3A_827, %mul3A_844 : i32
      %swap3A_846 = arith.constant 0 : index
      %swap3A_847 = arith.index_cast %mul3A_845 : i32 to index
      %swap3A_848 = vector.load %arg5[%swap3A_846, %swap3A_847] : memref<512x10240xf32, #tpu.memory_space<vmem>>, vector<512x1024xf32>
      tpu.vector_store %arg5[%swap3A_846, %swap3A_847], %select_n3A_843 {strides = array<i32>} : memref<512x10240xf32, #tpu.memory_space<vmem>>, vector<512x1024xf32>,
      %reduce_min3A_849 = arith.constant dense<0x7F800000> : vector<512xf32>
      %reduce_min3A_850 = vector.multi_reduction <minimumf>, %select_n3A_843, %reduce_min3A_849 [1] : vector<512x1024xf32> to vector<512xf32>
      %broadcast_in_dim3A_851 = vector.shape_cast %reduce_min3A_850 : vector<512xf32> to vector<512x1xf32>
      %eq3A_852 = vector.broadcast %broadcast_in_dim3A_851 : vector<512x1xf32> to vector<512x1024xf32>
      %eq3A_853 = arith.cmpf oeq, %select_n3A_843, %eq3A_852 : vector<512x1024xf32>
      %broadcast_in_dim3A_854 = vector.broadcast %while3A_442 : f32 to vector<512x1024xf32>
      %select_n3A_855 = arith.select %eq3A_853, %add3A_834, %broadcast_in_dim3A_854 : vector<512x1024xi1>, vector<512x1024xf32>
      %reduce_min3A_856 = arith.constant dense<0x7F800000> : vector<512xf32>
      %reduce_min3A_857 = vector.multi_reduction <minimumf>, %select_n3A_855, %reduce_min3A_856 [1] : vector<512x1024xf32> to vector<512xf32>
      %broadcast_in_dim3A_858 = vector.shape_cast %reduce_min3A_857 : vector<512xf32> to vector<512x1xf32>
      %lt3A = arith.cmpf olt, %broadcast_in_dim3A_851, %while3A_828 : vector<512x1xf32>
      %select_n3A_859 = arith.select %lt3A, %broadcast_in_dim3A_851, %while3A_828 : vector<512x1xi1>, vector<512x1xf32>
      %select_n3A_860 = arith.select %lt3A, %broadcast_in_dim3A_858, %while3A_829 : vector<512x1xi1>, vector<512x1xf32>
      scf.yield %select_n3A_859, %select_n3A_860 : vector<512x1xf32>, vector<512x1xf32>
    }
    %convert_element_type3A_453 = arith.fptosi %while3A_452#1 : vector<512x1xf32> to vector<512x1xi32>
    %jit3A_454 = arith.constant 0 : i32
    %jit3A_455 = arith.constant 9999 : i32
    %max3A_456 = vector.broadcast %jit3A_454 : i32 to vector<512x1xi32>
    %max3A_457 = arith.maxsi %max3A_456, %convert_element_type3A_453 : vector<512x1xi32>
    %min3A_458 = vector.broadcast %jit3A_455 : i32 to vector<512x1xi32>
    %min3A_459 = arith.minsi %min3A_458, %max3A_457 : vector<512x1xi32>
    %swap3A_460 = arith.constant 0 : index
    %swap3A_461 = arith.constant 5 : index
    %swap3A_462 = vector.load %arg4[%swap3A_460, %swap3A_461] : memref<512x32xi32, #tpu.memory_space<vmem>>, vector<512x1xi32>
    tpu.vector_store %arg4[%swap3A_460, %swap3A_461], %min3A_459 {strides = array<i32>} : memref<512x32xi32, #tpu.memory_space<vmem>>, vector<512x1xi32>,
    %broadcast_in_dim3A_463 = arith.constant 0x7F800000 : f32
    %broadcast_in_dim3A_464 = vector.broadcast %broadcast_in_dim3A_463 : f32 to vector<512x1xf32>
    %broadcast_in_dim3A_465 = arith.constant 2.048000e+04 : f32
    %broadcast_in_dim3A_466 = vector.broadcast %broadcast_in_dim3A_465 : f32 to vector<512x1xf32>
    %while3A_467 = arith.constant 0x7F800000 : f32
    %while3A_468 = arith.constant 2.048000e+04 : f32
    %while3A_469 = arith.subi %select_n3A_296, %select_n3A_264 : i32
    %while3A_470 = arith.addi %select_n3A_264, %while3A_469 : i32
    %while3A_471 = arith.constant 1 : i32
    %while3A_472 = arith.divsi %while3A_469, %while3A_471 : i32
    %while3A_473 = arith.muli %while3A_472, %while3A_471 : i32
    %while3A_474 = arith.addi %select_n3A_264, %while3A_473 : i32
    %while3A_475 = arith.constant 1 : i32
    %while3A_476:2 = scf.for %while3A_827 = %select_n3A_264 to %while3A_474 step %while3A_475 iter_args(%while3A_828 = %broadcast_in_dim3A_464, %while3A_829 = %broadcast_in_dim3A_466) -> (vector<512x1xf32>, vector<512x1xf32>)  : i32 {
      %mul3A_830 = arith.constant 1024 : i32
      %mul3A_831 = arith.muli %while3A_827, %mul3A_830 : i32
      %convert_element_type3A_832 = arith.sitofp %mul3A_831 : i32 to f32
      %add3A_833 = vector.broadcast %convert_element_type3A_832 : f32 to vector<512x1024xf32>
      %add3A_834 = arith.addf %convert_element_type3A, %add3A_833 : vector<512x1024xf32>
      %mul3A_835 = arith.constant 1024 : i32
      %mul3A_836 = arith.muli %while3A_827, %mul3A_835 : i32
      %get3A_837 = arith.constant 0 : index
      %get3A_838 = arith.index_cast %mul3A_836 : i32 to index
      %get3A_839 = vector.load %arg5[%get3A_837, %get3A_838] : memref<512x10240xf32, #tpu.memory_space<vmem>>, vector<512x1024xf32>
      %eq3A_840 = vector.broadcast %while3A_452#1 : vector<512x1xf32> to vector<512x1024xf32>
      %eq3A_841 = arith.cmpf oeq, %add3A_834, %eq3A_840 : vector<512x1024xf32>
      %broadcast_in_dim3A_842 = vector.broadcast %while3A_467 : f32 to vector<512x1024xf32>
      %select_n3A_843 = arith.select %eq3A_841, %broadcast_in_dim3A_842, %get3A_839 : vector<512x1024xi1>, vector<512x1024xf32>
      %mul3A_844 = arith.constant 1024 : i32
      %mul3A_845 = arith.muli %while3A_827, %mul3A_844 : i32
      %swap3A_846 = arith.constant 0 : index
      %swap3A_847 = arith.index_cast %mul3A_845 : i32 to index
      %swap3A_848 = vector.load %arg5[%swap3A_846, %swap3A_847] : memref<512x10240xf32, #tpu.memory_space<vmem>>, vector<512x1024xf32>
      tpu.vector_store %arg5[%swap3A_846, %swap3A_847], %select_n3A_843 {strides = array<i32>} : memref<512x10240xf32, #tpu.memory_space<vmem>>, vector<512x1024xf32>,
      %reduce_min3A_849 = arith.constant dense<0x7F800000> : vector<512xf32>
      %reduce_min3A_850 = vector.multi_reduction <minimumf>, %select_n3A_843, %reduce_min3A_849 [1] : vector<512x1024xf32> to vector<512xf32>
      %broadcast_in_dim3A_851 = vector.shape_cast %reduce_min3A_850 : vector<512xf32> to vector<512x1xf32>
      %eq3A_852 = vector.broadcast %broadcast_in_dim3A_851 : vector<512x1xf32> to vector<512x1024xf32>
      %eq3A_853 = arith.cmpf oeq, %select_n3A_843, %eq3A_852 : vector<512x1024xf32>
      %broadcast_in_dim3A_854 = vector.broadcast %while3A_468 : f32 to vector<512x1024xf32>
      %select_n3A_855 = arith.select %eq3A_853, %add3A_834, %broadcast_in_dim3A_854 : vector<512x1024xi1>, vector<512x1024xf32>
      %reduce_min3A_856 = arith.constant dense<0x7F800000> : vector<512xf32>
      %reduce_min3A_857 = vector.multi_reduction <minimumf>, %select_n3A_855, %reduce_min3A_856 [1] : vector<512x1024xf32> to vector<512xf32>
      %broadcast_in_dim3A_858 = vector.shape_cast %reduce_min3A_857 : vector<512xf32> to vector<512x1xf32>
      %lt3A = arith.cmpf olt, %broadcast_in_dim3A_851, %while3A_828 : vector<512x1xf32>
      %select_n3A_859 = arith.select %lt3A, %broadcast_in_dim3A_851, %while3A_828 : vector<512x1xi1>, vector<512x1xf32>
      %select_n3A_860 = arith.select %lt3A, %broadcast_in_dim3A_858, %while3A_829 : vector<512x1xi1>, vector<512x1xf32>
      scf.yield %select_n3A_859, %select_n3A_860 : vector<512x1xf32>, vector<512x1xf32>
    }
    %while3A_477 = arith.constant 1 : i32
    %while3A_478:2 = scf.for %while3A_827 = %while3A_474 to %while3A_470 step %while3A_477 iter_args(%while3A_828 = %while3A_476#0, %while3A_829 = %while3A_476#1) -> (vector<512x1xf32>, vector<512x1xf32>)  : i32 {
      %mul3A_830 = arith.constant 1024 : i32
      %mul3A_831 = arith.muli %while3A_827, %mul3A_830 : i32
      %convert_element_type3A_832 = arith.sitofp %mul3A_831 : i32 to f32
      %add3A_833 = vector.broadcast %convert_element_type3A_832 : f32 to vector<512x1024xf32>
      %add3A_834 = arith.addf %convert_element_type3A, %add3A_833 : vector<512x1024xf32>
      %mul3A_835 = arith.constant 1024 : i32
      %mul3A_836 = arith.muli %while3A_827, %mul3A_835 : i32
      %get3A_837 = arith.constant 0 : index
      %get3A_838 = arith.index_cast %mul3A_836 : i32 to index
      %get3A_839 = vector.load %arg5[%get3A_837, %get3A_838] : memref<512x10240xf32, #tpu.memory_space<vmem>>, vector<512x1024xf32>
      %eq3A_840 = vector.broadcast %while3A_452#1 : vector<512x1xf32> to vector<512x1024xf32>
      %eq3A_841 = arith.cmpf oeq, %add3A_834, %eq3A_840 : vector<512x1024xf32>
      %broadcast_in_dim3A_842 = vector.broadcast %while3A_467 : f32 to vector<512x1024xf32>
      %select_n3A_843 = arith.select %eq3A_841, %broadcast_in_dim3A_842, %get3A_839 : vector<512x1024xi1>, vector<512x1024xf32>
      %mul3A_844 = arith.constant 1024 : i32
      %mul3A_845 = arith.muli %while3A_827, %mul3A_844 : i32
      %swap3A_846 = arith.constant 0 : index
      %swap3A_847 = arith.index_cast %mul3A_845 : i32 to index
      %swap3A_848 = vector.load %arg5[%swap3A_846, %swap3A_847] : memref<512x10240xf32, #tpu.memory_space<vmem>>, vector<512x1024xf32>
      tpu.vector_store %arg5[%swap3A_846, %swap3A_847], %select_n3A_843 {strides = array<i32>} : memref<512x10240xf32, #tpu.memory_space<vmem>>, vector<512x1024xf32>,
      %reduce_min3A_849 = arith.constant dense<0x7F800000> : vector<512xf32>
      %reduce_min3A_850 = vector.multi_reduction <minimumf>, %select_n3A_843, %reduce_min3A_849 [1] : vector<512x1024xf32> to vector<512xf32>
      %broadcast_in_dim3A_851 = vector.shape_cast %reduce_min3A_850 : vector<512xf32> to vector<512x1xf32>
      %eq3A_852 = vector.broadcast %broadcast_in_dim3A_851 : vector<512x1xf32> to vector<512x1024xf32>
      %eq3A_853 = arith.cmpf oeq, %select_n3A_843, %eq3A_852 : vector<512x1024xf32>
      %broadcast_in_dim3A_854 = vector.broadcast %while3A_468 : f32 to vector<512x1024xf32>
      %select_n3A_855 = arith.select %eq3A_853, %add3A_834, %broadcast_in_dim3A_854 : vector<512x1024xi1>, vector<512x1024xf32>
      %reduce_min3A_856 = arith.constant dense<0x7F800000> : vector<512xf32>
      %reduce_min3A_857 = vector.multi_reduction <minimumf>, %select_n3A_855, %reduce_min3A_856 [1] : vector<512x1024xf32> to vector<512xf32>
      %broadcast_in_dim3A_858 = vector.shape_cast %reduce_min3A_857 : vector<512xf32> to vector<512x1xf32>
      %lt3A = arith.cmpf olt, %broadcast_in_dim3A_851, %while3A_828 : vector<512x1xf32>
      %select_n3A_859 = arith.select %lt3A, %broadcast_in_dim3A_851, %while3A_828 : vector<512x1xi1>, vector<512x1xf32>
      %select_n3A_860 = arith.select %lt3A, %broadcast_in_dim3A_858, %while3A_829 : vector<512x1xi1>, vector<512x1xf32>
      scf.yield %select_n3A_859, %select_n3A_860 : vector<512x1xf32>, vector<512x1xf32>
    }
    %convert_element_type3A_479 = arith.fptosi %while3A_478#1 : vector<512x1xf32> to vector<512x1xi32>
    %jit3A_480 = arith.constant 0 : i32
    %jit3A_481 = arith.constant 9999 : i32
    %max3A_482 = vector.broadcast %jit3A_480 : i32 to vector<512x1xi32>
    %max3A_483 = arith.maxsi %max3A_482, %convert_element_type3A_479 : vector<512x1xi32>
    %min3A_484 = vector.broadcast %jit3A_481 : i32 to vector<512x1xi32>
    %min3A_485 = arith.minsi %min3A_484, %max3A_483 : vector<512x1xi32>
    %swap3A_486 = arith.constant 0 : index
    %swap3A_487 = arith.constant 6 : index
    %swap3A_488 = vector.load %arg4[%swap3A_486, %swap3A_487] : memref<512x32xi32, #tpu.memory_space<vmem>>, vector<512x1xi32>
    tpu.vector_store %arg4[%swap3A_486, %swap3A_487], %min3A_485 {strides = array<i32>} : memref<512x32xi32, #tpu.memory_space<vmem>>, vector<512x1xi32>,
    %broadcast_in_dim3A_489 = arith.constant 0x7F800000 : f32
    %broadcast_in_dim3A_490 = vector.broadcast %broadcast_in_dim3A_489 : f32 to vector<512x1xf32>
    %broadcast_in_dim3A_491 = arith.constant 2.048000e+04 : f32
    %broadcast_in_dim3A_492 = vector.broadcast %broadcast_in_dim3A_491 : f32 to vector<512x1xf32>
    %while3A_493 = arith.constant 0x7F800000 : f32
    %while3A_494 = arith.constant 2.048000e+04 : f32
    %while3A_495 = arith.subi %select_n3A_296, %select_n3A_264 : i32
    %while3A_496 = arith.addi %select_n3A_264, %while3A_495 : i32
    %while3A_497 = arith.constant 1 : i32
    %while3A_498 = arith.divsi %while3A_495, %while3A_497 : i32
    %while3A_499 = arith.muli %while3A_498, %while3A_497 : i32
    %while3A_500 = arith.addi %select_n3A_264, %while3A_499 : i32
    %while3A_501 = arith.constant 1 : i32
    %while3A_502:2 = scf.for %while3A_827 = %select_n3A_264 to %while3A_500 step %while3A_501 iter_args(%while3A_828 = %broadcast_in_dim3A_490, %while3A_829 = %broadcast_in_dim3A_492) -> (vector<512x1xf32>, vector<512x1xf32>)  : i32 {
      %mul3A_830 = arith.constant 1024 : i32
      %mul3A_831 = arith.muli %while3A_827, %mul3A_830 : i32
      %convert_element_type3A_832 = arith.sitofp %mul3A_831 : i32 to f32
      %add3A_833 = vector.broadcast %convert_element_type3A_832 : f32 to vector<512x1024xf32>
      %add3A_834 = arith.addf %convert_element_type3A, %add3A_833 : vector<512x1024xf32>
      %mul3A_835 = arith.constant 1024 : i32
      %mul3A_836 = arith.muli %while3A_827, %mul3A_835 : i32
      %get3A_837 = arith.constant 0 : index
      %get3A_838 = arith.index_cast %mul3A_836 : i32 to index
      %get3A_839 = vector.load %arg5[%get3A_837, %get3A_838] : memref<512x10240xf32, #tpu.memory_space<vmem>>, vector<512x1024xf32>
      %eq3A_840 = vector.broadcast %while3A_478#1 : vector<512x1xf32> to vector<512x1024xf32>
      %eq3A_841 = arith.cmpf oeq, %add3A_834, %eq3A_840 : vector<512x1024xf32>
      %broadcast_in_dim3A_842 = vector.broadcast %while3A_493 : f32 to vector<512x1024xf32>
      %select_n3A_843 = arith.select %eq3A_841, %broadcast_in_dim3A_842, %get3A_839 : vector<512x1024xi1>, vector<512x1024xf32>
      %mul3A_844 = arith.constant 1024 : i32
      %mul3A_845 = arith.muli %while3A_827, %mul3A_844 : i32
      %swap3A_846 = arith.constant 0 : index
      %swap3A_847 = arith.index_cast %mul3A_845 : i32 to index
      %swap3A_848 = vector.load %arg5[%swap3A_846, %swap3A_847] : memref<512x10240xf32, #tpu.memory_space<vmem>>, vector<512x1024xf32>
      tpu.vector_store %arg5[%swap3A_846, %swap3A_847], %select_n3A_843 {strides = array<i32>} : memref<512x10240xf32, #tpu.memory_space<vmem>>, vector<512x1024xf32>,
      %reduce_min3A_849 = arith.constant dense<0x7F800000> : vector<512xf32>
      %reduce_min3A_850 = vector.multi_reduction <minimumf>, %select_n3A_843, %reduce_min3A_849 [1] : vector<512x1024xf32> to vector<512xf32>
      %broadcast_in_dim3A_851 = vector.shape_cast %reduce_min3A_850 : vector<512xf32> to vector<512x1xf32>
      %eq3A_852 = vector.broadcast %broadcast_in_dim3A_851 : vector<512x1xf32> to vector<512x1024xf32>
      %eq3A_853 = arith.cmpf oeq, %select_n3A_843, %eq3A_852 : vector<512x1024xf32>
      %broadcast_in_dim3A_854 = vector.broadcast %while3A_494 : f32 to vector<512x1024xf32>
      %select_n3A_855 = arith.select %eq3A_853, %add3A_834, %broadcast_in_dim3A_854 : vector<512x1024xi1>, vector<512x1024xf32>
      %reduce_min3A_856 = arith.constant dense<0x7F800000> : vector<512xf32>
      %reduce_min3A_857 = vector.multi_reduction <minimumf>, %select_n3A_855, %reduce_min3A_856 [1] : vector<512x1024xf32> to vector<512xf32>
      %broadcast_in_dim3A_858 = vector.shape_cast %reduce_min3A_857 : vector<512xf32> to vector<512x1xf32>
      %lt3A = arith.cmpf olt, %broadcast_in_dim3A_851, %while3A_828 : vector<512x1xf32>
      %select_n3A_859 = arith.select %lt3A, %broadcast_in_dim3A_851, %while3A_828 : vector<512x1xi1>, vector<512x1xf32>
      %select_n3A_860 = arith.select %lt3A, %broadcast_in_dim3A_858, %while3A_829 : vector<512x1xi1>, vector<512x1xf32>
      scf.yield %select_n3A_859, %select_n3A_860 : vector<512x1xf32>, vector<512x1xf32>
    }
    %while3A_503 = arith.constant 1 : i32
    %while3A_504:2 = scf.for %while3A_827 = %while3A_500 to %while3A_496 step %while3A_503 iter_args(%while3A_828 = %while3A_502#0, %while3A_829 = %while3A_502#1) -> (vector<512x1xf32>, vector<512x1xf32>)  : i32 {
      %mul3A_830 = arith.constant 1024 : i32
      %mul3A_831 = arith.muli %while3A_827, %mul3A_830 : i32
      %convert_element_type3A_832 = arith.sitofp %mul3A_831 : i32 to f32
      %add3A_833 = vector.broadcast %convert_element_type3A_832 : f32 to vector<512x1024xf32>
      %add3A_834 = arith.addf %convert_element_type3A, %add3A_833 : vector<512x1024xf32>
      %mul3A_835 = arith.constant 1024 : i32
      %mul3A_836 = arith.muli %while3A_827, %mul3A_835 : i32
      %get3A_837 = arith.constant 0 : index
      %get3A_838 = arith.index_cast %mul3A_836 : i32 to index
      %get3A_839 = vector.load %arg5[%get3A_837, %get3A_838] : memref<512x10240xf32, #tpu.memory_space<vmem>>, vector<512x1024xf32>
      %eq3A_840 = vector.broadcast %while3A_478#1 : vector<512x1xf32> to vector<512x1024xf32>
      %eq3A_841 = arith.cmpf oeq, %add3A_834, %eq3A_840 : vector<512x1024xf32>
      %broadcast_in_dim3A_842 = vector.broadcast %while3A_493 : f32 to vector<512x1024xf32>
      %select_n3A_843 = arith.select %eq3A_841, %broadcast_in_dim3A_842, %get3A_839 : vector<512x1024xi1>, vector<512x1024xf32>
      %mul3A_844 = arith.constant 1024 : i32
      %mul3A_845 = arith.muli %while3A_827, %mul3A_844 : i32
      %swap3A_846 = arith.constant 0 : index
      %swap3A_847 = arith.index_cast %mul3A_845 : i32 to index
      %swap3A_848 = vector.load %arg5[%swap3A_846, %swap3A_847] : memref<512x10240xf32, #tpu.memory_space<vmem>>, vector<512x1024xf32>
      tpu.vector_store %arg5[%swap3A_846, %swap3A_847], %select_n3A_843 {strides = array<i32>} : memref<512x10240xf32, #tpu.memory_space<vmem>>, vector<512x1024xf32>,
      %reduce_min3A_849 = arith.constant dense<0x7F800000> : vector<512xf32>
      %reduce_min3A_850 = vector.multi_reduction <minimumf>, %select_n3A_843, %reduce_min3A_849 [1] : vector<512x1024xf32> to vector<512xf32>
      %broadcast_in_dim3A_851 = vector.shape_cast %reduce_min3A_850 : vector<512xf32> to vector<512x1xf32>
      %eq3A_852 = vector.broadcast %broadcast_in_dim3A_851 : vector<512x1xf32> to vector<512x1024xf32>
      %eq3A_853 = arith.cmpf oeq, %select_n3A_843, %eq3A_852 : vector<512x1024xf32>
      %broadcast_in_dim3A_854 = vector.broadcast %while3A_494 : f32 to vector<512x1024xf32>
      %select_n3A_855 = arith.select %eq3A_853, %add3A_834, %broadcast_in_dim3A_854 : vector<512x1024xi1>, vector<512x1024xf32>
      %reduce_min3A_856 = arith.constant dense<0x7F800000> : vector<512xf32>
      %reduce_min3A_857 = vector.multi_reduction <minimumf>, %select_n3A_855, %reduce_min3A_856 [1] : vector<512x1024xf32> to vector<512xf32>
      %broadcast_in_dim3A_858 = vector.shape_cast %reduce_min3A_857 : vector<512xf32> to vector<512x1xf32>
      %lt3A = arith.cmpf olt, %broadcast_in_dim3A_851, %while3A_828 : vector<512x1xf32>
      %select_n3A_859 = arith.select %lt3A, %broadcast_in_dim3A_851, %while3A_828 : vector<512x1xi1>, vector<512x1xf32>
      %select_n3A_860 = arith.select %lt3A, %broadcast_in_dim3A_858, %while3A_829 : vector<512x1xi1>, vector<512x1xf32>
      scf.yield %select_n3A_859, %select_n3A_860 : vector<512x1xf32>, vector<512x1xf32>
    }
    %convert_element_type3A_505 = arith.fptosi %while3A_504#1 : vector<512x1xf32> to vector<512x1xi32>
    %jit3A_506 = arith.constant 0 : i32
    %jit3A_507 = arith.constant 9999 : i32
    %max3A_508 = vector.broadcast %jit3A_506 : i32 to vector<512x1xi32>
    %max3A_509 = arith.maxsi %max3A_508, %convert_element_type3A_505 : vector<512x1xi32>
    %min3A_510 = vector.broadcast %jit3A_507 : i32 to vector<512x1xi32>
    %min3A_511 = arith.minsi %min3A_510, %max3A_509 : vector<512x1xi32>
    %swap3A_512 = arith.constant 0 : index
    %swap3A_513 = arith.constant 7 : index
    %swap3A_514 = vector.load %arg4[%swap3A_512, %swap3A_513] : memref<512x32xi32, #tpu.memory_space<vmem>>, vector<512x1xi32>
    tpu.vector_store %arg4[%swap3A_512, %swap3A_513], %min3A_511 {strides = array<i32>} : memref<512x32xi32, #tpu.memory_space<vmem>>, vector<512x1xi32>,
    %broadcast_in_dim3A_515 = arith.constant 0x7F800000 : f32
    %broadcast_in_dim3A_516 = vector.broadcast %broadcast_in_dim3A_515 : f32 to vector<512x1xf32>
    %broadcast_in_dim3A_517 = arith.constant 2.048000e+04 : f32
    %broadcast_in_dim3A_518 = vector.broadcast %broadcast_in_dim3A_517 : f32 to vector<512x1xf32>
    %while3A_519 = arith.constant 0x7F800000 : f32
    %while3A_520 = arith.constant 2.048000e+04 : f32
    %while3A_521 = arith.subi %select_n3A_296, %select_n3A_264 : i32
    %while3A_522 = arith.addi %select_n3A_264, %while3A_521 : i32
    %while3A_523 = arith.constant 1 : i32
    %while3A_524 = arith.divsi %while3A_521, %while3A_523 : i32
    %while3A_525 = arith.muli %while3A_524, %while3A_523 : i32
    %while3A_526 = arith.addi %select_n3A_264, %while3A_525 : i32
    %while3A_527 = arith.constant 1 : i32
    %while3A_528:2 = scf.for %while3A_827 = %select_n3A_264 to %while3A_526 step %while3A_527 iter_args(%while3A_828 = %broadcast_in_dim3A_516, %while3A_829 = %broadcast_in_dim3A_518) -> (vector<512x1xf32>, vector<512x1xf32>)  : i32 {
      %mul3A_830 = arith.constant 1024 : i32
      %mul3A_831 = arith.muli %while3A_827, %mul3A_830 : i32
      %convert_element_type3A_832 = arith.sitofp %mul3A_831 : i32 to f32
      %add3A_833 = vector.broadcast %convert_element_type3A_832 : f32 to vector<512x1024xf32>
      %add3A_834 = arith.addf %convert_element_type3A, %add3A_833 : vector<512x1024xf32>
      %mul3A_835 = arith.constant 1024 : i32
      %mul3A_836 = arith.muli %while3A_827, %mul3A_835 : i32
      %get3A_837 = arith.constant 0 : index
      %get3A_838 = arith.index_cast %mul3A_836 : i32 to index
      %get3A_839 = vector.load %arg5[%get3A_837, %get3A_838] : memref<512x10240xf32, #tpu.memory_space<vmem>>, vector<512x1024xf32>
      %eq3A_840 = vector.broadcast %while3A_504#1 : vector<512x1xf32> to vector<512x1024xf32>
      %eq3A_841 = arith.cmpf oeq, %add3A_834, %eq3A_840 : vector<512x1024xf32>
      %broadcast_in_dim3A_842 = vector.broadcast %while3A_519 : f32 to vector<512x1024xf32>
      %select_n3A_843 = arith.select %eq3A_841, %broadcast_in_dim3A_842, %get3A_839 : vector<512x1024xi1>, vector<512x1024xf32>
      %mul3A_844 = arith.constant 1024 : i32
      %mul3A_845 = arith.muli %while3A_827, %mul3A_844 : i32
      %swap3A_846 = arith.constant 0 : index
      %swap3A_847 = arith.index_cast %mul3A_845 : i32 to index
      %swap3A_848 = vector.load %arg5[%swap3A_846, %swap3A_847] : memref<512x10240xf32, #tpu.memory_space<vmem>>, vector<512x1024xf32>
      tpu.vector_store %arg5[%swap3A_846, %swap3A_847], %select_n3A_843 {strides = array<i32>} : memref<512x10240xf32, #tpu.memory_space<vmem>>, vector<512x1024xf32>,
      %reduce_min3A_849 = arith.constant dense<0x7F800000> : vector<512xf32>
      %reduce_min3A_850 = vector.multi_reduction <minimumf>, %select_n3A_843, %reduce_min3A_849 [1] : vector<512x1024xf32> to vector<512xf32>
      %broadcast_in_dim3A_851 = vector.shape_cast %reduce_min3A_850 : vector<512xf32> to vector<512x1xf32>
      %eq3A_852 = vector.broadcast %broadcast_in_dim3A_851 : vector<512x1xf32> to vector<512x1024xf32>
      %eq3A_853 = arith.cmpf oeq, %select_n3A_843, %eq3A_852 : vector<512x1024xf32>
      %broadcast_in_dim3A_854 = vector.broadcast %while3A_520 : f32 to vector<512x1024xf32>
      %select_n3A_855 = arith.select %eq3A_853, %add3A_834, %broadcast_in_dim3A_854 : vector<512x1024xi1>, vector<512x1024xf32>
      %reduce_min3A_856 = arith.constant dense<0x7F800000> : vector<512xf32>
      %reduce_min3A_857 = vector.multi_reduction <minimumf>, %select_n3A_855, %reduce_min3A_856 [1] : vector<512x1024xf32> to vector<512xf32>
      %broadcast_in_dim3A_858 = vector.shape_cast %reduce_min3A_857 : vector<512xf32> to vector<512x1xf32>
      %lt3A = arith.cmpf olt, %broadcast_in_dim3A_851, %while3A_828 : vector<512x1xf32>
      %select_n3A_859 = arith.select %lt3A, %broadcast_in_dim3A_851, %while3A_828 : vector<512x1xi1>, vector<512x1xf32>
      %select_n3A_860 = arith.select %lt3A, %broadcast_in_dim3A_858, %while3A_829 : vector<512x1xi1>, vector<512x1xf32>
      scf.yield %select_n3A_859, %select_n3A_860 : vector<512x1xf32>, vector<512x1xf32>
    }
    %while3A_529 = arith.constant 1 : i32
    %while3A_530:2 = scf.for %while3A_827 = %while3A_526 to %while3A_522 step %while3A_529 iter_args(%while3A_828 = %while3A_528#0, %while3A_829 = %while3A_528#1) -> (vector<512x1xf32>, vector<512x1xf32>)  : i32 {
      %mul3A_830 = arith.constant 1024 : i32
      %mul3A_831 = arith.muli %while3A_827, %mul3A_830 : i32
      %convert_element_type3A_832 = arith.sitofp %mul3A_831 : i32 to f32
      %add3A_833 = vector.broadcast %convert_element_type3A_832 : f32 to vector<512x1024xf32>
      %add3A_834 = arith.addf %convert_element_type3A, %add3A_833 : vector<512x1024xf32>
      %mul3A_835 = arith.constant 1024 : i32
      %mul3A_836 = arith.muli %while3A_827, %mul3A_835 : i32
      %get3A_837 = arith.constant 0 : index
      %get3A_838 = arith.index_cast %mul3A_836 : i32 to index
      %get3A_839 = vector.load %arg5[%get3A_837, %get3A_838] : memref<512x10240xf32, #tpu.memory_space<vmem>>, vector<512x1024xf32>
      %eq3A_840 = vector.broadcast %while3A_504#1 : vector<512x1xf32> to vector<512x1024xf32>
      %eq3A_841 = arith.cmpf oeq, %add3A_834, %eq3A_840 : vector<512x1024xf32>
      %broadcast_in_dim3A_842 = vector.broadcast %while3A_519 : f32 to vector<512x1024xf32>
      %select_n3A_843 = arith.select %eq3A_841, %broadcast_in_dim3A_842, %get3A_839 : vector<512x1024xi1>, vector<512x1024xf32>
      %mul3A_844 = arith.constant 1024 : i32
      %mul3A_845 = arith.muli %while3A_827, %mul3A_844 : i32
      %swap3A_846 = arith.constant 0 : index
      %swap3A_847 = arith.index_cast %mul3A_845 : i32 to index
      %swap3A_848 = vector.load %arg5[%swap3A_846, %swap3A_847] : memref<512x10240xf32, #tpu.memory_space<vmem>>, vector<512x1024xf32>
      tpu.vector_store %arg5[%swap3A_846, %swap3A_847], %select_n3A_843 {strides = array<i32>} : memref<512x10240xf32, #tpu.memory_space<vmem>>, vector<512x1024xf32>,
      %reduce_min3A_849 = arith.constant dense<0x7F800000> : vector<512xf32>
      %reduce_min3A_850 = vector.multi_reduction <minimumf>, %select_n3A_843, %reduce_min3A_849 [1] : vector<512x1024xf32> to vector<512xf32>
      %broadcast_in_dim3A_851 = vector.shape_cast %reduce_min3A_850 : vector<512xf32> to vector<512x1xf32>
      %eq3A_852 = vector.broadcast %broadcast_in_dim3A_851 : vector<512x1xf32> to vector<512x1024xf32>
      %eq3A_853 = arith.cmpf oeq, %select_n3A_843, %eq3A_852 : vector<512x1024xf32>
      %broadcast_in_dim3A_854 = vector.broadcast %while3A_520 : f32 to vector<512x1024xf32>
      %select_n3A_855 = arith.select %eq3A_853, %add3A_834, %broadcast_in_dim3A_854 : vector<512x1024xi1>, vector<512x1024xf32>
      %reduce_min3A_856 = arith.constant dense<0x7F800000> : vector<512xf32>
      %reduce_min3A_857 = vector.multi_reduction <minimumf>, %select_n3A_855, %reduce_min3A_856 [1] : vector<512x1024xf32> to vector<512xf32>
      %broadcast_in_dim3A_858 = vector.shape_cast %reduce_min3A_857 : vector<512xf32> to vector<512x1xf32>
      %lt3A = arith.cmpf olt, %broadcast_in_dim3A_851, %while3A_828 : vector<512x1xf32>
      %select_n3A_859 = arith.select %lt3A, %broadcast_in_dim3A_851, %while3A_828 : vector<512x1xi1>, vector<512x1xf32>
      %select_n3A_860 = arith.select %lt3A, %broadcast_in_dim3A_858, %while3A_829 : vector<512x1xi1>, vector<512x1xf32>
      scf.yield %select_n3A_859, %select_n3A_860 : vector<512x1xf32>, vector<512x1xf32>
    }
    %convert_element_type3A_531 = arith.fptosi %while3A_530#1 : vector<512x1xf32> to vector<512x1xi32>
    %jit3A_532 = arith.constant 0 : i32
    %jit3A_533 = arith.constant 9999 : i32
    %max3A_534 = vector.broadcast %jit3A_532 : i32 to vector<512x1xi32>
    %max3A_535 = arith.maxsi %max3A_534, %convert_element_type3A_531 : vector<512x1xi32>
    %min3A_536 = vector.broadcast %jit3A_533 : i32 to vector<512x1xi32>
    %min3A_537 = arith.minsi %min3A_536, %max3A_535 : vector<512x1xi32>
    %swap3A_538 = arith.constant 0 : index
    %swap3A_539 = arith.constant 8 : index
    %swap3A_540 = vector.load %arg4[%swap3A_538, %swap3A_539] : memref<512x32xi32, #tpu.memory_space<vmem>>, vector<512x1xi32>
    tpu.vector_store %arg4[%swap3A_538, %swap3A_539], %min3A_537 {strides = array<i32>} : memref<512x32xi32, #tpu.memory_space<vmem>>, vector<512x1xi32>,
    %broadcast_in_dim3A_541 = arith.constant 0x7F800000 : f32
    %broadcast_in_dim3A_542 = vector.broadcast %broadcast_in_dim3A_541 : f32 to vector<512x1xf32>
    %broadcast_in_dim3A_543 = arith.constant 2.048000e+04 : f32
    %broadcast_in_dim3A_544 = vector.broadcast %broadcast_in_dim3A_543 : f32 to vector<512x1xf32>
    %while3A_545 = arith.constant 0x7F800000 : f32
    %while3A_546 = arith.constant 2.048000e+04 : f32
    %while3A_547 = arith.subi %select_n3A_296, %select_n3A_264 : i32
    %while3A_548 = arith.addi %select_n3A_264, %while3A_547 : i32
    %while3A_549 = arith.constant 1 : i32
    %while3A_550 = arith.divsi %while3A_547, %while3A_549 : i32
    %while3A_551 = arith.muli %while3A_550, %while3A_549 : i32
    %while3A_552 = arith.addi %select_n3A_264, %while3A_551 : i32
    %while3A_553 = arith.constant 1 : i32
    %while3A_554:2 = scf.for %while3A_827 = %select_n3A_264 to %while3A_552 step %while3A_553 iter_args(%while3A_828 = %broadcast_in_dim3A_542, %while3A_829 = %broadcast_in_dim3A_544) -> (vector<512x1xf32>, vector<512x1xf32>)  : i32 {
      %mul3A_830 = arith.constant 1024 : i32
      %mul3A_831 = arith.muli %while3A_827, %mul3A_830 : i32
      %convert_element_type3A_832 = arith.sitofp %mul3A_831 : i32 to f32
      %add3A_833 = vector.broadcast %convert_element_type3A_832 : f32 to vector<512x1024xf32>
      %add3A_834 = arith.addf %convert_element_type3A, %add3A_833 : vector<512x1024xf32>
      %mul3A_835 = arith.constant 1024 : i32
      %mul3A_836 = arith.muli %while3A_827, %mul3A_835 : i32
      %get3A_837 = arith.constant 0 : index
      %get3A_838 = arith.index_cast %mul3A_836 : i32 to index
      %get3A_839 = vector.load %arg5[%get3A_837, %get3A_838] : memref<512x10240xf32, #tpu.memory_space<vmem>>, vector<512x1024xf32>
      %eq3A_840 = vector.broadcast %while3A_530#1 : vector<512x1xf32> to vector<512x1024xf32>
      %eq3A_841 = arith.cmpf oeq, %add3A_834, %eq3A_840 : vector<512x1024xf32>
      %broadcast_in_dim3A_842 = vector.broadcast %while3A_545 : f32 to vector<512x1024xf32>
      %select_n3A_843 = arith.select %eq3A_841, %broadcast_in_dim3A_842, %get3A_839 : vector<512x1024xi1>, vector<512x1024xf32>
      %mul3A_844 = arith.constant 1024 : i32
      %mul3A_845 = arith.muli %while3A_827, %mul3A_844 : i32
      %swap3A_846 = arith.constant 0 : index
      %swap3A_847 = arith.index_cast %mul3A_845 : i32 to index
      %swap3A_848 = vector.load %arg5[%swap3A_846, %swap3A_847] : memref<512x10240xf32, #tpu.memory_space<vmem>>, vector<512x1024xf32>
      tpu.vector_store %arg5[%swap3A_846, %swap3A_847], %select_n3A_843 {strides = array<i32>} : memref<512x10240xf32, #tpu.memory_space<vmem>>, vector<512x1024xf32>,
      %reduce_min3A_849 = arith.constant dense<0x7F800000> : vector<512xf32>
      %reduce_min3A_850 = vector.multi_reduction <minimumf>, %select_n3A_843, %reduce_min3A_849 [1] : vector<512x1024xf32> to vector<512xf32>
      %broadcast_in_dim3A_851 = vector.shape_cast %reduce_min3A_850 : vector<512xf32> to vector<512x1xf32>
      %eq3A_852 = vector.broadcast %broadcast_in_dim3A_851 : vector<512x1xf32> to vector<512x1024xf32>
      %eq3A_853 = arith.cmpf oeq, %select_n3A_843, %eq3A_852 : vector<512x1024xf32>
      %broadcast_in_dim3A_854 = vector.broadcast %while3A_546 : f32 to vector<512x1024xf32>
      %select_n3A_855 = arith.select %eq3A_853, %add3A_834, %broadcast_in_dim3A_854 : vector<512x1024xi1>, vector<512x1024xf32>
      %reduce_min3A_856 = arith.constant dense<0x7F800000> : vector<512xf32>
      %reduce_min3A_857 = vector.multi_reduction <minimumf>, %select_n3A_855, %reduce_min3A_856 [1] : vector<512x1024xf32> to vector<512xf32>
      %broadcast_in_dim3A_858 = vector.shape_cast %reduce_min3A_857 : vector<512xf32> to vector<512x1xf32>
      %lt3A = arith.cmpf olt, %broadcast_in_dim3A_851, %while3A_828 : vector<512x1xf32>
      %select_n3A_859 = arith.select %lt3A, %broadcast_in_dim3A_851, %while3A_828 : vector<512x1xi1>, vector<512x1xf32>
      %select_n3A_860 = arith.select %lt3A, %broadcast_in_dim3A_858, %while3A_829 : vector<512x1xi1>, vector<512x1xf32>
      scf.yield %select_n3A_859, %select_n3A_860 : vector<512x1xf32>, vector<512x1xf32>
    }
    %while3A_555 = arith.constant 1 : i32
    %while3A_556:2 = scf.for %while3A_827 = %while3A_552 to %while3A_548 step %while3A_555 iter_args(%while3A_828 = %while3A_554#0, %while3A_829 = %while3A_554#1) -> (vector<512x1xf32>, vector<512x1xf32>)  : i32 {
      %mul3A_830 = arith.constant 1024 : i32
      %mul3A_831 = arith.muli %while3A_827, %mul3A_830 : i32
      %convert_element_type3A_832 = arith.sitofp %mul3A_831 : i32 to f32
      %add3A_833 = vector.broadcast %convert_element_type3A_832 : f32 to vector<512x1024xf32>
      %add3A_834 = arith.addf %convert_element_type3A, %add3A_833 : vector<512x1024xf32>
      %mul3A_835 = arith.constant 1024 : i32
      %mul3A_836 = arith.muli %while3A_827, %mul3A_835 : i32
      %get3A_837 = arith.constant 0 : index
      %get3A_838 = arith.index_cast %mul3A_836 : i32 to index
      %get3A_839 = vector.load %arg5[%get3A_837, %get3A_838] : memref<512x10240xf32, #tpu.memory_space<vmem>>, vector<512x1024xf32>
      %eq3A_840 = vector.broadcast %while3A_530#1 : vector<512x1xf32> to vector<512x1024xf32>
      %eq3A_841 = arith.cmpf oeq, %add3A_834, %eq3A_840 : vector<512x1024xf32>
      %broadcast_in_dim3A_842 = vector.broadcast %while3A_545 : f32 to vector<512x1024xf32>
      %select_n3A_843 = arith.select %eq3A_841, %broadcast_in_dim3A_842, %get3A_839 : vector<512x1024xi1>, vector<512x1024xf32>
      %mul3A_844 = arith.constant 1024 : i32
      %mul3A_845 = arith.muli %while3A_827, %mul3A_844 : i32
      %swap3A_846 = arith.constant 0 : index
      %swap3A_847 = arith.index_cast %mul3A_845 : i32 to index
      %swap3A_848 = vector.load %arg5[%swap3A_846, %swap3A_847] : memref<512x10240xf32, #tpu.memory_space<vmem>>, vector<512x1024xf32>
      tpu.vector_store %arg5[%swap3A_846, %swap3A_847], %select_n3A_843 {strides = array<i32>} : memref<512x10240xf32, #tpu.memory_space<vmem>>, vector<512x1024xf32>,
      %reduce_min3A_849 = arith.constant dense<0x7F800000> : vector<512xf32>
      %reduce_min3A_850 = vector.multi_reduction <minimumf>, %select_n3A_843, %reduce_min3A_849 [1] : vector<512x1024xf32> to vector<512xf32>
      %broadcast_in_dim3A_851 = vector.shape_cast %reduce_min3A_850 : vector<512xf32> to vector<512x1xf32>
      %eq3A_852 = vector.broadcast %broadcast_in_dim3A_851 : vector<512x1xf32> to vector<512x1024xf32>
      %eq3A_853 = arith.cmpf oeq, %select_n3A_843, %eq3A_852 : vector<512x1024xf32>
      %broadcast_in_dim3A_854 = vector.broadcast %while3A_546 : f32 to vector<512x1024xf32>
      %select_n3A_855 = arith.select %eq3A_853, %add3A_834, %broadcast_in_dim3A_854 : vector<512x1024xi1>, vector<512x1024xf32>
      %reduce_min3A_856 = arith.constant dense<0x7F800000> : vector<512xf32>
      %reduce_min3A_857 = vector.multi_reduction <minimumf>, %select_n3A_855, %reduce_min3A_856 [1] : vector<512x1024xf32> to vector<512xf32>
      %broadcast_in_dim3A_858 = vector.shape_cast %reduce_min3A_857 : vector<512xf32> to vector<512x1xf32>
      %lt3A = arith.cmpf olt, %broadcast_in_dim3A_851, %while3A_828 : vector<512x1xf32>
      %select_n3A_859 = arith.select %lt3A, %broadcast_in_dim3A_851, %while3A_828 : vector<512x1xi1>, vector<512x1xf32>
      %select_n3A_860 = arith.select %lt3A, %broadcast_in_dim3A_858, %while3A_829 : vector<512x1xi1>, vector<512x1xf32>
      scf.yield %select_n3A_859, %select_n3A_860 : vector<512x1xf32>, vector<512x1xf32>
    }
    %convert_element_type3A_557 = arith.fptosi %while3A_556#1 : vector<512x1xf32> to vector<512x1xi32>
    %jit3A_558 = arith.constant 0 : i32
    %jit3A_559 = arith.constant 9999 : i32
    %max3A_560 = vector.broadcast %jit3A_558 : i32 to vector<512x1xi32>
    %max3A_561 = arith.maxsi %max3A_560, %convert_element_type3A_557 : vector<512x1xi32>
    %min3A_562 = vector.broadcast %jit3A_559 : i32 to vector<512x1xi32>
    %min3A_563 = arith.minsi %min3A_562, %max3A_561 : vector<512x1xi32>
    %swap3A_564 = arith.constant 0 : index
    %swap3A_565 = arith.constant 9 : index
    %swap3A_566 = vector.load %arg4[%swap3A_564, %swap3A_565] : memref<512x32xi32, #tpu.memory_space<vmem>>, vector<512x1xi32>
    tpu.vector_store %arg4[%swap3A_564, %swap3A_565], %min3A_563 {strides = array<i32>} : memref<512x32xi32, #tpu.memory_space<vmem>>, vector<512x1xi32>,
    %broadcast_in_dim3A_567 = arith.constant 0x7F800000 : f32
    %broadcast_in_dim3A_568 = vector.broadcast %broadcast_in_dim3A_567 : f32 to vector<512x1xf32>
    %broadcast_in_dim3A_569 = arith.constant 2.048000e+04 : f32
    %broadcast_in_dim3A_570 = vector.broadcast %broadcast_in_dim3A_569 : f32 to vector<512x1xf32>
    %while3A_571 = arith.constant 0x7F800000 : f32
    %while3A_572 = arith.constant 2.048000e+04 : f32
    %while3A_573 = arith.subi %select_n3A_296, %select_n3A_264 : i32
    %while3A_574 = arith.addi %select_n3A_264, %while3A_573 : i32
    %while3A_575 = arith.constant 1 : i32
    %while3A_576 = arith.divsi %while3A_573, %while3A_575 : i32
    %while3A_577 = arith.muli %while3A_576, %while3A_575 : i32
    %while3A_578 = arith.addi %select_n3A_264, %while3A_577 : i32
    %while3A_579 = arith.constant 1 : i32
    %while3A_580:2 = scf.for %while3A_827 = %select_n3A_264 to %while3A_578 step %while3A_579 iter_args(%while3A_828 = %broadcast_in_dim3A_568, %while3A_829 = %broadcast_in_dim3A_570) -> (vector<512x1xf32>, vector<512x1xf32>)  : i32 {
      %mul3A_830 = arith.constant 1024 : i32
      %mul3A_831 = arith.muli %while3A_827, %mul3A_830 : i32
      %convert_element_type3A_832 = arith.sitofp %mul3A_831 : i32 to f32
      %add3A_833 = vector.broadcast %convert_element_type3A_832 : f32 to vector<512x1024xf32>
      %add3A_834 = arith.addf %convert_element_type3A, %add3A_833 : vector<512x1024xf32>
      %mul3A_835 = arith.constant 1024 : i32
      %mul3A_836 = arith.muli %while3A_827, %mul3A_835 : i32
      %get3A_837 = arith.constant 0 : index
      %get3A_838 = arith.index_cast %mul3A_836 : i32 to index
      %get3A_839 = vector.load %arg5[%get3A_837, %get3A_838] : memref<512x10240xf32, #tpu.memory_space<vmem>>, vector<512x1024xf32>
      %eq3A_840 = vector.broadcast %while3A_556#1 : vector<512x1xf32> to vector<512x1024xf32>
      %eq3A_841 = arith.cmpf oeq, %add3A_834, %eq3A_840 : vector<512x1024xf32>
      %broadcast_in_dim3A_842 = vector.broadcast %while3A_571 : f32 to vector<512x1024xf32>
      %select_n3A_843 = arith.select %eq3A_841, %broadcast_in_dim3A_842, %get3A_839 : vector<512x1024xi1>, vector<512x1024xf32>
      %mul3A_844 = arith.constant 1024 : i32
      %mul3A_845 = arith.muli %while3A_827, %mul3A_844 : i32
      %swap3A_846 = arith.constant 0 : index
      %swap3A_847 = arith.index_cast %mul3A_845 : i32 to index
      %swap3A_848 = vector.load %arg5[%swap3A_846, %swap3A_847] : memref<512x10240xf32, #tpu.memory_space<vmem>>, vector<512x1024xf32>
      tpu.vector_store %arg5[%swap3A_846, %swap3A_847], %select_n3A_843 {strides = array<i32>} : memref<512x10240xf32, #tpu.memory_space<vmem>>, vector<512x1024xf32>,
      %reduce_min3A_849 = arith.constant dense<0x7F800000> : vector<512xf32>
      %reduce_min3A_850 = vector.multi_reduction <minimumf>, %select_n3A_843, %reduce_min3A_849 [1] : vector<512x1024xf32> to vector<512xf32>
      %broadcast_in_dim3A_851 = vector.shape_cast %reduce_min3A_850 : vector<512xf32> to vector<512x1xf32>
      %eq3A_852 = vector.broadcast %broadcast_in_dim3A_851 : vector<512x1xf32> to vector<512x1024xf32>
      %eq3A_853 = arith.cmpf oeq, %select_n3A_843, %eq3A_852 : vector<512x1024xf32>
      %broadcast_in_dim3A_854 = vector.broadcast %while3A_572 : f32 to vector<512x1024xf32>
      %select_n3A_855 = arith.select %eq3A_853, %add3A_834, %broadcast_in_dim3A_854 : vector<512x1024xi1>, vector<512x1024xf32>
      %reduce_min3A_856 = arith.constant dense<0x7F800000> : vector<512xf32>
      %reduce_min3A_857 = vector.multi_reduction <minimumf>, %select_n3A_855, %reduce_min3A_856 [1] : vector<512x1024xf32> to vector<512xf32>
      %broadcast_in_dim3A_858 = vector.shape_cast %reduce_min3A_857 : vector<512xf32> to vector<512x1xf32>
      %lt3A = arith.cmpf olt, %broadcast_in_dim3A_851, %while3A_828 : vector<512x1xf32>
      %select_n3A_859 = arith.select %lt3A, %broadcast_in_dim3A_851, %while3A_828 : vector<512x1xi1>, vector<512x1xf32>
      %select_n3A_860 = arith.select %lt3A, %broadcast_in_dim3A_858, %while3A_829 : vector<512x1xi1>, vector<512x1xf32>
      scf.yield %select_n3A_859, %select_n3A_860 : vector<512x1xf32>, vector<512x1xf32>
    }
    %while3A_581 = arith.constant 1 : i32
    %while3A_582:2 = scf.for %while3A_827 = %while3A_578 to %while3A_574 step %while3A_581 iter_args(%while3A_828 = %while3A_580#0, %while3A_829 = %while3A_580#1) -> (vector<512x1xf32>, vector<512x1xf32>)  : i32 {
      %mul3A_830 = arith.constant 1024 : i32
      %mul3A_831 = arith.muli %while3A_827, %mul3A_830 : i32
      %convert_element_type3A_832 = arith.sitofp %mul3A_831 : i32 to f32
      %add3A_833 = vector.broadcast %convert_element_type3A_832 : f32 to vector<512x1024xf32>
      %add3A_834 = arith.addf %convert_element_type3A, %add3A_833 : vector<512x1024xf32>
      %mul3A_835 = arith.constant 1024 : i32
      %mul3A_836 = arith.muli %while3A_827, %mul3A_835 : i32
      %get3A_837 = arith.constant 0 : index
      %get3A_838 = arith.index_cast %mul3A_836 : i32 to index
      %get3A_839 = vector.load %arg5[%get3A_837, %get3A_838] : memref<512x10240xf32, #tpu.memory_space<vmem>>, vector<512x1024xf32>
      %eq3A_840 = vector.broadcast %while3A_556#1 : vector<512x1xf32> to vector<512x1024xf32>
      %eq3A_841 = arith.cmpf oeq, %add3A_834, %eq3A_840 : vector<512x1024xf32>
      %broadcast_in_dim3A_842 = vector.broadcast %while3A_571 : f32 to vector<512x1024xf32>
      %select_n3A_843 = arith.select %eq3A_841, %broadcast_in_dim3A_842, %get3A_839 : vector<512x1024xi1>, vector<512x1024xf32>
      %mul3A_844 = arith.constant 1024 : i32
      %mul3A_845 = arith.muli %while3A_827, %mul3A_844 : i32
      %swap3A_846 = arith.constant 0 : index
      %swap3A_847 = arith.index_cast %mul3A_845 : i32 to index
      %swap3A_848 = vector.load %arg5[%swap3A_846, %swap3A_847] : memref<512x10240xf32, #tpu.memory_space<vmem>>, vector<512x1024xf32>
      tpu.vector_store %arg5[%swap3A_846, %swap3A_847], %select_n3A_843 {strides = array<i32>} : memref<512x10240xf32, #tpu.memory_space<vmem>>, vector<512x1024xf32>,
      %reduce_min3A_849 = arith.constant dense<0x7F800000> : vector<512xf32>
      %reduce_min3A_850 = vector.multi_reduction <minimumf>, %select_n3A_843, %reduce_min3A_849 [1] : vector<512x1024xf32> to vector<512xf32>
      %broadcast_in_dim3A_851 = vector.shape_cast %reduce_min3A_850 : vector<512xf32> to vector<512x1xf32>
      %eq3A_852 = vector.broadcast %broadcast_in_dim3A_851 : vector<512x1xf32> to vector<512x1024xf32>
      %eq3A_853 = arith.cmpf oeq, %select_n3A_843, %eq3A_852 : vector<512x1024xf32>
      %broadcast_in_dim3A_854 = vector.broadcast %while3A_572 : f32 to vector<512x1024xf32>
      %select_n3A_855 = arith.select %eq3A_853, %add3A_834, %broadcast_in_dim3A_854 : vector<512x1024xi1>, vector<512x1024xf32>
      %reduce_min3A_856 = arith.constant dense<0x7F800000> : vector<512xf32>
      %reduce_min3A_857 = vector.multi_reduction <minimumf>, %select_n3A_855, %reduce_min3A_856 [1] : vector<512x1024xf32> to vector<512xf32>
      %broadcast_in_dim3A_858 = vector.shape_cast %reduce_min3A_857 : vector<512xf32> to vector<512x1xf32>
      %lt3A = arith.cmpf olt, %broadcast_in_dim3A_851, %while3A_828 : vector<512x1xf32>
      %select_n3A_859 = arith.select %lt3A, %broadcast_in_dim3A_851, %while3A_828 : vector<512x1xi1>, vector<512x1xf32>
      %select_n3A_860 = arith.select %lt3A, %broadcast_in_dim3A_858, %while3A_829 : vector<512x1xi1>, vector<512x1xf32>
      scf.yield %select_n3A_859, %select_n3A_860 : vector<512x1xf32>, vector<512x1xf32>
    }
    %convert_element_type3A_583 = arith.fptosi %while3A_582#1 : vector<512x1xf32> to vector<512x1xi32>
    %jit3A_584 = arith.constant 0 : i32
    %jit3A_585 = arith.constant 9999 : i32
    %max3A_586 = vector.broadcast %jit3A_584 : i32 to vector<512x1xi32>
    %max3A_587 = arith.maxsi %max3A_586, %convert_element_type3A_583 : vector<512x1xi32>
    %min3A_588 = vector.broadcast %jit3A_585 : i32 to vector<512x1xi32>
    %min3A_589 = arith.minsi %min3A_588, %max3A_587 : vector<512x1xi32>
    %swap3A_590 = arith.constant 0 : index
    %swap3A_591 = arith.constant 10 : index
    %swap3A_592 = vector.load %arg4[%swap3A_590, %swap3A_591] : memref<512x32xi32, #tpu.memory_space<vmem>>, vector<512x1xi32>
    tpu.vector_store %arg4[%swap3A_590, %swap3A_591], %min3A_589 {strides = array<i32>} : memref<512x32xi32, #tpu.memory_space<vmem>>, vector<512x1xi32>,
    %broadcast_in_dim3A_593 = arith.constant 0x7F800000 : f32
    %broadcast_in_dim3A_594 = vector.broadcast %broadcast_in_dim3A_593 : f32 to vector<512x1xf32>
    %broadcast_in_dim3A_595 = arith.constant 2.048000e+04 : f32
    %broadcast_in_dim3A_596 = vector.broadcast %broadcast_in_dim3A_595 : f32 to vector<512x1xf32>
    %while3A_597 = arith.constant 0x7F800000 : f32
    %while3A_598 = arith.constant 2.048000e+04 : f32
    %while3A_599 = arith.subi %select_n3A_296, %select_n3A_264 : i32
    %while3A_600 = arith.addi %select_n3A_264, %while3A_599 : i32
    %while3A_601 = arith.constant 1 : i32
    %while3A_602 = arith.divsi %while3A_599, %while3A_601 : i32
    %while3A_603 = arith.muli %while3A_602, %while3A_601 : i32
    %while3A_604 = arith.addi %select_n3A_264, %while3A_603 : i32
    %while3A_605 = arith.constant 1 : i32
    %while3A_606:2 = scf.for %while3A_827 = %select_n3A_264 to %while3A_604 step %while3A_605 iter_args(%while3A_828 = %broadcast_in_dim3A_594, %while3A_829 = %broadcast_in_dim3A_596) -> (vector<512x1xf32>, vector<512x1xf32>)  : i32 {
      %mul3A_830 = arith.constant 1024 : i32
      %mul3A_831 = arith.muli %while3A_827, %mul3A_830 : i32
      %convert_element_type3A_832 = arith.sitofp %mul3A_831 : i32 to f32
      %add3A_833 = vector.broadcast %convert_element_type3A_832 : f32 to vector<512x1024xf32>
      %add3A_834 = arith.addf %convert_element_type3A, %add3A_833 : vector<512x1024xf32>
      %mul3A_835 = arith.constant 1024 : i32
      %mul3A_836 = arith.muli %while3A_827, %mul3A_835 : i32
      %get3A_837 = arith.constant 0 : index
      %get3A_838 = arith.index_cast %mul3A_836 : i32 to index
      %get3A_839 = vector.load %arg5[%get3A_837, %get3A_838] : memref<512x10240xf32, #tpu.memory_space<vmem>>, vector<512x1024xf32>
      %eq3A_840 = vector.broadcast %while3A_582#1 : vector<512x1xf32> to vector<512x1024xf32>
      %eq3A_841 = arith.cmpf oeq, %add3A_834, %eq3A_840 : vector<512x1024xf32>
      %broadcast_in_dim3A_842 = vector.broadcast %while3A_597 : f32 to vector<512x1024xf32>
      %select_n3A_843 = arith.select %eq3A_841, %broadcast_in_dim3A_842, %get3A_839 : vector<512x1024xi1>, vector<512x1024xf32>
      %mul3A_844 = arith.constant 1024 : i32
      %mul3A_845 = arith.muli %while3A_827, %mul3A_844 : i32
      %swap3A_846 = arith.constant 0 : index
      %swap3A_847 = arith.index_cast %mul3A_845 : i32 to index
      %swap3A_848 = vector.load %arg5[%swap3A_846, %swap3A_847] : memref<512x10240xf32, #tpu.memory_space<vmem>>, vector<512x1024xf32>
      tpu.vector_store %arg5[%swap3A_846, %swap3A_847], %select_n3A_843 {strides = array<i32>} : memref<512x10240xf32, #tpu.memory_space<vmem>>, vector<512x1024xf32>,
      %reduce_min3A_849 = arith.constant dense<0x7F800000> : vector<512xf32>
      %reduce_min3A_850 = vector.multi_reduction <minimumf>, %select_n3A_843, %reduce_min3A_849 [1] : vector<512x1024xf32> to vector<512xf32>
      %broadcast_in_dim3A_851 = vector.shape_cast %reduce_min3A_850 : vector<512xf32> to vector<512x1xf32>
      %eq3A_852 = vector.broadcast %broadcast_in_dim3A_851 : vector<512x1xf32> to vector<512x1024xf32>
      %eq3A_853 = arith.cmpf oeq, %select_n3A_843, %eq3A_852 : vector<512x1024xf32>
      %broadcast_in_dim3A_854 = vector.broadcast %while3A_598 : f32 to vector<512x1024xf32>
      %select_n3A_855 = arith.select %eq3A_853, %add3A_834, %broadcast_in_dim3A_854 : vector<512x1024xi1>, vector<512x1024xf32>
      %reduce_min3A_856 = arith.constant dense<0x7F800000> : vector<512xf32>
      %reduce_min3A_857 = vector.multi_reduction <minimumf>, %select_n3A_855, %reduce_min3A_856 [1] : vector<512x1024xf32> to vector<512xf32>
      %broadcast_in_dim3A_858 = vector.shape_cast %reduce_min3A_857 : vector<512xf32> to vector<512x1xf32>
      %lt3A = arith.cmpf olt, %broadcast_in_dim3A_851, %while3A_828 : vector<512x1xf32>
      %select_n3A_859 = arith.select %lt3A, %broadcast_in_dim3A_851, %while3A_828 : vector<512x1xi1>, vector<512x1xf32>
      %select_n3A_860 = arith.select %lt3A, %broadcast_in_dim3A_858, %while3A_829 : vector<512x1xi1>, vector<512x1xf32>
      scf.yield %select_n3A_859, %select_n3A_860 : vector<512x1xf32>, vector<512x1xf32>
    }
    %while3A_607 = arith.constant 1 : i32
    %while3A_608:2 = scf.for %while3A_827 = %while3A_604 to %while3A_600 step %while3A_607 iter_args(%while3A_828 = %while3A_606#0, %while3A_829 = %while3A_606#1) -> (vector<512x1xf32>, vector<512x1xf32>)  : i32 {
      %mul3A_830 = arith.constant 1024 : i32
      %mul3A_831 = arith.muli %while3A_827, %mul3A_830 : i32
      %convert_element_type3A_832 = arith.sitofp %mul3A_831 : i32 to f32
      %add3A_833 = vector.broadcast %convert_element_type3A_832 : f32 to vector<512x1024xf32>
      %add3A_834 = arith.addf %convert_element_type3A, %add3A_833 : vector<512x1024xf32>
      %mul3A_835 = arith.constant 1024 : i32
      %mul3A_836 = arith.muli %while3A_827, %mul3A_835 : i32
      %get3A_837 = arith.constant 0 : index
      %get3A_838 = arith.index_cast %mul3A_836 : i32 to index
      %get3A_839 = vector.load %arg5[%get3A_837, %get3A_838] : memref<512x10240xf32, #tpu.memory_space<vmem>>, vector<512x1024xf32>
      %eq3A_840 = vector.broadcast %while3A_582#1 : vector<512x1xf32> to vector<512x1024xf32>
      %eq3A_841 = arith.cmpf oeq, %add3A_834, %eq3A_840 : vector<512x1024xf32>
      %broadcast_in_dim3A_842 = vector.broadcast %while3A_597 : f32 to vector<512x1024xf32>
      %select_n3A_843 = arith.select %eq3A_841, %broadcast_in_dim3A_842, %get3A_839 : vector<512x1024xi1>, vector<512x1024xf32>
      %mul3A_844 = arith.constant 1024 : i32
      %mul3A_845 = arith.muli %while3A_827, %mul3A_844 : i32
      %swap3A_846 = arith.constant 0 : index
      %swap3A_847 = arith.index_cast %mul3A_845 : i32 to index
      %swap3A_848 = vector.load %arg5[%swap3A_846, %swap3A_847] : memref<512x10240xf32, #tpu.memory_space<vmem>>, vector<512x1024xf32>
      tpu.vector_store %arg5[%swap3A_846, %swap3A_847], %select_n3A_843 {strides = array<i32>} : memref<512x10240xf32, #tpu.memory_space<vmem>>, vector<512x1024xf32>,
      %reduce_min3A_849 = arith.constant dense<0x7F800000> : vector<512xf32>
      %reduce_min3A_850 = vector.multi_reduction <minimumf>, %select_n3A_843, %reduce_min3A_849 [1] : vector<512x1024xf32> to vector<512xf32>
      %broadcast_in_dim3A_851 = vector.shape_cast %reduce_min3A_850 : vector<512xf32> to vector<512x1xf32>
      %eq3A_852 = vector.broadcast %broadcast_in_dim3A_851 : vector<512x1xf32> to vector<512x1024xf32>
      %eq3A_853 = arith.cmpf oeq, %select_n3A_843, %eq3A_852 : vector<512x1024xf32>
      %broadcast_in_dim3A_854 = vector.broadcast %while3A_598 : f32 to vector<512x1024xf32>
      %select_n3A_855 = arith.select %eq3A_853, %add3A_834, %broadcast_in_dim3A_854 : vector<512x1024xi1>, vector<512x1024xf32>
      %reduce_min3A_856 = arith.constant dense<0x7F800000> : vector<512xf32>
      %reduce_min3A_857 = vector.multi_reduction <minimumf>, %select_n3A_855, %reduce_min3A_856 [1] : vector<512x1024xf32> to vector<512xf32>
      %broadcast_in_dim3A_858 = vector.shape_cast %reduce_min3A_857 : vector<512xf32> to vector<512x1xf32>
      %lt3A = arith.cmpf olt, %broadcast_in_dim3A_851, %while3A_828 : vector<512x1xf32>
      %select_n3A_859 = arith.select %lt3A, %broadcast_in_dim3A_851, %while3A_828 : vector<512x1xi1>, vector<512x1xf32>
      %select_n3A_860 = arith.select %lt3A, %broadcast_in_dim3A_858, %while3A_829 : vector<512x1xi1>, vector<512x1xf32>
      scf.yield %select_n3A_859, %select_n3A_860 : vector<512x1xf32>, vector<512x1xf32>
    }
    %convert_element_type3A_609 = arith.fptosi %while3A_608#1 : vector<512x1xf32> to vector<512x1xi32>
    %jit3A_610 = arith.constant 0 : i32
    %jit3A_611 = arith.constant 9999 : i32
    %max3A_612 = vector.broadcast %jit3A_610 : i32 to vector<512x1xi32>
    %max3A_613 = arith.maxsi %max3A_612, %convert_element_type3A_609 : vector<512x1xi32>
    %min3A_614 = vector.broadcast %jit3A_611 : i32 to vector<512x1xi32>
    %min3A_615 = arith.minsi %min3A_614, %max3A_613 : vector<512x1xi32>
    %swap3A_616 = arith.constant 0 : index
    %swap3A_617 = arith.constant 11 : index
    %swap3A_618 = vector.load %arg4[%swap3A_616, %swap3A_617] : memref<512x32xi32, #tpu.memory_space<vmem>>, vector<512x1xi32>
    tpu.vector_store %arg4[%swap3A_616, %swap3A_617], %min3A_615 {strides = array<i32>} : memref<512x32xi32, #tpu.memory_space<vmem>>, vector<512x1xi32>,
    %broadcast_in_dim3A_619 = arith.constant 0x7F800000 : f32
    %broadcast_in_dim3A_620 = vector.broadcast %broadcast_in_dim3A_619 : f32 to vector<512x1xf32>
    %broadcast_in_dim3A_621 = arith.constant 2.048000e+04 : f32
    %broadcast_in_dim3A_622 = vector.broadcast %broadcast_in_dim3A_621 : f32 to vector<512x1xf32>
    %while3A_623 = arith.constant 0x7F800000 : f32
    %while3A_624 = arith.constant 2.048000e+04 : f32
    %while3A_625 = arith.subi %select_n3A_296, %select_n3A_264 : i32
    %while3A_626 = arith.addi %select_n3A_264, %while3A_625 : i32
    %while3A_627 = arith.constant 1 : i32
    %while3A_628 = arith.divsi %while3A_625, %while3A_627 : i32
    %while3A_629 = arith.muli %while3A_628, %while3A_627 : i32
    %while3A_630 = arith.addi %select_n3A_264, %while3A_629 : i32
    %while3A_631 = arith.constant 1 : i32
    %while3A_632:2 = scf.for %while3A_827 = %select_n3A_264 to %while3A_630 step %while3A_631 iter_args(%while3A_828 = %broadcast_in_dim3A_620, %while3A_829 = %broadcast_in_dim3A_622) -> (vector<512x1xf32>, vector<512x1xf32>)  : i32 {
      %mul3A_830 = arith.constant 1024 : i32
      %mul3A_831 = arith.muli %while3A_827, %mul3A_830 : i32
      %convert_element_type3A_832 = arith.sitofp %mul3A_831 : i32 to f32
      %add3A_833 = vector.broadcast %convert_element_type3A_832 : f32 to vector<512x1024xf32>
      %add3A_834 = arith.addf %convert_element_type3A, %add3A_833 : vector<512x1024xf32>
      %mul3A_835 = arith.constant 1024 : i32
      %mul3A_836 = arith.muli %while3A_827, %mul3A_835 : i32
      %get3A_837 = arith.constant 0 : index
      %get3A_838 = arith.index_cast %mul3A_836 : i32 to index
      %get3A_839 = vector.load %arg5[%get3A_837, %get3A_838] : memref<512x10240xf32, #tpu.memory_space<vmem>>, vector<512x1024xf32>
      %eq3A_840 = vector.broadcast %while3A_608#1 : vector<512x1xf32> to vector<512x1024xf32>
      %eq3A_841 = arith.cmpf oeq, %add3A_834, %eq3A_840 : vector<512x1024xf32>
      %broadcast_in_dim3A_842 = vector.broadcast %while3A_623 : f32 to vector<512x1024xf32>
      %select_n3A_843 = arith.select %eq3A_841, %broadcast_in_dim3A_842, %get3A_839 : vector<512x1024xi1>, vector<512x1024xf32>
      %mul3A_844 = arith.constant 1024 : i32
      %mul3A_845 = arith.muli %while3A_827, %mul3A_844 : i32
      %swap3A_846 = arith.constant 0 : index
      %swap3A_847 = arith.index_cast %mul3A_845 : i32 to index
      %swap3A_848 = vector.load %arg5[%swap3A_846, %swap3A_847] : memref<512x10240xf32, #tpu.memory_space<vmem>>, vector<512x1024xf32>
      tpu.vector_store %arg5[%swap3A_846, %swap3A_847], %select_n3A_843 {strides = array<i32>} : memref<512x10240xf32, #tpu.memory_space<vmem>>, vector<512x1024xf32>,
      %reduce_min3A_849 = arith.constant dense<0x7F800000> : vector<512xf32>
      %reduce_min3A_850 = vector.multi_reduction <minimumf>, %select_n3A_843, %reduce_min3A_849 [1] : vector<512x1024xf32> to vector<512xf32>
      %broadcast_in_dim3A_851 = vector.shape_cast %reduce_min3A_850 : vector<512xf32> to vector<512x1xf32>
      %eq3A_852 = vector.broadcast %broadcast_in_dim3A_851 : vector<512x1xf32> to vector<512x1024xf32>
      %eq3A_853 = arith.cmpf oeq, %select_n3A_843, %eq3A_852 : vector<512x1024xf32>
      %broadcast_in_dim3A_854 = vector.broadcast %while3A_624 : f32 to vector<512x1024xf32>
      %select_n3A_855 = arith.select %eq3A_853, %add3A_834, %broadcast_in_dim3A_854 : vector<512x1024xi1>, vector<512x1024xf32>
      %reduce_min3A_856 = arith.constant dense<0x7F800000> : vector<512xf32>
      %reduce_min3A_857 = vector.multi_reduction <minimumf>, %select_n3A_855, %reduce_min3A_856 [1] : vector<512x1024xf32> to vector<512xf32>
      %broadcast_in_dim3A_858 = vector.shape_cast %reduce_min3A_857 : vector<512xf32> to vector<512x1xf32>
      %lt3A = arith.cmpf olt, %broadcast_in_dim3A_851, %while3A_828 : vector<512x1xf32>
      %select_n3A_859 = arith.select %lt3A, %broadcast_in_dim3A_851, %while3A_828 : vector<512x1xi1>, vector<512x1xf32>
      %select_n3A_860 = arith.select %lt3A, %broadcast_in_dim3A_858, %while3A_829 : vector<512x1xi1>, vector<512x1xf32>
      scf.yield %select_n3A_859, %select_n3A_860 : vector<512x1xf32>, vector<512x1xf32>
    }
    %while3A_633 = arith.constant 1 : i32
    %while3A_634:2 = scf.for %while3A_827 = %while3A_630 to %while3A_626 step %while3A_633 iter_args(%while3A_828 = %while3A_632#0, %while3A_829 = %while3A_632#1) -> (vector<512x1xf32>, vector<512x1xf32>)  : i32 {
      %mul3A_830 = arith.constant 1024 : i32
      %mul3A_831 = arith.muli %while3A_827, %mul3A_830 : i32
      %convert_element_type3A_832 = arith.sitofp %mul3A_831 : i32 to f32
      %add3A_833 = vector.broadcast %convert_element_type3A_832 : f32 to vector<512x1024xf32>
      %add3A_834 = arith.addf %convert_element_type3A, %add3A_833 : vector<512x1024xf32>
      %mul3A_835 = arith.constant 1024 : i32
      %mul3A_836 = arith.muli %while3A_827, %mul3A_835 : i32
      %get3A_837 = arith.constant 0 : index
      %get3A_838 = arith.index_cast %mul3A_836 : i32 to index
      %get3A_839 = vector.load %arg5[%get3A_837, %get3A_838] : memref<512x10240xf32, #tpu.memory_space<vmem>>, vector<512x1024xf32>
      %eq3A_840 = vector.broadcast %while3A_608#1 : vector<512x1xf32> to vector<512x1024xf32>
      %eq3A_841 = arith.cmpf oeq, %add3A_834, %eq3A_840 : vector<512x1024xf32>
      %broadcast_in_dim3A_842 = vector.broadcast %while3A_623 : f32 to vector<512x1024xf32>
      %select_n3A_843 = arith.select %eq3A_841, %broadcast_in_dim3A_842, %get3A_839 : vector<512x1024xi1>, vector<512x1024xf32>
      %mul3A_844 = arith.constant 1024 : i32
      %mul3A_845 = arith.muli %while3A_827, %mul3A_844 : i32
      %swap3A_846 = arith.constant 0 : index
      %swap3A_847 = arith.index_cast %mul3A_845 : i32 to index
      %swap3A_848 = vector.load %arg5[%swap3A_846, %swap3A_847] : memref<512x10240xf32, #tpu.memory_space<vmem>>, vector<512x1024xf32>
      tpu.vector_store %arg5[%swap3A_846, %swap3A_847], %select_n3A_843 {strides = array<i32>} : memref<512x10240xf32, #tpu.memory_space<vmem>>, vector<512x1024xf32>,
      %reduce_min3A_849 = arith.constant dense<0x7F800000> : vector<512xf32>
      %reduce_min3A_850 = vector.multi_reduction <minimumf>, %select_n3A_843, %reduce_min3A_849 [1] : vector<512x1024xf32> to vector<512xf32>
      %broadcast_in_dim3A_851 = vector.shape_cast %reduce_min3A_850 : vector<512xf32> to vector<512x1xf32>
      %eq3A_852 = vector.broadcast %broadcast_in_dim3A_851 : vector<512x1xf32> to vector<512x1024xf32>
      %eq3A_853 = arith.cmpf oeq, %select_n3A_843, %eq3A_852 : vector<512x1024xf32>
      %broadcast_in_dim3A_854 = vector.broadcast %while3A_624 : f32 to vector<512x1024xf32>
      %select_n3A_855 = arith.select %eq3A_853, %add3A_834, %broadcast_in_dim3A_854 : vector<512x1024xi1>, vector<512x1024xf32>
      %reduce_min3A_856 = arith.constant dense<0x7F800000> : vector<512xf32>
      %reduce_min3A_857 = vector.multi_reduction <minimumf>, %select_n3A_855, %reduce_min3A_856 [1] : vector<512x1024xf32> to vector<512xf32>
      %broadcast_in_dim3A_858 = vector.shape_cast %reduce_min3A_857 : vector<512xf32> to vector<512x1xf32>
      %lt3A = arith.cmpf olt, %broadcast_in_dim3A_851, %while3A_828 : vector<512x1xf32>
      %select_n3A_859 = arith.select %lt3A, %broadcast_in_dim3A_851, %while3A_828 : vector<512x1xi1>, vector<512x1xf32>
      %select_n3A_860 = arith.select %lt3A, %broadcast_in_dim3A_858, %while3A_829 : vector<512x1xi1>, vector<512x1xf32>
      scf.yield %select_n3A_859, %select_n3A_860 : vector<512x1xf32>, vector<512x1xf32>
    }
    %convert_element_type3A_635 = arith.fptosi %while3A_634#1 : vector<512x1xf32> to vector<512x1xi32>
    %jit3A_636 = arith.constant 0 : i32
    %jit3A_637 = arith.constant 9999 : i32
    %max3A_638 = vector.broadcast %jit3A_636 : i32 to vector<512x1xi32>
    %max3A_639 = arith.maxsi %max3A_638, %convert_element_type3A_635 : vector<512x1xi32>
    %min3A_640 = vector.broadcast %jit3A_637 : i32 to vector<512x1xi32>
    %min3A_641 = arith.minsi %min3A_640, %max3A_639 : vector<512x1xi32>
    %swap3A_642 = arith.constant 0 : index
    %swap3A_643 = arith.constant 12 : index
    %swap3A_644 = vector.load %arg4[%swap3A_642, %swap3A_643] : memref<512x32xi32, #tpu.memory_space<vmem>>, vector<512x1xi32>
    tpu.vector_store %arg4[%swap3A_642, %swap3A_643], %min3A_641 {strides = array<i32>} : memref<512x32xi32, #tpu.memory_space<vmem>>, vector<512x1xi32>,
    %broadcast_in_dim3A_645 = arith.constant 0x7F800000 : f32
    %broadcast_in_dim3A_646 = vector.broadcast %broadcast_in_dim3A_645 : f32 to vector<512x1xf32>
    %broadcast_in_dim3A_647 = arith.constant 2.048000e+04 : f32
    %broadcast_in_dim3A_648 = vector.broadcast %broadcast_in_dim3A_647 : f32 to vector<512x1xf32>
    %while3A_649 = arith.constant 0x7F800000 : f32
    %while3A_650 = arith.constant 2.048000e+04 : f32
    %while3A_651 = arith.subi %select_n3A_296, %select_n3A_264 : i32
    %while3A_652 = arith.addi %select_n3A_264, %while3A_651 : i32
    %while3A_653 = arith.constant 1 : i32
    %while3A_654 = arith.divsi %while3A_651, %while3A_653 : i32
    %while3A_655 = arith.muli %while3A_654, %while3A_653 : i32
    %while3A_656 = arith.addi %select_n3A_264, %while3A_655 : i32
    %while3A_657 = arith.constant 1 : i32
    %while3A_658:2 = scf.for %while3A_827 = %select_n3A_264 to %while3A_656 step %while3A_657 iter_args(%while3A_828 = %broadcast_in_dim3A_646, %while3A_829 = %broadcast_in_dim3A_648) -> (vector<512x1xf32>, vector<512x1xf32>)  : i32 {
      %mul3A_830 = arith.constant 1024 : i32
      %mul3A_831 = arith.muli %while3A_827, %mul3A_830 : i32
      %convert_element_type3A_832 = arith.sitofp %mul3A_831 : i32 to f32
      %add3A_833 = vector.broadcast %convert_element_type3A_832 : f32 to vector<512x1024xf32>
      %add3A_834 = arith.addf %convert_element_type3A, %add3A_833 : vector<512x1024xf32>
      %mul3A_835 = arith.constant 1024 : i32
      %mul3A_836 = arith.muli %while3A_827, %mul3A_835 : i32
      %get3A_837 = arith.constant 0 : index
      %get3A_838 = arith.index_cast %mul3A_836 : i32 to index
      %get3A_839 = vector.load %arg5[%get3A_837, %get3A_838] : memref<512x10240xf32, #tpu.memory_space<vmem>>, vector<512x1024xf32>
      %eq3A_840 = vector.broadcast %while3A_634#1 : vector<512x1xf32> to vector<512x1024xf32>
      %eq3A_841 = arith.cmpf oeq, %add3A_834, %eq3A_840 : vector<512x1024xf32>
      %broadcast_in_dim3A_842 = vector.broadcast %while3A_649 : f32 to vector<512x1024xf32>
      %select_n3A_843 = arith.select %eq3A_841, %broadcast_in_dim3A_842, %get3A_839 : vector<512x1024xi1>, vector<512x1024xf32>
      %mul3A_844 = arith.constant 1024 : i32
      %mul3A_845 = arith.muli %while3A_827, %mul3A_844 : i32
      %swap3A_846 = arith.constant 0 : index
      %swap3A_847 = arith.index_cast %mul3A_845 : i32 to index
      %swap3A_848 = vector.load %arg5[%swap3A_846, %swap3A_847] : memref<512x10240xf32, #tpu.memory_space<vmem>>, vector<512x1024xf32>
      tpu.vector_store %arg5[%swap3A_846, %swap3A_847], %select_n3A_843 {strides = array<i32>} : memref<512x10240xf32, #tpu.memory_space<vmem>>, vector<512x1024xf32>,
      %reduce_min3A_849 = arith.constant dense<0x7F800000> : vector<512xf32>
      %reduce_min3A_850 = vector.multi_reduction <minimumf>, %select_n3A_843, %reduce_min3A_849 [1] : vector<512x1024xf32> to vector<512xf32>
      %broadcast_in_dim3A_851 = vector.shape_cast %reduce_min3A_850 : vector<512xf32> to vector<512x1xf32>
      %eq3A_852 = vector.broadcast %broadcast_in_dim3A_851 : vector<512x1xf32> to vector<512x1024xf32>
      %eq3A_853 = arith.cmpf oeq, %select_n3A_843, %eq3A_852 : vector<512x1024xf32>
      %broadcast_in_dim3A_854 = vector.broadcast %while3A_650 : f32 to vector<512x1024xf32>
      %select_n3A_855 = arith.select %eq3A_853, %add3A_834, %broadcast_in_dim3A_854 : vector<512x1024xi1>, vector<512x1024xf32>
      %reduce_min3A_856 = arith.constant dense<0x7F800000> : vector<512xf32>
      %reduce_min3A_857 = vector.multi_reduction <minimumf>, %select_n3A_855, %reduce_min3A_856 [1] : vector<512x1024xf32> to vector<512xf32>
      %broadcast_in_dim3A_858 = vector.shape_cast %reduce_min3A_857 : vector<512xf32> to vector<512x1xf32>
      %lt3A = arith.cmpf olt, %broadcast_in_dim3A_851, %while3A_828 : vector<512x1xf32>
      %select_n3A_859 = arith.select %lt3A, %broadcast_in_dim3A_851, %while3A_828 : vector<512x1xi1>, vector<512x1xf32>
      %select_n3A_860 = arith.select %lt3A, %broadcast_in_dim3A_858, %while3A_829 : vector<512x1xi1>, vector<512x1xf32>
      scf.yield %select_n3A_859, %select_n3A_860 : vector<512x1xf32>, vector<512x1xf32>
    }
    %while3A_659 = arith.constant 1 : i32
    %while3A_660:2 = scf.for %while3A_827 = %while3A_656 to %while3A_652 step %while3A_659 iter_args(%while3A_828 = %while3A_658#0, %while3A_829 = %while3A_658#1) -> (vector<512x1xf32>, vector<512x1xf32>)  : i32 {
      %mul3A_830 = arith.constant 1024 : i32
      %mul3A_831 = arith.muli %while3A_827, %mul3A_830 : i32
      %convert_element_type3A_832 = arith.sitofp %mul3A_831 : i32 to f32
      %add3A_833 = vector.broadcast %convert_element_type3A_832 : f32 to vector<512x1024xf32>
      %add3A_834 = arith.addf %convert_element_type3A, %add3A_833 : vector<512x1024xf32>
      %mul3A_835 = arith.constant 1024 : i32
      %mul3A_836 = arith.muli %while3A_827, %mul3A_835 : i32
      %get3A_837 = arith.constant 0 : index
      %get3A_838 = arith.index_cast %mul3A_836 : i32 to index
      %get3A_839 = vector.load %arg5[%get3A_837, %get3A_838] : memref<512x10240xf32, #tpu.memory_space<vmem>>, vector<512x1024xf32>
      %eq3A_840 = vector.broadcast %while3A_634#1 : vector<512x1xf32> to vector<512x1024xf32>
      %eq3A_841 = arith.cmpf oeq, %add3A_834, %eq3A_840 : vector<512x1024xf32>
      %broadcast_in_dim3A_842 = vector.broadcast %while3A_649 : f32 to vector<512x1024xf32>
      %select_n3A_843 = arith.select %eq3A_841, %broadcast_in_dim3A_842, %get3A_839 : vector<512x1024xi1>, vector<512x1024xf32>
      %mul3A_844 = arith.constant 1024 : i32
      %mul3A_845 = arith.muli %while3A_827, %mul3A_844 : i32
      %swap3A_846 = arith.constant 0 : index
      %swap3A_847 = arith.index_cast %mul3A_845 : i32 to index
      %swap3A_848 = vector.load %arg5[%swap3A_846, %swap3A_847] : memref<512x10240xf32, #tpu.memory_space<vmem>>, vector<512x1024xf32>
      tpu.vector_store %arg5[%swap3A_846, %swap3A_847], %select_n3A_843 {strides = array<i32>} : memref<512x10240xf32, #tpu.memory_space<vmem>>, vector<512x1024xf32>,
      %reduce_min3A_849 = arith.constant dense<0x7F800000> : vector<512xf32>
      %reduce_min3A_850 = vector.multi_reduction <minimumf>, %select_n3A_843, %reduce_min3A_849 [1] : vector<512x1024xf32> to vector<512xf32>
      %broadcast_in_dim3A_851 = vector.shape_cast %reduce_min3A_850 : vector<512xf32> to vector<512x1xf32>
      %eq3A_852 = vector.broadcast %broadcast_in_dim3A_851 : vector<512x1xf32> to vector<512x1024xf32>
      %eq3A_853 = arith.cmpf oeq, %select_n3A_843, %eq3A_852 : vector<512x1024xf32>
      %broadcast_in_dim3A_854 = vector.broadcast %while3A_650 : f32 to vector<512x1024xf32>
      %select_n3A_855 = arith.select %eq3A_853, %add3A_834, %broadcast_in_dim3A_854 : vector<512x1024xi1>, vector<512x1024xf32>
      %reduce_min3A_856 = arith.constant dense<0x7F800000> : vector<512xf32>
      %reduce_min3A_857 = vector.multi_reduction <minimumf>, %select_n3A_855, %reduce_min3A_856 [1] : vector<512x1024xf32> to vector<512xf32>
      %broadcast_in_dim3A_858 = vector.shape_cast %reduce_min3A_857 : vector<512xf32> to vector<512x1xf32>
      %lt3A = arith.cmpf olt, %broadcast_in_dim3A_851, %while3A_828 : vector<512x1xf32>
      %select_n3A_859 = arith.select %lt3A, %broadcast_in_dim3A_851, %while3A_828 : vector<512x1xi1>, vector<512x1xf32>
      %select_n3A_860 = arith.select %lt3A, %broadcast_in_dim3A_858, %while3A_829 : vector<512x1xi1>, vector<512x1xf32>
      scf.yield %select_n3A_859, %select_n3A_860 : vector<512x1xf32>, vector<512x1xf32>
    }
    %convert_element_type3A_661 = arith.fptosi %while3A_660#1 : vector<512x1xf32> to vector<512x1xi32>
    %jit3A_662 = arith.constant 0 : i32
    %jit3A_663 = arith.constant 9999 : i32
    %max3A_664 = vector.broadcast %jit3A_662 : i32 to vector<512x1xi32>
    %max3A_665 = arith.maxsi %max3A_664, %convert_element_type3A_661 : vector<512x1xi32>
    %min3A_666 = vector.broadcast %jit3A_663 : i32 to vector<512x1xi32>
    %min3A_667 = arith.minsi %min3A_666, %max3A_665 : vector<512x1xi32>
    %swap3A_668 = arith.constant 0 : index
    %swap3A_669 = arith.constant 13 : index
    %swap3A_670 = vector.load %arg4[%swap3A_668, %swap3A_669] : memref<512x32xi32, #tpu.memory_space<vmem>>, vector<512x1xi32>
    tpu.vector_store %arg4[%swap3A_668, %swap3A_669], %min3A_667 {strides = array<i32>} : memref<512x32xi32, #tpu.memory_space<vmem>>, vector<512x1xi32>,
    %broadcast_in_dim3A_671 = arith.constant 0x7F800000 : f32
    %broadcast_in_dim3A_672 = vector.broadcast %broadcast_in_dim3A_671 : f32 to vector<512x1xf32>
    %broadcast_in_dim3A_673 = arith.constant 2.048000e+04 : f32
    %broadcast_in_dim3A_674 = vector.broadcast %broadcast_in_dim3A_673 : f32 to vector<512x1xf32>
    %while3A_675 = arith.constant 0x7F800000 : f32
    %while3A_676 = arith.constant 2.048000e+04 : f32
    %while3A_677 = arith.subi %select_n3A_296, %select_n3A_264 : i32
    %while3A_678 = arith.addi %select_n3A_264, %while3A_677 : i32
    %while3A_679 = arith.constant 1 : i32
    %while3A_680 = arith.divsi %while3A_677, %while3A_679 : i32
    %while3A_681 = arith.muli %while3A_680, %while3A_679 : i32
    %while3A_682 = arith.addi %select_n3A_264, %while3A_681 : i32
    %while3A_683 = arith.constant 1 : i32
    %while3A_684:2 = scf.for %while3A_827 = %select_n3A_264 to %while3A_682 step %while3A_683 iter_args(%while3A_828 = %broadcast_in_dim3A_672, %while3A_829 = %broadcast_in_dim3A_674) -> (vector<512x1xf32>, vector<512x1xf32>)  : i32 {
      %mul3A_830 = arith.constant 1024 : i32
      %mul3A_831 = arith.muli %while3A_827, %mul3A_830 : i32
      %convert_element_type3A_832 = arith.sitofp %mul3A_831 : i32 to f32
      %add3A_833 = vector.broadcast %convert_element_type3A_832 : f32 to vector<512x1024xf32>
      %add3A_834 = arith.addf %convert_element_type3A, %add3A_833 : vector<512x1024xf32>
      %mul3A_835 = arith.constant 1024 : i32
      %mul3A_836 = arith.muli %while3A_827, %mul3A_835 : i32
      %get3A_837 = arith.constant 0 : index
      %get3A_838 = arith.index_cast %mul3A_836 : i32 to index
      %get3A_839 = vector.load %arg5[%get3A_837, %get3A_838] : memref<512x10240xf32, #tpu.memory_space<vmem>>, vector<512x1024xf32>
      %eq3A_840 = vector.broadcast %while3A_660#1 : vector<512x1xf32> to vector<512x1024xf32>
      %eq3A_841 = arith.cmpf oeq, %add3A_834, %eq3A_840 : vector<512x1024xf32>
      %broadcast_in_dim3A_842 = vector.broadcast %while3A_675 : f32 to vector<512x1024xf32>
      %select_n3A_843 = arith.select %eq3A_841, %broadcast_in_dim3A_842, %get3A_839 : vector<512x1024xi1>, vector<512x1024xf32>
      %mul3A_844 = arith.constant 1024 : i32
      %mul3A_845 = arith.muli %while3A_827, %mul3A_844 : i32
      %swap3A_846 = arith.constant 0 : index
      %swap3A_847 = arith.index_cast %mul3A_845 : i32 to index
      %swap3A_848 = vector.load %arg5[%swap3A_846, %swap3A_847] : memref<512x10240xf32, #tpu.memory_space<vmem>>, vector<512x1024xf32>
      tpu.vector_store %arg5[%swap3A_846, %swap3A_847], %select_n3A_843 {strides = array<i32>} : memref<512x10240xf32, #tpu.memory_space<vmem>>, vector<512x1024xf32>,
      %reduce_min3A_849 = arith.constant dense<0x7F800000> : vector<512xf32>
      %reduce_min3A_850 = vector.multi_reduction <minimumf>, %select_n3A_843, %reduce_min3A_849 [1] : vector<512x1024xf32> to vector<512xf32>
      %broadcast_in_dim3A_851 = vector.shape_cast %reduce_min3A_850 : vector<512xf32> to vector<512x1xf32>
      %eq3A_852 = vector.broadcast %broadcast_in_dim3A_851 : vector<512x1xf32> to vector<512x1024xf32>
      %eq3A_853 = arith.cmpf oeq, %select_n3A_843, %eq3A_852 : vector<512x1024xf32>
      %broadcast_in_dim3A_854 = vector.broadcast %while3A_676 : f32 to vector<512x1024xf32>
      %select_n3A_855 = arith.select %eq3A_853, %add3A_834, %broadcast_in_dim3A_854 : vector<512x1024xi1>, vector<512x1024xf32>
      %reduce_min3A_856 = arith.constant dense<0x7F800000> : vector<512xf32>
      %reduce_min3A_857 = vector.multi_reduction <minimumf>, %select_n3A_855, %reduce_min3A_856 [1] : vector<512x1024xf32> to vector<512xf32>
      %broadcast_in_dim3A_858 = vector.shape_cast %reduce_min3A_857 : vector<512xf32> to vector<512x1xf32>
      %lt3A = arith.cmpf olt, %broadcast_in_dim3A_851, %while3A_828 : vector<512x1xf32>
      %select_n3A_859 = arith.select %lt3A, %broadcast_in_dim3A_851, %while3A_828 : vector<512x1xi1>, vector<512x1xf32>
      %select_n3A_860 = arith.select %lt3A, %broadcast_in_dim3A_858, %while3A_829 : vector<512x1xi1>, vector<512x1xf32>
      scf.yield %select_n3A_859, %select_n3A_860 : vector<512x1xf32>, vector<512x1xf32>
    }
    %while3A_685 = arith.constant 1 : i32
    %while3A_686:2 = scf.for %while3A_827 = %while3A_682 to %while3A_678 step %while3A_685 iter_args(%while3A_828 = %while3A_684#0, %while3A_829 = %while3A_684#1) -> (vector<512x1xf32>, vector<512x1xf32>)  : i32 {
      %mul3A_830 = arith.constant 1024 : i32
      %mul3A_831 = arith.muli %while3A_827, %mul3A_830 : i32
      %convert_element_type3A_832 = arith.sitofp %mul3A_831 : i32 to f32
      %add3A_833 = vector.broadcast %convert_element_type3A_832 : f32 to vector<512x1024xf32>
      %add3A_834 = arith.addf %convert_element_type3A, %add3A_833 : vector<512x1024xf32>
      %mul3A_835 = arith.constant 1024 : i32
      %mul3A_836 = arith.muli %while3A_827, %mul3A_835 : i32
      %get3A_837 = arith.constant 0 : index
      %get3A_838 = arith.index_cast %mul3A_836 : i32 to index
      %get3A_839 = vector.load %arg5[%get3A_837, %get3A_838] : memref<512x10240xf32, #tpu.memory_space<vmem>>, vector<512x1024xf32>
      %eq3A_840 = vector.broadcast %while3A_660#1 : vector<512x1xf32> to vector<512x1024xf32>
      %eq3A_841 = arith.cmpf oeq, %add3A_834, %eq3A_840 : vector<512x1024xf32>
      %broadcast_in_dim3A_842 = vector.broadcast %while3A_675 : f32 to vector<512x1024xf32>
      %select_n3A_843 = arith.select %eq3A_841, %broadcast_in_dim3A_842, %get3A_839 : vector<512x1024xi1>, vector<512x1024xf32>
      %mul3A_844 = arith.constant 1024 : i32
      %mul3A_845 = arith.muli %while3A_827, %mul3A_844 : i32
      %swap3A_846 = arith.constant 0 : index
      %swap3A_847 = arith.index_cast %mul3A_845 : i32 to index
      %swap3A_848 = vector.load %arg5[%swap3A_846, %swap3A_847] : memref<512x10240xf32, #tpu.memory_space<vmem>>, vector<512x1024xf32>
      tpu.vector_store %arg5[%swap3A_846, %swap3A_847], %select_n3A_843 {strides = array<i32>} : memref<512x10240xf32, #tpu.memory_space<vmem>>, vector<512x1024xf32>,
      %reduce_min3A_849 = arith.constant dense<0x7F800000> : vector<512xf32>
      %reduce_min3A_850 = vector.multi_reduction <minimumf>, %select_n3A_843, %reduce_min3A_849 [1] : vector<512x1024xf32> to vector<512xf32>
      %broadcast_in_dim3A_851 = vector.shape_cast %reduce_min3A_850 : vector<512xf32> to vector<512x1xf32>
      %eq3A_852 = vector.broadcast %broadcast_in_dim3A_851 : vector<512x1xf32> to vector<512x1024xf32>
      %eq3A_853 = arith.cmpf oeq, %select_n3A_843, %eq3A_852 : vector<512x1024xf32>
      %broadcast_in_dim3A_854 = vector.broadcast %while3A_676 : f32 to vector<512x1024xf32>
      %select_n3A_855 = arith.select %eq3A_853, %add3A_834, %broadcast_in_dim3A_854 : vector<512x1024xi1>, vector<512x1024xf32>
      %reduce_min3A_856 = arith.constant dense<0x7F800000> : vector<512xf32>
      %reduce_min3A_857 = vector.multi_reduction <minimumf>, %select_n3A_855, %reduce_min3A_856 [1] : vector<512x1024xf32> to vector<512xf32>
      %broadcast_in_dim3A_858 = vector.shape_cast %reduce_min3A_857 : vector<512xf32> to vector<512x1xf32>
      %lt3A = arith.cmpf olt, %broadcast_in_dim3A_851, %while3A_828 : vector<512x1xf32>
      %select_n3A_859 = arith.select %lt3A, %broadcast_in_dim3A_851, %while3A_828 : vector<512x1xi1>, vector<512x1xf32>
      %select_n3A_860 = arith.select %lt3A, %broadcast_in_dim3A_858, %while3A_829 : vector<512x1xi1>, vector<512x1xf32>
      scf.yield %select_n3A_859, %select_n3A_860 : vector<512x1xf32>, vector<512x1xf32>
    }
    %convert_element_type3A_687 = arith.fptosi %while3A_686#1 : vector<512x1xf32> to vector<512x1xi32>
    %jit3A_688 = arith.constant 0 : i32
    %jit3A_689 = arith.constant 9999 : i32
    %max3A_690 = vector.broadcast %jit3A_688 : i32 to vector<512x1xi32>
    %max3A_691 = arith.maxsi %max3A_690, %convert_element_type3A_687 : vector<512x1xi32>
    %min3A_692 = vector.broadcast %jit3A_689 : i32 to vector<512x1xi32>
    %min3A_693 = arith.minsi %min3A_692, %max3A_691 : vector<512x1xi32>
    %swap3A_694 = arith.constant 0 : index
    %swap3A_695 = arith.constant 14 : index
    %swap3A_696 = vector.load %arg4[%swap3A_694, %swap3A_695] : memref<512x32xi32, #tpu.memory_space<vmem>>, vector<512x1xi32>
    tpu.vector_store %arg4[%swap3A_694, %swap3A_695], %min3A_693 {strides = array<i32>} : memref<512x32xi32, #tpu.memory_space<vmem>>, vector<512x1xi32>,
    %broadcast_in_dim3A_697 = arith.constant 0x7F800000 : f32
    %broadcast_in_dim3A_698 = vector.broadcast %broadcast_in_dim3A_697 : f32 to vector<512x1xf32>
    %broadcast_in_dim3A_699 = arith.constant 2.048000e+04 : f32
    %broadcast_in_dim3A_700 = vector.broadcast %broadcast_in_dim3A_699 : f32 to vector<512x1xf32>
    %while3A_701 = arith.constant 0x7F800000 : f32
    %while3A_702 = arith.constant 2.048000e+04 : f32
    %while3A_703 = arith.subi %select_n3A_296, %select_n3A_264 : i32
    %while3A_704 = arith.addi %select_n3A_264, %while3A_703 : i32
    %while3A_705 = arith.constant 1 : i32
    %while3A_706 = arith.divsi %while3A_703, %while3A_705 : i32
    %while3A_707 = arith.muli %while3A_706, %while3A_705 : i32
    %while3A_708 = arith.addi %select_n3A_264, %while3A_707 : i32
    %while3A_709 = arith.constant 1 : i32
    %while3A_710:2 = scf.for %while3A_827 = %select_n3A_264 to %while3A_708 step %while3A_709 iter_args(%while3A_828 = %broadcast_in_dim3A_698, %while3A_829 = %broadcast_in_dim3A_700) -> (vector<512x1xf32>, vector<512x1xf32>)  : i32 {
      %mul3A_830 = arith.constant 1024 : i32
      %mul3A_831 = arith.muli %while3A_827, %mul3A_830 : i32
      %convert_element_type3A_832 = arith.sitofp %mul3A_831 : i32 to f32
      %add3A_833 = vector.broadcast %convert_element_type3A_832 : f32 to vector<512x1024xf32>
      %add3A_834 = arith.addf %convert_element_type3A, %add3A_833 : vector<512x1024xf32>
      %mul3A_835 = arith.constant 1024 : i32
      %mul3A_836 = arith.muli %while3A_827, %mul3A_835 : i32
      %get3A_837 = arith.constant 0 : index
      %get3A_838 = arith.index_cast %mul3A_836 : i32 to index
      %get3A_839 = vector.load %arg5[%get3A_837, %get3A_838] : memref<512x10240xf32, #tpu.memory_space<vmem>>, vector<512x1024xf32>
      %eq3A_840 = vector.broadcast %while3A_686#1 : vector<512x1xf32> to vector<512x1024xf32>
      %eq3A_841 = arith.cmpf oeq, %add3A_834, %eq3A_840 : vector<512x1024xf32>
      %broadcast_in_dim3A_842 = vector.broadcast %while3A_701 : f32 to vector<512x1024xf32>
      %select_n3A_843 = arith.select %eq3A_841, %broadcast_in_dim3A_842, %get3A_839 : vector<512x1024xi1>, vector<512x1024xf32>
      %mul3A_844 = arith.constant 1024 : i32
      %mul3A_845 = arith.muli %while3A_827, %mul3A_844 : i32
      %swap3A_846 = arith.constant 0 : index
      %swap3A_847 = arith.index_cast %mul3A_845 : i32 to index
      %swap3A_848 = vector.load %arg5[%swap3A_846, %swap3A_847] : memref<512x10240xf32, #tpu.memory_space<vmem>>, vector<512x1024xf32>
      tpu.vector_store %arg5[%swap3A_846, %swap3A_847], %select_n3A_843 {strides = array<i32>} : memref<512x10240xf32, #tpu.memory_space<vmem>>, vector<512x1024xf32>,
      %reduce_min3A_849 = arith.constant dense<0x7F800000> : vector<512xf32>
      %reduce_min3A_850 = vector.multi_reduction <minimumf>, %select_n3A_843, %reduce_min3A_849 [1] : vector<512x1024xf32> to vector<512xf32>
      %broadcast_in_dim3A_851 = vector.shape_cast %reduce_min3A_850 : vector<512xf32> to vector<512x1xf32>
      %eq3A_852 = vector.broadcast %broadcast_in_dim3A_851 : vector<512x1xf32> to vector<512x1024xf32>
      %eq3A_853 = arith.cmpf oeq, %select_n3A_843, %eq3A_852 : vector<512x1024xf32>
      %broadcast_in_dim3A_854 = vector.broadcast %while3A_702 : f32 to vector<512x1024xf32>
      %select_n3A_855 = arith.select %eq3A_853, %add3A_834, %broadcast_in_dim3A_854 : vector<512x1024xi1>, vector<512x1024xf32>
      %reduce_min3A_856 = arith.constant dense<0x7F800000> : vector<512xf32>
      %reduce_min3A_857 = vector.multi_reduction <minimumf>, %select_n3A_855, %reduce_min3A_856 [1] : vector<512x1024xf32> to vector<512xf32>
      %broadcast_in_dim3A_858 = vector.shape_cast %reduce_min3A_857 : vector<512xf32> to vector<512x1xf32>
      %lt3A = arith.cmpf olt, %broadcast_in_dim3A_851, %while3A_828 : vector<512x1xf32>
      %select_n3A_859 = arith.select %lt3A, %broadcast_in_dim3A_851, %while3A_828 : vector<512x1xi1>, vector<512x1xf32>
      %select_n3A_860 = arith.select %lt3A, %broadcast_in_dim3A_858, %while3A_829 : vector<512x1xi1>, vector<512x1xf32>
      scf.yield %select_n3A_859, %select_n3A_860 : vector<512x1xf32>, vector<512x1xf32>
    }
    %while3A_711 = arith.constant 1 : i32
    %while3A_712:2 = scf.for %while3A_827 = %while3A_708 to %while3A_704 step %while3A_711 iter_args(%while3A_828 = %while3A_710#0, %while3A_829 = %while3A_710#1) -> (vector<512x1xf32>, vector<512x1xf32>)  : i32 {
      %mul3A_830 = arith.constant 1024 : i32
      %mul3A_831 = arith.muli %while3A_827, %mul3A_830 : i32
      %convert_element_type3A_832 = arith.sitofp %mul3A_831 : i32 to f32
      %add3A_833 = vector.broadcast %convert_element_type3A_832 : f32 to vector<512x1024xf32>
      %add3A_834 = arith.addf %convert_element_type3A, %add3A_833 : vector<512x1024xf32>
      %mul3A_835 = arith.constant 1024 : i32
      %mul3A_836 = arith.muli %while3A_827, %mul3A_835 : i32
      %get3A_837 = arith.constant 0 : index
      %get3A_838 = arith.index_cast %mul3A_836 : i32 to index
      %get3A_839 = vector.load %arg5[%get3A_837, %get3A_838] : memref<512x10240xf32, #tpu.memory_space<vmem>>, vector<512x1024xf32>
      %eq3A_840 = vector.broadcast %while3A_686#1 : vector<512x1xf32> to vector<512x1024xf32>
      %eq3A_841 = arith.cmpf oeq, %add3A_834, %eq3A_840 : vector<512x1024xf32>
      %broadcast_in_dim3A_842 = vector.broadcast %while3A_701 : f32 to vector<512x1024xf32>
      %select_n3A_843 = arith.select %eq3A_841, %broadcast_in_dim3A_842, %get3A_839 : vector<512x1024xi1>, vector<512x1024xf32>
      %mul3A_844 = arith.constant 1024 : i32
      %mul3A_845 = arith.muli %while3A_827, %mul3A_844 : i32
      %swap3A_846 = arith.constant 0 : index
      %swap3A_847 = arith.index_cast %mul3A_845 : i32 to index
      %swap3A_848 = vector.load %arg5[%swap3A_846, %swap3A_847] : memref<512x10240xf32, #tpu.memory_space<vmem>>, vector<512x1024xf32>
      tpu.vector_store %arg5[%swap3A_846, %swap3A_847], %select_n3A_843 {strides = array<i32>} : memref<512x10240xf32, #tpu.memory_space<vmem>>, vector<512x1024xf32>,
      %reduce_min3A_849 = arith.constant dense<0x7F800000> : vector<512xf32>
      %reduce_min3A_850 = vector.multi_reduction <minimumf>, %select_n3A_843, %reduce_min3A_849 [1] : vector<512x1024xf32> to vector<512xf32>
      %broadcast_in_dim3A_851 = vector.shape_cast %reduce_min3A_850 : vector<512xf32> to vector<512x1xf32>
      %eq3A_852 = vector.broadcast %broadcast_in_dim3A_851 : vector<512x1xf32> to vector<512x1024xf32>
      %eq3A_853 = arith.cmpf oeq, %select_n3A_843, %eq3A_852 : vector<512x1024xf32>
      %broadcast_in_dim3A_854 = vector.broadcast %while3A_702 : f32 to vector<512x1024xf32>
      %select_n3A_855 = arith.select %eq3A_853, %add3A_834, %broadcast_in_dim3A_854 : vector<512x1024xi1>, vector<512x1024xf32>
      %reduce_min3A_856 = arith.constant dense<0x7F800000> : vector<512xf32>
      %reduce_min3A_857 = vector.multi_reduction <minimumf>, %select_n3A_855, %reduce_min3A_856 [1] : vector<512x1024xf32> to vector<512xf32>
      %broadcast_in_dim3A_858 = vector.shape_cast %reduce_min3A_857 : vector<512xf32> to vector<512x1xf32>
      %lt3A = arith.cmpf olt, %broadcast_in_dim3A_851, %while3A_828 : vector<512x1xf32>
      %select_n3A_859 = arith.select %lt3A, %broadcast_in_dim3A_851, %while3A_828 : vector<512x1xi1>, vector<512x1xf32>
      %select_n3A_860 = arith.select %lt3A, %broadcast_in_dim3A_858, %while3A_829 : vector<512x1xi1>, vector<512x1xf32>
      scf.yield %select_n3A_859, %select_n3A_860 : vector<512x1xf32>, vector<512x1xf32>
    }
    %convert_element_type3A_713 = arith.fptosi %while3A_712#1 : vector<512x1xf32> to vector<512x1xi32>
    %jit3A_714 = arith.constant 0 : i32
    %jit3A_715 = arith.constant 9999 : i32
    %max3A_716 = vector.broadcast %jit3A_714 : i32 to vector<512x1xi32>
    %max3A_717 = arith.maxsi %max3A_716, %convert_element_type3A_713 : vector<512x1xi32>
    %min3A_718 = vector.broadcast %jit3A_715 : i32 to vector<512x1xi32>
    %min3A_719 = arith.minsi %min3A_718, %max3A_717 : vector<512x1xi32>
    %swap3A_720 = arith.constant 0 : index
    %swap3A_721 = arith.constant 15 : index
    %swap3A_722 = vector.load %arg4[%swap3A_720, %swap3A_721] : memref<512x32xi32, #tpu.memory_space<vmem>>, vector<512x1xi32>
    tpu.vector_store %arg4[%swap3A_720, %swap3A_721], %min3A_719 {strides = array<i32>} : memref<512x32xi32, #tpu.memory_space<vmem>>, vector<512x1xi32>,
    %broadcast_in_dim3A_723 = arith.constant 0x7F800000 : f32
    %broadcast_in_dim3A_724 = vector.broadcast %broadcast_in_dim3A_723 : f32 to vector<512x1xf32>
    %broadcast_in_dim3A_725 = arith.constant 2.048000e+04 : f32
    %broadcast_in_dim3A_726 = vector.broadcast %broadcast_in_dim3A_725 : f32 to vector<512x1xf32>
    %while3A_727 = arith.constant 0x7F800000 : f32
    %while3A_728 = arith.constant 2.048000e+04 : f32
    %while3A_729 = arith.subi %select_n3A_296, %select_n3A_264 : i32
    %while3A_730 = arith.addi %select_n3A_264, %while3A_729 : i32
    %while3A_731 = arith.constant 1 : i32
    %while3A_732 = arith.divsi %while3A_729, %while3A_731 : i32
    %while3A_733 = arith.muli %while3A_732, %while3A_731 : i32
    %while3A_734 = arith.addi %select_n3A_264, %while3A_733 : i32
    %while3A_735 = arith.constant 1 : i32
    %while3A_736:2 = scf.for %while3A_827 = %select_n3A_264 to %while3A_734 step %while3A_735 iter_args(%while3A_828 = %broadcast_in_dim3A_724, %while3A_829 = %broadcast_in_dim3A_726) -> (vector<512x1xf32>, vector<512x1xf32>)  : i32 {
      %mul3A_830 = arith.constant 1024 : i32
      %mul3A_831 = arith.muli %while3A_827, %mul3A_830 : i32
      %convert_element_type3A_832 = arith.sitofp %mul3A_831 : i32 to f32
      %add3A_833 = vector.broadcast %convert_element_type3A_832 : f32 to vector<512x1024xf32>
      %add3A_834 = arith.addf %convert_element_type3A, %add3A_833 : vector<512x1024xf32>
      %mul3A_835 = arith.constant 1024 : i32
      %mul3A_836 = arith.muli %while3A_827, %mul3A_835 : i32
      %get3A_837 = arith.constant 0 : index
      %get3A_838 = arith.index_cast %mul3A_836 : i32 to index
      %get3A_839 = vector.load %arg5[%get3A_837, %get3A_838] : memref<512x10240xf32, #tpu.memory_space<vmem>>, vector<512x1024xf32>
      %eq3A_840 = vector.broadcast %while3A_712#1 : vector<512x1xf32> to vector<512x1024xf32>
      %eq3A_841 = arith.cmpf oeq, %add3A_834, %eq3A_840 : vector<512x1024xf32>
      %broadcast_in_dim3A_842 = vector.broadcast %while3A_727 : f32 to vector<512x1024xf32>
      %select_n3A_843 = arith.select %eq3A_841, %broadcast_in_dim3A_842, %get3A_839 : vector<512x1024xi1>, vector<512x1024xf32>
      %mul3A_844 = arith.constant 1024 : i32
      %mul3A_845 = arith.muli %while3A_827, %mul3A_844 : i32
      %swap3A_846 = arith.constant 0 : index
      %swap3A_847 = arith.index_cast %mul3A_845 : i32 to index
      %swap3A_848 = vector.load %arg5[%swap3A_846, %swap3A_847] : memref<512x10240xf32, #tpu.memory_space<vmem>>, vector<512x1024xf32>
      tpu.vector_store %arg5[%swap3A_846, %swap3A_847], %select_n3A_843 {strides = array<i32>} : memref<512x10240xf32, #tpu.memory_space<vmem>>, vector<512x1024xf32>,
      %reduce_min3A_849 = arith.constant dense<0x7F800000> : vector<512xf32>
      %reduce_min3A_850 = vector.multi_reduction <minimumf>, %select_n3A_843, %reduce_min3A_849 [1] : vector<512x1024xf32> to vector<512xf32>
      %broadcast_in_dim3A_851 = vector.shape_cast %reduce_min3A_850 : vector<512xf32> to vector<512x1xf32>
      %eq3A_852 = vector.broadcast %broadcast_in_dim3A_851 : vector<512x1xf32> to vector<512x1024xf32>
      %eq3A_853 = arith.cmpf oeq, %select_n3A_843, %eq3A_852 : vector<512x1024xf32>
      %broadcast_in_dim3A_854 = vector.broadcast %while3A_728 : f32 to vector<512x1024xf32>
      %select_n3A_855 = arith.select %eq3A_853, %add3A_834, %broadcast_in_dim3A_854 : vector<512x1024xi1>, vector<512x1024xf32>
      %reduce_min3A_856 = arith.constant dense<0x7F800000> : vector<512xf32>
      %reduce_min3A_857 = vector.multi_reduction <minimumf>, %select_n3A_855, %reduce_min3A_856 [1] : vector<512x1024xf32> to vector<512xf32>
      %broadcast_in_dim3A_858 = vector.shape_cast %reduce_min3A_857 : vector<512xf32> to vector<512x1xf32>
      %lt3A = arith.cmpf olt, %broadcast_in_dim3A_851, %while3A_828 : vector<512x1xf32>
      %select_n3A_859 = arith.select %lt3A, %broadcast_in_dim3A_851, %while3A_828 : vector<512x1xi1>, vector<512x1xf32>
      %select_n3A_860 = arith.select %lt3A, %broadcast_in_dim3A_858, %while3A_829 : vector<512x1xi1>, vector<512x1xf32>
      scf.yield %select_n3A_859, %select_n3A_860 : vector<512x1xf32>, vector<512x1xf32>
    }
    %while3A_737 = arith.constant 1 : i32
    %while3A_738:2 = scf.for %while3A_827 = %while3A_734 to %while3A_730 step %while3A_737 iter_args(%while3A_828 = %while3A_736#0, %while3A_829 = %while3A_736#1) -> (vector<512x1xf32>, vector<512x1xf32>)  : i32 {
      %mul3A_830 = arith.constant 1024 : i32
      %mul3A_831 = arith.muli %while3A_827, %mul3A_830 : i32
      %convert_element_type3A_832 = arith.sitofp %mul3A_831 : i32 to f32
      %add3A_833 = vector.broadcast %convert_element_type3A_832 : f32 to vector<512x1024xf32>
      %add3A_834 = arith.addf %convert_element_type3A, %add3A_833 : vector<512x1024xf32>
      %mul3A_835 = arith.constant 1024 : i32
      %mul3A_836 = arith.muli %while3A_827, %mul3A_835 : i32
      %get3A_837 = arith.constant 0 : index
      %get3A_838 = arith.index_cast %mul3A_836 : i32 to index
      %get3A_839 = vector.load %arg5[%get3A_837, %get3A_838] : memref<512x10240xf32, #tpu.memory_space<vmem>>, vector<512x1024xf32>
      %eq3A_840 = vector.broadcast %while3A_712#1 : vector<512x1xf32> to vector<512x1024xf32>
      %eq3A_841 = arith.cmpf oeq, %add3A_834, %eq3A_840 : vector<512x1024xf32>
      %broadcast_in_dim3A_842 = vector.broadcast %while3A_727 : f32 to vector<512x1024xf32>
      %select_n3A_843 = arith.select %eq3A_841, %broadcast_in_dim3A_842, %get3A_839 : vector<512x1024xi1>, vector<512x1024xf32>
      %mul3A_844 = arith.constant 1024 : i32
      %mul3A_845 = arith.muli %while3A_827, %mul3A_844 : i32
      %swap3A_846 = arith.constant 0 : index
      %swap3A_847 = arith.index_cast %mul3A_845 : i32 to index
      %swap3A_848 = vector.load %arg5[%swap3A_846, %swap3A_847] : memref<512x10240xf32, #tpu.memory_space<vmem>>, vector<512x1024xf32>
      tpu.vector_store %arg5[%swap3A_846, %swap3A_847], %select_n3A_843 {strides = array<i32>} : memref<512x10240xf32, #tpu.memory_space<vmem>>, vector<512x1024xf32>,
      %reduce_min3A_849 = arith.constant dense<0x7F800000> : vector<512xf32>
      %reduce_min3A_850 = vector.multi_reduction <minimumf>, %select_n3A_843, %reduce_min3A_849 [1] : vector<512x1024xf32> to vector<512xf32>
      %broadcast_in_dim3A_851 = vector.shape_cast %reduce_min3A_850 : vector<512xf32> to vector<512x1xf32>
      %eq3A_852 = vector.broadcast %broadcast_in_dim3A_851 : vector<512x1xf32> to vector<512x1024xf32>
      %eq3A_853 = arith.cmpf oeq, %select_n3A_843, %eq3A_852 : vector<512x1024xf32>
      %broadcast_in_dim3A_854 = vector.broadcast %while3A_728 : f32 to vector<512x1024xf32>
      %select_n3A_855 = arith.select %eq3A_853, %add3A_834, %broadcast_in_dim3A_854 : vector<512x1024xi1>, vector<512x1024xf32>
      %reduce_min3A_856 = arith.constant dense<0x7F800000> : vector<512xf32>
      %reduce_min3A_857 = vector.multi_reduction <minimumf>, %select_n3A_855, %reduce_min3A_856 [1] : vector<512x1024xf32> to vector<512xf32>
      %broadcast_in_dim3A_858 = vector.shape_cast %reduce_min3A_857 : vector<512xf32> to vector<512x1xf32>
      %lt3A = arith.cmpf olt, %broadcast_in_dim3A_851, %while3A_828 : vector<512x1xf32>
      %select_n3A_859 = arith.select %lt3A, %broadcast_in_dim3A_851, %while3A_828 : vector<512x1xi1>, vector<512x1xf32>
      %select_n3A_860 = arith.select %lt3A, %broadcast_in_dim3A_858, %while3A_829 : vector<512x1xi1>, vector<512x1xf32>
      scf.yield %select_n3A_859, %select_n3A_860 : vector<512x1xf32>, vector<512x1xf32>
    }
    %convert_element_type3A_739 = arith.fptosi %while3A_738#1 : vector<512x1xf32> to vector<512x1xi32>
    %jit3A_740 = arith.constant 0 : i32
    %jit3A_741 = arith.constant 9999 : i32
    %max3A_742 = vector.broadcast %jit3A_740 : i32 to vector<512x1xi32>
    %max3A_743 = arith.maxsi %max3A_742, %convert_element_type3A_739 : vector<512x1xi32>
    %min3A_744 = vector.broadcast %jit3A_741 : i32 to vector<512x1xi32>
    %min3A_745 = arith.minsi %min3A_744, %max3A_743 : vector<512x1xi32>
    %swap3A_746 = arith.constant 0 : index
    %swap3A_747 = arith.constant 16 : index
    %swap3A_748 = vector.load %arg4[%swap3A_746, %swap3A_747] : memref<512x32xi32, #tpu.memory_space<vmem>>, vector<512x1xi32>
    tpu.vector_store %arg4[%swap3A_746, %swap3A_747], %min3A_745 {strides = array<i32>} : memref<512x32xi32, #tpu.memory_space<vmem>>, vector<512x1xi32>,
    %broadcast_in_dim3A_749 = arith.constant 0x7F800000 : f32
    %broadcast_in_dim3A_750 = vector.broadcast %broadcast_in_dim3A_749 : f32 to vector<512x1xf32>
    %broadcast_in_dim3A_751 = arith.constant 2.048000e+04 : f32
    %broadcast_in_dim3A_752 = vector.broadcast %broadcast_in_dim3A_751 : f32 to vector<512x1xf32>
    %while3A_753 = arith.constant 0x7F800000 : f32
    %while3A_754 = arith.constant 2.048000e+04 : f32
    %while3A_755 = arith.subi %select_n3A_296, %select_n3A_264 : i32
    %while3A_756 = arith.addi %select_n3A_264, %while3A_755 : i32
    %while3A_757 = arith.constant 1 : i32
    %while3A_758 = arith.divsi %while3A_755, %while3A_757 : i32
    %while3A_759 = arith.muli %while3A_758, %while3A_757 : i32
    %while3A_760 = arith.addi %select_n3A_264, %while3A_759 : i32
    %while3A_761 = arith.constant 1 : i32
    %while3A_762:2 = scf.for %while3A_827 = %select_n3A_264 to %while3A_760 step %while3A_761 iter_args(%while3A_828 = %broadcast_in_dim3A_750, %while3A_829 = %broadcast_in_dim3A_752) -> (vector<512x1xf32>, vector<512x1xf32>)  : i32 {
      %mul3A_830 = arith.constant 1024 : i32
      %mul3A_831 = arith.muli %while3A_827, %mul3A_830 : i32
      %convert_element_type3A_832 = arith.sitofp %mul3A_831 : i32 to f32
      %add3A_833 = vector.broadcast %convert_element_type3A_832 : f32 to vector<512x1024xf32>
      %add3A_834 = arith.addf %convert_element_type3A, %add3A_833 : vector<512x1024xf32>
      %mul3A_835 = arith.constant 1024 : i32
      %mul3A_836 = arith.muli %while3A_827, %mul3A_835 : i32
      %get3A_837 = arith.constant 0 : index
      %get3A_838 = arith.index_cast %mul3A_836 : i32 to index
      %get3A_839 = vector.load %arg5[%get3A_837, %get3A_838] : memref<512x10240xf32, #tpu.memory_space<vmem>>, vector<512x1024xf32>
      %eq3A_840 = vector.broadcast %while3A_738#1 : vector<512x1xf32> to vector<512x1024xf32>
      %eq3A_841 = arith.cmpf oeq, %add3A_834, %eq3A_840 : vector<512x1024xf32>
      %broadcast_in_dim3A_842 = vector.broadcast %while3A_753 : f32 to vector<512x1024xf32>
      %select_n3A_843 = arith.select %eq3A_841, %broadcast_in_dim3A_842, %get3A_839 : vector<512x1024xi1>, vector<512x1024xf32>
      %mul3A_844 = arith.constant 1024 : i32
      %mul3A_845 = arith.muli %while3A_827, %mul3A_844 : i32
      %swap3A_846 = arith.constant 0 : index
      %swap3A_847 = arith.index_cast %mul3A_845 : i32 to index
      %swap3A_848 = vector.load %arg5[%swap3A_846, %swap3A_847] : memref<512x10240xf32, #tpu.memory_space<vmem>>, vector<512x1024xf32>
      tpu.vector_store %arg5[%swap3A_846, %swap3A_847], %select_n3A_843 {strides = array<i32>} : memref<512x10240xf32, #tpu.memory_space<vmem>>, vector<512x1024xf32>,
      %reduce_min3A_849 = arith.constant dense<0x7F800000> : vector<512xf32>
      %reduce_min3A_850 = vector.multi_reduction <minimumf>, %select_n3A_843, %reduce_min3A_849 [1] : vector<512x1024xf32> to vector<512xf32>
      %broadcast_in_dim3A_851 = vector.shape_cast %reduce_min3A_850 : vector<512xf32> to vector<512x1xf32>
      %eq3A_852 = vector.broadcast %broadcast_in_dim3A_851 : vector<512x1xf32> to vector<512x1024xf32>
      %eq3A_853 = arith.cmpf oeq, %select_n3A_843, %eq3A_852 : vector<512x1024xf32>
      %broadcast_in_dim3A_854 = vector.broadcast %while3A_754 : f32 to vector<512x1024xf32>
      %select_n3A_855 = arith.select %eq3A_853, %add3A_834, %broadcast_in_dim3A_854 : vector<512x1024xi1>, vector<512x1024xf32>
      %reduce_min3A_856 = arith.constant dense<0x7F800000> : vector<512xf32>
      %reduce_min3A_857 = vector.multi_reduction <minimumf>, %select_n3A_855, %reduce_min3A_856 [1] : vector<512x1024xf32> to vector<512xf32>
      %broadcast_in_dim3A_858 = vector.shape_cast %reduce_min3A_857 : vector<512xf32> to vector<512x1xf32>
      %lt3A = arith.cmpf olt, %broadcast_in_dim3A_851, %while3A_828 : vector<512x1xf32>
      %select_n3A_859 = arith.select %lt3A, %broadcast_in_dim3A_851, %while3A_828 : vector<512x1xi1>, vector<512x1xf32>
      %select_n3A_860 = arith.select %lt3A, %broadcast_in_dim3A_858, %while3A_829 : vector<512x1xi1>, vector<512x1xf32>
      scf.yield %select_n3A_859, %select_n3A_860 : vector<512x1xf32>, vector<512x1xf32>
    }
    %while3A_763 = arith.constant 1 : i32
    %while3A_764:2 = scf.for %while3A_827 = %while3A_760 to %while3A_756 step %while3A_763 iter_args(%while3A_828 = %while3A_762#0, %while3A_829 = %while3A_762#1) -> (vector<512x1xf32>, vector<512x1xf32>)  : i32 {
      %mul3A_830 = arith.constant 1024 : i32
      %mul3A_831 = arith.muli %while3A_827, %mul3A_830 : i32
      %convert_element_type3A_832 = arith.sitofp %mul3A_831 : i32 to f32
      %add3A_833 = vector.broadcast %convert_element_type3A_832 : f32 to vector<512x1024xf32>
      %add3A_834 = arith.addf %convert_element_type3A, %add3A_833 : vector<512x1024xf32>
      %mul3A_835 = arith.constant 1024 : i32
      %mul3A_836 = arith.muli %while3A_827, %mul3A_835 : i32
      %get3A_837 = arith.constant 0 : index
      %get3A_838 = arith.index_cast %mul3A_836 : i32 to index
      %get3A_839 = vector.load %arg5[%get3A_837, %get3A_838] : memref<512x10240xf32, #tpu.memory_space<vmem>>, vector<512x1024xf32>
      %eq3A_840 = vector.broadcast %while3A_738#1 : vector<512x1xf32> to vector<512x1024xf32>
      %eq3A_841 = arith.cmpf oeq, %add3A_834, %eq3A_840 : vector<512x1024xf32>
      %broadcast_in_dim3A_842 = vector.broadcast %while3A_753 : f32 to vector<512x1024xf32>
      %select_n3A_843 = arith.select %eq3A_841, %broadcast_in_dim3A_842, %get3A_839 : vector<512x1024xi1>, vector<512x1024xf32>
      %mul3A_844 = arith.constant 1024 : i32
      %mul3A_845 = arith.muli %while3A_827, %mul3A_844 : i32
      %swap3A_846 = arith.constant 0 : index
      %swap3A_847 = arith.index_cast %mul3A_845 : i32 to index
      %swap3A_848 = vector.load %arg5[%swap3A_846, %swap3A_847] : memref<512x10240xf32, #tpu.memory_space<vmem>>, vector<512x1024xf32>
      tpu.vector_store %arg5[%swap3A_846, %swap3A_847], %select_n3A_843 {strides = array<i32>} : memref<512x10240xf32, #tpu.memory_space<vmem>>, vector<512x1024xf32>,
      %reduce_min3A_849 = arith.constant dense<0x7F800000> : vector<512xf32>
      %reduce_min3A_850 = vector.multi_reduction <minimumf>, %select_n3A_843, %reduce_min3A_849 [1] : vector<512x1024xf32> to vector<512xf32>
      %broadcast_in_dim3A_851 = vector.shape_cast %reduce_min3A_850 : vector<512xf32> to vector<512x1xf32>
      %eq3A_852 = vector.broadcast %broadcast_in_dim3A_851 : vector<512x1xf32> to vector<512x1024xf32>
      %eq3A_853 = arith.cmpf oeq, %select_n3A_843, %eq3A_852 : vector<512x1024xf32>
      %broadcast_in_dim3A_854 = vector.broadcast %while3A_754 : f32 to vector<512x1024xf32>
      %select_n3A_855 = arith.select %eq3A_853, %add3A_834, %broadcast_in_dim3A_854 : vector<512x1024xi1>, vector<512x1024xf32>
      %reduce_min3A_856 = arith.constant dense<0x7F800000> : vector<512xf32>
      %reduce_min3A_857 = vector.multi_reduction <minimumf>, %select_n3A_855, %reduce_min3A_856 [1] : vector<512x1024xf32> to vector<512xf32>
      %broadcast_in_dim3A_858 = vector.shape_cast %reduce_min3A_857 : vector<512xf32> to vector<512x1xf32>
      %lt3A = arith.cmpf olt, %broadcast_in_dim3A_851, %while3A_828 : vector<512x1xf32>
      %select_n3A_859 = arith.select %lt3A, %broadcast_in_dim3A_851, %while3A_828 : vector<512x1xi1>, vector<512x1xf32>
      %select_n3A_860 = arith.select %lt3A, %broadcast_in_dim3A_858, %while3A_829 : vector<512x1xi1>, vector<512x1xf32>
      scf.yield %select_n3A_859, %select_n3A_860 : vector<512x1xf32>, vector<512x1xf32>
    }
    %convert_element_type3A_765 = arith.fptosi %while3A_764#1 : vector<512x1xf32> to vector<512x1xi32>
    %jit3A_766 = arith.constant 0 : i32
    %jit3A_767 = arith.constant 9999 : i32
    %max3A_768 = vector.broadcast %jit3A_766 : i32 to vector<512x1xi32>
    %max3A_769 = arith.maxsi %max3A_768, %convert_element_type3A_765 : vector<512x1xi32>
    %min3A_770 = vector.broadcast %jit3A_767 : i32 to vector<512x1xi32>
    %min3A_771 = arith.minsi %min3A_770, %max3A_769 : vector<512x1xi32>
    %swap3A_772 = arith.constant 0 : index
    %swap3A_773 = arith.constant 17 : index
    %swap3A_774 = vector.load %arg4[%swap3A_772, %swap3A_773] : memref<512x32xi32, #tpu.memory_space<vmem>>, vector<512x1xi32>
    tpu.vector_store %arg4[%swap3A_772, %swap3A_773], %min3A_771 {strides = array<i32>} : memref<512x32xi32, #tpu.memory_space<vmem>>, vector<512x1xi32>,
    %broadcast_in_dim3A_775 = arith.constant 0x7F800000 : f32
    %broadcast_in_dim3A_776 = vector.broadcast %broadcast_in_dim3A_775 : f32 to vector<512x1xf32>
    %broadcast_in_dim3A_777 = arith.constant 2.048000e+04 : f32
    %broadcast_in_dim3A_778 = vector.broadcast %broadcast_in_dim3A_777 : f32 to vector<512x1xf32>
    %while3A_779 = arith.constant 0x7F800000 : f32
    %while3A_780 = arith.constant 2.048000e+04 : f32
    %while3A_781 = arith.subi %select_n3A_296, %select_n3A_264 : i32
    %while3A_782 = arith.addi %select_n3A_264, %while3A_781 : i32
    %while3A_783 = arith.constant 1 : i32
    %while3A_784 = arith.divsi %while3A_781, %while3A_783 : i32
    %while3A_785 = arith.muli %while3A_784, %while3A_783 : i32
    %while3A_786 = arith.addi %select_n3A_264, %while3A_785 : i32
    %while3A_787 = arith.constant 1 : i32
    %while3A_788:2 = scf.for %while3A_827 = %select_n3A_264 to %while3A_786 step %while3A_787 iter_args(%while3A_828 = %broadcast_in_dim3A_776, %while3A_829 = %broadcast_in_dim3A_778) -> (vector<512x1xf32>, vector<512x1xf32>)  : i32 {
      %mul3A_830 = arith.constant 1024 : i32
      %mul3A_831 = arith.muli %while3A_827, %mul3A_830 : i32
      %convert_element_type3A_832 = arith.sitofp %mul3A_831 : i32 to f32
      %add3A_833 = vector.broadcast %convert_element_type3A_832 : f32 to vector<512x1024xf32>
      %add3A_834 = arith.addf %convert_element_type3A, %add3A_833 : vector<512x1024xf32>
      %mul3A_835 = arith.constant 1024 : i32
      %mul3A_836 = arith.muli %while3A_827, %mul3A_835 : i32
      %get3A_837 = arith.constant 0 : index
      %get3A_838 = arith.index_cast %mul3A_836 : i32 to index
      %get3A_839 = vector.load %arg5[%get3A_837, %get3A_838] : memref<512x10240xf32, #tpu.memory_space<vmem>>, vector<512x1024xf32>
      %eq3A_840 = vector.broadcast %while3A_764#1 : vector<512x1xf32> to vector<512x1024xf32>
      %eq3A_841 = arith.cmpf oeq, %add3A_834, %eq3A_840 : vector<512x1024xf32>
      %broadcast_in_dim3A_842 = vector.broadcast %while3A_779 : f32 to vector<512x1024xf32>
      %select_n3A_843 = arith.select %eq3A_841, %broadcast_in_dim3A_842, %get3A_839 : vector<512x1024xi1>, vector<512x1024xf32>
      %mul3A_844 = arith.constant 1024 : i32
      %mul3A_845 = arith.muli %while3A_827, %mul3A_844 : i32
      %swap3A_846 = arith.constant 0 : index
      %swap3A_847 = arith.index_cast %mul3A_845 : i32 to index
      %swap3A_848 = vector.load %arg5[%swap3A_846, %swap3A_847] : memref<512x10240xf32, #tpu.memory_space<vmem>>, vector<512x1024xf32>
      tpu.vector_store %arg5[%swap3A_846, %swap3A_847], %select_n3A_843 {strides = array<i32>} : memref<512x10240xf32, #tpu.memory_space<vmem>>, vector<512x1024xf32>,
      %reduce_min3A_849 = arith.constant dense<0x7F800000> : vector<512xf32>
      %reduce_min3A_850 = vector.multi_reduction <minimumf>, %select_n3A_843, %reduce_min3A_849 [1] : vector<512x1024xf32> to vector<512xf32>
      %broadcast_in_dim3A_851 = vector.shape_cast %reduce_min3A_850 : vector<512xf32> to vector<512x1xf32>
      %eq3A_852 = vector.broadcast %broadcast_in_dim3A_851 : vector<512x1xf32> to vector<512x1024xf32>
      %eq3A_853 = arith.cmpf oeq, %select_n3A_843, %eq3A_852 : vector<512x1024xf32>
      %broadcast_in_dim3A_854 = vector.broadcast %while3A_780 : f32 to vector<512x1024xf32>
      %select_n3A_855 = arith.select %eq3A_853, %add3A_834, %broadcast_in_dim3A_854 : vector<512x1024xi1>, vector<512x1024xf32>
      %reduce_min3A_856 = arith.constant dense<0x7F800000> : vector<512xf32>
      %reduce_min3A_857 = vector.multi_reduction <minimumf>, %select_n3A_855, %reduce_min3A_856 [1] : vector<512x1024xf32> to vector<512xf32>
      %broadcast_in_dim3A_858 = vector.shape_cast %reduce_min3A_857 : vector<512xf32> to vector<512x1xf32>
      %lt3A = arith.cmpf olt, %broadcast_in_dim3A_851, %while3A_828 : vector<512x1xf32>
      %select_n3A_859 = arith.select %lt3A, %broadcast_in_dim3A_851, %while3A_828 : vector<512x1xi1>, vector<512x1xf32>
      %select_n3A_860 = arith.select %lt3A, %broadcast_in_dim3A_858, %while3A_829 : vector<512x1xi1>, vector<512x1xf32>
      scf.yield %select_n3A_859, %select_n3A_860 : vector<512x1xf32>, vector<512x1xf32>
    }
    %while3A_789 = arith.constant 1 : i32
    %while3A_790:2 = scf.for %while3A_827 = %while3A_786 to %while3A_782 step %while3A_789 iter_args(%while3A_828 = %while3A_788#0, %while3A_829 = %while3A_788#1) -> (vector<512x1xf32>, vector<512x1xf32>)  : i32 {
      %mul3A_830 = arith.constant 1024 : i32
      %mul3A_831 = arith.muli %while3A_827, %mul3A_830 : i32
      %convert_element_type3A_832 = arith.sitofp %mul3A_831 : i32 to f32
      %add3A_833 = vector.broadcast %convert_element_type3A_832 : f32 to vector<512x1024xf32>
      %add3A_834 = arith.addf %convert_element_type3A, %add3A_833 : vector<512x1024xf32>
      %mul3A_835 = arith.constant 1024 : i32
      %mul3A_836 = arith.muli %while3A_827, %mul3A_835 : i32
      %get3A_837 = arith.constant 0 : index
      %get3A_838 = arith.index_cast %mul3A_836 : i32 to index
      %get3A_839 = vector.load %arg5[%get3A_837, %get3A_838] : memref<512x10240xf32, #tpu.memory_space<vmem>>, vector<512x1024xf32>
      %eq3A_840 = vector.broadcast %while3A_764#1 : vector<512x1xf32> to vector<512x1024xf32>
      %eq3A_841 = arith.cmpf oeq, %add3A_834, %eq3A_840 : vector<512x1024xf32>
      %broadcast_in_dim3A_842 = vector.broadcast %while3A_779 : f32 to vector<512x1024xf32>
      %select_n3A_843 = arith.select %eq3A_841, %broadcast_in_dim3A_842, %get3A_839 : vector<512x1024xi1>, vector<512x1024xf32>
      %mul3A_844 = arith.constant 1024 : i32
      %mul3A_845 = arith.muli %while3A_827, %mul3A_844 : i32
      %swap3A_846 = arith.constant 0 : index
      %swap3A_847 = arith.index_cast %mul3A_845 : i32 to index
      %swap3A_848 = vector.load %arg5[%swap3A_846, %swap3A_847] : memref<512x10240xf32, #tpu.memory_space<vmem>>, vector<512x1024xf32>
      tpu.vector_store %arg5[%swap3A_846, %swap3A_847], %select_n3A_843 {strides = array<i32>} : memref<512x10240xf32, #tpu.memory_space<vmem>>, vector<512x1024xf32>,
      %reduce_min3A_849 = arith.constant dense<0x7F800000> : vector<512xf32>
      %reduce_min3A_850 = vector.multi_reduction <minimumf>, %select_n3A_843, %reduce_min3A_849 [1] : vector<512x1024xf32> to vector<512xf32>
      %broadcast_in_dim3A_851 = vector.shape_cast %reduce_min3A_850 : vector<512xf32> to vector<512x1xf32>
      %eq3A_852 = vector.broadcast %broadcast_in_dim3A_851 : vector<512x1xf32> to vector<512x1024xf32>
      %eq3A_853 = arith.cmpf oeq, %select_n3A_843, %eq3A_852 : vector<512x1024xf32>
      %broadcast_in_dim3A_854 = vector.broadcast %while3A_780 : f32 to vector<512x1024xf32>
      %select_n3A_855 = arith.select %eq3A_853, %add3A_834, %broadcast_in_dim3A_854 : vector<512x1024xi1>, vector<512x1024xf32>
      %reduce_min3A_856 = arith.constant dense<0x7F800000> : vector<512xf32>
      %reduce_min3A_857 = vector.multi_reduction <minimumf>, %select_n3A_855, %reduce_min3A_856 [1] : vector<512x1024xf32> to vector<512xf32>
      %broadcast_in_dim3A_858 = vector.shape_cast %reduce_min3A_857 : vector<512xf32> to vector<512x1xf32>
      %lt3A = arith.cmpf olt, %broadcast_in_dim3A_851, %while3A_828 : vector<512x1xf32>
      %select_n3A_859 = arith.select %lt3A, %broadcast_in_dim3A_851, %while3A_828 : vector<512x1xi1>, vector<512x1xf32>
      %select_n3A_860 = arith.select %lt3A, %broadcast_in_dim3A_858, %while3A_829 : vector<512x1xi1>, vector<512x1xf32>
      scf.yield %select_n3A_859, %select_n3A_860 : vector<512x1xf32>, vector<512x1xf32>
    }
    %convert_element_type3A_791 = arith.fptosi %while3A_790#1 : vector<512x1xf32> to vector<512x1xi32>
    %jit3A_792 = arith.constant 0 : i32
    %jit3A_793 = arith.constant 9999 : i32
    %max3A_794 = vector.broadcast %jit3A_792 : i32 to vector<512x1xi32>
    %max3A_795 = arith.maxsi %max3A_794, %convert_element_type3A_791 : vector<512x1xi32>
    %min3A_796 = vector.broadcast %jit3A_793 : i32 to vector<512x1xi32>
    %min3A_797 = arith.minsi %min3A_796, %max3A_795 : vector<512x1xi32>
    %swap3A_798 = arith.constant 0 : index
    %swap3A_799 = arith.constant 18 : index
    %swap3A_800 = vector.load %arg4[%swap3A_798, %swap3A_799] : memref<512x32xi32, #tpu.memory_space<vmem>>, vector<512x1xi32>
    tpu.vector_store %arg4[%swap3A_798, %swap3A_799], %min3A_797 {strides = array<i32>} : memref<512x32xi32, #tpu.memory_space<vmem>>, vector<512x1xi32>,
    %broadcast_in_dim3A_801 = arith.constant 0x7F800000 : f32
    %broadcast_in_dim3A_802 = vector.broadcast %broadcast_in_dim3A_801 : f32 to vector<512x1xf32>
    %broadcast_in_dim3A_803 = arith.constant 2.048000e+04 : f32
    %broadcast_in_dim3A_804 = vector.broadcast %broadcast_in_dim3A_803 : f32 to vector<512x1xf32>
    %while3A_805 = arith.constant 0x7F800000 : f32
    %while3A_806 = arith.constant 2.048000e+04 : f32
    %while3A_807 = arith.subi %select_n3A_296, %select_n3A_264 : i32
    %while3A_808 = arith.addi %select_n3A_264, %while3A_807 : i32
    %while3A_809 = arith.constant 1 : i32
    %while3A_810 = arith.divsi %while3A_807, %while3A_809 : i32
    %while3A_811 = arith.muli %while3A_810, %while3A_809 : i32
    %while3A_812 = arith.addi %select_n3A_264, %while3A_811 : i32
    %while3A_813 = arith.constant 1 : i32
    %while3A_814:2 = scf.for %while3A_827 = %select_n3A_264 to %while3A_812 step %while3A_813 iter_args(%while3A_828 = %broadcast_in_dim3A_802, %while3A_829 = %broadcast_in_dim3A_804) -> (vector<512x1xf32>, vector<512x1xf32>)  : i32 {
      %mul3A_830 = arith.constant 1024 : i32
      %mul3A_831 = arith.muli %while3A_827, %mul3A_830 : i32
      %convert_element_type3A_832 = arith.sitofp %mul3A_831 : i32 to f32
      %add3A_833 = vector.broadcast %convert_element_type3A_832 : f32 to vector<512x1024xf32>
      %add3A_834 = arith.addf %convert_element_type3A, %add3A_833 : vector<512x1024xf32>
      %mul3A_835 = arith.constant 1024 : i32
      %mul3A_836 = arith.muli %while3A_827, %mul3A_835 : i32
      %get3A_837 = arith.constant 0 : index
      %get3A_838 = arith.index_cast %mul3A_836 : i32 to index
      %get3A_839 = vector.load %arg5[%get3A_837, %get3A_838] : memref<512x10240xf32, #tpu.memory_space<vmem>>, vector<512x1024xf32>
      %eq3A_840 = vector.broadcast %while3A_790#1 : vector<512x1xf32> to vector<512x1024xf32>
      %eq3A_841 = arith.cmpf oeq, %add3A_834, %eq3A_840 : vector<512x1024xf32>
      %broadcast_in_dim3A_842 = vector.broadcast %while3A_805 : f32 to vector<512x1024xf32>
      %select_n3A_843 = arith.select %eq3A_841, %broadcast_in_dim3A_842, %get3A_839 : vector<512x1024xi1>, vector<512x1024xf32>
      %mul3A_844 = arith.constant 1024 : i32
      %mul3A_845 = arith.muli %while3A_827, %mul3A_844 : i32
      %swap3A_846 = arith.constant 0 : index
      %swap3A_847 = arith.index_cast %mul3A_845 : i32 to index
      %swap3A_848 = vector.load %arg5[%swap3A_846, %swap3A_847] : memref<512x10240xf32, #tpu.memory_space<vmem>>, vector<512x1024xf32>
      tpu.vector_store %arg5[%swap3A_846, %swap3A_847], %select_n3A_843 {strides = array<i32>} : memref<512x10240xf32, #tpu.memory_space<vmem>>, vector<512x1024xf32>,
      %reduce_min3A_849 = arith.constant dense<0x7F800000> : vector<512xf32>
      %reduce_min3A_850 = vector.multi_reduction <minimumf>, %select_n3A_843, %reduce_min3A_849 [1] : vector<512x1024xf32> to vector<512xf32>
      %broadcast_in_dim3A_851 = vector.shape_cast %reduce_min3A_850 : vector<512xf32> to vector<512x1xf32>
      %eq3A_852 = vector.broadcast %broadcast_in_dim3A_851 : vector<512x1xf32> to vector<512x1024xf32>
      %eq3A_853 = arith.cmpf oeq, %select_n3A_843, %eq3A_852 : vector<512x1024xf32>
      %broadcast_in_dim3A_854 = vector.broadcast %while3A_806 : f32 to vector<512x1024xf32>
      %select_n3A_855 = arith.select %eq3A_853, %add3A_834, %broadcast_in_dim3A_854 : vector<512x1024xi1>, vector<512x1024xf32>
      %reduce_min3A_856 = arith.constant dense<0x7F800000> : vector<512xf32>
      %reduce_min3A_857 = vector.multi_reduction <minimumf>, %select_n3A_855, %reduce_min3A_856 [1] : vector<512x1024xf32> to vector<512xf32>
      %broadcast_in_dim3A_858 = vector.shape_cast %reduce_min3A_857 : vector<512xf32> to vector<512x1xf32>
      %lt3A = arith.cmpf olt, %broadcast_in_dim3A_851, %while3A_828 : vector<512x1xf32>
      %select_n3A_859 = arith.select %lt3A, %broadcast_in_dim3A_851, %while3A_828 : vector<512x1xi1>, vector<512x1xf32>
      %select_n3A_860 = arith.select %lt3A, %broadcast_in_dim3A_858, %while3A_829 : vector<512x1xi1>, vector<512x1xf32>
      scf.yield %select_n3A_859, %select_n3A_860 : vector<512x1xf32>, vector<512x1xf32>
    }
    %while3A_815 = arith.constant 1 : i32
    %while3A_816:2 = scf.for %while3A_827 = %while3A_812 to %while3A_808 step %while3A_815 iter_args(%while3A_828 = %while3A_814#0, %while3A_829 = %while3A_814#1) -> (vector<512x1xf32>, vector<512x1xf32>)  : i32 {
      %mul3A_830 = arith.constant 1024 : i32
      %mul3A_831 = arith.muli %while3A_827, %mul3A_830 : i32
      %convert_element_type3A_832 = arith.sitofp %mul3A_831 : i32 to f32
      %add3A_833 = vector.broadcast %convert_element_type3A_832 : f32 to vector<512x1024xf32>
      %add3A_834 = arith.addf %convert_element_type3A, %add3A_833 : vector<512x1024xf32>
      %mul3A_835 = arith.constant 1024 : i32
      %mul3A_836 = arith.muli %while3A_827, %mul3A_835 : i32
      %get3A_837 = arith.constant 0 : index
      %get3A_838 = arith.index_cast %mul3A_836 : i32 to index
      %get3A_839 = vector.load %arg5[%get3A_837, %get3A_838] : memref<512x10240xf32, #tpu.memory_space<vmem>>, vector<512x1024xf32>
      %eq3A_840 = vector.broadcast %while3A_790#1 : vector<512x1xf32> to vector<512x1024xf32>
      %eq3A_841 = arith.cmpf oeq, %add3A_834, %eq3A_840 : vector<512x1024xf32>
      %broadcast_in_dim3A_842 = vector.broadcast %while3A_805 : f32 to vector<512x1024xf32>
      %select_n3A_843 = arith.select %eq3A_841, %broadcast_in_dim3A_842, %get3A_839 : vector<512x1024xi1>, vector<512x1024xf32>
      %mul3A_844 = arith.constant 1024 : i32
      %mul3A_845 = arith.muli %while3A_827, %mul3A_844 : i32
      %swap3A_846 = arith.constant 0 : index
      %swap3A_847 = arith.index_cast %mul3A_845 : i32 to index
      %swap3A_848 = vector.load %arg5[%swap3A_846, %swap3A_847] : memref<512x10240xf32, #tpu.memory_space<vmem>>, vector<512x1024xf32>
      tpu.vector_store %arg5[%swap3A_846, %swap3A_847], %select_n3A_843 {strides = array<i32>} : memref<512x10240xf32, #tpu.memory_space<vmem>>, vector<512x1024xf32>,
      %reduce_min3A_849 = arith.constant dense<0x7F800000> : vector<512xf32>
      %reduce_min3A_850 = vector.multi_reduction <minimumf>, %select_n3A_843, %reduce_min3A_849 [1] : vector<512x1024xf32> to vector<512xf32>
      %broadcast_in_dim3A_851 = vector.shape_cast %reduce_min3A_850 : vector<512xf32> to vector<512x1xf32>
      %eq3A_852 = vector.broadcast %broadcast_in_dim3A_851 : vector<512x1xf32> to vector<512x1024xf32>
      %eq3A_853 = arith.cmpf oeq, %select_n3A_843, %eq3A_852 : vector<512x1024xf32>
      %broadcast_in_dim3A_854 = vector.broadcast %while3A_806 : f32 to vector<512x1024xf32>
      %select_n3A_855 = arith.select %eq3A_853, %add3A_834, %broadcast_in_dim3A_854 : vector<512x1024xi1>, vector<512x1024xf32>
      %reduce_min3A_856 = arith.constant dense<0x7F800000> : vector<512xf32>
      %reduce_min3A_857 = vector.multi_reduction <minimumf>, %select_n3A_855, %reduce_min3A_856 [1] : vector<512x1024xf32> to vector<512xf32>
      %broadcast_in_dim3A_858 = vector.shape_cast %reduce_min3A_857 : vector<512xf32> to vector<512x1xf32>
      %lt3A = arith.cmpf olt, %broadcast_in_dim3A_851, %while3A_828 : vector<512x1xf32>
      %select_n3A_859 = arith.select %lt3A, %broadcast_in_dim3A_851, %while3A_828 : vector<512x1xi1>, vector<512x1xf32>
      %select_n3A_860 = arith.select %lt3A, %broadcast_in_dim3A_858, %while3A_829 : vector<512x1xi1>, vector<512x1xf32>
      scf.yield %select_n3A_859, %select_n3A_860 : vector<512x1xf32>, vector<512x1xf32>
    }
    %convert_element_type3A_817 = arith.fptosi %while3A_816#1 : vector<512x1xf32> to vector<512x1xi32>
    %jit3A_818 = arith.constant 0 : i32
    %jit3A_819 = arith.constant 9999 : i32
    %max3A_820 = vector.broadcast %jit3A_818 : i32 to vector<512x1xi32>
    %max3A_821 = arith.maxsi %max3A_820, %convert_element_type3A_817 : vector<512x1xi32>
    %min3A_822 = vector.broadcast %jit3A_819 : i32 to vector<512x1xi32>
    %min3A_823 = arith.minsi %min3A_822, %max3A_821 : vector<512x1xi32>
    %swap3A_824 = arith.constant 0 : index
    %swap3A_825 = arith.constant 19 : index
    %swap3A_826 = vector.load %arg4[%swap3A_824, %swap3A_825] : memref<512x32xi32, #tpu.memory_space<vmem>>, vector<512x1xi32>
    tpu.vector_store %arg4[%swap3A_824, %swap3A_825], %min3A_823 {strides = array<i32>} : memref<512x32xi32, #tpu.memory_space<vmem>>, vector<512x1xi32>,
    return
  }
  func.func @transform_0(%arg0: i32) -> (i32, i32) {
    %c0_i32 = arith.constant 0 : i32
    %c0_i32_0 = arith.constant 0 : i32
    %c0_i32_1 = arith.constant 0 : i32
    return %c0_i32, %c0_i32_0 : i32, i32
  }
  func.func @transform_1(%arg0: i32) -> (i32, i32) {
    %c0_i32 = arith.constant 0 : i32
    %c0_i32_0 = arith.constant 0 : i32
    %c0_i32_1 = arith.constant 0 : i32
    return %c0_i32, %c0_i32_0 : i32, i32
  }
  func.func @transform_2(%arg0: i32) -> (i32, i32) {
    %c0_i32 = arith.constant 0 : i32
    %c0_i32_0 = arith.constant 0 : i32
    %c0_i32_1 = arith.constant 0 : i32
    return %c0_i32, %c0_i32_0 : i32, i32
  }
  func.func @transform_3(%arg0: i32) -> (i32, i32) {
    %c0_i32 = arith.constant 0 : i32
    %c0_i32_0 = arith.constant 0 : i32
    return %arg0, %c0_i32 : i32, i32
  }
}

module attributes {stable_mosaic.version = 14 : i64} {
  func.func @body(%arg0: i32, %arg1: i32, %arg2: memref<1x1024x64xf32, #tpu.memory_space<vmem>>, %arg3: memref<1024x64xf32, #tpu.memory_space<vmem>>, %arg4: memref<128x64xf32, #tpu.memory_space<vmem>>, %arg5: memref<64x64xf32, #tpu.memory_space<vmem>>, %arg6: memref<1x64xf32, #tpu.memory_space<vmem>>, %arg7: memref<1x64xf32, #tpu.memory_space<vmem>>, %arg8: memref<64x128xf32, #tpu.memory_space<vmem>>, %arg9: memref<1x128xf32, #tpu.memory_space<vmem>>, %arg10: memref<1024x64xf32, #tpu.memory_space<vmem>>, %arg11: memref<1024x64xf32, #tpu.memory_space<vmem>>) attributes {dimension_semantics = [#tpu.dimension_semantics<arbitrary>, #tpu.dimension_semantics<arbitrary>], iteration_bounds = array<i64: 10, 20>, scalar_prefetch = 0 : i64, scratch_operands = 1 : i64, tpu.core_type = #tpu.core_type<tc>, window_params = [{transform_indices = @transform_0, window_bounds = array<i64: 1, 1024, 64>}, {transform_indices = @transform_1, window_bounds = array<i64: 1024, 64>}, {pipeline_mode = #tpu.pipeline_mode<synchronous>, transform_indices = @transform_2, window_bounds = array<i64: 128, 64>}, {pipeline_mode = #tpu.pipeline_mode<synchronous>, transform_indices = @transform_3, window_bounds = array<i64: 64, 64>}, {pipeline_mode = #tpu.pipeline_mode<synchronous>, transform_indices = @transform_4, window_bounds = array<i64: 1, 64>}, {pipeline_mode = #tpu.pipeline_mode<synchronous>, transform_indices = @transform_5, window_bounds = array<i64: 1, 64>}, {pipeline_mode = #tpu.pipeline_mode<synchronous>, transform_indices = @transform_6, window_bounds = array<i64: 64, 128>}, {pipeline_mode = #tpu.pipeline_mode<synchronous>, transform_indices = @transform_7, window_bounds = array<i64: 1, 128>}, {transform_indices = @transform_8, window_bounds = array<i64: 1024, 64>}]} {
    %get3A = arith.constant 0 : index
    %get3A_0 = arith.constant 0 : index
    %get3A_1 = vector.load %arg3[%get3A, %get3A_0] : memref<1024x64xf32, #tpu.memory_space<vmem>>, vector<1024x64xf32>
    %get3A_2 = arith.constant 0 : index
    %get3A_3 = arith.constant 0 : index
    %get3A_4 = arith.constant 0 : index
    %get3A_5 = vector.load %arg2[%get3A_2, %get3A_3, %get3A_4] : memref<1x1024x64xf32, #tpu.memory_space<vmem>>, vector<1x1024x64xf32>
    %get3A_6 = vector.shape_cast %get3A_5 : vector<1x1024x64xf32> to vector<1024x64xf32>
    %sub3A = arith.subf %get3A_6, %get3A_1 : vector<1024x64xf32>
    %concatenate3A = tpu.concatenate %get3A_1, %sub3A in 1 : vector<1024x64xf32>, vector<1024x64xf32> -> vector<1024x128xf32>
    %get3A_7 = arith.constant 0 : index
    %get3A_8 = arith.constant 0 : index
    %get3A_9 = vector.load %arg4[%get3A_7, %get3A_8] : memref<128x64xf32, #tpu.memory_space<vmem>>, vector<128x64xf32>
    %dot_general3A = arith.constant dense<0.000000e+00> : vector<1024x64xf32>
    %dot_general3A_10 = tpu.matmul %concatenate3A, %get3A_9, %dot_general3A {dimension_numbers = #tpu.dot_dimension_numbers<[1], [0], [0], [1], [0, 0, 1, 1], [], []>, transpose_lhs_hint = false} : vector<1024x128xf32>, vector<128x64xf32>, vector<1024x64xf32> -> vector<1024x64xf32>
    %get3A_11 = arith.constant 0 : index
    %get3A_12 = arith.constant 0 : index
    %get3A_13 = vector.load %arg6[%get3A_11, %get3A_12] : memref<1x64xf32, #tpu.memory_space<vmem>>, vector<1x64xf32>
    %add3A = vector.broadcast %get3A_13 : vector<1x64xf32> to vector<1024x64xf32>
    %add3A_14 = arith.addf %dot_general3A_10, %add3A : vector<1024x64xf32>
    %max3A = arith.constant 0.000000e+00 : f32
    %max3A_15 = vector.broadcast %max3A : f32 to vector<1024x64xf32>
    %max3A_16 = arith.maximumf %add3A_14, %max3A_15 : vector<1024x64xf32>
    %get3A_17 = arith.constant 0 : index
    %get3A_18 = arith.constant 0 : index
    %get3A_19 = vector.load %arg5[%get3A_17, %get3A_18] : memref<64x64xf32, #tpu.memory_space<vmem>>, vector<64x64xf32>
    %dot_general3A_20 = arith.constant dense<0.000000e+00> : vector<1024x64xf32>
    %dot_general3A_21 = tpu.matmul %max3A_16, %get3A_19, %dot_general3A_20 {dimension_numbers = #tpu.dot_dimension_numbers<[1], [0], [0], [1], [0, 0, 1, 1], [], []>, transpose_lhs_hint = false} : vector<1024x64xf32>, vector<64x64xf32>, vector<1024x64xf32> -> vector<1024x64xf32>
    %get3A_22 = arith.constant 0 : index
    %get3A_23 = arith.constant 0 : index
    %get3A_24 = vector.load %arg7[%get3A_22, %get3A_23] : memref<1x64xf32, #tpu.memory_space<vmem>>, vector<1x64xf32>
    %add3A_25 = vector.broadcast %get3A_24 : vector<1x64xf32> to vector<1024x64xf32>
    %add3A_26 = arith.addf %dot_general3A_21, %add3A_25 : vector<1024x64xf32>
    %max3A_27 = arith.constant 0.000000e+00 : f32
    %max3A_28 = vector.broadcast %max3A_27 : f32 to vector<1024x64xf32>
    %max3A_29 = arith.maximumf %add3A_26, %max3A_28 : vector<1024x64xf32>
    %eq3A = arith.constant 0 : i32
    %eq3A_30 = arith.cmpi eq, %arg1, %eq3A : i32
    %convert_element_type3A = arith.extui %eq3A_30 : i1 to i32
    %cond3A = arith.constant 0 : i32
    %cond3A_31 = arith.cmpi ne, %convert_element_type3A, %cond3A : i32
    scf.if %cond3A_31 {
      %swap3A = arith.constant 0 : index
      %swap3A_41 = arith.constant 0 : index
      %swap3A_42 = vector.load %arg11[%swap3A, %swap3A_41] : memref<1024x64xf32, #tpu.memory_space<vmem>>, vector<1024x64xf32>
      tpu.vector_store %arg11[%swap3A, %swap3A_41], %max3A_29 {strides = array<i32>} : memref<1024x64xf32, #tpu.memory_space<vmem>>, vector<1024x64xf32>,
    } else {
    }
    %gt3A = arith.constant 0 : i32
    %gt3A_32 = arith.cmpi sgt, %arg1, %gt3A : i32
    %convert_element_type3A_33 = arith.extui %gt3A_32 : i1 to i32
    %cond3A_34 = arith.constant 0 : i32
    %cond3A_35 = arith.cmpi ne, %convert_element_type3A_33, %cond3A_34 : i32
    scf.if %cond3A_35 {
      %get3A_41 = arith.constant 0 : index
      %get3A_42 = arith.constant 0 : index
      %get3A_43 = vector.load %arg11[%get3A_41, %get3A_42] : memref<1024x64xf32, #tpu.memory_space<vmem>>, vector<1024x64xf32>
      %max3A_44 = arith.maximumf %get3A_43, %max3A_29 : vector<1024x64xf32>
      %swap3A = arith.constant 0 : index
      %swap3A_45 = arith.constant 0 : index
      %swap3A_46 = vector.load %arg11[%swap3A, %swap3A_45] : memref<1024x64xf32, #tpu.memory_space<vmem>>, vector<1024x64xf32>
      tpu.vector_store %arg11[%swap3A, %swap3A_45], %max3A_44 {strides = array<i32>} : memref<1024x64xf32, #tpu.memory_space<vmem>>, vector<1024x64xf32>,
    } else {
    }
    %eq3A_36 = arith.constant 19 : i32
    %eq3A_37 = arith.cmpi eq, %arg1, %eq3A_36 : i32
    %convert_element_type3A_38 = arith.extui %eq3A_37 : i1 to i32
    %cond3A_39 = arith.constant 0 : i32
    %cond3A_40 = arith.cmpi ne, %convert_element_type3A_38, %cond3A_39 : i32
    scf.if %cond3A_40 {
      %get3A_41 = arith.constant 0 : index
      %get3A_42 = arith.constant 0 : index
      %get3A_43 = vector.load %arg11[%get3A_41, %get3A_42] : memref<1024x64xf32, #tpu.memory_space<vmem>>, vector<1024x64xf32>
      %swap3A = arith.constant 0 : index
      %swap3A_44 = arith.constant 0 : index
      %swap3A_45 = vector.load %arg10[%swap3A, %swap3A_44] : memref<1024x64xf32, #tpu.memory_space<vmem>>, vector<1024x64xf32>
      tpu.vector_store %arg10[%swap3A, %swap3A_44], %get3A_43 {strides = array<i32>} : memref<1024x64xf32, #tpu.memory_space<vmem>>, vector<1024x64xf32>,
    } else {
    }
    return
  }
  func.func @transform_0(%arg0: i32, %arg1: i32) -> (i32, i32, i32) {
    %c0_i32 = arith.constant 0 : i32
    %c0_i32_0 = arith.constant 0 : i32
    return %arg1, %arg0, %c0_i32 : i32, i32, i32
  }
  func.func @transform_1(%arg0: i32, %arg1: i32) -> (i32, i32) {
    %c0_i32 = arith.constant 0 : i32
    %c0_i32_0 = arith.constant 0 : i32
    return %arg0, %c0_i32 : i32, i32
  }
  func.func @transform_2(%arg0: i32, %arg1: i32) -> (i32, i32) {
    %c0_i32 = arith.constant 0 : i32
    %c0_i32_0 = arith.constant 0 : i32
    %c0_i32_1 = arith.constant 0 : i32
    return %c0_i32, %c0_i32_0 : i32, i32
  }
  func.func @transform_3(%arg0: i32, %arg1: i32) -> (i32, i32) {
    %c0_i32 = arith.constant 0 : i32
    %c0_i32_0 = arith.constant 0 : i32
    %c0_i32_1 = arith.constant 0 : i32
    return %c0_i32, %c0_i32_0 : i32, i32
  }
  func.func @transform_4(%arg0: i32, %arg1: i32) -> (i32, i32) {
    %c0_i32 = arith.constant 0 : i32
    %c0_i32_0 = arith.constant 0 : i32
    %c0_i32_1 = arith.constant 0 : i32
    return %c0_i32, %c0_i32_0 : i32, i32
  }
  func.func @transform_5(%arg0: i32, %arg1: i32) -> (i32, i32) {
    %c0_i32 = arith.constant 0 : i32
    %c0_i32_0 = arith.constant 0 : i32
    %c0_i32_1 = arith.constant 0 : i32
    return %c0_i32, %c0_i32_0 : i32, i32
  }
  func.func @transform_6(%arg0: i32, %arg1: i32) -> (i32, i32) {
    %c0_i32 = arith.constant 0 : i32
    %c0_i32_0 = arith.constant 0 : i32
    %c0_i32_1 = arith.constant 0 : i32
    return %c0_i32, %c0_i32_0 : i32, i32
  }
  func.func @transform_7(%arg0: i32, %arg1: i32) -> (i32, i32) {
    %c0_i32 = arith.constant 0 : i32
    %c0_i32_0 = arith.constant 0 : i32
    %c0_i32_1 = arith.constant 0 : i32
    return %c0_i32, %c0_i32_0 : i32, i32
  }
  func.func @transform_8(%arg0: i32, %arg1: i32) -> (i32, i32) {
    %c0_i32 = arith.constant 0 : i32
    %c0_i32_0 = arith.constant 0 : i32
    return %arg0, %c0_i32 : i32, i32
  }
}

module attributes {stable_mosaic.version = 14 : i64} {
  func.func @body(%arg0: i32, %arg1: i32, %arg2: memref<1x1024x64xf32, #tpu.memory_space<vmem>>, %arg3: memref<1024x64xf32, #tpu.memory_space<vmem>>, %arg4: memref<128x64xf32, #tpu.memory_space<vmem>>, %arg5: memref<64x64xf32, #tpu.memory_space<vmem>>, %arg6: memref<1x64xf32, #tpu.memory_space<vmem>>, %arg7: memref<1x64xf32, #tpu.memory_space<vmem>>, %arg8: memref<64x128xf32, #tpu.memory_space<vmem>>, %arg9: memref<1x128xf32, #tpu.memory_space<vmem>>, %arg10: memref<1024x128xf32, #tpu.memory_space<vmem>>, %arg11: memref<1024x64xf32, #tpu.memory_space<vmem>>) attributes {dimension_semantics = [#tpu.dimension_semantics<arbitrary>, #tpu.dimension_semantics<arbitrary>], iteration_bounds = array<i64: 10, 20>, scalar_prefetch = 0 : i64, scratch_operands = 1 : i64, tpu.core_type = #tpu.core_type<tc>, window_params = [{transform_indices = @transform_0, window_bounds = array<i64: 1, 1024, 64>}, {transform_indices = @transform_1, window_bounds = array<i64: 1024, 64>}, {pipeline_mode = #tpu.pipeline_mode<synchronous>, transform_indices = @transform_2, window_bounds = array<i64: 128, 64>}, {pipeline_mode = #tpu.pipeline_mode<synchronous>, transform_indices = @transform_3, window_bounds = array<i64: 64, 64>}, {pipeline_mode = #tpu.pipeline_mode<synchronous>, transform_indices = @transform_4, window_bounds = array<i64: 1, 64>}, {pipeline_mode = #tpu.pipeline_mode<synchronous>, transform_indices = @transform_5, window_bounds = array<i64: 1, 64>}, {pipeline_mode = #tpu.pipeline_mode<synchronous>, transform_indices = @transform_6, window_bounds = array<i64: 64, 128>}, {pipeline_mode = #tpu.pipeline_mode<synchronous>, transform_indices = @transform_7, window_bounds = array<i64: 1, 128>}, {transform_indices = @transform_8, window_bounds = array<i64: 1024, 128>}]} {
    %get3A = arith.constant 0 : index
    %get3A_0 = arith.constant 0 : index
    %get3A_1 = vector.load %arg3[%get3A, %get3A_0] : memref<1024x64xf32, #tpu.memory_space<vmem>>, vector<1024x64xf32>
    %get3A_2 = arith.constant 0 : index
    %get3A_3 = arith.constant 0 : index
    %get3A_4 = arith.constant 0 : index
    %get3A_5 = vector.load %arg2[%get3A_2, %get3A_3, %get3A_4] : memref<1x1024x64xf32, #tpu.memory_space<vmem>>, vector<1x1024x64xf32>
    %get3A_6 = vector.shape_cast %get3A_5 : vector<1x1024x64xf32> to vector<1024x64xf32>
    %sub3A = arith.subf %get3A_6, %get3A_1 : vector<1024x64xf32>
    %concatenate3A = tpu.concatenate %get3A_1, %sub3A in 1 : vector<1024x64xf32>, vector<1024x64xf32> -> vector<1024x128xf32>
    %get3A_7 = arith.constant 0 : index
    %get3A_8 = arith.constant 0 : index
    %get3A_9 = vector.load %arg4[%get3A_7, %get3A_8] : memref<128x64xf32, #tpu.memory_space<vmem>>, vector<128x64xf32>
    %dot_general3A = arith.constant dense<0.000000e+00> : vector<1024x64xf32>
    %dot_general3A_10 = tpu.matmul %concatenate3A, %get3A_9, %dot_general3A {dimension_numbers = #tpu.dot_dimension_numbers<[1], [0], [0], [1], [0, 0, 1, 1], [], []>, transpose_lhs_hint = false} : vector<1024x128xf32>, vector<128x64xf32>, vector<1024x64xf32> -> vector<1024x64xf32>
    %get3A_11 = arith.constant 0 : index
    %get3A_12 = arith.constant 0 : index
    %get3A_13 = vector.load %arg6[%get3A_11, %get3A_12] : memref<1x64xf32, #tpu.memory_space<vmem>>, vector<1x64xf32>
    %add3A = vector.broadcast %get3A_13 : vector<1x64xf32> to vector<1024x64xf32>
    %add3A_14 = arith.addf %dot_general3A_10, %add3A : vector<1024x64xf32>
    %max3A = arith.constant 0.000000e+00 : f32
    %max3A_15 = vector.broadcast %max3A : f32 to vector<1024x64xf32>
    %max3A_16 = arith.maximumf %add3A_14, %max3A_15 : vector<1024x64xf32>
    %get3A_17 = arith.constant 0 : index
    %get3A_18 = arith.constant 0 : index
    %get3A_19 = vector.load %arg5[%get3A_17, %get3A_18] : memref<64x64xf32, #tpu.memory_space<vmem>>, vector<64x64xf32>
    %dot_general3A_20 = arith.constant dense<0.000000e+00> : vector<1024x64xf32>
    %dot_general3A_21 = tpu.matmul %max3A_16, %get3A_19, %dot_general3A_20 {dimension_numbers = #tpu.dot_dimension_numbers<[1], [0], [0], [1], [0, 0, 1, 1], [], []>, transpose_lhs_hint = false} : vector<1024x64xf32>, vector<64x64xf32>, vector<1024x64xf32> -> vector<1024x64xf32>
    %get3A_22 = arith.constant 0 : index
    %get3A_23 = arith.constant 0 : index
    %get3A_24 = vector.load %arg7[%get3A_22, %get3A_23] : memref<1x64xf32, #tpu.memory_space<vmem>>, vector<1x64xf32>
    %add3A_25 = vector.broadcast %get3A_24 : vector<1x64xf32> to vector<1024x64xf32>
    %add3A_26 = arith.addf %dot_general3A_21, %add3A_25 : vector<1024x64xf32>
    %max3A_27 = arith.constant 0.000000e+00 : f32
    %max3A_28 = vector.broadcast %max3A_27 : f32 to vector<1024x64xf32>
    %max3A_29 = arith.maximumf %add3A_26, %max3A_28 : vector<1024x64xf32>
    %eq3A = arith.constant 0 : i32
    %eq3A_30 = arith.cmpi eq, %arg1, %eq3A : i32
    %convert_element_type3A = arith.extui %eq3A_30 : i1 to i32
    %cond3A = arith.constant 0 : i32
    %cond3A_31 = arith.cmpi ne, %convert_element_type3A, %cond3A : i32
    scf.if %cond3A_31 {
      %swap3A = arith.constant 0 : index
      %swap3A_41 = arith.constant 0 : index
      %swap3A_42 = vector.load %arg11[%swap3A, %swap3A_41] : memref<1024x64xf32, #tpu.memory_space<vmem>>, vector<1024x64xf32>
      tpu.vector_store %arg11[%swap3A, %swap3A_41], %max3A_29 {strides = array<i32>} : memref<1024x64xf32, #tpu.memory_space<vmem>>, vector<1024x64xf32>,
    } else {
    }
    %gt3A = arith.constant 0 : i32
    %gt3A_32 = arith.cmpi sgt, %arg1, %gt3A : i32
    %convert_element_type3A_33 = arith.extui %gt3A_32 : i1 to i32
    %cond3A_34 = arith.constant 0 : i32
    %cond3A_35 = arith.cmpi ne, %convert_element_type3A_33, %cond3A_34 : i32
    scf.if %cond3A_35 {
      %get3A_41 = arith.constant 0 : index
      %get3A_42 = arith.constant 0 : index
      %get3A_43 = vector.load %arg11[%get3A_41, %get3A_42] : memref<1024x64xf32, #tpu.memory_space<vmem>>, vector<1024x64xf32>
      %max3A_44 = arith.maximumf %get3A_43, %max3A_29 : vector<1024x64xf32>
      %swap3A = arith.constant 0 : index
      %swap3A_45 = arith.constant 0 : index
      %swap3A_46 = vector.load %arg11[%swap3A, %swap3A_45] : memref<1024x64xf32, #tpu.memory_space<vmem>>, vector<1024x64xf32>
      tpu.vector_store %arg11[%swap3A, %swap3A_45], %max3A_44 {strides = array<i32>} : memref<1024x64xf32, #tpu.memory_space<vmem>>, vector<1024x64xf32>,
    } else {
    }
    %eq3A_36 = arith.constant 19 : i32
    %eq3A_37 = arith.cmpi eq, %arg1, %eq3A_36 : i32
    %convert_element_type3A_38 = arith.extui %eq3A_37 : i1 to i32
    %cond3A_39 = arith.constant 0 : i32
    %cond3A_40 = arith.cmpi ne, %convert_element_type3A_38, %cond3A_39 : i32
    scf.if %cond3A_40 {
      %get3A_41 = arith.constant 0 : index
      %get3A_42 = arith.constant 0 : index
      %get3A_43 = vector.load %arg11[%get3A_41, %get3A_42] : memref<1024x64xf32, #tpu.memory_space<vmem>>, vector<1024x64xf32>
      %get3A_44 = arith.constant 0 : index
      %get3A_45 = arith.constant 0 : index
      %get3A_46 = vector.load %arg8[%get3A_44, %get3A_45] : memref<64x128xf32, #tpu.memory_space<vmem>>, vector<64x128xf32>
      %dot_general3A_47 = arith.constant dense<0.000000e+00> : vector<1024x128xf32>
      %dot_general3A_48 = tpu.matmul %get3A_43, %get3A_46, %dot_general3A_47 {dimension_numbers = #tpu.dot_dimension_numbers<[1], [0], [0], [1], [0, 0, 1, 1], [], []>, transpose_lhs_hint = false} : vector<1024x64xf32>, vector<64x128xf32>, vector<1024x128xf32> -> vector<1024x128xf32>
      %get3A_49 = arith.constant 0 : index
      %get3A_50 = arith.constant 0 : index
      %get3A_51 = vector.load %arg9[%get3A_49, %get3A_50] : memref<1x128xf32, #tpu.memory_space<vmem>>, vector<1x128xf32>
      %add3A_52 = vector.broadcast %get3A_51 : vector<1x128xf32> to vector<1024x128xf32>
      %add3A_53 = arith.addf %dot_general3A_48, %add3A_52 : vector<1024x128xf32>
      %swap3A = arith.constant 0 : index
      %swap3A_54 = arith.constant 0 : index
      %swap3A_55 = vector.load %arg10[%swap3A, %swap3A_54] : memref<1024x128xf32, #tpu.memory_space<vmem>>, vector<1024x128xf32>
      tpu.vector_store %arg10[%swap3A, %swap3A_54], %add3A_53 {strides = array<i32>} : memref<1024x128xf32, #tpu.memory_space<vmem>>, vector<1024x128xf32>,
    } else {
    }
    return
  }
  func.func @transform_0(%arg0: i32, %arg1: i32) -> (i32, i32, i32) {
    %c0_i32 = arith.constant 0 : i32
    %c0_i32_0 = arith.constant 0 : i32
    return %arg1, %arg0, %c0_i32 : i32, i32, i32
  }
  func.func @transform_1(%arg0: i32, %arg1: i32) -> (i32, i32) {
    %c0_i32 = arith.constant 0 : i32
    %c0_i32_0 = arith.constant 0 : i32
    return %arg0, %c0_i32 : i32, i32
  }
  func.func @transform_2(%arg0: i32, %arg1: i32) -> (i32, i32) {
    %c0_i32 = arith.constant 0 : i32
    %c0_i32_0 = arith.constant 0 : i32
    %c0_i32_1 = arith.constant 0 : i32
    return %c0_i32, %c0_i32_0 : i32, i32
  }
  func.func @transform_3(%arg0: i32, %arg1: i32) -> (i32, i32) {
    %c0_i32 = arith.constant 0 : i32
    %c0_i32_0 = arith.constant 0 : i32
    %c0_i32_1 = arith.constant 0 : i32
    return %c0_i32, %c0_i32_0 : i32, i32
  }
  func.func @transform_4(%arg0: i32, %arg1: i32) -> (i32, i32) {
    %c0_i32 = arith.constant 0 : i32
    %c0_i32_0 = arith.constant 0 : i32
    %c0_i32_1 = arith.constant 0 : i32
    return %c0_i32, %c0_i32_0 : i32, i32
  }
  func.func @transform_5(%arg0: i32, %arg1: i32) -> (i32, i32) {
    %c0_i32 = arith.constant 0 : i32
    %c0_i32_0 = arith.constant 0 : i32
    %c0_i32_1 = arith.constant 0 : i32
    return %c0_i32, %c0_i32_0 : i32, i32
  }
  func.func @transform_6(%arg0: i32, %arg1: i32) -> (i32, i32) {
    %c0_i32 = arith.constant 0 : i32
    %c0_i32_0 = arith.constant 0 : i32
    %c0_i32_1 = arith.constant 0 : i32
    return %c0_i32, %c0_i32_0 : i32, i32
  }
  func.func @transform_7(%arg0: i32, %arg1: i32) -> (i32, i32) {
    %c0_i32 = arith.constant 0 : i32
    %c0_i32_0 = arith.constant 0 : i32
    %c0_i32_1 = arith.constant 0 : i32
    return %c0_i32, %c0_i32_0 : i32, i32
  }
  func.func @transform_8(%arg0: i32, %arg1: i32) -> (i32, i32) {
    %c0_i32 = arith.constant 0 : i32
    %c0_i32_0 = arith.constant 0 : i32
    return %arg0, %c0_i32 : i32, i32
  }
}

</mosaic_0001>

<sc_bundles>
// kernel: kernel.13.cloned.1.call-start
scs
__scs_entry_jumppad:
0x0: {  	(pc) =	sbr.rel $0x88, $3  }
0x1: {  	(tag) =	ssettag $0x0;
	lr =	simm.s32 $0x1  }
0x2: {  	[smem:$0x3F90] =	sst lr;
	_ =	strace $0xD0000000  }
0x3: {  	_ = 	snop  }
0x4: {  	_ = 	snop  }
0x5: {  	_ = 	snop  }
0x6: {  	_ = 	snop  }
0x7: {  	_ = 	snop  }
__scs_overlays_trampoline_lowered:
0x8: {  	[smem:$0x3F9F] =	sst s0  }
0x9: {  	[smem:$0x3FA0] =	sst s1  }
0xa: {  	[smem:$0x3FA1] =	sst s2  }
0xb: {  	[smem:$0x3FA2] =	sst s3  }
0xc: {  	[smem:$0x3FA3] =	sst s4  }
0xd: {  	[smem:$0x3FA4] =	sst s5  }
0xe: {  	[smem:$0x3FA5] =	sst s6  }
0xf: {  	[smem:$0x3FA6] =	sst s7  }
0x10: {  	[smem:$0x3FA7] =	sst s8  }
0x11: {  	[smem:$0x3FA8] =	sst s9;
	s0 =	simm.s32 @!p0 $0x0  }
0x12: {  	s1 =	sld [smem:$0x3F8E];
	s0 =	simm.s32 @p0 $0x1  }
0x13: {  	[smem:$0x3FA9] =	sst s0;
	s0 =	simm.s32 @!p1 $0x0  }
0x14: {  	s2 =	sld [smem:$0x3F8D];
	s0 =	simm.s32 @p1 $0x1  }
0x15: {  	[smem:$0x3FAA] =	sst s0;
	s0 =	simm.s32 @!p2 $0x0  }
0x16: {  	s3 =	sld [smem:$0x3FDB];
	s0 =	simm.s32 @p2 $0x1  }
0x17: {  	s4 =	simm.s32 $0x1BF5;
	[smem:$0x3FAC] =	sst s0  }
0x18: {  	s0 =	sld [smem:$0x3F8F];
	_ =	swait.ge [sflag:s4], $0x0  }
0x19: {  	s7 =	sld [smem:$0x3F90]  }
0x1a: {  	s8 =	sadd.s32 $0xFFFFE003, lr  }
0x1b: {  	s9 =	sadd.s32 $0xFFFFFEF7, lr;
	s5 =	simm.s32 $0xFFFFFFFF;
	p2 =	slt.u32 s8, $0xFFFFF086  }
0x1c: {  	p1 =	slt.u32 s9, $0xF7A;
	s5 =	simm.s32 @!p2 $0x0  }
0x1d: {  	s5 =	simm.s32 @p1 $0x1;
	p0 =	seq.s32 s7, s2  }
0x1e: {  	s7 =	smul.u32 @!p0 $0xF7A, s2;
	p2 =	seq.s32 @!p0 s5, $0x0  }
0x1f: {  	s9 =	smul.u32 $0xF7A, s1;
	s8 =	simm.s32 @!p0 $0x1BF5;
	p2 =	por !p2, p0  }
0x20: {  	[sflag:s8] =	ssyncset.s32 @!p0 $0xFFFFF086;
	s6 =	sadd.s32 @!p0 s3, s7;
	s7 =	simm.s32 @!p0 $0x108  }
0x21: {  	s3 =	sadd.s32 s3, s9;
	s6 =	sadd.s32 @!p0 $0x88, s6;
	s7 =	simm.s32 @p2 $0x1082  }
0x22: {  	[simem:s7], [sflag:s8] =	dma.local @!p0 [hbm:s6], $0xF7A  }
0x23: {  	s9 =	sor.u32 $0xD0000000, s2;
	s6 =	simm.s32 $0x108;
	_ =	swait.ge @!p0 [sflag:s8], $0x0  }
0x24: {  	s3 =	sadd.s32 $0x88, s3;
	s6 =	simm.s32 @!p1 $0x1082;
	[sflag:s4] =	ssyncset.s32 $0xFFFFF086  }
0x25: {  	[simem:s6], [sflag:s4] =	dma.local [hbm:s3], $0xF7A  }
0x26: {  	[smem:$0x3F90] =	sst s1;
	(tag) =	ssettag s2;
	_ =	strace s9  }
0x27: {  	s1 =	sld [smem:$0x3FA0]  }
0x28: {  	s2 =	sld [smem:$0x3FA1]  }
0x29: {  	s4 =	sld [smem:$0x3FA3]  }
0x2a: {  	p0 =	seq.s32 s5, $0x0;
	s5 =	sld [smem:$0x3FA4]  }
0x2b: {  	s6 =	sld [smem:$0x3FA5]  }
0x2c: {  	s7 =	sld [smem:$0x3FA6]  }
0x2d: {  	s3 =	simm.s32 $0x108;
	s8 =	sld [smem:$0x3FA7]  }
0x2e: {  	s3 =	simm.s32 @!p0 $0x1082;
	s9 =	sld [smem:$0x3FA8]  }
0x2f: {  	lr =	sadd.s32 s0, s3;
	s0 =	sld [smem:$0x3F9F]  }
0x30: {  	s3 =	sld [smem:$0x3FA2]  }
0x31: {  	[smem:$0x3FAB] =	sst s10  }
0x32: {  	s10 =	sld [smem:$0x3FA9];
	_ =	sdelay $0x3  }
0x33: {  	p0 =	seq.s32 s10, $0x1;
	s10 =	sld [smem:$0x3FAB];
	_ =	sdelay $0x3  }
0x34: {  	[smem:$0x3FAB] =	sst s10  }
0x35: {  	s10 =	sld [smem:$0x3FAA];
	_ =	sdelay $0x3  }
0x36: {  	p1 =	seq.s32 s10, $0x1;
	s10 =	sld [smem:$0x3FAB];
	_ =	sdelay $0x3  }
0x37: {  	[smem:$0x3FAB] =	sst s10  }
0x38: {  	s10 =	sld [smem:$0x3FAC]  }
0x39: {  	_ = 	snop;
	(pc) =	sbr.ind lr, $3  }
0x3a: {  	_ = 	snop  }
0x3b: {  	_ = 	snop  }
0x3c: {  	p2 =	seq.s32 s10, $0x1;
	s10 =	sld [smem:$0x3FAB]  }
0x3d: {  	_ =	shalt  }
0x3e: {  	_ =	shalt  }
0x3f: {  	_ =	shalt  }
0x40: {  	_ =	shalt  }
0x41: {  	_ =	shalt  }
0x42: {  	_ =	shalt  }
0x43: {  	_ =	shalt  }
0x44: {  	_ =	shalt  }
0x45: {  	_ =	shalt  }
0x46: {  	_ =	shalt  }
0x47: {  	_ =	shalt  }
0x48: {  	_ =	shalt  }
0x49: {  	_ =	shalt  }
0x4a: {  	_ =	shalt  }
0x4b: {  	_ =	shalt  }
0x4c: {  	_ =	shalt  }
0x4d: {  	_ =	shalt  }
0x4e: {  	_ =	shalt  }
0x4f: {  	_ =	shalt  }
0x50: {  	_ =	shalt  }
0x51: {  	_ =	shalt  }
0x52: {  	_ =	shalt  }
0x53: {  	_ =	shalt  }
0x54: {  	_ =	shalt  }
0x55: {  	_ =	shalt  }
0x56: {  	_ =	shalt  }
0x57: {  	_ =	shalt  }
0x58: {  	_ =	shalt  }
0x59: {  	_ =	shalt  }
0x5a: {  	_ =	shalt  }
0x5b: {  	_ =	shalt  }
0x5c: {  	_ =	shalt  }
0x5d: {  	_ =	shalt  }
0x5e: {  	_ =	shalt  }
0x5f: {  	_ =	shalt  }
0x60: {  	_ =	shalt  }
0x61: {  	_ =	shalt  }
0x62: {  	_ =	shalt  }
0x63: {  	_ =	shalt  }
0x64: {  	_ =	shalt  }
0x65: {  	_ =	shalt  }
0x66: {  	_ =	shalt  }
0x67: {  	_ =	shalt  }
0x68: {  	_ =	shalt  }
0x69: {  	_ =	shalt  }
0x6a: {  	_ =	shalt  }
0x6b: {  	_ =	shalt  }
0x6c: {  	_ =	shalt  }
0x6d: {  	_ =	shalt  }
0x6e: {  	_ =	shalt  }
0x6f: {  	_ =	shalt  }
0x70: {  	_ =	shalt  }
0x71: {  	_ =	shalt  }
0x72: {  	_ =	shalt  }
0x73: {  	_ =	shalt  }
0x74: {  	_ =	shalt  }
0x75: {  	_ =	shalt  }
0x76: {  	_ =	shalt  }
0x77: {  	_ =	shalt  }
0x78: {  	_ =	shalt  }
0x79: {  	_ =	shalt  }
0x7a: {  	_ =	shalt  }
0x7b: {  	_ =	shalt  }
0x7c: {  	_ =	shalt  }
0x7d: {  	_ =	shalt  }
0x7e: {  	_ =	shalt  }
0x7f: {  	_ =	shalt  }
0x80: {  	_ =	shalt  }
0x81: {  	_ =	shalt  }
0x82: {  	_ =	shalt  }
0x83: {  	_ =	shalt  }
0x84: {  	_ =	shalt  }
0x85: {  	_ =	shalt  }
0x86: {  	_ =	shalt  }
0x87: {  	_ =	shalt  }
.Lfunc_end0:
.L_simem_size_0:
called_computation_lowered:
.L_overlay_start_0:
0x88: {  	s2 =	sld [smem:$0x3FD9]  }
0x89: {  	s3 =	sld [smem:$0x3FFE];
	_ =	sdelay $0x1  }
0x8a: {  	s1 =	srdreg.scid  }
0x8b: {  	s0 =	sand.u32 $0x1, s1  }
0x8c: {  	s17 =	sshll.u32 s0, $0xA;
	s2 =	sadd.s32 s3, s2  }
0x8d: {  	s2 =	sadd.s32 s2, s17  }
0x8e: {  	[smem:$0x3FB7] =	sst s2  }
0x8f: {  	_ = 	snop  }
0x90: {  	s2 =	sld [smem:$0x3FD0];
	(tm) =	ssettm $0x1  }
0x91: {  	s18 =	sld [smem:$0x3FFB];
	_ =	sdelay $0x3  }
0x92: {  	_ =	strace s18  }
0x93: {  	s3 =	sld [smem:$0x3FFC];
	_ =	sdelay $0x3  }
0x94: {  	_ =	strace s3  }
0x95: {  	s3 =	sld [smem:$0x3FFD];
	_ =	sdelay $0x3  }
0x96: {  	_ =	strace s3  }
0x97: {  	_ =	strace $0x8FFFFFFF  }
0x98: {  	s19 =	sld [smem:$0x3FDB];
	_ =	sdelay $0x1  }
0x99: {  	s4 =	simm.s32 $_scs_section_size  }
0x9a: {  	s5 =	simm.s32 $_size__tile_overlayer_lowered;
	s6 =	simm.s32 $_tile_overlayer_lowered  }
0x9b: {  	s22 =	simm.s32 $0x1BFF;
	s21 =	sshll.u32 s6, $0x1;
	s3 =	sadd.s32 s4, s19  }
0x9c: {  	s7 =	simm.s32 $0x0;
	s20 =	sshll.u32 s5, $0x1;
	s5 =	sadd.s32 s21, s3  }
0x9d: {  	[timem:s7], [sflag:s22] =	dma.local [hbm:s5], s20  }
0x9e: {  	_ =	swait.ge [sflag:s22], s20  }
0x9f: {  	s4 =	ssub.s32 $0x0, s20;
	[sflag:s22] =	ssyncset.done $0x0  }
0xa0: {  	[sflag:s22] =	ssyncadd.s32 s4;
	_ =	sdelay $0x1  }
0xa1: {  	s23 =	simm.s32 $0x1B8B  }
0xa2: {  	_ =	swait.ge [sflag:s23], $0x1  }
0xa3: {  	[sflag:s23] =	ssyncset.done $0x0  }
0xa4: {  	s25 =	simm.s32 $0x1B8E;
	s24 =	sld [smem:$0x3FFE];
	[sflag:s23] =	ssyncadd.s32 $0xFFFFFFFF  }
0xa5: {  	s26 =	simm.s32 $execute0_lowered;
	[smem:$0x3FD2] =	sst s25  }
0xa6: {  	s5 =	sshll.u32 s26, $0x1;
	_ =	strace $0x80000046;
	[dreg:$0x1] =	wrdreg $0xFFFFFFFF  }
0xa7: {  	s28 =	simm.s32 $_size_execute0_lowered;
	s3 =	sadd.s32 s3, s5;
	[dreg:$0x0] =	wrdreg $0x0  }
0xa8: {  	s5 =	sshll.u32 s28, $0x1;
	[dreg:$0x2] =	wrdreg s3  }
0xa9: {  	[dreg:$0x3] =	wrdreg s5  }
0xaa: {  	[dreg:$0x4] =	wrdreg $0xC0  }
0xab: {  	_ =	task [dreg:s7], $0x5FFFF  }
0xac: {  	[dreg:$0x1] =	wrdreg $0xFFFFFFFF  }
0xad: {  	[dreg:$0x0] =	wrdreg $0x60  }
0xae: {  	[dreg:$0x2] =	wrdreg s24  }
0xaf: {  	[dreg:$0x3] =	wrdreg s2  }
0xb0: {  	[dreg:$0x4] =	wrdreg $0x9  }
0xb1: {  	_ =	task.clear_ibuf [dreg:s7], $0x5FFFF;
	_ =	strace $0x90000046  }
0xb2: {  	s29 =	simm.s32 $0x9;
	_ =	strace $0x80000048  }
0xb3: {  	_ =	swait.ge [sflag:s29], $0x1  }
0xb4: {  	[sflag:s29] =	ssyncadd.s32 $0xFFFFFFFF  }
0xb5: {  	_ =	strace $0x90000048  }
0xb6: {  	_ =	sfence  }
0xb7: {  	s30 =	sld [smem:$0x0];
	_ =	sdelay $0x2  }
0xb8: {  	s31 =	sshll.u32 s1, $0xD;
	s1 =	sshrl.u32 s1, $0x2  }
0xb9: {  	s3 =	sand.u32 $0x4000, s31;
	s1 =	sadd.s32 s1, s30  }
0xba: {  	s0 =	sor.u32 s3, s0;
	s1 =	sshll.u32 s1, $0x11  }
0xbb: {  	s0 =	sor.u32 s1, s0  }
0xbc: {  	s0 =	sadd.s32 $0x8F2B, s0  }
0xbd: {  	[sflag:s0] =	ssyncadd.remote.s32 $0x1  }
0xbe: {  	_ =	sfence.sel $0xFFFF  }
0xbf: {  	[dreg:$0x0] =	wrdreg $0xFFFFFFFF;
	(pc) =	sbr.abs _section_cstart, $3  }
0xc0: {  	[dreg:$0x1] =	wrdreg $0xFFFFFFFF  }
0xc1: {  	_ =	task.clear_ibuf [dreg:s7], $0x2FFFF;
	_ =	strace $0x9FFFFFFF  }
0xc2: {  	(tm) =	ssettm $0x7FFFFFFF  }
0xc3: {  	_ =	shalt  }
tec
execute0_lowered:
.L_overlay_start_1:
0x0: {  	(tag) =	ssettag $0x1  }
0x1: {  	s4 =	rddreg [dreg:$0x0]  }
0x2: {  	s11 =	rddreg [dreg:$0x1]  }
0x3: {  	s0 =	rddreg [dreg:$0x2]  }
0x4: {  	s3 =	srdreg.scid;
	s1 =	stileid.u32;
	s2 =	simm.s32 $0x0  }
0x5: {  	s15 =	simm.s32 $0x200;
	s16 =	simm.s32 $0x8200;
	s17 =	simm.s32 $0x1  }
0x6: {  	s18 =	simm.s32 $0x2;
	s19 =	simm.s32 $0x3;
	s13 =	smul.u32 $0x280000, s1  }
0x7: {  	s20 =	simm.s32 $0x4;
	s7 =	sand.u32 $0x1, s3;
	s14 =	smul.u32 $0x5000, s1  }
0x8: {  	s21 =	simm.s32 $0x0;
	s23 =	sshll.u32 s1, $0x1;
	s28 =	smul.u32 $0x140000, s7  }
0x9: {  	[smem:$0x7FF] =	sst s2;
	s5 =	sor.u32 s7, s23;
	s29 =	smul.u32 $0x2800, s7  }
0xa: {  	s3 =	sadd.s32 $0x7A00, s4;
	s9 =	ssub.s32 $0x2, s7;
	s6 =	smul.u32 $0x2800, s5  }
0xb: {  	s10 =	sadd.s32 $0x2FA00, s4;
	s8 =	smul.u32 $0x140000, s5;
	s25 =	sshrl.u32 s9, $0x1  }
0xc: {  	_ =	strace $0x80000047;
	s12 =	smul.u32 $0x28000, s5;
	s26 =	ssub.s32 s9, s25  }
0xd: {  	s9 =	sadd.s32 s28, s13;
	s31 =	sadd.s32 s29, s14;
	s24 =	sshrl.u32 s6, $0x3  }
0xe: {  	s6 =	smax.u32 s26, $0x1;
	s8 =	sshrl.u32 s8, $0x3;
	s30 =	sadd.s32 s10, s12  }
0xf: {  	s9 =	sshrl.u32 s9, $0x3;
	s13 =	sor.u32 $0x300, s31;
	s14 =	sor.u32 $0x200, s31  }
0x10: {  	s12 =	sshll.u32 s31, $0x4;
	s4 =	sadd.s32 s11, s24;
	s8 =	sadd.s32 s10, s8  }
0x11: {  	s9 =	sadd.s32 s9, s10;
	s13 =	sshrl.u32 s13, $0x3;
	s14 =	sshrl.u32 s14, $0x3  }
0x12: {  	s12 =	sadd.s32 s12, s10;
	s5 =	sadd.s32 $0x20, s4;
	s7 =	sadd.s32 $0x26000, s8  }
0x13: {  	s8 =	sadd.s32 $0x27000, s30;
	s10 =	sadd.s32 s13, s11;
	s11 =	sadd.s32 s14, s11  }
0x14: {  	s12 =	sadd.s32 $0x1000, s12;
	s13 =	simm.s32 $0x5;
	s14 =	simm.s32 $0x100  }
.LBB2_1:
0x15: {  	[tilespmem:s2], [sflag:$0x5] =	stream.linear.gather [hbm4b:s4+s2], $0x100, $0x38;
	[tilespmem:$0x10200] =	vst v63  }
0x16: {  	_ =	swait.ge [sflag:s13], $0x100  }
0x17: {  	[sflag:s13] =	ssyncset.done $0x0  }
0x18: {  	[sflag:s13] =	ssyncadd.s32 $0xFFFFFF00  }
0x19: {  	[tilespmem:s15], [sflag:$0x1] =	stream.indirect.gather [hbm4b:s3+s14], $0x80, s2, s14, $0xb8;
	[tilespmem:$0x10200] =	vst v63  }
0x1a: {  	_ = 	snop  }
0x1b: {  	[tilespmem:s14], [sflag:$0x5] =	stream.linear.gather [hbm4b:s5+s2], $0x100, $0x38;
	[tilespmem:$0x10200] =	vst v63  }
0x1c: {  	_ =	swait.ge [sflag:s13], $0x100  }
0x1d: {  	[sflag:s13] =	ssyncset.done $0x0  }
0x1e: {  	[sflag:s13] =	ssyncadd.s32 $0xFFFFFF00  }
0x1f: {  	[tilespmem:s16], [sflag:$0x2] =	stream.indirect.gather [hbm4b:s3+s14], $0x80, s14, s14, $0xb8;
	[tilespmem:$0x10200] =	vst v63  }
0x20: {  	_ =	swait.ge [sflag:s17], $0x8000  }
0x21: {  	[sflag:s17] =	ssyncset.done $0x0  }
0x22: {  	[sflag:s17] =	ssyncadd.s32 $0xFFFF8000  }
0x23: {  	[hbm4b:s9+s2] =	stream.linear.scatter [tilespmem:s15], [sflag:$0x3], $0x8000, $0x38;
	[tilespmem:$0x10200] =	vst v63  }
0x24: {  	_ =	swait.ge [sflag:s18], $0x8000  }
0x25: {  	[sflag:s18] =	ssyncset.done $0x0  }
0x26: {  	[sflag:s18] =	ssyncadd.s32 $0xFFFF8000  }
0x27: {  	[hbm4b:s12+s2] =	stream.linear.scatter [tilespmem:s16], [sflag:$0x4], $0x8000, $0x38;
	[tilespmem:$0x10200] =	vst v63  }
0x28: {  	s22 =	sadd.s32 $0x0, s11  }
0x29: {  	[tilespmem:s2], [sflag:$0x5] =	stream.linear.gather [hbm4b:s22+s2], $0x100, $0x38;
	[tilespmem:$0x10200] =	vst v63  }
0x2a: {  	_ =	swait.ge [sflag:s13], $0x100  }
0x2b: {  	[sflag:s13] =	ssyncset.done $0x0  }
0x2c: {  	[sflag:s13] =	ssyncadd.s32 $0xFFFFFF00  }
0x2d: {  	_ =	swait.ge [sflag:s19], $0x8000  }
0x2e: {  	[sflag:s19] =	ssyncset.done $0x0  }
0x2f: {  	[sflag:s19] =	ssyncadd.s32 $0xFFFF8000  }
0x30: {  	[tilespmem:s15], [sflag:$0x1] =	stream.indirect.gather [hbm4b:s3+s14], $0x80, s2, s14, $0xb8;
	[tilespmem:$0x10200] =	vst v63  }
0x31: {  	s31 =	sadd.s32 $0x0, s10  }
0x32: {  	[tilespmem:s14], [sflag:$0x5] =	stream.linear.gather [hbm4b:s31+s2], $0x100, $0x38;
	[tilespmem:$0x10200] =	vst v63  }
0x33: {  	_ =	swait.ge [sflag:s13], $0x100  }
0x34: {  	[sflag:s13] =	ssyncset.done $0x0  }
0x35: {  	[sflag:s13] =	ssyncadd.s32 $0xFFFFFF00  }
0x36: {  	_ =	swait.ge [sflag:s20], $0x8000  }
0x37: {  	s23 =	sadd.s32 $0x2000, s9;
	[sflag:s20] =	ssyncset.done $0x0  }
0x38: {  	s24 =	sadd.s32 $0x2000, s12;
	s22 =	simm.s32 $0x40;
	[sflag:s20] =	ssyncadd.s32 $0xFFFF8000  }
.LBB2_2:
0x39: {  	[tilespmem:s16], [sflag:$0x2] =	stream.indirect.gather [hbm4b:s3+s14], $0x80, s14, s14, $0xb8;
	[tilespmem:$0x10200] =	vst v63  }
0x3a: {  	s25 =	smov.u32 s22  }
0x3b: {  	p0 =	sne.s32 s22, $0x480;
	s22 =	sadd.s32 $0x40, s22;
	_ =	swait.ge [sflag:s17], $0x8000  }
0x3c: {  	[sflag:s17] =	ssyncset.done $0x0  }
0x3d: {  	[sflag:s17] =	ssyncadd.s32 $0xFFFF8000  }
0x3e: {  	[hbm4b:s23+s2] =	stream.linear.scatter [tilespmem:s15], [sflag:$0x3], $0x8000, $0x38;
	[tilespmem:$0x10200] =	vst v63  }
0x3f: {  	_ =	swait.ge [sflag:s18], $0x8000  }
0x40: {  	[sflag:s18] =	ssyncset.done $0x0  }
0x41: {  	[sflag:s18] =	ssyncadd.s32 $0xFFFF8000  }
0x42: {  	[hbm4b:s24+s2] =	stream.linear.scatter [tilespmem:s16], [sflag:$0x4], $0x8000, $0x38;
	[tilespmem:$0x10200] =	vst v63  }
0x43: {  	s26 =	sadd.s32 s25, s11  }
0x44: {  	[tilespmem:s2], [sflag:$0x5] =	stream.linear.gather [hbm4b:s26+s2], $0x100, $0x38;
	[tilespmem:$0x10200] =	vst v63  }
0x45: {  	_ =	swait.ge [sflag:s13], $0x100  }
0x46: {  	[sflag:s13] =	ssyncset.done $0x0  }
0x47: {  	[sflag:s13] =	ssyncadd.s32 $0xFFFFFF00  }
0x48: {  	_ =	swait.ge [sflag:s19], $0x8000  }
0x49: {  	[sflag:s19] =	ssyncset.done $0x0  }
0x4a: {  	[sflag:s19] =	ssyncadd.s32 $0xFFFF8000  }
0x4b: {  	[tilespmem:s15], [sflag:$0x1] =	stream.indirect.gather [hbm4b:s3+s14], $0x80, s2, s14, $0xb8;
	[tilespmem:$0x10200] =	vst v63  }
0x4c: {  	s25 =	sadd.s32 s25, s10  }
0x4d: {  	[tilespmem:s14], [sflag:$0x5] =	stream.linear.gather [hbm4b:s25+s2], $0x100, $0x38;
	[tilespmem:$0x10200] =	vst v63  }
0x4e: {  	_ =	swait.ge [sflag:s13], $0x100  }
.Ltmp0:
0x4f: {  	[sflag:s13] =	ssyncset.done $0x0;
	(pc) =	sbr.rel @p0 .LBB2_2-.Ltmp0, $4  }
0x50: {  	[sflag:s13] =	ssyncadd.s32 $0xFFFFFF00  }
0x51: {  	_ =	swait.ge [sflag:s20], $0x8000  }
0x52: {  	[sflag:s20] =	ssyncset.done $0x0  }
0x53: {  	s23 =	sadd.s32 $0x2000, s23;
	s24 =	sadd.s32 $0x2000, s24;
	[sflag:s20] =	ssyncadd.s32 $0xFFFF8000  }
0x54: {  	[tilespmem:s16], [sflag:$0x2] =	stream.indirect.gather [hbm4b:s3+s14], $0x80, s14, s14, $0xb8;
	[tilespmem:$0x10200] =	vst v63  }
0x55: {  	_ =	swait.ge [sflag:s17], $0x8000  }
0x56: {  	[sflag:s17] =	ssyncset.done $0x0  }
0x57: {  	[sflag:s17] =	ssyncadd.s32 $0xFFFF8000  }
0x58: {  	[hbm4b:s7+s2] =	stream.linear.scatter [tilespmem:s15], [sflag:$0x3], $0x8000, $0x38;
	[tilespmem:$0x10200] =	vst v63  }
0x59: {  	_ =	swait.ge [sflag:s18], $0x8000  }
0x5a: {  	[sflag:s18] =	ssyncset.done $0x0  }
0x5b: {  	s21 =	sadd.s32 $0x1, s21;
	[sflag:s18] =	ssyncadd.s32 $0xFFFF8000  }
0x5c: {  	[hbm4b:s8+s2] =	stream.linear.scatter [tilespmem:s16], [sflag:$0x4], $0x8000, $0x38;
	[tilespmem:$0x10200] =	vst v63  }
0x5d: {  	p0 =	sne.s32 s21, s6;
	_ =	swait.ge [sflag:s19], $0x8000  }
.Ltmp1:
0x5e: {  	[sflag:s19] =	ssyncset.done $0x0;
	(pc) =	sbr.rel @p0 .LBB2_1-.Ltmp1, $4  }
0x5f: {  	[sflag:s19] =	ssyncadd.s32 $0xFFFF8000  }
0x60: {  	_ =	swait.ge [sflag:s20], $0x8000  }
0x61: {  	[sflag:s20] =	ssyncset.done $0x0  }
0x62: {  	[sflag:s20] =	ssyncadd.s32 $0xFFFF8000  }
0x63: {  	_ =	sfence.sel $0x180000  }
0x64: {  	[bflag:$0x0] =	sbarrier.arrive $0xFFFF  }
0x65: {  	p0 =	sne.s32 s1, $0x0;
	_ =	strace $0x90000047  }
0x66: {  	s0 =	sadd.s32 @!p0 $0x100000, s0;
	[bflag:$0x2] =	sbarrier.arrive $0xFFFF  }
0x67: {  	[sflag:s0] =	ssyncadd.tile.s32 @!p0 $0x1;
	_ =	shalt  }
.Lfunc_end2:
_tile_overlayer_lowered:
.L_overlay_start_2:
0x68: {  	(tag) =	ssettag $0x2  }
0x69: {  	s0 =	rddreg [dreg:$0x0];
	s2 =	stileid.u32  }
0x6a: {  	s1 =	rddreg [dreg:$0x1];
	p0 =	sne.s32 s2, $0x0  }
0x6b: {  	s3 =	rddreg [dreg:$0x2];
	[bflag:$0x3] =	sbarrier.arrive $0xFFFF;
	s2 =	simm.s32 @!p0 $0x1C05  }
0x6c: {  	[timem:s3], [sflag:s2] =	dma.local @!p0 [hbm:s0], s1  }
0x6d: {  	s0 =	simm.s32 @!p0 $0x5  }
0x6e: {  	_ =	swait.ge @!p0 [sflag:s0], s1  }
0x6f: {  	s1 =	ssub.s32 @!p0 $0x0, s1;
	[sflag:s0] =	ssyncset.done @!p0 $0x0  }
0x70: {  	[sflag:s0] =	ssyncadd.s32 @!p0 s1  }
0x71: {  	[bflag:$0x3] =	sbarrier.arrive $0xFFFF  }
0x72: {  	_ =	shalt  }

// kernel: kernel.16.cloned.1.call-start
scs
__scs_entry_jumppad:
0x0: {  	(pc) =	sbr.rel $0x88, $3  }
0x1: {  	(tag) =	ssettag $0x0;
	lr =	simm.s32 $0x1  }
0x2: {  	[smem:$0x3F90] =	sst lr;
	_ =	strace $0xD0000000  }
0x3: {  	_ = 	snop  }
0x4: {  	_ = 	snop  }
0x5: {  	_ = 	snop  }
0x6: {  	_ = 	snop  }
0x7: {  	_ = 	snop  }
__scs_overlays_trampoline_lowered:
0x8: {  	[smem:$0x3F9F] =	sst s0  }
0x9: {  	[smem:$0x3FA0] =	sst s1  }
0xa: {  	[smem:$0x3FA1] =	sst s2  }
0xb: {  	[smem:$0x3FA2] =	sst s3  }
0xc: {  	[smem:$0x3FA3] =	sst s4  }
0xd: {  	[smem:$0x3FA4] =	sst s5  }
0xe: {  	[smem:$0x3FA5] =	sst s6  }
0xf: {  	[smem:$0x3FA6] =	sst s7  }
0x10: {  	[smem:$0x3FA7] =	sst s8  }
0x11: {  	[smem:$0x3FA8] =	sst s9;
	s0 =	simm.s32 @!p0 $0x0  }
0x12: {  	s1 =	sld [smem:$0x3F8E];
	s0 =	simm.s32 @p0 $0x1  }
0x13: {  	[smem:$0x3FA9] =	sst s0;
	s0 =	simm.s32 @!p1 $0x0  }
0x14: {  	s2 =	sld [smem:$0x3F8D];
	s0 =	simm.s32 @p1 $0x1  }
0x15: {  	[smem:$0x3FAA] =	sst s0;
	s0 =	simm.s32 @!p2 $0x0  }
0x16: {  	s3 =	sld [smem:$0x3FDB];
	s0 =	simm.s32 @p2 $0x1  }
0x17: {  	s4 =	simm.s32 $0x1BF5;
	[smem:$0x3FAC] =	sst s0  }
0x18: {  	s0 =	sld [smem:$0x3F8F];
	_ =	swait.ge [sflag:s4], $0x0  }
0x19: {  	s7 =	sld [smem:$0x3F90]  }
0x1a: {  	s8 =	sadd.s32 $0xFFFFE003, lr  }
0x1b: {  	s9 =	sadd.s32 $0xFFFFFEF7, lr;
	s5 =	simm.s32 $0xFFFFFFFF;
	p2 =	slt.u32 s8, $0xFFFFF086  }
0x1c: {  	p1 =	slt.u32 s9, $0xF7A;
	s5 =	simm.s32 @!p2 $0x0  }
0x1d: {  	s5 =	simm.s32 @p1 $0x1;
	p0 =	seq.s32 s7, s2  }
0x1e: {  	s7 =	smul.u32 @!p0 $0xF7A, s2;
	p2 =	seq.s32 @!p0 s5, $0x0  }
0x1f: {  	s9 =	smul.u32 $0xF7A, s1;
	s8 =	simm.s32 @!p0 $0x1BF5;
	p2 =	por !p2, p0  }
0x20: {  	[sflag:s8] =	ssyncset.s32 @!p0 $0xFFFFF086;
	s6 =	sadd.s32 @!p0 s3, s7;
	s7 =	simm.s32 @!p0 $0x108  }
0x21: {  	s3 =	sadd.s32 s3, s9;
	s6 =	sadd.s32 @!p0 $0x88, s6;
	s7 =	simm.s32 @p2 $0x1082  }
0x22: {  	[simem:s7], [sflag:s8] =	dma.local @!p0 [hbm:s6], $0xF7A  }
0x23: {  	s9 =	sor.u32 $0xD0000000, s2;
	s6 =	simm.s32 $0x108;
	_ =	swait.ge @!p0 [sflag:s8], $0x0  }
0x24: {  	s3 =	sadd.s32 $0x88, s3;
	s6 =	simm.s32 @!p1 $0x1082;
	[sflag:s4] =	ssyncset.s32 $0xFFFFF086  }
0x25: {  	[simem:s6], [sflag:s4] =	dma.local [hbm:s3], $0xF7A  }
0x26: {  	[smem:$0x3F90] =	sst s1;
	(tag) =	ssettag s2;
	_ =	strace s9  }
0x27: {  	s1 =	sld [smem:$0x3FA0]  }
0x28: {  	s2 =	sld [smem:$0x3FA1]  }
0x29: {  	s4 =	sld [smem:$0x3FA3]  }
0x2a: {  	p0 =	seq.s32 s5, $0x0;
	s5 =	sld [smem:$0x3FA4]  }
0x2b: {  	s6 =	sld [smem:$0x3FA5]  }
0x2c: {  	s7 =	sld [smem:$0x3FA6]  }
0x2d: {  	s3 =	simm.s32 $0x108;
	s8 =	sld [smem:$0x3FA7]  }
0x2e: {  	s3 =	simm.s32 @!p0 $0x1082;
	s9 =	sld [smem:$0x3FA8]  }
0x2f: {  	lr =	sadd.s32 s0, s3;
	s0 =	sld [smem:$0x3F9F]  }
0x30: {  	s3 =	sld [smem:$0x3FA2]  }
0x31: {  	[smem:$0x3FAB] =	sst s10  }
0x32: {  	s10 =	sld [smem:$0x3FA9];
	_ =	sdelay $0x3  }
0x33: {  	p0 =	seq.s32 s10, $0x1;
	s10 =	sld [smem:$0x3FAB];
	_ =	sdelay $0x3  }
0x34: {  	[smem:$0x3FAB] =	sst s10  }
0x35: {  	s10 =	sld [smem:$0x3FAA];
	_ =	sdelay $0x3  }
0x36: {  	p1 =	seq.s32 s10, $0x1;
	s10 =	sld [smem:$0x3FAB];
	_ =	sdelay $0x3  }
0x37: {  	[smem:$0x3FAB] =	sst s10  }
0x38: {  	s10 =	sld [smem:$0x3FAC]  }
0x39: {  	_ = 	snop;
	(pc) =	sbr.ind lr, $3  }
0x3a: {  	_ = 	snop  }
0x3b: {  	_ = 	snop  }
0x3c: {  	p2 =	seq.s32 s10, $0x1;
	s10 =	sld [smem:$0x3FAB]  }
0x3d: {  	_ =	shalt  }
0x3e: {  	_ =	shalt  }
0x3f: {  	_ =	shalt  }
0x40: {  	_ =	shalt  }
0x41: {  	_ =	shalt  }
0x42: {  	_ =	shalt  }
0x43: {  	_ =	shalt  }
0x44: {  	_ =	shalt  }
0x45: {  	_ =	shalt  }
0x46: {  	_ =	shalt  }
0x47: {  	_ =	shalt  }
0x48: {  	_ =	shalt  }
0x49: {  	_ =	shalt  }
0x4a: {  	_ =	shalt  }
0x4b: {  	_ =	shalt  }
0x4c: {  	_ =	shalt  }
0x4d: {  	_ =	shalt  }
0x4e: {  	_ =	shalt  }
0x4f: {  	_ =	shalt  }
0x50: {  	_ =	shalt  }
0x51: {  	_ =	shalt  }
0x52: {  	_ =	shalt  }
0x53: {  	_ =	shalt  }
0x54: {  	_ =	shalt  }
0x55: {  	_ =	shalt  }
0x56: {  	_ =	shalt  }
0x57: {  	_ =	shalt  }
0x58: {  	_ =	shalt  }
0x59: {  	_ =	shalt  }
0x5a: {  	_ =	shalt  }
0x5b: {  	_ =	shalt  }
0x5c: {  	_ =	shalt  }
0x5d: {  	_ =	shalt  }
0x5e: {  	_ =	shalt  }
0x5f: {  	_ =	shalt  }
0x60: {  	_ =	shalt  }
0x61: {  	_ =	shalt  }
0x62: {  	_ =	shalt  }
0x63: {  	_ =	shalt  }
0x64: {  	_ =	shalt  }
0x65: {  	_ =	shalt  }
0x66: {  	_ =	shalt  }
0x67: {  	_ =	shalt  }
0x68: {  	_ =	shalt  }
0x69: {  	_ =	shalt  }
0x6a: {  	_ =	shalt  }
0x6b: {  	_ =	shalt  }
0x6c: {  	_ =	shalt  }
0x6d: {  	_ =	shalt  }
0x6e: {  	_ =	shalt  }
0x6f: {  	_ =	shalt  }
0x70: {  	_ =	shalt  }
0x71: {  	_ =	shalt  }
0x72: {  	_ =	shalt  }
0x73: {  	_ =	shalt  }
0x74: {  	_ =	shalt  }
0x75: {  	_ =	shalt  }
0x76: {  	_ =	shalt  }
0x77: {  	_ =	shalt  }
0x78: {  	_ =	shalt  }
0x79: {  	_ =	shalt  }
0x7a: {  	_ =	shalt  }
0x7b: {  	_ =	shalt  }
0x7c: {  	_ =	shalt  }
0x7d: {  	_ =	shalt  }
0x7e: {  	_ =	shalt  }
0x7f: {  	_ =	shalt  }
0x80: {  	_ =	shalt  }
0x81: {  	_ =	shalt  }
0x82: {  	_ =	shalt  }
0x83: {  	_ =	shalt  }
0x84: {  	_ =	shalt  }
0x85: {  	_ =	shalt  }
0x86: {  	_ =	shalt  }
0x87: {  	_ =	shalt  }
.Lfunc_end0:
.L_simem_size_0:
called_computation.1_lowered:
.L_overlay_start_0:
0x88: {  	s2 =	sld [smem:$0x3FD9]  }
0x89: {  	s3 =	sld [smem:$0x3FFE];
	_ =	sdelay $0x1  }
0x8a: {  	s1 =	srdreg.scid  }
0x8b: {  	s0 =	sand.u32 $0x1, s1  }
0x8c: {  	s16 =	sshll.u32 s0, $0xA;
	s2 =	sadd.s32 s3, s2  }
0x8d: {  	s2 =	sadd.s32 s2, s16  }
0x8e: {  	[smem:$0x3FB7] =	sst s2  }
0x8f: {  	_ = 	snop  }
0x90: {  	(tm) =	ssettm $0x1  }
0x91: {  	s17 =	sld [smem:$0x3FFB];
	_ =	sdelay $0x3  }
0x92: {  	_ =	strace s17  }
0x93: {  	s2 =	sld [smem:$0x3FFC];
	_ =	sdelay $0x3  }
0x94: {  	_ =	strace s2  }
0x95: {  	s2 =	sld [smem:$0x3FFD];
	_ =	sdelay $0x3  }
0x96: {  	_ =	strace s2  }
0x97: {  	_ =	strace $0x8FFFFFFF  }
0x98: {  	s18 =	sld [smem:$0x3FDB];
	_ =	sdelay $0x1  }
0x99: {  	s19 =	simm.s32 $_scs_section_size  }
0x9a: {  	s4 =	simm.s32 $_size__tile_overlayer_lowered;
	s5 =	simm.s32 $_tile_overlayer_lowered  }
0x9b: {  	s22 =	simm.s32 $0x1BFF;
	s21 =	sshll.u32 s5, $0x1;
	s2 =	sadd.s32 s19, s18  }
0x9c: {  	s6 =	simm.s32 $0x0;
	s20 =	sshll.u32 s4, $0x1;
	s4 =	sadd.s32 s21, s2  }
0x9d: {  	[timem:s6], [sflag:s22] =	dma.local [hbm:s4], s20  }
0x9e: {  	_ =	swait.ge [sflag:s22], s20  }
0x9f: {  	s3 =	ssub.s32 $0x0, s20;
	[sflag:s22] =	ssyncset.done $0x0  }
0xa0: {  	[sflag:s22] =	ssyncadd.s32 s3;
	_ =	sdelay $0x1  }
0xa1: {  	s23 =	simm.s32 $0x1B8B  }
0xa2: {  	_ =	swait.ge [sflag:s23], $0x1  }
0xa3: {  	[sflag:s23] =	ssyncset.done $0x0  }
0xa4: {  	s25 =	simm.s32 $0x1B8E;
	s24 =	sld [smem:$0x3FFE];
	[sflag:s23] =	ssyncadd.s32 $0xFFFFFFFF  }
0xa5: {  	s26 =	simm.s32 $execute0_lowered;
	[smem:$0x3FD2] =	sst s25  }
0xa6: {  	s4 =	sshll.u32 s26, $0x1;
	_ =	strace $0x80000049;
	[dreg:$0x1] =	wrdreg $0xFFFFFFFF  }
0xa7: {  	s28 =	simm.s32 $_size_execute0_lowered;
	s2 =	sadd.s32 s2, s4;
	[dreg:$0x0] =	wrdreg $0x0  }
0xa8: {  	s4 =	sshll.u32 s28, $0x1;
	[dreg:$0x2] =	wrdreg s2  }
0xa9: {  	[dreg:$0x3] =	wrdreg s4  }
0xaa: {  	[dreg:$0x4] =	wrdreg $0xC0  }
0xab: {  	_ =	task [dreg:s6], $0x5FFFF  }
0xac: {  	[dreg:$0x1] =	wrdreg $0xFFFFFFFF  }
0xad: {  	[dreg:$0x0] =	wrdreg $0x60  }
0xae: {  	[dreg:$0x2] =	wrdreg s24  }
0xaf: {  	[dreg:$0x3] =	wrdreg $0x9  }
0xb0: {  	_ =	task.clear_ibuf [dreg:s6], $0x4FFFF;
	_ =	strace $0x90000049  }
0xb1: {  	s29 =	simm.s32 $0x9;
	_ =	strace $0x8000004B  }
0xb2: {  	_ =	swait.ge [sflag:s29], $0x1  }
0xb3: {  	[sflag:s29] =	ssyncadd.s32 $0xFFFFFFFF  }
0xb4: {  	_ =	strace $0x9000004B  }
0xb5: {  	_ =	sfence  }
0xb6: {  	s30 =	sld [smem:$0x0];
	_ =	sdelay $0x2  }
0xb7: {  	s31 =	sshll.u32 s1, $0xD;
	s1 =	sshrl.u32 s1, $0x2  }
0xb8: {  	s3 =	sand.u32 $0x4000, s31;
	s1 =	sadd.s32 s1, s30  }
0xb9: {  	s0 =	sor.u32 s3, s0;
	s1 =	sshll.u32 s1, $0x11  }
0xba: {  	s0 =	sor.u32 s1, s0  }
0xbb: {  	s0 =	sadd.s32 $0x8F2B, s0  }
0xbc: {  	[sflag:s0] =	ssyncadd.remote.s32 $0x1  }
0xbd: {  	_ =	sfence.sel $0xFFFF  }
0xbe: {  	[dreg:$0x0] =	wrdreg $0xFFFFFFFF;
	(pc) =	sbr.abs _section_cstart, $3  }
0xbf: {  	[dreg:$0x1] =	wrdreg $0xFFFFFFFF  }
0xc0: {  	_ =	task.clear_ibuf [dreg:s6], $0x2FFFF;
	_ =	strace $0x9FFFFFFF  }
0xc1: {  	(tm) =	ssettm $0x7FFFFFFF  }
tec
execute0_lowered:
.L_overlay_start_1:
0x0: {  	(tag) =	ssettag $0x1  }
0x1: {  	s0 =	srdreg.scid;
	s2 =	stileid.u32  }
0x2: {  	s1 =	rddreg [dreg:$0x0];
	s8 =	simm.s32 $0x2;
	s10 =	simm.s32 $0x100  }
0x3: {  	s11 =	simm.s32 $0x4810;
	s0 =	sand.u32 $0x1, s0;
	s3 =	sshll.u32 s2, $0x1  }
0x4: {  	s12 =	simm.s32 $0xC830;
	s2 =	simm.s32 $0x0;
	s3 =	sor.u32 s0, s3  }
0x5: {  	s4 =	sadd.s32 $0x2A00, s1;
	s0 =	ssub.s32 $0x2, s0;
	s6 =	smul.u32 $0xA00, s3  }
.Ltmp0:
0x6: {  	s5 =	sadd.s32 $0x52FA00, s1;
	s7 =	sshrl.u32 s0, $0x1;
	(pc) =	sbr.rel .LBB2_1-.Ltmp0, $4  }
0x7: {  	[smem:$0x7FF] =	sst s2;
	s3 =	smul.u32 $0x140, s3;
	s0 =	ssub.s32 s0, s7  }
0x8: {  	_ =	strace $0x8000004A;
	s1 =	sadd.s32 s6, s1;
	s0 =	smax.u32 s0, $0x1  }
0x9: {  	v2 =	vimm.f32 $0.0e+00;
	v3 =	vimm.s32 $0x0;
	s9 =	sadd.s32 $0x140, s3;
	s1 =	sadd.s32 $0x142A00, s1;
	[dreg:$0x3] =	wrdreg s0  }
0xa: {  	v4 =	vlaneseq.u32;
	s14 =	simm.s32 $0x0;
	v0 =	vmov s3;
	v1 =	vmov s9;
	s9 =	simm.s32 $0x1;
	[dreg:$0x2] =	wrdreg s1  }
.LBB2_20:
0xb: {  	s0 =	rddreg [dreg:$0x2];
	s1 =	simm.s32 $0x14830  }
0xc: {  	[hbm4b:s0+s2] =	stream.linear.scatter [tilespmem:s1], [sflag:$0x2], $0x5000, $0x38;
	[tilespmem:$0x19830] =	vst v63  }
0xd: {  	_ =	swait.ge [sflag:s8], $0x5000  }
0xe: {  	s14 =	sadd.s32 $0x1, s14;
	s31 =	rddreg [dreg:$0x3]  }
0xf: {  	p0 =	sne.s32 s14, s31  }
.Ltmp1:
0x10: {  	_ = 	snop;
	(pc) =	sbr.rel @!p0 .LBB2_21-.Ltmp1, $3  }
0x11: {  	_ =	sdelay $0x1  }
0x12: {  	[sflag:s8] =	ssyncset.done $0x0  }
0x13: {  	[sflag:s8] =	ssyncadd.s32 $0xFFFFB000  }
.LBB2_1:
0x14: {  	s0 =	simm.s32 $0x40;
	s1 =	simm.s32 $0x0  }
.LBB2_2:
0x15: {  	p0 =	sne.s32 s0, $0x13FC0;
	[tilespmem:s1+$0x14830] =	vst v2;
	s1 =	smov.u32 s0;
	s0 =	sadd.s32 $0x40, s0  }
.Ltmp2:
0x16: {  	(pc) =	sbr.rel @p0 .LBB2_2-.Ltmp2, $2  }
0x17: {  	_ =	sdelay $0x2  }
0x18: {  	s1 =	sshra.s32 s1, $0x2  }
0x19: {  	[tilespmem:s1+$0x14830] =	vst v2;
	s15 =	simm.s32 $0x0;
	s0 =	simm.s32 $0x40;
	s1 =	simm.s32 $0x0  }
.LBB2_4:
0x1a: {  	p0 =	sne.s32 s0, $0x10000;
	[tilespmem:s1+$0x4810] =	vst v3;
	s1 =	smov.u32 s0;
	s0 =	sadd.s32 $0x40, s0  }
.Ltmp3:
0x1b: {  	(pc) =	sbr.rel @p0 .LBB2_4-.Ltmp3, $2  }
0x1c: {  	_ =	sdelay $0x2  }
0x1d: {  	s1 =	sshra.s32 s1, $0x2  }
.Ltmp4:
0x1e: {  	(pc) =	sbr.rel .LBB2_6-.Ltmp4, $2  }
0x1f: {  	_ =	sdelay $0x2  }
0x20: {  	[tilespmem:s1+$0x4810] =	vst v3;
	s16 =	simm.s32 $0x0  }
.LBB2_19:
0x21: {  	s16 =	sadd.s32 $0x1, s16  }
0x22: {  	p0 =	sne.s32 s16, $0xA  }
.Ltmp5:
0x23: {  	_ = 	snop;
	(pc) =	sbr.rel @!p0 .LBB2_20-.Ltmp5, $2  }
0x24: {  	_ =	sdelay $0x2  }
0x25: {  	s15 =	sadd.s32 $0x4000, s15  }
.LBB2_6:
0x26: {  	s0 =	sshll.u32 s16, $0xB  }
0x27: {  	s0 =	sadd.s32 s5, s0  }
0x28: {  	[tilespmem:s2], [sflag:$0x2] =	stream.linear.gather [hbm4b:s0+s2], $0x4000, $0x38;
	[tilespmem:$0x19830] =	vst v63  }
0x29: {  	_ =	swait.ge [sflag:s8], $0x4000  }
0x2a: {  	[sflag:s8] =	ssyncset.done $0x0  }
0x2b: {  	s31 =	simm.s32 $0x40;
	[sflag:s8] =	ssyncadd.s32 $0xFFFFC000  }
0x2c: {  	v5 =	vld [tilespmem:s31+$0xFFFFFFC0];
	_ =	sdelay $0x4  }
0x2d: {  	vm0 =	vge.s32 v5, v0;
	vm1 =	vlt.s32 v5, v1  }
0x2e: {  	vm0 =	vmand vm0, vm1  }
0x2f: {  	v5 =	vmpcnt.ones.xlane vm0  }
0x30: {  	s17 =	simm.s32 $0x4004  }
0x31: {  	[tilespmem:s17+$0xFFFFFFFC] =	vst.msk $0x1, v5  }
0x32: {  	v5 =	vld [tilespmem:s31+$0xFFFFFFD0];
	_ =	sdelay $0x4  }
0x33: {  	vm14 =	vge.s32 v5, v0;
	vm15 =	vlt.s32 v5, v1  }
0x34: {  	vm0 =	vmand vm14, vm15  }
0x35: {  	v5 =	vmpcnt.ones.xlane vm0;
	_ =	sdelay $0x1  }
0x36: {  	[tilespmem:s17+$0xFFFFFFFD] =	vst.msk $0x1, v5  }
0x37: {  	v5 =	vld [tilespmem:s31+$0xFFFFFFE0];
	_ =	sdelay $0x4  }
0x38: {  	vm4 =	vge.s32 v5, v0;
	vm5 =	vlt.s32 v5, v1  }
0x39: {  	vm0 =	vmand vm4, vm5  }
0x3a: {  	v5 =	vmpcnt.ones.xlane vm0;
	_ =	sdelay $0x1  }
0x3b: {  	[tilespmem:s17+$0xFFFFFFFE] =	vst.msk $0x1, v5  }
0x3c: {  	v5 =	vld [tilespmem:s31+$0xFFFFFFF0];
	_ =	sdelay $0x4  }
0x3d: {  	vm6 =	vge.s32 v5, v0;
	vm7 =	vlt.s32 v5, v1  }
0x3e: {  	vm0 =	vmand vm6, vm7  }
0x3f: {  	v5 =	vmpcnt.ones.xlane vm0;
	_ =	sdelay $0x1  }
0x40: {  	[tilespmem:s17+$0xFFFFFFFF] =	vst.msk $0x1, v5  }
0x41: {  	v5 =	vld [tilespmem:s31+$0x0];
	_ =	sdelay $0x4  }
0x42: {  	vm8 =	vge.s32 v5, v0;
	vm9 =	vlt.s32 v5, v1  }
0x43: {  	vm0 =	vmand vm8, vm9  }
0x44: {  	v5 =	vmpcnt.ones.xlane vm0;
	_ =	sdelay $0x1  }
0x45: {  	[tilespmem:s17+$0x0] =	vst.msk $0x1, v5  }
0x46: {  	v5 =	vld [tilespmem:s31+$0x10];
	_ =	sdelay $0x4  }
0x47: {  	vm10 =	vge.s32 v5, v0;
	vm11 =	vlt.s32 v5, v1  }
0x48: {  	vm0 =	vmand vm10, vm11  }
0x49: {  	v5 =	vmpcnt.ones.xlane vm0;
	_ =	sdelay $0x1  }
0x4a: {  	[tilespmem:s17+$0x1] =	vst.msk $0x1, v5  }
0x4b: {  	v5 =	vld [tilespmem:s31+$0x20];
	_ =	sdelay $0x4  }
0x4c: {  	vm12 =	vge.s32 v5, v0;
	vm13 =	vlt.s32 v5, v1  }
0x4d: {  	vm0 =	vmand vm12, vm13  }
0x4e: {  	v5 =	vmpcnt.ones.xlane vm0;
	_ =	sdelay $0x1  }
0x4f: {  	[tilespmem:s17+$0x2] =	vst.msk $0x1, v5  }
0x50: {  	v5 =	vld [tilespmem:s31+$0x30];
	_ =	sdelay $0x4  }
0x51: {  	vm14 =	vge.s32 v5, v0;
	vm15 =	vlt.s32 v5, v1  }
0x52: {  	vm0 =	vmand vm14, vm15  }
0x53: {  	v5 =	vmpcnt.ones.xlane vm0;
	_ =	sdelay $0x1  }
0x54: {  	s18 =	simm.s32 $0x0;
	s19 =	simm.s32 $0xC0;
	[tilespmem:s17+$0x3] =	vst.msk $0x1, v5  }
.LBB2_7:
0x55: {  	v5 =	vld [tilespmem:s19+$0xFFFFFFC0];
	s18 =	sadd.s32 $0x8, s18  }
0x56: {  	p0 =	slt.u32 s18, $0x3F8;
	_ =	sdelay $0x3  }
0x57: {  	vm0 =	vge.s32 v5, v0;
	vm1 =	vlt.s32 v5, v1  }
0x58: {  	vm0 =	vmand vm0, vm1  }
0x59: {  	v5 =	vmpcnt.ones.xlane vm0  }
0x5a: {  	s17 =	sadd.s32 $0x8, s17  }
0x5b: {  	[tilespmem:s17+$0xFFFFFFFC] =	vst.msk $0x1, v5  }
0x5c: {  	v5 =	vld [tilespmem:s19+$0xFFFFFFD0];
	_ =	sdelay $0x4  }
0x5d: {  	vm0 =	vge.s32 v5, v0;
	vm1 =	vlt.s32 v5, v1  }
0x5e: {  	vm0 =	vmand vm0, vm1  }
0x5f: {  	v5 =	vmpcnt.ones.xlane vm0;
	_ =	sdelay $0x1  }
0x60: {  	[tilespmem:s17+$0xFFFFFFFD] =	vst.msk $0x1, v5  }
0x61: {  	v5 =	vld [tilespmem:s19+$0xFFFFFFE0];
	_ =	sdelay $0x4  }
0x62: {  	vm0 =	vge.s32 v5, v0;
	vm1 =	vlt.s32 v5, v1  }
0x63: {  	vm0 =	vmand vm0, vm1  }
0x64: {  	v5 =	vmpcnt.ones.xlane vm0;
	_ =	sdelay $0x1  }
0x65: {  	[tilespmem:s17+$0xFFFFFFFE] =	vst.msk $0x1, v5  }
0x66: {  	v5 =	vld [tilespmem:s19+$0xFFFFFFF0];
	_ =	sdelay $0x4  }
0x67: {  	vm0 =	vge.s32 v5, v0;
	vm1 =	vlt.s32 v5, v1  }
0x68: {  	vm0 =	vmand vm0, vm1  }
0x69: {  	v5 =	vmpcnt.ones.xlane vm0;
	_ =	sdelay $0x1  }
0x6a: {  	[tilespmem:s17+$0xFFFFFFFF] =	vst.msk $0x1, v5  }
0x6b: {  	v5 =	vld [tilespmem:s19+$0x0];
	_ =	sdelay $0x4  }
0x6c: {  	vm0 =	vge.s32 v5, v0;
	vm1 =	vlt.s32 v5, v1  }
0x6d: {  	vm0 =	vmand vm0, vm1  }
0x6e: {  	v5 =	vmpcnt.ones.xlane vm0;
	_ =	sdelay $0x1  }
0x6f: {  	[tilespmem:s17+$0x0] =	vst.msk $0x1, v5  }
0x70: {  	v5 =	vld [tilespmem:s19+$0x10];
	_ =	sdelay $0x4  }
0x71: {  	vm0 =	vge.s32 v5, v0;
	vm1 =	vlt.s32 v5, v1  }
0x72: {  	vm0 =	vmand vm0, vm1  }
0x73: {  	v5 =	vmpcnt.ones.xlane vm0;
	_ =	sdelay $0x1  }
0x74: {  	[tilespmem:s17+$0x1] =	vst.msk $0x1, v5  }
0x75: {  	v5 =	vld [tilespmem:s19+$0x20];
	_ =	sdelay $0x4  }
0x76: {  	vm0 =	vge.s32 v5, v0;
	vm1 =	vlt.s32 v5, v1  }
0x77: {  	vm0 =	vmand vm0, vm1  }
0x78: {  	v5 =	vmpcnt.ones.xlane vm0;
	_ =	sdelay $0x1  }
0x79: {  	[tilespmem:s17+$0x2] =	vst.msk $0x1, v5  }
0x7a: {  	v5 =	vld [tilespmem:s19+$0x30];
	_ =	sdelay $0x4  }
.Ltmp6:
0x7b: {  	vm0 =	vge.s32 v5, v0;
	vm1 =	vlt.s32 v5, v1;
	(pc) =	sbr.rel @p0 .LBB2_7-.Ltmp6, $3  }
0x7c: {  	vm0 =	vmand vm0, vm1  }
0x7d: {  	v5 =	vmpcnt.ones.xlane vm0;
	_ =	sdelay $0x1  }
0x7e: {  	s20 =	simm.s32 $0x0;
	s19 =	sadd.s32 $0x80, s19;
	[tilespmem:s17+$0x3] =	vst.msk $0x1, v5  }
0x7f: {  	s13 =	simm.s32 $0x0  }
0x80: {  	s0 =	simm.s32 $0x10;
	v7 =	vld [tilespmem:s13+$0x4000]  }
0x81: {  	v5 =	vld [tilespmem:s0+$0x4000];
	_ =	sdelay $0x3  }
0x82: {  	(xrf0) =	vadd.scan.msk.s32 $0xffff, v7  }
0x83: {  	(xrf0) =	vadd.scan.msk.s32 $0xffff, v5;
	_ =	sdelay $0x4  }
0x84: {  	s1 =	simm.s32 $0x20;
	v10, _, _ =	vpop (xrf0)  }
0x85: {  	v8 =	vld [tilespmem:s1+$0x4000];
	(v2sf) =	vpush v10, $0xF;
	v9, _, _ =	vpop (xrf0)  }
0x86: {  	(v2sf) =	vpush v9, $0xF;
	_ =	sdelay $0x3  }
0x87: {  	s18 =	simm.s32 $0x30;
	(xrf0) =	vadd.scan.msk.s32 $0xffff, v8  }
0x88: {  	v6 =	vld [tilespmem:s18+$0x4000];
	_ =	sdelay $0x3  }
0x89: {  	s17 =	simm.s32 $0x100  }
.LBB2_9:
0x8a: {  	s19 =	sshra.s32 s17, $0x2;
	p0 =	sne.s32 s17, $0xFC0;
	s17 =	sadd.s32 $0x40, s17;
	(xrf0) =	vadd.scan.msk.s32 $0xffff, v6;
	v11, _, _ =	vpop (xrf0);
	v12 =	vsub.s32 s20, v7;
	v7 =	vmov v5;
	v5 =	vmov v8  }
.Ltmp7:
0x8b: {  	v8 =	vmovc v6;
	(v2sf) =	vpush v11, $0xF;
	v12 =	vadd.s32 v10, v12;
	v10 =	vmovc v9;
	v9 =	vmov v11;
	v6 =	vld [tilespmem:s19+$0x4000];
	(pc) =	sbr.rel @p0 .LBB2_9-.Ltmp7, $4  }
0x8c: {  	[tilespmem:s13+$0x4410] =	vst v12;
	s13 =	smov.u32 s0;
	s0 =	smov.u32 s1;
	s1 =	smov.u32 s18  }
0x8d: {  	s18 =	smov.u32 s19  }
0x8e: {  	s19 =	spop (v2sf)  }
0x8f: {  	s20 =	sadd.s32 s20, s19  }
0x90: {  	v11, _, _ =	vpop (xrf0)  }
0x91: {  	(v2sf) =	vpush v11, $0xF;
	_ =	sdelay $0xa  }
0x92: {  	(xrf0) =	vadd.scan.msk.s32 $0xffff, v6;
	_ =	sdelay $0x1  }
0x93: {  	s17 =	spop (v2sf)  }
0x94: {  	v7 =	vsub.s32 s20, v7;
	s17 =	sadd.s32 s20, s17;
	s19 =	spop (v2sf)  }
0x95: {  	v7 =	vadd.s32 v10, v7;
	v5 =	vsub.s32 s17, v5;
	s17 =	sadd.s32 s17, s19;
	s26 =	spop (v2sf)  }
0x96: {  	[tilespmem:s13+$0x4410] =	vst v7;
	v5 =	vadd.s32 v9, v5;
	v7 =	vsub.s32 s17, v8;
	s17 =	sadd.s32 s17, s26  }
0x97: {  	[tilespmem:s0+$0x4410] =	vst v5;
	v63, _, _ =	vpop (xrf0);
	v5 =	vadd.s32 v11, v7;
	v6 =	vsub.s32 s17, v6  }
0x98: {  	[tilespmem:s1+$0x4410] =	vst v5;
	v5 =	vadd.s32 v63, v6  }
0x99: {  	[tilespmem:s18+$0x4410] =	vst v5;
	s18 =	simm.s32 $0x4410  }
0x9a: {  	v5 =	vld [tilespmem:s18+$0x0];
	_ =	sdelay $0x3  }
0x9b: {  	(v2sf) =	vpush v63, $0xF  }
0x9c: {  	(v2sf) =	vpush v5, $0x0;
	_ =	sdelay $0x7  }
0x9d: {  	s19 =	simm.s32 $0x80  }
0x9e: {  	v6 =	vld [tilespmem:s19+$0xFFFFFF80];
	(v2sf) =	vpush v5, $0x1;
	_ =	sdelay $0x4  }
0x9f: {  	s21 =	sadd.s32 $0x0, s15;
	s20 =	spop (v2sf);
	vm0 =	vge.s32 v6, v0;
	vm1 =	vlt.s32 v6, v1  }
0xa0: {  	v7 =	vor.u32 s21, v4;
	vm0 =	vmand vm0, vm1;
	s28 =	spop (v2sf)  }
0xa1: {  	[tilespmem:s28+$0x4810] =	vst.msk vm0, v7  }
0xa2: {  	[tilespmem:s28+$0x8820] =	vst.msk vm0, v6  }
0xa3: {  	(v2sf) =	vpush v5, $0x2;
	v6 =	vld [tilespmem:s19+$0xFFFFFF90];
	_ =	sdelay $0x4  }
0xa4: {  	s29 =	sadd.s32 $0x10, s21;
	vm0 =	vge.s32 v6, v0;
	vm1 =	vlt.s32 v6, v1  }
0xa5: {  	v7 =	vor.u32 s29, v4;
	s30 =	spop (v2sf);
	vm0 =	vmand vm0, vm1  }
0xa6: {  	[tilespmem:s30+$0x4810] =	vst.msk vm0, v7  }
0xa7: {  	[tilespmem:s30+$0x8820] =	vst.msk vm0, v6  }
0xa8: {  	(v2sf) =	vpush v5, $0x3;
	v6 =	vld [tilespmem:s19+$0xFFFFFFA0];
	_ =	sdelay $0x4  }
0xa9: {  	s31 =	sadd.s32 $0x20, s21;
	vm0 =	vge.s32 v6, v0;
	vm1 =	vlt.s32 v6, v1  }
0xaa: {  	s1 =	spop (v2sf);
	v7 =	vor.u32 s31, v4;
	vm0 =	vmand vm0, vm1  }
0xab: {  	[tilespmem:s1+$0x4810] =	vst.msk vm0, v7  }
0xac: {  	[tilespmem:s1+$0x8820] =	vst.msk vm0, v6  }
0xad: {  	(v2sf) =	vpush v5, $0x4;
	v6 =	vld [tilespmem:s19+$0xFFFFFFB0];
	_ =	sdelay $0x4  }
0xae: {  	s6 =	sadd.s32 $0x30, s21;
	vm0 =	vge.s32 v6, v0;
	vm1 =	vlt.s32 v6, v1  }
0xaf: {  	s7 =	spop (v2sf);
	v7 =	vor.u32 s6, v4;
	vm0 =	vmand vm0, vm1  }
0xb0: {  	[tilespmem:s7+$0x4810] =	vst.msk vm0, v7  }
0xb1: {  	[tilespmem:s7+$0x8820] =	vst.msk vm0, v6  }
0xb2: {  	(v2sf) =	vpush v5, $0x5;
	v6 =	vld [tilespmem:s19+$0xFFFFFFC0];
	_ =	sdelay $0x4  }
0xb3: {  	s13 =	sadd.s32 $0x40, s21;
	vm0 =	vge.s32 v6, v0;
	vm1 =	vlt.s32 v6, v1  }
0xb4: {  	s22 =	spop (v2sf);
	v7 =	vor.u32 s13, v4;
	vm0 =	vmand vm0, vm1  }
0xb5: {  	[tilespmem:s22+$0x4810] =	vst.msk vm0, v7  }
0xb6: {  	[tilespmem:s22+$0x8820] =	vst.msk vm0, v6  }
0xb7: {  	(v2sf) =	vpush v5, $0x6;
	v6 =	vld [tilespmem:s19+$0xFFFFFFD0];
	_ =	sdelay $0x4  }
0xb8: {  	s23 =	sadd.s32 $0x50, s21;
	vm0 =	vge.s32 v6, v0;
	vm1 =	vlt.s32 v6, v1  }
0xb9: {  	s24 =	spop (v2sf);
	v7 =	vor.u32 s23, v4;
	vm0 =	vmand vm0, vm1  }
0xba: {  	[tilespmem:s24+$0x4810] =	vst.msk vm0, v7  }
0xbb: {  	[tilespmem:s24+$0x8820] =	vst.msk vm0, v6  }
0xbc: {  	(v2sf) =	vpush v5, $0x7;
	v6 =	vld [tilespmem:s19+$0xFFFFFFE0];
	_ =	sdelay $0x4  }
0xbd: {  	s25 =	sadd.s32 $0x60, s21;
	vm0 =	vge.s32 v6, v0;
	vm1 =	vlt.s32 v6, v1  }
0xbe: {  	s26 =	spop (v2sf);
	v7 =	vor.u32 s25, v4;
	vm0 =	vmand vm0, vm1  }
0xbf: {  	[tilespmem:s26+$0x4810] =	vst.msk vm0, v7  }
0xc0: {  	[tilespmem:s26+$0x8820] =	vst.msk vm0, v6  }
0xc1: {  	(v2sf) =	vpush v5, $0x8;
	v6 =	vld [tilespmem:s19+$0xFFFFFFF0];
	_ =	sdelay $0x4  }
0xc2: {  	s28 =	sadd.s32 $0x70, s21;
	vm0 =	vge.s32 v6, v0;
	vm1 =	vlt.s32 v6, v1  }
0xc3: {  	s29 =	spop (v2sf);
	v7 =	vor.u32 s28, v4;
	vm0 =	vmand vm0, vm1  }
0xc4: {  	[tilespmem:s29+$0x4810] =	vst.msk vm0, v7  }
0xc5: {  	[tilespmem:s29+$0x8820] =	vst.msk vm0, v6  }
0xc6: {  	(v2sf) =	vpush v5, $0x9;
	v6 =	vld [tilespmem:s19+$0x0];
	_ =	sdelay $0x4  }
0xc7: {  	s30 =	sadd.s32 $0x80, s21;
	vm0 =	vge.s32 v6, v0;
	vm1 =	vlt.s32 v6, v1  }
0xc8: {  	s31 =	spop (v2sf);
	v7 =	vor.u32 s30, v4;
	vm0 =	vmand vm0, vm1  }
0xc9: {  	[tilespmem:s31+$0x4810] =	vst.msk vm0, v7  }
0xca: {  	[tilespmem:s31+$0x8820] =	vst.msk vm0, v6  }
0xcb: {  	(v2sf) =	vpush v5, $0xA;
	v6 =	vld [tilespmem:s19+$0x10];
	_ =	sdelay $0x4  }
0xcc: {  	s1 =	sadd.s32 $0x90, s21;
	vm0 =	vge.s32 v6, v0;
	vm1 =	vlt.s32 v6, v1  }
0xcd: {  	s6 =	spop (v2sf);
	v7 =	vor.u32 s1, v4;
	vm0 =	vmand vm0, vm1  }
0xce: {  	[tilespmem:s6+$0x4810] =	vst.msk vm0, v7  }
0xcf: {  	[tilespmem:s6+$0x8820] =	vst.msk vm0, v6  }
0xd0: {  	(v2sf) =	vpush v5, $0xB;
	v6 =	vld [tilespmem:s19+$0x20];
	_ =	sdelay $0x4  }
0xd1: {  	s7 =	sadd.s32 $0xA0, s21;
	vm0 =	vge.s32 v6, v0;
	vm1 =	vlt.s32 v6, v1  }
0xd2: {  	s13 =	spop (v2sf);
	v7 =	vor.u32 s7, v4;
	vm0 =	vmand vm0, vm1  }
0xd3: {  	[tilespmem:s13+$0x4810] =	vst.msk vm0, v7  }
0xd4: {  	[tilespmem:s13+$0x8820] =	vst.msk vm0, v6  }
0xd5: {  	(v2sf) =	vpush v5, $0xC;
	v6 =	vld [tilespmem:s19+$0x30];
	_ =	sdelay $0x4  }
0xd6: {  	s22 =	sadd.s32 $0xB0, s21;
	vm0 =	vge.s32 v6, v0;
	vm1 =	vlt.s32 v6, v1  }
0xd7: {  	s23 =	spop (v2sf);
	v7 =	vor.u32 s22, v4;
	vm0 =	vmand vm0, vm1  }
0xd8: {  	[tilespmem:s23+$0x4810] =	vst.msk vm0, v7  }
0xd9: {  	[tilespmem:s23+$0x8820] =	vst.msk vm0, v6  }
0xda: {  	(v2sf) =	vpush v5, $0xD;
	v6 =	vld [tilespmem:s19+$0x40];
	_ =	sdelay $0x4  }
0xdb: {  	s24 =	sadd.s32 $0xC0, s21;
	vm0 =	vge.s32 v6, v0;
	vm1 =	vlt.s32 v6, v1  }
0xdc: {  	s25 =	spop (v2sf);
	v7 =	vor.u32 s24, v4;
	vm0 =	vmand vm0, vm1  }
0xdd: {  	[tilespmem:s25+$0x4810] =	vst.msk vm0, v7  }
0xde: {  	[tilespmem:s25+$0x8820] =	vst.msk vm0, v6  }
0xdf: {  	(v2sf) =	vpush v5, $0xE;
	v6 =	vld [tilespmem:s19+$0x50];
	_ =	sdelay $0x4  }
0xe0: {  	s26 =	sadd.s32 $0xD0, s21;
	vm0 =	vge.s32 v6, v0;
	vm1 =	vlt.s32 v6, v1  }
0xe1: {  	s28 =	spop (v2sf);
	v7 =	vor.u32 s26, v4;
	vm0 =	vmand vm0, vm1  }
0xe2: {  	[tilespmem:s28+$0x4810] =	vst.msk vm0, v7  }
0xe3: {  	[tilespmem:s28+$0x8820] =	vst.msk vm0, v6  }
0xe4: {  	(v2sf) =	vpush v5, $0xF;
	v6 =	vld [tilespmem:s19+$0x60];
	_ =	sdelay $0x4  }
0xe5: {  	s29 =	sadd.s32 $0xE0, s21;
	vm0 =	vge.s32 v6, v0;
	vm1 =	vlt.s32 v6, v1  }
0xe6: {  	v5 =	vor.u32 s29, v4;
	s30 =	spop (v2sf);
	vm0 =	vmand vm0, vm1  }
0xe7: {  	[tilespmem:s30+$0x4810] =	vst.msk vm0, v5  }
0xe8: {  	[tilespmem:s30+$0x8820] =	vst.msk vm0, v6  }
0xe9: {  	v5 =	vld [tilespmem:s19+$0x70];
	_ =	sdelay $0x4  }
0xea: {  	s31 =	sadd.s32 $0xF0, s21;
	vm0 =	vge.s32 v5, v0;
	vm1 =	vlt.s32 v5, v1  }
0xeb: {  	s0 =	spop (v2sf);
	v6 =	vor.u32 s31, v4;
	vm0 =	vmand vm0, vm1  }
0xec: {  	s17 =	sadd.s32 s17, s20;
	s20 =	simm.s32 $0x100;
	[tilespmem:s0+$0x4810] =	vst.msk vm0, v6  }
.LBB2_11:
0xed: {  	p0 =	sne.s32 s20, $0x3F00;
	[tilespmem:s0+$0x8820] =	vst.msk vm0, v5;
	s18 =	sadd.s32 $0x10, s18;
	s19 =	sadd.s32 $0x100, s19  }
0xee: {  	s0 =	smov.u32 s20;
	s20 =	sadd.s32 $0x100, s20;
	v5 =	vld [tilespmem:s18+$0x0];
	_ =	sdelay $0x4  }
0xef: {  	(v2sf) =	vpush v5, $0x0;
	_ =	sdelay $0x8  }
0xf0: {  	v6 =	vld [tilespmem:s19+$0xFFFFFF80];
	(v2sf) =	vpush v5, $0x1;
	_ =	sdelay $0x4  }
0xf1: {  	s21 =	sadd.s32 s0, s15;
	vm0 =	vge.s32 v6, v0;
	vm1 =	vlt.s32 v6, v1  }
0xf2: {  	v7 =	vor.u32 s21, v4;
	s6 =	sadd.s32 $0x10, s21;
	s7 =	sadd.s32 $0x20, s21;
	vm0 =	vmand vm0, vm1;
	s22 =	spop (v2sf)  }
0xf3: {  	s13 =	sadd.s32 $0x30, s21;
	s0 =	sadd.s32 $0x40, s21;
	s1 =	sadd.s32 $0x50, s21;
	[tilespmem:s22+$0x4810] =	vst.msk vm0, v7  }
0xf4: {  	s31 =	sadd.s32 $0x60, s21;
	s30 =	sadd.s32 $0x70, s21;
	s29 =	sadd.s32 $0x80, s21;
	[tilespmem:s22+$0x8820] =	vst.msk vm0, v6  }
0xf5: {  	s28 =	sadd.s32 $0x90, s21;
	s26 =	sadd.s32 $0xA0, s21;
	s25 =	sadd.s32 $0xB0, s21;
	v6 =	vld [tilespmem:s19+$0xFFFFFF90];
	(v2sf) =	vpush v5, $0x2  }
0xf6: {  	s24 =	sadd.s32 $0xC0, s21;
	s23 =	sadd.s32 $0xD0, s21;
	s22 =	sadd.s32 $0xE0, s21  }
0xf7: {  	s21 =	sadd.s32 $0xF0, s21;
	_ =	sdelay $0x2  }
0xf8: {  	vm0 =	vge.s32 v6, v0;
	vm1 =	vlt.s32 v6, v1  }
0xf9: {  	v7 =	vor.u32 s6, v4;
	vm0 =	vmand vm0, vm1;
	s6 =	spop (v2sf)  }
0xfa: {  	[tilespmem:s6+$0x4810] =	vst.msk vm0, v7  }
0xfb: {  	[tilespmem:s6+$0x8820] =	vst.msk vm0, v6  }
0xfc: {  	v6 =	vld [tilespmem:s19+$0xFFFFFFA0];
	(v2sf) =	vpush v5, $0x3;
	_ =	sdelay $0x4  }
0xfd: {  	vm0 =	vge.s32 v6, v0;
	vm1 =	vlt.s32 v6, v1  }
0xfe: {  	v7 =	vor.u32 s7, v4;
	vm0 =	vmand vm0, vm1;
	s6 =	spop (v2sf)  }
0xff: {  	[tilespmem:s6+$0x4810] =	vst.msk vm0, v7  }
0x100: {  	[tilespmem:s6+$0x8820] =	vst.msk vm0, v6  }
0x101: {  	v6 =	vld [tilespmem:s19+$0xFFFFFFB0];
	(v2sf) =	vpush v5, $0x4;
	_ =	sdelay $0x4  }
0x102: {  	vm0 =	vge.s32 v6, v0;
	vm1 =	vlt.s32 v6, v1  }
0x103: {  	v7 =	vor.u32 s13, v4;
	vm0 =	vmand vm0, vm1;
	s6 =	spop (v2sf)  }
0x104: {  	[tilespmem:s6+$0x4810] =	vst.msk vm0, v7  }
0x105: {  	[tilespmem:s6+$0x8820] =	vst.msk vm0, v6  }
0x106: {  	v6 =	vld [tilespmem:s19+$0xFFFFFFC0];
	(v2sf) =	vpush v5, $0x5;
	_ =	sdelay $0x4  }
0x107: {  	vm0 =	vge.s32 v6, v0;
	vm1 =	vlt.s32 v6, v1  }
0x108: {  	v7 =	vor.u32 s0, v4;
	vm0 =	vmand vm0, vm1;
	s0 =	spop (v2sf)  }
0x109: {  	[tilespmem:s0+$0x4810] =	vst.msk vm0, v7  }
0x10a: {  	[tilespmem:s0+$0x8820] =	vst.msk vm0, v6  }
0x10b: {  	v6 =	vld [tilespmem:s19+$0xFFFFFFD0];
	(v2sf) =	vpush v5, $0x6;
	_ =	sdelay $0x4  }
0x10c: {  	vm0 =	vge.s32 v6, v0;
	vm1 =	vlt.s32 v6, v1  }
0x10d: {  	v7 =	vor.u32 s1, v4;
	vm0 =	vmand vm0, vm1;
	s0 =	spop (v2sf)  }
0x10e: {  	[tilespmem:s0+$0x4810] =	vst.msk vm0, v7  }
0x10f: {  	[tilespmem:s0+$0x8820] =	vst.msk vm0, v6  }
0x110: {  	v6 =	vld [tilespmem:s19+$0xFFFFFFE0];
	(v2sf) =	vpush v5, $0x7;
	_ =	sdelay $0x4  }
0x111: {  	vm0 =	vge.s32 v6, v0;
	vm1 =	vlt.s32 v6, v1  }
0x112: {  	v7 =	vor.u32 s31, v4;
	vm0 =	vmand vm0, vm1;
	s0 =	spop (v2sf)  }
0x113: {  	[tilespmem:s0+$0x4810] =	vst.msk vm0, v7  }
0x114: {  	[tilespmem:s0+$0x8820] =	vst.msk vm0, v6  }
0x115: {  	v6 =	vld [tilespmem:s19+$0xFFFFFFF0];
	(v2sf) =	vpush v5, $0x8;
	_ =	sdelay $0x4  }
0x116: {  	vm0 =	vge.s32 v6, v0;
	vm1 =	vlt.s32 v6, v1  }
0x117: {  	v7 =	vor.u32 s30, v4;
	vm0 =	vmand vm0, vm1;
	s0 =	spop (v2sf)  }
0x118: {  	[tilespmem:s0+$0x4810] =	vst.msk vm0, v7  }
0x119: {  	[tilespmem:s0+$0x8820] =	vst.msk vm0, v6  }
0x11a: {  	v6 =	vld [tilespmem:s19+$0x0];
	(v2sf) =	vpush v5, $0x9;
	_ =	sdelay $0x4  }
0x11b: {  	vm0 =	vge.s32 v6, v0;
	vm1 =	vlt.s32 v6, v1  }
0x11c: {  	v7 =	vor.u32 s29, v4;
	vm0 =	vmand vm0, vm1;
	s0 =	spop (v2sf)  }
0x11d: {  	[tilespmem:s0+$0x4810] =	vst.msk vm0, v7  }
0x11e: {  	[tilespmem:s0+$0x8820] =	vst.msk vm0, v6  }
0x11f: {  	v6 =	vld [tilespmem:s19+$0x10];
	(v2sf) =	vpush v5, $0xA;
	_ =	sdelay $0x4  }
0x120: {  	vm0 =	vge.s32 v6, v0;
	vm1 =	vlt.s32 v6, v1  }
0x121: {  	v7 =	vor.u32 s28, v4;
	vm0 =	vmand vm0, vm1;
	s0 =	spop (v2sf)  }
0x122: {  	[tilespmem:s0+$0x4810] =	vst.msk vm0, v7  }
0x123: {  	[tilespmem:s0+$0x8820] =	vst.msk vm0, v6  }
0x124: {  	v6 =	vld [tilespmem:s19+$0x20];
	(v2sf) =	vpush v5, $0xB;
	_ =	sdelay $0x4  }
0x125: {  	vm0 =	vge.s32 v6, v0;
	vm1 =	vlt.s32 v6, v1  }
0x126: {  	v7 =	vor.u32 s26, v4;
	vm0 =	vmand vm0, vm1;
	s0 =	spop (v2sf)  }
0x127: {  	[tilespmem:s0+$0x4810] =	vst.msk vm0, v7  }
0x128: {  	[tilespmem:s0+$0x8820] =	vst.msk vm0, v6  }
0x129: {  	v6 =	vld [tilespmem:s19+$0x30];
	(v2sf) =	vpush v5, $0xC;
	_ =	sdelay $0x4  }
0x12a: {  	vm0 =	vge.s32 v6, v0;
	vm1 =	vlt.s32 v6, v1  }
0x12b: {  	v7 =	vor.u32 s25, v4;
	vm0 =	vmand vm0, vm1;
	s0 =	spop (v2sf)  }
0x12c: {  	[tilespmem:s0+$0x4810] =	vst.msk vm0, v7  }
0x12d: {  	[tilespmem:s0+$0x8820] =	vst.msk vm0, v6  }
0x12e: {  	v6 =	vld [tilespmem:s19+$0x40];
	(v2sf) =	vpush v5, $0xD;
	_ =	sdelay $0x4  }
0x12f: {  	vm0 =	vge.s32 v6, v0;
	vm1 =	vlt.s32 v6, v1  }
0x130: {  	v7 =	vor.u32 s24, v4;
	vm0 =	vmand vm0, vm1;
	s0 =	spop (v2sf)  }
0x131: {  	[tilespmem:s0+$0x4810] =	vst.msk vm0, v7  }
0x132: {  	[tilespmem:s0+$0x8820] =	vst.msk vm0, v6  }
0x133: {  	v6 =	vld [tilespmem:s19+$0x50];
	(v2sf) =	vpush v5, $0xE;
	_ =	sdelay $0x4  }
0x134: {  	vm0 =	vge.s32 v6, v0;
	vm1 =	vlt.s32 v6, v1  }
0x135: {  	v7 =	vor.u32 s23, v4;
	vm0 =	vmand vm0, vm1;
	s0 =	spop (v2sf)  }
0x136: {  	[tilespmem:s0+$0x4810] =	vst.msk vm0, v7  }
0x137: {  	[tilespmem:s0+$0x8820] =	vst.msk vm0, v6  }
0x138: {  	v6 =	vld [tilespmem:s19+$0x60];
	(v2sf) =	vpush v5, $0xF;
	_ =	sdelay $0x4  }
0x139: {  	vm0 =	vge.s32 v6, v0;
	vm1 =	vlt.s32 v6, v1  }
0x13a: {  	v5 =	vor.u32 s22, v4;
	vm0 =	vmand vm0, vm1;
	s0 =	spop (v2sf)  }
0x13b: {  	[tilespmem:s0+$0x4810] =	vst.msk vm0, v5  }
0x13c: {  	[tilespmem:s0+$0x8820] =	vst.msk vm0, v6  }
0x13d: {  	v5 =	vld [tilespmem:s19+$0x70];
	_ =	sdelay $0x2  }
.Ltmp8:
0x13e: {  	(pc) =	sbr.rel @p0 .LBB2_11-.Ltmp8, $4  }
0x13f: {  	_ = 	snop  }
0x140: {  	vm0 =	vge.s32 v5, v0;
	vm1 =	vlt.s32 v5, v1  }
0x141: {  	v6 =	vor.u32 s21, v4;
	vm0 =	vmand vm0, vm1;
	s0 =	spop (v2sf)  }
0x142: {  	[tilespmem:s0+$0x4810] =	vst.msk vm0, v6  }
0x143: {  	s1 =	sadd.s32 $0xFF, s17  }
0x144: {  	s6 =	sand.u32 $0xFF, s1  }
0x145: {  	s7 =	sshra.s32 s1, $0x1F;
	p0 =	slt.s32 s1, $0x1;
	p1 =	sne.s32 s6, $0x0  }
0x146: {  	s31 =	sshrl.u32 s7, $0x18;
	p0 =	por !p0, !p1  }
0x147: {  	s6 =	simm.s32 $0x1;
	s1 =	sadd.s32 s31, s1;
	p0 =	por !p0, !p0  }
0x148: {  	s1 =	sshra.s32 s1, $0x8;
	s6 =	simm.s32 @!p0 $0x0  }
0x149: {  	s18 =	ssub.s32 s1, s6  }
0x14a: {  	p0 =	slt.s32 s18, $0x1  }
.Ltmp9:
0x14b: {  	_ = 	snop;
	(pc) =	sbr.rel @p0 .LBB2_19-.Ltmp9, $2  }
0x14c: {  	_ =	sdelay $0x2  }
0x14d: {  	[tilespmem:s0+$0x8820] =	vst.msk vm0, v5  }
.Ltmp10:
0x14e: {  	(pc) =	sbr.rel .LBB2_15-.Ltmp10, $4  }
0x14f: {  	_ = 	snop  }
0x150: {  	[tilespmem:s12], [sflag:$0x1] =	stream.indirect.gather [hbm4b:s4+s10], $0x40, s11, s10, $0xb8;
	[tilespmem:$0x19830] =	vst v63  }
0x151: {  	s19 =	simm.s32 $0x0  }
0x152: {  	s20 =	simm.s32 $0x8820;
	p0 =	por $0x0, $0x0;
	s21 =	smov.u32 s17  }
.LBB2_18:
0x153: {  	[tilespmem:s0+$0x14860] =	vst v5  }
.LBB2_14:
0x154: {  	p1 =	seq.s32 s19, s18  }
.Ltmp11:
0x155: {  	_ = 	snop;
	(pc) =	sbr.rel @p1 .LBB2_19-.Ltmp11, $2  }
0x156: {  	_ =	sdelay $0x2  }
0x157: {  	s21 =	sadd.s32 $0xFFFFFF00, s21;
	s20 =	sadd.s32 $0x100, s20;
	p0 =	por !p0, !p0  }
.LBB2_15:
0x158: {  	s0 =	sand.u32 $0x1, s19;
	s1 =	sshll.u32 s19, $0x8;
	s19 =	sadd.s32 $0x1, s19  }
0x159: {  	_ =	swait.ge [sflag:s9], $0x4000;
	p1 =	sge.s32 s19, s18  }
0x15a: {  	[sflag:s9] =	ssyncset.done $0x0;
	s0 =	sshll.u32 @!p1 s0, $0xE  }
0x15b: {  	s31 =	ssub.s32 s17, s1;
	[sflag:s9] =	ssyncadd.s32 $0xFFFFC000;
	s0 =	sxor.u32 @!p1 $0x4000, s0  }
0x15c: {  	s6 =	sadd.s32 @!p1 $0x4910, s1;
	s7 =	simm.s32 @!p1 $0x100;
	s0 =	sadd.s32 @!p1 $0xC830, s0  }
0x15d: {  	[tilespmem:s0], [sflag:$0x1] =	stream.indirect.gather @!p1 [hbm4b:s4+s7], $0x40, s6, s7, $0xb8;
	[tilespmem:$0x19830] =	vst v63  }
0x15e: {  	p1 =	slt.s32 s31, $0x1  }
.Ltmp12:
0x15f: {  	_ = 	snop;
	(pc) =	sbr.rel @p1 .LBB2_14-.Ltmp12, $1  }
0x160: {  	_ =	sdelay $0x3  }
0x161: {  	v5 =	vld [tilespmem:s20+$0x0];
	_ =	sdelay $0x4  }
0x162: {  	(v2sf) =	vpush v5, $0x0;
	_ =	sdelay $0xd  }
0x163: {  	s0 =	simm.s32 $0x1  }
0x164: {  	s0 =	simm.s32 @!p0 $0x0;
	s1 =	spop (v2sf)  }
0x165: {  	s0 =	sshll.u32 s0, $0xE;
	s1 =	ssub.s32 s1, s3  }
0x166: {  	s22 =	sadd.s32 $0xC850, s0;
	s31 =	sshll.u32 s1, $0x8  }
0x167: {  	v5 =	vld [tilespmem:s22+$0xFFFFFFE0];
	s0 =	sshra.s32 s31, $0x2  }
0x168: {  	v6 =	vld [tilespmem:s0+$0x14830];
	_ =	sdelay $0x4  }
0x169: {  	v5 =	vmax.f32 v6, v5  }
0x16a: {  	[tilespmem:s0+$0x14830] =	vst v5;
	v5 =	vld [tilespmem:s0+$0x14840]  }
0x16b: {  	v6 =	vld [tilespmem:s22+$0xFFFFFFF0];
	_ =	sdelay $0x4  }
0x16c: {  	v5 =	vmax.f32 v5, v6  }
0x16d: {  	[tilespmem:s0+$0x14840] =	vst v5;
	v5 =	vld [tilespmem:s0+$0x14850]  }
0x16e: {  	v6 =	vld [tilespmem:s22+$0x0];
	_ =	sdelay $0x3  }
0x16f: {  	p1 =	sgt.s32 s21, $0x1;
	s1 =	smov.u32 s21  }
0x170: {  	s1 =	simm.s32 @!p1 $0x1;
	v5 =	vmax.f32 v5, v6  }
0x171: {  	s1 =	smin.u32 s1, $0x100;
	[tilespmem:s0+$0x14850] =	vst v5;
	v5 =	vld [tilespmem:s0+$0x14860]  }
0x172: {  	p1 =	seq.s32 s1, $0x1;
	v6 =	vld [tilespmem:s22+$0x10]  }
.Ltmp13:
0x173: {  	_ = 	snop;
	(pc) =	sbr.rel @p1 .LBB2_18-.Ltmp13, $2  }
0x174: {  	_ =	sdelay $0x2  }
0x175: {  	s23 =	smov.u32 s20;
	s1 =	sadd.s32 $0xFFFFFFFF, s1;
	v5 =	vmax.f32 v5, v6  }
.LBB2_17:
0x176: {  	p1 =	seq.s32 s1, $0x1;
	[tilespmem:s0+$0x14860] =	vst v5;
	s23 =	sadd.s32 $0x1, s23;
	s22 =	sadd.s32 $0x40, s22  }
0x177: {  	s1 =	sadd.s32 $0xFFFFFFFF, s1;
	v5 =	vld [tilespmem:s23+$0x0];
	_ =	sdelay $0x4  }
0x178: {  	(v2sf) =	vpush v5, $0x0;
	_ =	sdelay $0xe  }
0x179: {  	s0 =	spop (v2sf)  }
0x17a: {  	s0 =	ssub.s32 s0, s3  }
0x17b: {  	s0 =	sshll.u32 s0, $0x8  }
0x17c: {  	s0 =	sshra.s32 s0, $0x2;
	v5 =	vld [tilespmem:s22+$0xFFFFFFE0]  }
0x17d: {  	v6 =	vld [tilespmem:s0+$0x14830];
	_ =	sdelay $0x4  }
0x17e: {  	v5 =	vmax.f32 v6, v5  }
0x17f: {  	[tilespmem:s0+$0x14830] =	vst v5;
	v5 =	vld [tilespmem:s0+$0x14840]  }
0x180: {  	v6 =	vld [tilespmem:s22+$0xFFFFFFF0];
	_ =	sdelay $0x4  }
0x181: {  	v5 =	vmax.f32 v5, v6  }
0x182: {  	[tilespmem:s0+$0x14840] =	vst v5;
	v5 =	vld [tilespmem:s0+$0x14850]  }
0x183: {  	v6 =	vld [tilespmem:s22+$0x0];
	_ =	sdelay $0x4  }
0x184: {  	v5 =	vmax.f32 v5, v6  }
0x185: {  	[tilespmem:s0+$0x14850] =	vst v5;
	v5 =	vld [tilespmem:s0+$0x14860]  }
0x186: {  	v6 =	vld [tilespmem:s22+$0x10]  }
.Ltmp14:
0x187: {  	(pc) =	sbr.rel @!p1 .LBB2_17-.Ltmp14, $2  }
0x188: {  	_ =	sdelay $0x2  }
0x189: {  	v5 =	vmax.f32 v5, v6  }
.Ltmp15:
0x18a: {  	_ = 	snop;
	(pc) =	sbr.rel .LBB2_18-.Ltmp15, $1  }
0x18b: {  	_ =	sdelay $0x3  }
.LBB2_21:
0x18c: {  	_ =	sfence.sel $0x180000  }
0x18d: {  	[bflag:$0x0] =	sbarrier.arrive $0xFFFF  }
0x18e: {  	_ =	strace $0x9000004A  }
0x18f: {  	s0 =	stileid.u32;
	[bflag:$0x2] =	sbarrier.arrive $0xFFFF  }
0x190: {  	p0 =	sne.s32 s0, $0x0;
	s0 =	rddreg [dreg:$0x1]  }
0x191: {  	s0 =	sadd.s32 @!p0 $0x100000, s0  }
0x192: {  	[sflag:s0] =	ssyncadd.tile.s32 @!p0 $0x1;
	_ =	shalt  }
.Lfunc_end2:
_tile_overlayer_lowered:
.L_overlay_start_2:
0x193: {  	(tag) =	ssettag $0x2  }
0x194: {  	s0 =	rddreg [dreg:$0x0];
	s2 =	stileid.u32  }
0x195: {  	s1 =	rddreg [dreg:$0x1];
	p0 =	sne.s32 s2, $0x0  }
0x196: {  	s3 =	rddreg [dreg:$0x2];
	[bflag:$0x3] =	sbarrier.arrive $0xFFFF;
	s2 =	simm.s32 @!p0 $0x1C02  }
0x197: {  	[timem:s3], [sflag:s2] =	dma.local @!p0 [hbm:s0], s1  }
0x198: {  	s0 =	simm.s32 @!p0 $0x2  }
0x199: {  	_ =	swait.ge @!p0 [sflag:s0], s1  }
0x19a: {  	s1 =	ssub.s32 @!p0 $0x0, s1;
	[sflag:s0] =	ssyncset.done @!p0 $0x0  }
0x19b: {  	[sflag:s0] =	ssyncadd.s32 @!p0 s1  }
0x19c: {  	[bflag:$0x3] =	sbarrier.arrive $0xFFFF  }
0x19d: {  	_ =	shalt  }

// kernel: kernel.19.cloned.1.call-start
scs
__scs_entry_jumppad:
0x0: {  	(pc) =	sbr.rel $0x88, $3  }
0x1: {  	(tag) =	ssettag $0x0;
	lr =	simm.s32 $0x1  }
0x2: {  	[smem:$0x3F90] =	sst lr;
	_ =	strace $0xD0000000  }
0x3: {  	_ = 	snop  }
0x4: {  	_ = 	snop  }
0x5: {  	_ = 	snop  }
0x6: {  	_ = 	snop  }
0x7: {  	_ = 	snop  }
__scs_overlays_trampoline_lowered:
0x8: {  	[smem:$0x3F9F] =	sst s0  }
0x9: {  	[smem:$0x3FA0] =	sst s1  }
0xa: {  	[smem:$0x3FA1] =	sst s2  }
0xb: {  	[smem:$0x3FA2] =	sst s3  }
0xc: {  	[smem:$0x3FA3] =	sst s4  }
0xd: {  	[smem:$0x3FA4] =	sst s5  }
0xe: {  	[smem:$0x3FA5] =	sst s6  }
0xf: {  	[smem:$0x3FA6] =	sst s7  }
0x10: {  	[smem:$0x3FA7] =	sst s8  }
0x11: {  	[smem:$0x3FA8] =	sst s9;
	s0 =	simm.s32 @!p0 $0x0  }
0x12: {  	s1 =	sld [smem:$0x3F8E];
	s0 =	simm.s32 @p0 $0x1  }
0x13: {  	[smem:$0x3FA9] =	sst s0;
	s0 =	simm.s32 @!p1 $0x0  }
0x14: {  	s2 =	sld [smem:$0x3F8D];
	s0 =	simm.s32 @p1 $0x1  }
0x15: {  	[smem:$0x3FAA] =	sst s0;
	s0 =	simm.s32 @!p2 $0x0  }
0x16: {  	s3 =	sld [smem:$0x3FDB];
	s0 =	simm.s32 @p2 $0x1  }
0x17: {  	s4 =	simm.s32 $0x1BF5;
	[smem:$0x3FAC] =	sst s0  }
0x18: {  	s0 =	sld [smem:$0x3F8F];
	_ =	swait.ge [sflag:s4], $0x0  }
0x19: {  	s7 =	sld [smem:$0x3F90]  }
0x1a: {  	s8 =	sadd.s32 $0xFFFFE003, lr  }
0x1b: {  	s9 =	sadd.s32 $0xFFFFFEF7, lr;
	s5 =	simm.s32 $0xFFFFFFFF;
	p2 =	slt.u32 s8, $0xFFFFF086  }
0x1c: {  	p1 =	slt.u32 s9, $0xF7A;
	s5 =	simm.s32 @!p2 $0x0  }
0x1d: {  	s5 =	simm.s32 @p1 $0x1;
	p0 =	seq.s32 s7, s2  }
0x1e: {  	s7 =	smul.u32 @!p0 $0xF7A, s2;
	p2 =	seq.s32 @!p0 s5, $0x0  }
0x1f: {  	s9 =	smul.u32 $0xF7A, s1;
	s8 =	simm.s32 @!p0 $0x1BF5;
	p2 =	por !p2, p0  }
0x20: {  	[sflag:s8] =	ssyncset.s32 @!p0 $0xFFFFF086;
	s6 =	sadd.s32 @!p0 s3, s7;
	s7 =	simm.s32 @!p0 $0x108  }
0x21: {  	s3 =	sadd.s32 s3, s9;
	s6 =	sadd.s32 @!p0 $0x88, s6;
	s7 =	simm.s32 @p2 $0x1082  }
0x22: {  	[simem:s7], [sflag:s8] =	dma.local @!p0 [hbm:s6], $0xF7A  }
0x23: {  	s9 =	sor.u32 $0xD0000000, s2;
	s6 =	simm.s32 $0x108;
	_ =	swait.ge @!p0 [sflag:s8], $0x0  }
0x24: {  	s3 =	sadd.s32 $0x88, s3;
	s6 =	simm.s32 @!p1 $0x1082;
	[sflag:s4] =	ssyncset.s32 $0xFFFFF086  }
0x25: {  	[simem:s6], [sflag:s4] =	dma.local [hbm:s3], $0xF7A  }
0x26: {  	[smem:$0x3F90] =	sst s1;
	(tag) =	ssettag s2;
	_ =	strace s9  }
0x27: {  	s1 =	sld [smem:$0x3FA0]  }
0x28: {  	s2 =	sld [smem:$0x3FA1]  }
0x29: {  	s4 =	sld [smem:$0x3FA3]  }
0x2a: {  	p0 =	seq.s32 s5, $0x0;
	s5 =	sld [smem:$0x3FA4]  }
0x2b: {  	s6 =	sld [smem:$0x3FA5]  }
0x2c: {  	s7 =	sld [smem:$0x3FA6]  }
0x2d: {  	s3 =	simm.s32 $0x108;
	s8 =	sld [smem:$0x3FA7]  }
0x2e: {  	s3 =	simm.s32 @!p0 $0x1082;
	s9 =	sld [smem:$0x3FA8]  }
0x2f: {  	lr =	sadd.s32 s0, s3;
	s0 =	sld [smem:$0x3F9F]  }
0x30: {  	s3 =	sld [smem:$0x3FA2]  }
0x31: {  	[smem:$0x3FAB] =	sst s10  }
0x32: {  	s10 =	sld [smem:$0x3FA9];
	_ =	sdelay $0x3  }
0x33: {  	p0 =	seq.s32 s10, $0x1;
	s10 =	sld [smem:$0x3FAB];
	_ =	sdelay $0x3  }
0x34: {  	[smem:$0x3FAB] =	sst s10  }
0x35: {  	s10 =	sld [smem:$0x3FAA];
	_ =	sdelay $0x3  }
0x36: {  	p1 =	seq.s32 s10, $0x1;
	s10 =	sld [smem:$0x3FAB];
	_ =	sdelay $0x3  }
0x37: {  	[smem:$0x3FAB] =	sst s10  }
0x38: {  	s10 =	sld [smem:$0x3FAC]  }
0x39: {  	_ = 	snop;
	(pc) =	sbr.ind lr, $3  }
0x3a: {  	_ = 	snop  }
0x3b: {  	_ = 	snop  }
0x3c: {  	p2 =	seq.s32 s10, $0x1;
	s10 =	sld [smem:$0x3FAB]  }
0x3d: {  	_ =	shalt  }
0x3e: {  	_ =	shalt  }
0x3f: {  	_ =	shalt  }
0x40: {  	_ =	shalt  }
0x41: {  	_ =	shalt  }
0x42: {  	_ =	shalt  }
0x43: {  	_ =	shalt  }
0x44: {  	_ =	shalt  }
0x45: {  	_ =	shalt  }
0x46: {  	_ =	shalt  }
0x47: {  	_ =	shalt  }
0x48: {  	_ =	shalt  }
0x49: {  	_ =	shalt  }
0x4a: {  	_ =	shalt  }
0x4b: {  	_ =	shalt  }
0x4c: {  	_ =	shalt  }
0x4d: {  	_ =	shalt  }
0x4e: {  	_ =	shalt  }
0x4f: {  	_ =	shalt  }
0x50: {  	_ =	shalt  }
0x51: {  	_ =	shalt  }
0x52: {  	_ =	shalt  }
0x53: {  	_ =	shalt  }
0x54: {  	_ =	shalt  }
0x55: {  	_ =	shalt  }
0x56: {  	_ =	shalt  }
0x57: {  	_ =	shalt  }
0x58: {  	_ =	shalt  }
0x59: {  	_ =	shalt  }
0x5a: {  	_ =	shalt  }
0x5b: {  	_ =	shalt  }
0x5c: {  	_ =	shalt  }
0x5d: {  	_ =	shalt  }
0x5e: {  	_ =	shalt  }
0x5f: {  	_ =	shalt  }
0x60: {  	_ =	shalt  }
0x61: {  	_ =	shalt  }
0x62: {  	_ =	shalt  }
0x63: {  	_ =	shalt  }
0x64: {  	_ =	shalt  }
0x65: {  	_ =	shalt  }
0x66: {  	_ =	shalt  }
0x67: {  	_ =	shalt  }
0x68: {  	_ =	shalt  }
0x69: {  	_ =	shalt  }
0x6a: {  	_ =	shalt  }
0x6b: {  	_ =	shalt  }
0x6c: {  	_ =	shalt  }
0x6d: {  	_ =	shalt  }
0x6e: {  	_ =	shalt  }
0x6f: {  	_ =	shalt  }
0x70: {  	_ =	shalt  }
0x71: {  	_ =	shalt  }
0x72: {  	_ =	shalt  }
0x73: {  	_ =	shalt  }
0x74: {  	_ =	shalt  }
0x75: {  	_ =	shalt  }
0x76: {  	_ =	shalt  }
0x77: {  	_ =	shalt  }
0x78: {  	_ =	shalt  }
0x79: {  	_ =	shalt  }
0x7a: {  	_ =	shalt  }
0x7b: {  	_ =	shalt  }
0x7c: {  	_ =	shalt  }
0x7d: {  	_ =	shalt  }
0x7e: {  	_ =	shalt  }
0x7f: {  	_ =	shalt  }
0x80: {  	_ =	shalt  }
0x81: {  	_ =	shalt  }
0x82: {  	_ =	shalt  }
0x83: {  	_ =	shalt  }
0x84: {  	_ =	shalt  }
0x85: {  	_ =	shalt  }
0x86: {  	_ =	shalt  }
0x87: {  	_ =	shalt  }
.Lfunc_end0:
.L_simem_size_0:
called_computation.2_lowered:
.L_overlay_start_0:
0x88: {  	s2 =	sld [smem:$0x3FD9]  }
0x89: {  	s3 =	sld [smem:$0x3FFE];
	_ =	sdelay $0x1  }
0x8a: {  	s1 =	srdreg.scid  }
0x8b: {  	s0 =	sand.u32 $0x1, s1  }
0x8c: {  	s17 =	sshll.u32 s0, $0xA;
	s2 =	sadd.s32 s3, s2  }
0x8d: {  	s2 =	sadd.s32 s2, s17  }
0x8e: {  	[smem:$0x3FB7] =	sst s2  }
0x8f: {  	_ = 	snop  }
0x90: {  	s2 =	sld [smem:$0x3FD0];
	(tm) =	ssettm $0x1  }
0x91: {  	s18 =	sld [smem:$0x3FFB];
	_ =	sdelay $0x3  }
0x92: {  	_ =	strace s18  }
0x93: {  	s3 =	sld [smem:$0x3FFC];
	_ =	sdelay $0x3  }
0x94: {  	_ =	strace s3  }
0x95: {  	s3 =	sld [smem:$0x3FFD];
	_ =	sdelay $0x3  }
0x96: {  	_ =	strace s3  }
0x97: {  	_ =	strace $0x8FFFFFFF  }
0x98: {  	s19 =	sld [smem:$0x3FDB];
	_ =	sdelay $0x1  }
0x99: {  	s4 =	simm.s32 $_scs_section_size  }
0x9a: {  	s5 =	simm.s32 $_size__tile_overlayer_lowered;
	s6 =	simm.s32 $_tile_overlayer_lowered  }
0x9b: {  	s22 =	simm.s32 $0x1BFF;
	s21 =	sshll.u32 s6, $0x1;
	s3 =	sadd.s32 s4, s19  }
0x9c: {  	s7 =	simm.s32 $0x0;
	s20 =	sshll.u32 s5, $0x1;
	s5 =	sadd.s32 s21, s3  }
0x9d: {  	[timem:s7], [sflag:s22] =	dma.local [hbm:s5], s20  }
0x9e: {  	_ =	swait.ge [sflag:s22], s20  }
0x9f: {  	s4 =	ssub.s32 $0x0, s20;
	[sflag:s22] =	ssyncset.done $0x0  }
0xa0: {  	[sflag:s22] =	ssyncadd.s32 s4;
	_ =	sdelay $0x1  }
0xa1: {  	s23 =	simm.s32 $0x1B8B  }
0xa2: {  	_ =	swait.ge [sflag:s23], $0x1  }
0xa3: {  	[sflag:s23] =	ssyncset.done $0x0  }
0xa4: {  	s25 =	simm.s32 $0x1B8E;
	s24 =	sld [smem:$0x3FFE];
	[sflag:s23] =	ssyncadd.s32 $0xFFFFFFFF  }
0xa5: {  	s26 =	simm.s32 $execute0_lowered;
	[smem:$0x3FD2] =	sst s25  }
0xa6: {  	s5 =	sshll.u32 s26, $0x1;
	_ =	strace $0x8000004C;
	[dreg:$0x1] =	wrdreg $0xFFFFFFFF  }
0xa7: {  	s28 =	simm.s32 $_size_execute0_lowered;
	s3 =	sadd.s32 s3, s5;
	[dreg:$0x0] =	wrdreg $0x0  }
0xa8: {  	s5 =	sshll.u32 s28, $0x1;
	[dreg:$0x2] =	wrdreg s3  }
0xa9: {  	[dreg:$0x3] =	wrdreg s5  }
0xaa: {  	[dreg:$0x4] =	wrdreg $0xC0  }
0xab: {  	_ =	task [dreg:s7], $0x5FFFF  }
0xac: {  	[dreg:$0x1] =	wrdreg $0xFFFFFFFF  }
0xad: {  	[dreg:$0x0] =	wrdreg $0x60  }
0xae: {  	[dreg:$0x2] =	wrdreg s24  }
0xaf: {  	[dreg:$0x3] =	wrdreg s2  }
0xb0: {  	[dreg:$0x4] =	wrdreg $0x9  }
0xb1: {  	_ =	task.clear_ibuf [dreg:s7], $0x5FFFF;
	_ =	strace $0x9000004C  }
0xb2: {  	s29 =	simm.s32 $0x9;
	_ =	strace $0x8000004E  }
0xb3: {  	_ =	swait.ge [sflag:s29], $0x1  }
0xb4: {  	[sflag:s29] =	ssyncadd.s32 $0xFFFFFFFF  }
0xb5: {  	_ =	strace $0x9000004E  }
0xb6: {  	_ =	sfence  }
0xb7: {  	s30 =	sld [smem:$0x0];
	_ =	sdelay $0x2  }
0xb8: {  	s31 =	sshll.u32 s1, $0xD;
	s1 =	sshrl.u32 s1, $0x2  }
0xb9: {  	s3 =	sand.u32 $0x4000, s31;
	s1 =	sadd.s32 s1, s30  }
0xba: {  	s0 =	sor.u32 s3, s0;
	s1 =	sshll.u32 s1, $0x11  }
0xbb: {  	s0 =	sor.u32 s1, s0  }
0xbc: {  	s0 =	sadd.s32 $0x8F2B, s0  }
0xbd: {  	[sflag:s0] =	ssyncadd.remote.s32 $0x1  }
0xbe: {  	_ =	sfence.sel $0xFFFF  }
0xbf: {  	[dreg:$0x0] =	wrdreg $0xFFFFFFFF;
	(pc) =	sbr.abs _section_cstart, $3  }
0xc0: {  	[dreg:$0x1] =	wrdreg $0xFFFFFFFF  }
0xc1: {  	_ =	task.clear_ibuf [dreg:s7], $0x2FFFF;
	_ =	strace $0x9FFFFFFF  }
0xc2: {  	(tm) =	ssettm $0x7FFFFFFF  }
0xc3: {  	_ =	shalt  }
tec
execute0_lowered:
.L_overlay_start_1:
0x0: {  	(tag) =	ssettag $0x1  }
0x1: {  	s5 =	rddreg [dreg:$0x0]  }
0x2: {  	s2 =	rddreg [dreg:$0x1]  }
0x3: {  	s0 =	rddreg [dreg:$0x2]  }
0x4: {  	s4 =	srdreg.scid;
	s1 =	stileid.u32;
	s3 =	simm.s32 $0x0  }
0x5: {  	s17 =	simm.s32 $0xA500;
	s18 =	simm.s32 $0x1;
	s19 =	simm.s32 $0x2  }
0x6: {  	s20 =	simm.s32 $0x3;
	s21 =	simm.s32 $0x4;
	s9 =	smul.u32 $0x3200, s1  }
0x7: {  	s22 =	simm.s32 $0x0;
	s10 =	sand.u32 $0x1, s4;
	s14 =	smul.u32 $0x19000, s1  }
0x8: {  	s25 =	sshll.u32 s1, $0x1;
	[smem:$0x7FF] =	sst s3;
	s12 =	smul.u32 $0x1900, s10  }
0x9: {  	s4 =	sadd.s32 $0x2A00, s5;
	s6 =	sor.u32 s10, s25;
	s16 =	smul.u32 $0xC800, s10  }
0xa: {  	s11 =	sadd.s32 $0x16A00, s5;
	s26 =	ssub.s32 $0x2, s10;
	s7 =	smul.u32 $0x1900, s6  }
0xb: {  	_ =	strace $0x8000004D;
	s8 =	smul.u32 $0xC800, s6;
	s29 =	sshrl.u32 s26, $0x1  }
0xc: {  	s14 =	sadd.s32 s14, s11;
	s12 =	sadd.s32 s12, s9;
	s28 =	sshrl.u32 s7, $0x3  }
0xd: {  	s7 =	ssub.s32 s26, s29;
	s13 =	sadd.s32 s11, s8;
	s30 =	sadd.s32 $0x780, s12  }
0xe: {  	s15 =	sshll.u32 s12, $0x3;
	s5 =	sadd.s32 s2, s28;
	s7 =	smax.u32 s7, $0x1  }
0xf: {  	s8 =	sadd.s32 $0xA000, s13;
	s9 =	sadd.s32 $0xB400, s13;
	s13 =	sshrl.u32 s30, $0x3  }
0x10: {  	s31 =	sadd.s32 s11, s15;
	s11 =	sadd.s32 $0x500, s12;
	s15 =	simm.s32 $0x280  }
0x11: {  	s6 =	sadd.s32 $0x50, s5;
	s10 =	sadd.s32 s13, s2;
	s12 =	sadd.s32 $0x1400, s31  }
0x12: {  	s13 =	sadd.s32 s16, s14;
	s14 =	simm.s32 $0x5;
	s16 =	simm.s32 $0x500  }
.LBB2_1:
0x13: {  	[tilespmem:s3], [sflag:$0x5] =	stream.linear.gather [hbm4b:s5+s3], $0x280, $0x38;
	[tilespmem:$0x14500] =	vst v63  }
0x14: {  	_ =	swait.ge [sflag:s14], $0x280  }
0x15: {  	[sflag:s14] =	ssyncset.done $0x0  }
0x16: {  	[sflag:s14] =	ssyncadd.s32 $0xFFFFFD80  }
0x17: {  	[tilespmem:s16], [sflag:$0x1] =	stream.indirect.gather [hbm4b:s4+s15], $0x40, s3, s15, $0xb8;
	[tilespmem:$0x14500] =	vst v63  }
0x18: {  	_ = 	snop  }
0x19: {  	[tilespmem:s15], [sflag:$0x5] =	stream.linear.gather [hbm4b:s6+s3], $0x280, $0x38;
	[tilespmem:$0x14500] =	vst v63  }
0x1a: {  	_ =	swait.ge [sflag:s14], $0x280  }
0x1b: {  	[sflag:s14] =	ssyncset.done $0x0  }
0x1c: {  	[sflag:s14] =	ssyncadd.s32 $0xFFFFFD80  }
0x1d: {  	[tilespmem:s17], [sflag:$0x2] =	stream.indirect.gather [hbm4b:s4+s15], $0x40, s15, s15, $0xb8;
	[tilespmem:$0x14500] =	vst v63  }
0x1e: {  	_ =	swait.ge [sflag:s18], $0xA000  }
0x1f: {  	[sflag:s18] =	ssyncset.done $0x0  }
0x20: {  	s23 =	sadd.s32 $0x0, s13;
	[sflag:s18] =	ssyncadd.s32 $0xFFFF6000  }
0x21: {  	[hbm4b:s23+s3] =	stream.linear.scatter [tilespmem:s16], [sflag:$0x3], $0xA000, $0x38;
	[tilespmem:$0x14500] =	vst v63  }
0x22: {  	_ =	swait.ge [sflag:s19], $0xA000  }
0x23: {  	[sflag:s19] =	ssyncset.done $0x0  }
0x24: {  	s30 =	sadd.s32 $0x0, s12;
	s24 =	sshrl.u32 s11, $0x3;
	[sflag:s19] =	ssyncadd.s32 $0xFFFF6000  }
0x25: {  	[hbm4b:s30+s3] =	stream.linear.scatter [tilespmem:s17], [sflag:$0x4], $0xA000, $0x38;
	[tilespmem:$0x14500] =	vst v63  }
0x26: {  	s31 =	sadd.s32 s2, s24  }
0x27: {  	[tilespmem:s3], [sflag:$0x5] =	stream.linear.gather [hbm4b:s31+s3], $0x280, $0x38;
	[tilespmem:$0x14500] =	vst v63  }
0x28: {  	_ =	swait.ge [sflag:s14], $0x280  }
0x29: {  	[sflag:s14] =	ssyncset.done $0x0  }
0x2a: {  	[sflag:s14] =	ssyncadd.s32 $0xFFFFFD80  }
0x2b: {  	_ =	swait.ge [sflag:s20], $0xA000  }
0x2c: {  	[sflag:s20] =	ssyncset.done $0x0  }
0x2d: {  	[sflag:s20] =	ssyncadd.s32 $0xFFFF6000  }
0x2e: {  	[tilespmem:s16], [sflag:$0x1] =	stream.indirect.gather [hbm4b:s4+s15], $0x40, s3, s15, $0xb8;
	[tilespmem:$0x14500] =	vst v63  }
0x2f: {  	_ = 	snop  }
0x30: {  	[tilespmem:s15], [sflag:$0x5] =	stream.linear.gather [hbm4b:s10+s3], $0x280, $0x38;
	[tilespmem:$0x14500] =	vst v63  }
0x31: {  	_ =	swait.ge [sflag:s14], $0x280  }
0x32: {  	[sflag:s14] =	ssyncset.done $0x0  }
0x33: {  	[sflag:s14] =	ssyncadd.s32 $0xFFFFFD80  }
0x34: {  	_ =	swait.ge [sflag:s21], $0xA000  }
0x35: {  	s25 =	sadd.s32 $0x500, s11;
	[sflag:s21] =	ssyncset.done $0x0  }
0x36: {  	s24 =	sadd.s32 $0xA0, s10;
	s23 =	simm.s32 $0x2800;
	[sflag:s21] =	ssyncadd.s32 $0xFFFF6000  }
.LBB2_2:
0x37: {  	[tilespmem:s17], [sflag:$0x2] =	stream.indirect.gather [hbm4b:s4+s15], $0x40, s15, s15, $0xb8;
	[tilespmem:$0x14500] =	vst v63  }
0x38: {  	s26 =	smov.u32 s23  }
0x39: {  	p0 =	sne.s32 s23, $0x7800;
	s23 =	sadd.s32 $0x2800, s23;
	_ =	swait.ge [sflag:s18], $0xA000  }
0x3a: {  	[sflag:s18] =	ssyncset.done $0x0  }
0x3b: {  	s28 =	sadd.s32 s26, s13;
	[sflag:s18] =	ssyncadd.s32 $0xFFFF6000  }
0x3c: {  	[hbm4b:s28+s3] =	stream.linear.scatter [tilespmem:s16], [sflag:$0x3], $0xA000, $0x38;
	[tilespmem:$0x14500] =	vst v63  }
0x3d: {  	_ =	swait.ge [sflag:s19], $0xA000  }
0x3e: {  	[sflag:s19] =	ssyncset.done $0x0  }
0x3f: {  	s26 =	sadd.s32 s26, s12;
	s28 =	sshrl.u32 s25, $0x3;
	[sflag:s19] =	ssyncadd.s32 $0xFFFF6000  }
0x40: {  	[hbm4b:s26+s3] =	stream.linear.scatter [tilespmem:s17], [sflag:$0x4], $0xA000, $0x38;
	[tilespmem:$0x14500] =	vst v63  }
0x41: {  	s26 =	sadd.s32 s2, s28  }
0x42: {  	[tilespmem:s3], [sflag:$0x5] =	stream.linear.gather [hbm4b:s26+s3], $0x280, $0x38;
	[tilespmem:$0x14500] =	vst v63  }
0x43: {  	_ =	swait.ge [sflag:s14], $0x280  }
0x44: {  	[sflag:s14] =	ssyncset.done $0x0  }
0x45: {  	[sflag:s14] =	ssyncadd.s32 $0xFFFFFD80  }
0x46: {  	_ =	swait.ge [sflag:s20], $0xA000  }
0x47: {  	[sflag:s20] =	ssyncset.done $0x0  }
0x48: {  	[sflag:s20] =	ssyncadd.s32 $0xFFFF6000  }
0x49: {  	[tilespmem:s16], [sflag:$0x1] =	stream.indirect.gather [hbm4b:s4+s15], $0x40, s3, s15, $0xb8;
	[tilespmem:$0x14500] =	vst v63  }
0x4a: {  	_ = 	snop  }
0x4b: {  	[tilespmem:s15], [sflag:$0x5] =	stream.linear.gather [hbm4b:s24+s3], $0x280, $0x38;
	[tilespmem:$0x14500] =	vst v63  }
0x4c: {  	_ =	swait.ge [sflag:s14], $0x280  }
.Ltmp0:
0x4d: {  	[sflag:s14] =	ssyncset.done $0x0;
	(pc) =	sbr.rel @p0 .LBB2_2-.Ltmp0, $4  }
0x4e: {  	[sflag:s14] =	ssyncadd.s32 $0xFFFFFD80  }
0x4f: {  	_ =	swait.ge [sflag:s21], $0xA000  }
0x50: {  	[sflag:s21] =	ssyncset.done $0x0  }
0x51: {  	s25 =	sadd.s32 $0x500, s25;
	s24 =	sadd.s32 $0xA0, s24;
	[sflag:s21] =	ssyncadd.s32 $0xFFFF6000  }
0x52: {  	[tilespmem:s17], [sflag:$0x2] =	stream.indirect.gather [hbm4b:s4+s15], $0x40, s15, s15, $0xb8;
	[tilespmem:$0x14500] =	vst v63  }
0x53: {  	_ =	swait.ge [sflag:s18], $0xA000  }
0x54: {  	[sflag:s18] =	ssyncset.done $0x0  }
0x55: {  	[sflag:s18] =	ssyncadd.s32 $0xFFFF6000  }
0x56: {  	[hbm4b:s8+s3] =	stream.linear.scatter [tilespmem:s16], [sflag:$0x3], $0xA000, $0x38;
	[tilespmem:$0x14500] =	vst v63  }
0x57: {  	_ =	swait.ge [sflag:s19], $0xA000  }
0x58: {  	[sflag:s19] =	ssyncset.done $0x0  }
0x59: {  	s22 =	sadd.s32 $0x1, s22;
	[sflag:s19] =	ssyncadd.s32 $0xFFFF6000  }
0x5a: {  	[hbm4b:s9+s3] =	stream.linear.scatter [tilespmem:s17], [sflag:$0x4], $0xA000, $0x38;
	[tilespmem:$0x14500] =	vst v63  }
0x5b: {  	p0 =	sne.s32 s22, s7;
	_ =	swait.ge [sflag:s20], $0xA000  }
.Ltmp1:
0x5c: {  	[sflag:s20] =	ssyncset.done $0x0;
	(pc) =	sbr.rel @p0 .LBB2_1-.Ltmp1, $4  }
0x5d: {  	[sflag:s20] =	ssyncadd.s32 $0xFFFF6000  }
0x5e: {  	_ =	swait.ge [sflag:s21], $0xA000  }
0x5f: {  	[sflag:s21] =	ssyncset.done $0x0  }
0x60: {  	[sflag:s21] =	ssyncadd.s32 $0xFFFF6000  }
0x61: {  	_ =	sfence.sel $0x180000  }
0x62: {  	[bflag:$0x0] =	sbarrier.arrive $0xFFFF  }
0x63: {  	p0 =	sne.s32 s1, $0x0;
	_ =	strace $0x9000004D  }
0x64: {  	s0 =	sadd.s32 @!p0 $0x100000, s0;
	[bflag:$0x2] =	sbarrier.arrive $0xFFFF  }
0x65: {  	[sflag:s0] =	ssyncadd.tile.s32 @!p0 $0x1;
	_ =	shalt  }
.Lfunc_end2:
_tile_overlayer_lowered:
.L_overlay_start_2:
0x66: {  	(tag) =	ssettag $0x2  }
0x67: {  	s0 =	rddreg [dreg:$0x0];
	s2 =	stileid.u32  }
0x68: {  	s1 =	rddreg [dreg:$0x1];
	p0 =	sne.s32 s2, $0x0  }
0x69: {  	s3 =	rddreg [dreg:$0x2];
	[bflag:$0x3] =	sbarrier.arrive $0xFFFF;
	s2 =	simm.s32 @!p0 $0x1C05  }
0x6a: {  	[timem:s3], [sflag:s2] =	dma.local @!p0 [hbm:s0], s1  }
0x6b: {  	s0 =	simm.s32 @!p0 $0x5  }
0x6c: {  	_ =	swait.ge @!p0 [sflag:s0], s1  }
0x6d: {  	s1 =	ssub.s32 @!p0 $0x0, s1;
	[sflag:s0] =	ssyncset.done @!p0 $0x0  }
0x6e: {  	[sflag:s0] =	ssyncadd.s32 @!p0 s1  }
0x6f: {  	[bflag:$0x3] =	sbarrier.arrive $0xFFFF  }
0x70: {  	_ =	shalt  }

// kernel: kernel.22.cloned.1.call-start
scs
__scs_entry_jumppad:
0x0: {  	(pc) =	sbr.rel $0x88, $3  }
0x1: {  	(tag) =	ssettag $0x0;
	lr =	simm.s32 $0x1  }
0x2: {  	[smem:$0x3F90] =	sst lr;
	_ =	strace $0xD0000000  }
0x3: {  	_ = 	snop  }
0x4: {  	_ = 	snop  }
0x5: {  	_ = 	snop  }
0x6: {  	_ = 	snop  }
0x7: {  	_ = 	snop  }
__scs_overlays_trampoline_lowered:
0x8: {  	[smem:$0x3F9F] =	sst s0  }
0x9: {  	[smem:$0x3FA0] =	sst s1  }
0xa: {  	[smem:$0x3FA1] =	sst s2  }
0xb: {  	[smem:$0x3FA2] =	sst s3  }
0xc: {  	[smem:$0x3FA3] =	sst s4  }
0xd: {  	[smem:$0x3FA4] =	sst s5  }
0xe: {  	[smem:$0x3FA5] =	sst s6  }
0xf: {  	[smem:$0x3FA6] =	sst s7  }
0x10: {  	[smem:$0x3FA7] =	sst s8  }
0x11: {  	[smem:$0x3FA8] =	sst s9;
	s0 =	simm.s32 @!p0 $0x0  }
0x12: {  	s1 =	sld [smem:$0x3F8E];
	s0 =	simm.s32 @p0 $0x1  }
0x13: {  	[smem:$0x3FA9] =	sst s0;
	s0 =	simm.s32 @!p1 $0x0  }
0x14: {  	s2 =	sld [smem:$0x3F8D];
	s0 =	simm.s32 @p1 $0x1  }
0x15: {  	[smem:$0x3FAA] =	sst s0;
	s0 =	simm.s32 @!p2 $0x0  }
0x16: {  	s3 =	sld [smem:$0x3FDB];
	s0 =	simm.s32 @p2 $0x1  }
0x17: {  	s4 =	simm.s32 $0x1BF5;
	[smem:$0x3FAC] =	sst s0  }
0x18: {  	s0 =	sld [smem:$0x3F8F];
	_ =	swait.ge [sflag:s4], $0x0  }
0x19: {  	s7 =	sld [smem:$0x3F90]  }
0x1a: {  	s8 =	sadd.s32 $0xFFFFE003, lr  }
0x1b: {  	s9 =	sadd.s32 $0xFFFFFEF7, lr;
	s5 =	simm.s32 $0xFFFFFFFF;
	p2 =	slt.u32 s8, $0xFFFFF086  }
0x1c: {  	p1 =	slt.u32 s9, $0xF7A;
	s5 =	simm.s32 @!p2 $0x0  }
0x1d: {  	s5 =	simm.s32 @p1 $0x1;
	p0 =	seq.s32 s7, s2  }
0x1e: {  	s7 =	smul.u32 @!p0 $0xF7A, s2;
	p2 =	seq.s32 @!p0 s5, $0x0  }
0x1f: {  	s9 =	smul.u32 $0xF7A, s1;
	s8 =	simm.s32 @!p0 $0x1BF5;
	p2 =	por !p2, p0  }
0x20: {  	[sflag:s8] =	ssyncset.s32 @!p0 $0xFFFFF086;
	s6 =	sadd.s32 @!p0 s3, s7;
	s7 =	simm.s32 @!p0 $0x108  }
0x21: {  	s3 =	sadd.s32 s3, s9;
	s6 =	sadd.s32 @!p0 $0x88, s6;
	s7 =	simm.s32 @p2 $0x1082  }
0x22: {  	[simem:s7], [sflag:s8] =	dma.local @!p0 [hbm:s6], $0xF7A  }
0x23: {  	s9 =	sor.u32 $0xD0000000, s2;
	s6 =	simm.s32 $0x108;
	_ =	swait.ge @!p0 [sflag:s8], $0x0  }
0x24: {  	s3 =	sadd.s32 $0x88, s3;
	s6 =	simm.s32 @!p1 $0x1082;
	[sflag:s4] =	ssyncset.s32 $0xFFFFF086  }
0x25: {  	[simem:s6], [sflag:s4] =	dma.local [hbm:s3], $0xF7A  }
0x26: {  	[smem:$0x3F90] =	sst s1;
	(tag) =	ssettag s2;
	_ =	strace s9  }
0x27: {  	s1 =	sld [smem:$0x3FA0]  }
0x28: {  	s2 =	sld [smem:$0x3FA1]  }
0x29: {  	s4 =	sld [smem:$0x3FA3]  }
0x2a: {  	p0 =	seq.s32 s5, $0x0;
	s5 =	sld [smem:$0x3FA4]  }
0x2b: {  	s6 =	sld [smem:$0x3FA5]  }
0x2c: {  	s7 =	sld [smem:$0x3FA6]  }
0x2d: {  	s3 =	simm.s32 $0x108;
	s8 =	sld [smem:$0x3FA7]  }
0x2e: {  	s3 =	simm.s32 @!p0 $0x1082;
	s9 =	sld [smem:$0x3FA8]  }
0x2f: {  	lr =	sadd.s32 s0, s3;
	s0 =	sld [smem:$0x3F9F]  }
0x30: {  	s3 =	sld [smem:$0x3FA2]  }
0x31: {  	[smem:$0x3FAB] =	sst s10  }
0x32: {  	s10 =	sld [smem:$0x3FA9];
	_ =	sdelay $0x3  }
0x33: {  	p0 =	seq.s32 s10, $0x1;
	s10 =	sld [smem:$0x3FAB];
	_ =	sdelay $0x3  }
0x34: {  	[smem:$0x3FAB] =	sst s10  }
0x35: {  	s10 =	sld [smem:$0x3FAA];
	_ =	sdelay $0x3  }
0x36: {  	p1 =	seq.s32 s10, $0x1;
	s10 =	sld [smem:$0x3FAB];
	_ =	sdelay $0x3  }
0x37: {  	[smem:$0x3FAB] =	sst s10  }
0x38: {  	s10 =	sld [smem:$0x3FAC]  }
0x39: {  	_ = 	snop;
	(pc) =	sbr.ind lr, $3  }
0x3a: {  	_ = 	snop  }
0x3b: {  	_ = 	snop  }
0x3c: {  	p2 =	seq.s32 s10, $0x1;
	s10 =	sld [smem:$0x3FAB]  }
0x3d: {  	_ =	shalt  }
0x3e: {  	_ =	shalt  }
0x3f: {  	_ =	shalt  }
0x40: {  	_ =	shalt  }
0x41: {  	_ =	shalt  }
0x42: {  	_ =	shalt  }
0x43: {  	_ =	shalt  }
0x44: {  	_ =	shalt  }
0x45: {  	_ =	shalt  }
0x46: {  	_ =	shalt  }
0x47: {  	_ =	shalt  }
0x48: {  	_ =	shalt  }
0x49: {  	_ =	shalt  }
0x4a: {  	_ =	shalt  }
0x4b: {  	_ =	shalt  }
0x4c: {  	_ =	shalt  }
0x4d: {  	_ =	shalt  }
0x4e: {  	_ =	shalt  }
0x4f: {  	_ =	shalt  }
0x50: {  	_ =	shalt  }
0x51: {  	_ =	shalt  }
0x52: {  	_ =	shalt  }
0x53: {  	_ =	shalt  }
0x54: {  	_ =	shalt  }
0x55: {  	_ =	shalt  }
0x56: {  	_ =	shalt  }
0x57: {  	_ =	shalt  }
0x58: {  	_ =	shalt  }
0x59: {  	_ =	shalt  }
0x5a: {  	_ =	shalt  }
0x5b: {  	_ =	shalt  }
0x5c: {  	_ =	shalt  }
0x5d: {  	_ =	shalt  }
0x5e: {  	_ =	shalt  }
0x5f: {  	_ =	shalt  }
0x60: {  	_ =	shalt  }
0x61: {  	_ =	shalt  }
0x62: {  	_ =	shalt  }
0x63: {  	_ =	shalt  }
0x64: {  	_ =	shalt  }
0x65: {  	_ =	shalt  }
0x66: {  	_ =	shalt  }
0x67: {  	_ =	shalt  }
0x68: {  	_ =	shalt  }
0x69: {  	_ =	shalt  }
0x6a: {  	_ =	shalt  }
0x6b: {  	_ =	shalt  }
0x6c: {  	_ =	shalt  }
0x6d: {  	_ =	shalt  }
0x6e: {  	_ =	shalt  }
0x6f: {  	_ =	shalt  }
0x70: {  	_ =	shalt  }
0x71: {  	_ =	shalt  }
0x72: {  	_ =	shalt  }
0x73: {  	_ =	shalt  }
0x74: {  	_ =	shalt  }
0x75: {  	_ =	shalt  }
0x76: {  	_ =	shalt  }
0x77: {  	_ =	shalt  }
0x78: {  	_ =	shalt  }
0x79: {  	_ =	shalt  }
0x7a: {  	_ =	shalt  }
0x7b: {  	_ =	shalt  }
0x7c: {  	_ =	shalt  }
0x7d: {  	_ =	shalt  }
0x7e: {  	_ =	shalt  }
0x7f: {  	_ =	shalt  }
0x80: {  	_ =	shalt  }
0x81: {  	_ =	shalt  }
0x82: {  	_ =	shalt  }
0x83: {  	_ =	shalt  }
0x84: {  	_ =	shalt  }
0x85: {  	_ =	shalt  }
0x86: {  	_ =	shalt  }
0x87: {  	_ =	shalt  }
.Lfunc_end0:
.L_simem_size_0:
called_computation.3_lowered:
.L_overlay_start_0:
0x88: {  	s2 =	sld [smem:$0x3FD9]  }
0x89: {  	s3 =	sld [smem:$0x3FFE];
	_ =	sdelay $0x1  }
0x8a: {  	s1 =	srdreg.scid  }
0x8b: {  	s0 =	sand.u32 $0x1, s1  }
0x8c: {  	s17 =	sshll.u32 s0, $0xA;
	s2 =	sadd.s32 s3, s2  }
0x8d: {  	s2 =	sadd.s32 s2, s17  }
0x8e: {  	[smem:$0x3FB7] =	sst s2  }
0x8f: {  	_ = 	snop  }
0x90: {  	s2 =	sld [smem:$0x3FD0];
	(tm) =	ssettm $0x1  }
0x91: {  	s18 =	sld [smem:$0x3FFB];
	_ =	sdelay $0x3  }
0x92: {  	_ =	strace s18  }
0x93: {  	s3 =	sld [smem:$0x3FFC];
	_ =	sdelay $0x3  }
0x94: {  	_ =	strace s3  }
0x95: {  	s3 =	sld [smem:$0x3FFD];
	_ =	sdelay $0x3  }
0x96: {  	_ =	strace s3  }
0x97: {  	_ =	strace $0x8FFFFFFF  }
0x98: {  	s19 =	sld [smem:$0x3FDB];
	_ =	sdelay $0x1  }
0x99: {  	s4 =	simm.s32 $_scs_section_size  }
0x9a: {  	s5 =	simm.s32 $_size__tile_overlayer_lowered;
	s6 =	simm.s32 $_tile_overlayer_lowered  }
0x9b: {  	s22 =	simm.s32 $0x1BFF;
	s21 =	sshll.u32 s6, $0x1;
	s3 =	sadd.s32 s4, s19  }
0x9c: {  	s7 =	simm.s32 $0x0;
	s20 =	sshll.u32 s5, $0x1;
	s5 =	sadd.s32 s21, s3  }
0x9d: {  	[timem:s7], [sflag:s22] =	dma.local [hbm:s5], s20  }
0x9e: {  	_ =	swait.ge [sflag:s22], s20  }
0x9f: {  	s4 =	ssub.s32 $0x0, s20;
	[sflag:s22] =	ssyncset.done $0x0  }
0xa0: {  	[sflag:s22] =	ssyncadd.s32 s4;
	_ =	sdelay $0x1  }
0xa1: {  	s23 =	simm.s32 $0x1B8B  }
0xa2: {  	_ =	swait.ge [sflag:s23], $0x1  }
0xa3: {  	[sflag:s23] =	ssyncset.done $0x0  }
0xa4: {  	s25 =	simm.s32 $0x1B8E;
	s24 =	sld [smem:$0x3FFE];
	[sflag:s23] =	ssyncadd.s32 $0xFFFFFFFF  }
0xa5: {  	s26 =	simm.s32 $execute0_lowered;
	[smem:$0x3FD2] =	sst s25  }
0xa6: {  	s5 =	sshll.u32 s26, $0x1;
	_ =	strace $0x8000004F;
	[dreg:$0x1] =	wrdreg $0xFFFFFFFF  }
0xa7: {  	s28 =	simm.s32 $_size_execute0_lowered;
	s3 =	sadd.s32 s3, s5;
	[dreg:$0x0] =	wrdreg $0x0  }
0xa8: {  	s5 =	sshll.u32 s28, $0x1;
	[dreg:$0x2] =	wrdreg s3  }
0xa9: {  	[dreg:$0x3] =	wrdreg s5  }
0xaa: {  	[dreg:$0x4] =	wrdreg $0xC0  }
0xab: {  	_ =	task [dreg:s7], $0x5FFFF  }
0xac: {  	[dreg:$0x1] =	wrdreg $0xFFFFFFFF  }
0xad: {  	[dreg:$0x0] =	wrdreg $0x60  }
0xae: {  	[dreg:$0x2] =	wrdreg s24  }
0xaf: {  	[dreg:$0x3] =	wrdreg s2  }
0xb0: {  	[dreg:$0x4] =	wrdreg $0x9  }
0xb1: {  	_ =	task.clear_ibuf [dreg:s7], $0x5FFFF;
	_ =	strace $0x9000004F  }
0xb2: {  	s29 =	simm.s32 $0x9;
	_ =	strace $0x80000051  }
0xb3: {  	_ =	swait.ge [sflag:s29], $0x1  }
0xb4: {  	[sflag:s29] =	ssyncadd.s32 $0xFFFFFFFF  }
0xb5: {  	_ =	strace $0x90000051  }
0xb6: {  	_ =	sfence  }
0xb7: {  	s30 =	sld [smem:$0x0];
	_ =	sdelay $0x2  }
0xb8: {  	s31 =	sshll.u32 s1, $0xD;
	s1 =	sshrl.u32 s1, $0x2  }
0xb9: {  	s3 =	sand.u32 $0x4000, s31;
	s1 =	sadd.s32 s1, s30  }
0xba: {  	s0 =	sor.u32 s3, s0;
	s1 =	sshll.u32 s1, $0x11  }
0xbb: {  	s0 =	sor.u32 s1, s0  }
0xbc: {  	s0 =	sadd.s32 $0x8F2B, s0  }
0xbd: {  	[sflag:s0] =	ssyncadd.remote.s32 $0x1  }
0xbe: {  	_ =	sfence.sel $0xFFFF  }
0xbf: {  	[dreg:$0x0] =	wrdreg $0xFFFFFFFF;
	(pc) =	sbr.abs _section_cstart, $3  }
0xc0: {  	[dreg:$0x1] =	wrdreg $0xFFFFFFFF  }
0xc1: {  	_ =	task.clear_ibuf [dreg:s7], $0x2FFFF;
	_ =	strace $0x9FFFFFFF  }
0xc2: {  	(tm) =	ssettm $0x7FFFFFFF  }
0xc3: {  	_ =	shalt  }
tec
execute0_lowered:
.L_overlay_start_1:
0x0: {  	(tag) =	ssettag $0x1  }
0x1: {  	s5 =	rddreg [dreg:$0x0]  }
0x2: {  	s2 =	rddreg [dreg:$0x1]  }
0x3: {  	s0 =	rddreg [dreg:$0x2]  }
0x4: {  	s4 =	srdreg.scid;
	s1 =	stileid.u32;
	s3 =	simm.s32 $0x0  }
0x5: {  	s17 =	simm.s32 $0xA500;
	s18 =	simm.s32 $0x1;
	s19 =	simm.s32 $0x2  }
0x6: {  	s20 =	simm.s32 $0x3;
	s21 =	simm.s32 $0x4;
	s9 =	smul.u32 $0x3200, s1  }
0x7: {  	s22 =	simm.s32 $0x0;
	s10 =	sand.u32 $0x1, s4;
	s14 =	smul.u32 $0x19000, s1  }
0x8: {  	s25 =	sshll.u32 s1, $0x1;
	[smem:$0x7FF] =	sst s3;
	s12 =	smul.u32 $0x1900, s10  }
0x9: {  	s4 =	sadd.s32 $0x2A00, s5;
	s6 =	sor.u32 s10, s25;
	s16 =	smul.u32 $0xC800, s10  }
0xa: {  	s11 =	sadd.s32 $0x16A00, s5;
	s26 =	ssub.s32 $0x2, s10;
	s7 =	smul.u32 $0x1900, s6  }
0xb: {  	_ =	strace $0x80000050;
	s8 =	smul.u32 $0xC800, s6;
	s29 =	sshrl.u32 s26, $0x1  }
0xc: {  	s14 =	sadd.s32 s14, s11;
	s12 =	sadd.s32 s12, s9;
	s28 =	sshrl.u32 s7, $0x3  }
0xd: {  	s7 =	ssub.s32 s26, s29;
	s13 =	sadd.s32 s11, s8;
	s30 =	sadd.s32 $0x780, s12  }
0xe: {  	s15 =	sshll.u32 s12, $0x3;
	s5 =	sadd.s32 s2, s28;
	s7 =	smax.u32 s7, $0x1  }
0xf: {  	s8 =	sadd.s32 $0xA000, s13;
	s9 =	sadd.s32 $0xB400, s13;
	s13 =	sshrl.u32 s30, $0x3  }
0x10: {  	s31 =	sadd.s32 s11, s15;
	s11 =	sadd.s32 $0x500, s12;
	s15 =	simm.s32 $0x280  }
0x11: {  	s6 =	sadd.s32 $0x50, s5;
	s10 =	sadd.s32 s13, s2;
	s12 =	sadd.s32 $0x1400, s31  }
0x12: {  	s13 =	sadd.s32 s16, s14;
	s14 =	simm.s32 $0x5;
	s16 =	simm.s32 $0x500  }
.LBB2_1:
0x13: {  	[tilespmem:s3], [sflag:$0x5] =	stream.linear.gather [hbm4b:s5+s3], $0x280, $0x38;
	[tilespmem:$0x14500] =	vst v63  }
0x14: {  	_ =	swait.ge [sflag:s14], $0x280  }
0x15: {  	[sflag:s14] =	ssyncset.done $0x0  }
0x16: {  	[sflag:s14] =	ssyncadd.s32 $0xFFFFFD80  }
0x17: {  	[tilespmem:s16], [sflag:$0x1] =	stream.indirect.gather [hbm4b:s4+s15], $0x40, s3, s15, $0xb8;
	[tilespmem:$0x14500] =	vst v63  }
0x18: {  	_ = 	snop  }
0x19: {  	[tilespmem:s15], [sflag:$0x5] =	stream.linear.gather [hbm4b:s6+s3], $0x280, $0x38;
	[tilespmem:$0x14500] =	vst v63  }
0x1a: {  	_ =	swait.ge [sflag:s14], $0x280  }
0x1b: {  	[sflag:s14] =	ssyncset.done $0x0  }
0x1c: {  	[sflag:s14] =	ssyncadd.s32 $0xFFFFFD80  }
0x1d: {  	[tilespmem:s17], [sflag:$0x2] =	stream.indirect.gather [hbm4b:s4+s15], $0x40, s15, s15, $0xb8;
	[tilespmem:$0x14500] =	vst v63  }
0x1e: {  	_ =	swait.ge [sflag:s18], $0xA000  }
0x1f: {  	[sflag:s18] =	ssyncset.done $0x0  }
0x20: {  	s23 =	sadd.s32 $0x0, s13;
	[sflag:s18] =	ssyncadd.s32 $0xFFFF6000  }
0x21: {  	[hbm4b:s23+s3] =	stream.linear.scatter [tilespmem:s16], [sflag:$0x3], $0xA000, $0x38;
	[tilespmem:$0x14500] =	vst v63  }
0x22: {  	_ =	swait.ge [sflag:s19], $0xA000  }
0x23: {  	[sflag:s19] =	ssyncset.done $0x0  }
0x24: {  	s30 =	sadd.s32 $0x0, s12;
	s24 =	sshrl.u32 s11, $0x3;
	[sflag:s19] =	ssyncadd.s32 $0xFFFF6000  }
0x25: {  	[hbm4b:s30+s3] =	stream.linear.scatter [tilespmem:s17], [sflag:$0x4], $0xA000, $0x38;
	[tilespmem:$0x14500] =	vst v63  }
0x26: {  	s31 =	sadd.s32 s2, s24  }
0x27: {  	[tilespmem:s3], [sflag:$0x5] =	stream.linear.gather [hbm4b:s31+s3], $0x280, $0x38;
	[tilespmem:$0x14500] =	vst v63  }
0x28: {  	_ =	swait.ge [sflag:s14], $0x280  }
0x29: {  	[sflag:s14] =	ssyncset.done $0x0  }
0x2a: {  	[sflag:s14] =	ssyncadd.s32 $0xFFFFFD80  }
0x2b: {  	_ =	swait.ge [sflag:s20], $0xA000  }
0x2c: {  	[sflag:s20] =	ssyncset.done $0x0  }
0x2d: {  	[sflag:s20] =	ssyncadd.s32 $0xFFFF6000  }
0x2e: {  	[tilespmem:s16], [sflag:$0x1] =	stream.indirect.gather [hbm4b:s4+s15], $0x40, s3, s15, $0xb8;
	[tilespmem:$0x14500] =	vst v63  }
0x2f: {  	_ = 	snop  }
0x30: {  	[tilespmem:s15], [sflag:$0x5] =	stream.linear.gather [hbm4b:s10+s3], $0x280, $0x38;
	[tilespmem:$0x14500] =	vst v63  }
0x31: {  	_ =	swait.ge [sflag:s14], $0x280  }
0x32: {  	[sflag:s14] =	ssyncset.done $0x0  }
0x33: {  	[sflag:s14] =	ssyncadd.s32 $0xFFFFFD80  }
0x34: {  	_ =	swait.ge [sflag:s21], $0xA000  }
0x35: {  	s25 =	sadd.s32 $0x500, s11;
	[sflag:s21] =	ssyncset.done $0x0  }
0x36: {  	s24 =	sadd.s32 $0xA0, s10;
	s23 =	simm.s32 $0x2800;
	[sflag:s21] =	ssyncadd.s32 $0xFFFF6000  }
.LBB2_2:
0x37: {  	[tilespmem:s17], [sflag:$0x2] =	stream.indirect.gather [hbm4b:s4+s15], $0x40, s15, s15, $0xb8;
	[tilespmem:$0x14500] =	vst v63  }
0x38: {  	s26 =	smov.u32 s23  }
0x39: {  	p0 =	sne.s32 s23, $0x7800;
	s23 =	sadd.s32 $0x2800, s23;
	_ =	swait.ge [sflag:s18], $0xA000  }
0x3a: {  	[sflag:s18] =	ssyncset.done $0x0  }
0x3b: {  	s28 =	sadd.s32 s26, s13;
	[sflag:s18] =	ssyncadd.s32 $0xFFFF6000  }
0x3c: {  	[hbm4b:s28+s3] =	stream.linear.scatter [tilespmem:s16], [sflag:$0x3], $0xA000, $0x38;
	[tilespmem:$0x14500] =	vst v63  }
0x3d: {  	_ =	swait.ge [sflag:s19], $0xA000  }
0x3e: {  	[sflag:s19] =	ssyncset.done $0x0  }
0x3f: {  	s26 =	sadd.s32 s26, s12;
	s28 =	sshrl.u32 s25, $0x3;
	[sflag:s19] =	ssyncadd.s32 $0xFFFF6000  }
0x40: {  	[hbm4b:s26+s3] =	stream.linear.scatter [tilespmem:s17], [sflag:$0x4], $0xA000, $0x38;
	[tilespmem:$0x14500] =	vst v63  }
0x41: {  	s26 =	sadd.s32 s2, s28  }
0x42: {  	[tilespmem:s3], [sflag:$0x5] =	stream.linear.gather [hbm4b:s26+s3], $0x280, $0x38;
	[tilespmem:$0x14500] =	vst v63  }
0x43: {  	_ =	swait.ge [sflag:s14], $0x280  }
0x44: {  	[sflag:s14] =	ssyncset.done $0x0  }
0x45: {  	[sflag:s14] =	ssyncadd.s32 $0xFFFFFD80  }
0x46: {  	_ =	swait.ge [sflag:s20], $0xA000  }
0x47: {  	[sflag:s20] =	ssyncset.done $0x0  }
0x48: {  	[sflag:s20] =	ssyncadd.s32 $0xFFFF6000  }
0x49: {  	[tilespmem:s16], [sflag:$0x1] =	stream.indirect.gather [hbm4b:s4+s15], $0x40, s3, s15, $0xb8;
	[tilespmem:$0x14500] =	vst v63  }
0x4a: {  	_ = 	snop  }
0x4b: {  	[tilespmem:s15], [sflag:$0x5] =	stream.linear.gather [hbm4b:s24+s3], $0x280, $0x38;
	[tilespmem:$0x14500] =	vst v63  }
0x4c: {  	_ =	swait.ge [sflag:s14], $0x280  }
.Ltmp0:
0x4d: {  	[sflag:s14] =	ssyncset.done $0x0;
	(pc) =	sbr.rel @p0 .LBB2_2-.Ltmp0, $4  }
0x4e: {  	[sflag:s14] =	ssyncadd.s32 $0xFFFFFD80  }
0x4f: {  	_ =	swait.ge [sflag:s21], $0xA000  }
0x50: {  	[sflag:s21] =	ssyncset.done $0x0  }
0x51: {  	s25 =	sadd.s32 $0x500, s25;
	s24 =	sadd.s32 $0xA0, s24;
	[sflag:s21] =	ssyncadd.s32 $0xFFFF6000  }
0x52: {  	[tilespmem:s17], [sflag:$0x2] =	stream.indirect.gather [hbm4b:s4+s15], $0x40, s15, s15, $0xb8;
	[tilespmem:$0x14500] =	vst v63  }
0x53: {  	_ =	swait.ge [sflag:s18], $0xA000  }
0x54: {  	[sflag:s18] =	ssyncset.done $0x0  }
0x55: {  	[sflag:s18] =	ssyncadd.s32 $0xFFFF6000  }
0x56: {  	[hbm4b:s8+s3] =	stream.linear.scatter [tilespmem:s16], [sflag:$0x3], $0xA000, $0x38;
	[tilespmem:$0x14500] =	vst v63  }
0x57: {  	_ =	swait.ge [sflag:s19], $0xA000  }
0x58: {  	[sflag:s19] =	ssyncset.done $0x0  }
0x59: {  	s22 =	sadd.s32 $0x1, s22;
	[sflag:s19] =	ssyncadd.s32 $0xFFFF6000  }
0x5a: {  	[hbm4b:s9+s3] =	stream.linear.scatter [tilespmem:s17], [sflag:$0x4], $0xA000, $0x38;
	[tilespmem:$0x14500] =	vst v63  }
0x5b: {  	p0 =	sne.s32 s22, s7;
	_ =	swait.ge [sflag:s20], $0xA000  }
.Ltmp1:
0x5c: {  	[sflag:s20] =	ssyncset.done $0x0;
	(pc) =	sbr.rel @p0 .LBB2_1-.Ltmp1, $4  }
0x5d: {  	[sflag:s20] =	ssyncadd.s32 $0xFFFF6000  }
0x5e: {  	_ =	swait.ge [sflag:s21], $0xA000  }
0x5f: {  	[sflag:s21] =	ssyncset.done $0x0  }
0x60: {  	[sflag:s21] =	ssyncadd.s32 $0xFFFF6000  }
0x61: {  	_ =	sfence.sel $0x180000  }
0x62: {  	[bflag:$0x0] =	sbarrier.arrive $0xFFFF  }
0x63: {  	p0 =	sne.s32 s1, $0x0;
	_ =	strace $0x90000050  }
0x64: {  	s0 =	sadd.s32 @!p0 $0x100000, s0;
	[bflag:$0x2] =	sbarrier.arrive $0xFFFF  }
0x65: {  	[sflag:s0] =	ssyncadd.tile.s32 @!p0 $0x1;
	_ =	shalt  }
.Lfunc_end2:
_tile_overlayer_lowered:
.L_overlay_start_2:
0x66: {  	(tag) =	ssettag $0x2  }
0x67: {  	s0 =	rddreg [dreg:$0x0];
	s2 =	stileid.u32  }
0x68: {  	s1 =	rddreg [dreg:$0x1];
	p0 =	sne.s32 s2, $0x0  }
0x69: {  	s3 =	rddreg [dreg:$0x2];
	[bflag:$0x3] =	sbarrier.arrive $0xFFFF;
	s2 =	simm.s32 @!p0 $0x1C05  }
0x6a: {  	[timem:s3], [sflag:s2] =	dma.local @!p0 [hbm:s0], s1  }
0x6b: {  	s0 =	simm.s32 @!p0 $0x5  }
0x6c: {  	_ =	swait.ge @!p0 [sflag:s0], s1  }
0x6d: {  	s1 =	ssub.s32 @!p0 $0x0, s1;
	[sflag:s0] =	ssyncset.done @!p0 $0x0  }
0x6e: {  	[sflag:s0] =	ssyncadd.s32 @!p0 s1  }
0x6f: {  	[bflag:$0x3] =	sbarrier.arrive $0xFFFF  }
0x70: {  	_ =	shalt  }

</sc_bundles>
